<compile_context>
chip_gen: v7x
topology: tpu7x:2x2x1
jax: 0.10.2.dev20260603
libtpu: 0.0.44.dev20260713+nightly
codegen_flags: <defaults>
</compile_context>

<pallas_src>
import functools

import jax
import jax.numpy as jnp
import numpy as np
from jax import lax
from jax.experimental import pallas as pl
from jax.experimental.pallas import tpu as pltpu
from jax.experimental.pallas import tpu_sc as plsc

N = 10000
E = 320000
D = 128
ED = 16

NC, NS, L = 2, 16, 16
NW = NC * NS
EPT = E // NW
CH = 80
NCHUNK = EPT // CH
NPAD = 10240
STRIPE = NPAD // NS
RB0 = 80
NRB = STRIPE // RB0

_mesh = plsc.VectorSubcoreMesh(
    core_axis_name="c", subcore_axis_name="s", num_cores=NC, num_subcores=NS)


def _zero_vmem(ref, nrow, ncol):
    zv = jnp.zeros((L,), jnp.float32)

    def zrow(i, carry):
        for j in range(ncol // L):
            ref[i, pl.ds(j * L, L)] = zv
        return carry
    lax.fori_loop(0, nrow, zrow, None)


def _stripe_copy(s, src_fn, dst_fn):
    for k in range(NRB):
        row0 = s * STRIPE + k * RB0
        pltpu.sync_copy(src_fn(row0), dst_fn(row0))


def _seg_body_ef(h_hbm, src_hbm, dst_hbm, ef_hbm, out_hbm, outse_hbm,
                 src0v, dst0v, src1v, dst1v, rows0, rows1, efv,
                 sem0, sem1, acc):
    c = lax.axis_index("c")
    s = lax.axis_index("s")
    wid = c * NS + s
    _zero_vmem(rows0, RB0, D)
    _stripe_copy(s, lambda r: rows0, lambda r: acc.at[pl.ds(r, RB0)])

    plsc.subcore_barrier()

    ebase = wid * EPT

    def ldidx(k, sv, dv):
        pltpu.sync_copy(src_hbm.at[pl.ds(ebase + k * CH, CH)], sv)
        pltpu.sync_copy(dst_hbm.at[pl.ds(ebase + k * CH, CH)], dv)

    ldidx(0, src0v, dst0v)
    pltpu.async_copy(h_hbm.at[src0v], rows0, sem0)
    ldidx(1, src1v, dst1v)
    pltpu.async_copy(h_hbm.at[src1v], rows1, sem1)

    def step(k, sv, dv, rows, sem, nxt):
        pltpu.make_async_copy(h_hbm.at[sv], rows, sem).wait()
        pltpu.sync_copy(rows, acc.at[dv], add=True)
        if nxt:
            ldidx(k + 2, sv, dv)
            pltpu.async_copy(h_hbm.at[sv], rows, sem)

    def pair(it2, carry):
        k0 = 2 * it2
        step(k0, src0v, dst0v, rows0, sem0, True)
        step(k0 + 1, src1v, dst1v, rows1, sem1, True)
        return carry
    lax.fori_loop(0, (NCHUNK - 3) // 2, pair, None)
    step(NCHUNK - 3, src0v, dst0v, rows0, sem0, True)
    step(NCHUNK - 2, src1v, dst1v, rows1, sem1, False)
    step(NCHUNK - 1, src0v, dst0v, rows0, sem0, False)

    plsc.subcore_barrier()
    for k in range(NRB):
        row0 = s * STRIPE + k * RB0
        pltpu.sync_copy(acc.at[pl.ds(row0, RB0)], rows0)
        pltpu.sync_copy(rows0, out_hbm.at[c, pl.ds(row0, RB0)])

    plsc.subcore_barrier()
    _zero_vmem(rows0, RB0, D)
    _stripe_copy(s, lambda r: rows0, lambda r: acc.at[pl.ds(r, RB0)])
    _zero_vmem(rows1, CH, D)
    plsc.subcore_barrier()

    def chunk2(it, carry):
        pltpu.sync_copy(dst_hbm.at[pl.ds(ebase + it * CH, CH)], dst0v)
        pltpu.sync_copy(ef_hbm.at[pl.ds(ebase + it * CH, CH)], efv)

        def crow(i, carry2):
            rows1[i, pl.ds(0, L)] = efv[i, :]
            return carry2
        lax.fori_loop(0, CH, crow, None)
        pltpu.sync_copy(rows1, acc.at[dst0v], add=True)
        return carry
    lax.fori_loop(0, NCHUNK, chunk2, None)

    plsc.subcore_barrier()
    for k in range(NRB):
        row0 = s * STRIPE + k * RB0
        pltpu.sync_copy(acc.at[pl.ds(row0, RB0)], rows0)
        pltpu.sync_copy(rows0, outse_hbm.at[c, pl.ds(row0, RB0)])


def _seg_body(h_hbm, src_hbm, dst_hbm, out_hbm,
              src0v, dst0v, src1v, dst1v, rows0, rows1, sem0, sem1, acc):
    c = lax.axis_index("c")
    s = lax.axis_index("s")
    wid = c * NS + s
    _zero_vmem(rows0, RB0, D)
    _stripe_copy(s, lambda r: rows0, lambda r: acc.at[pl.ds(r, RB0)])

    plsc.subcore_barrier()

    ebase = wid * EPT

    def ldidx(k, sv, dv):
        pltpu.sync_copy(src_hbm.at[pl.ds(ebase + k * CH, CH)], sv)
        pltpu.sync_copy(dst_hbm.at[pl.ds(ebase + k * CH, CH)], dv)

    ldidx(0, src0v, dst0v)
    pltpu.async_copy(h_hbm.at[src0v], rows0, sem0)
    ldidx(1, src1v, dst1v)
    pltpu.async_copy(h_hbm.at[src1v], rows1, sem1)

    def step(k, sv, dv, rows, sem, nxt):
        pltpu.make_async_copy(h_hbm.at[sv], rows, sem).wait()
        pltpu.sync_copy(rows, acc.at[dv], add=True)
        if nxt:
            ldidx(k + 2, sv, dv)
            pltpu.async_copy(h_hbm.at[sv], rows, sem)

    def pair(it2, carry):
        k0 = 2 * it2
        step(k0, src0v, dst0v, rows0, sem0, True)
        step(k0 + 1, src1v, dst1v, rows1, sem1, True)
        return carry
    lax.fori_loop(0, (NCHUNK - 3) // 2, pair, None)
    step(NCHUNK - 3, src0v, dst0v, rows0, sem0, True)
    step(NCHUNK - 2, src1v, dst1v, rows1, sem1, False)
    step(NCHUNK - 1, src0v, dst0v, rows0, sem0, False)

    plsc.subcore_barrier()
    for k in range(NRB):
        row0 = s * STRIPE + k * RB0
        pltpu.sync_copy(acc.at[pl.ds(row0, RB0)], rows0)
        pltpu.sync_copy(rows0, out_hbm.at[c, pl.ds(row0, RB0)])


_segsum_ef = pl.kernel(
    _seg_body_ef,
    out_type=(jax.ShapeDtypeStruct((NC, NPAD, D), jnp.float32),
              jax.ShapeDtypeStruct((NC, NPAD, D), jnp.float32)),
    mesh=_mesh,
    scratch_types=[
        pltpu.VMEM((CH,), jnp.int32),
        pltpu.VMEM((CH,), jnp.int32),
        pltpu.VMEM((CH,), jnp.int32),
        pltpu.VMEM((CH,), jnp.int32),
        pltpu.VMEM((CH, D), jnp.float32),
        pltpu.VMEM((CH, D), jnp.float32),
        pltpu.VMEM((CH, ED), jnp.float32),
        pltpu.SemaphoreType.DMA,
        pltpu.SemaphoreType.DMA,
        pltpu.VMEM_SHARED((NPAD, D), jnp.float32),
    ],
)

_segsum = pl.kernel(
    _seg_body,
    out_type=jax.ShapeDtypeStruct((NC, NPAD, D), jnp.float32),
    mesh=_mesh,
    scratch_types=[
        pltpu.VMEM((CH,), jnp.int32),
        pltpu.VMEM((CH,), jnp.int32),
        pltpu.VMEM((CH,), jnp.int32),
        pltpu.VMEM((CH,), jnp.int32),
        pltpu.VMEM((CH, D), jnp.float32),
        pltpu.VMEM((CH, D), jnp.float32),
        pltpu.SemaphoreType.DMA,
        pltpu.SemaphoreType.DMA,
        pltpu.VMEM_SHARED((NPAD, D), jnp.float32),
    ],
)


def _edge_body(qs_hbm, qd_hbm, src_hbm, dst_hbm, r_hbm,
               srcall, dstall, abuf0, bbuf0, abuf1, bbuf1,
               sa0, sb0, sa1, sb1):
    c = lax.axis_index("c")
    s = lax.axis_index("s")
    wid = c * NS + s
    ebase = wid * EPT
    pltpu.sync_copy(src_hbm.at[pl.ds(ebase, EPT)], srcall)
    pltpu.sync_copy(dst_hbm.at[pl.ds(ebase, EPT)], dstall)

    def fire(k, ab, bb, sa, sb):
        pltpu.async_copy(qs_hbm.at[srcall.at[pl.ds(k * CH, CH)]], ab, sa)
        pltpu.async_copy(qd_hbm.at[dstall.at[pl.ds(k * CH, CH)]], bb, sb)

    def drain(k, ab, bb, sa, sb):
        pltpu.make_async_copy(
            qs_hbm.at[srcall.at[pl.ds(k * CH, CH)]], ab, sa).wait()
        pltpu.make_async_copy(
            qd_hbm.at[dstall.at[pl.ds(k * CH, CH)]], bb, sb).wait()

    def compute_store(k, ab, bb):
        def row(i, carry2):
            for j in range(D // L):
                v = ab[i, pl.ds(j * L, L)] + bb[i, pl.ds(j * L, L)]
                ab[i, pl.ds(j * L, L)] = jnp.maximum(v, 0.0)
            return carry2
        lax.fori_loop(0, CH, row, None)
        pltpu.sync_copy(ab, r_hbm.at[pl.ds(ebase + k * CH, CH)])

    fire(0, abuf0, bbuf0, sa0, sb0)
    fire(1, abuf1, bbuf1, sa1, sb1)

    def pair(it2, carry):
        k0 = 2 * it2
        drain(k0, abuf0, bbuf0, sa0, sb0)
        compute_store(k0, abuf0, bbuf0)
        fire(k0 + 2, abuf0, bbuf0, sa0, sb0)
        k1 = k0 + 1
        drain(k1, abuf1, bbuf1, sa1, sb1)
        compute_store(k1, abuf1, bbuf1)
        fire(k1 + 2, abuf1, bbuf1, sa1, sb1)
        return carry
    lax.fori_loop(0, (NCHUNK - 3) // 2, pair, None)
    drain(NCHUNK - 3, abuf0, bbuf0, sa0, sb0)
    compute_store(NCHUNK - 3, abuf0, bbuf0)
    fire(NCHUNK - 1, abuf0, bbuf0, sa0, sb0)
    drain(NCHUNK - 2, abuf1, bbuf1, sa1, sb1)
    compute_store(NCHUNK - 2, abuf1, bbuf1)
    drain(NCHUNK - 1, abuf0, bbuf0, sa0, sb0)
    compute_store(NCHUNK - 1, abuf0, bbuf0)


_edge_heads = pl.kernel(
    _edge_body,
    out_type=jax.ShapeDtypeStruct((E, D), jnp.float32),
    mesh=_mesh,
    scratch_types=[
        pltpu.VMEM((EPT,), jnp.int32),
        pltpu.VMEM((EPT,), jnp.int32),
        pltpu.VMEM((CH, D), jnp.float32),
        pltpu.VMEM((CH, D), jnp.float32),
        pltpu.VMEM((CH, D), jnp.float32),
        pltpu.VMEM((CH, D), jnp.float32),
        pltpu.SemaphoreType.DMA,
        pltpu.SemaphoreType.DMA,
        pltpu.SemaphoreType.DMA,
        pltpu.SemaphoreType.DMA,
    ],
)


def _lrelu(x):
    return jnp.where(x >= 0, x, 0.01 * x)


def _round_bf16(x):
    return x.astype(jnp.bfloat16).astype(jnp.float32)


def _layer_tc_body(h_ref, p0_ref, p1_ref, q0_ref, q1_ref,
                   wmh_ref, wme_ref, wal_ref, war_ref, ba_ref,
                   out_ref):
    sh = p0_ref[...] + p1_ref[...]
    se = q0_ref[:, :ED] + q1_ref[:, :ED]
    hn = (jnp.dot(sh, wmh_ref[...], preferred_element_type=jnp.float32,
                   precision=lax.Precision.HIGHEST)
          + jnp.dot(se, wme_ref[...], preferred_element_type=jnp.float32,
                   precision=lax.Precision.HIGHEST))
    y = (jnp.dot(h_ref[...], wal_ref[...], preferred_element_type=jnp.float32,
                   precision=lax.Precision.HIGHEST)
         + jnp.dot(_round_bf16(hn), war_ref[...],
                   preferred_element_type=jnp.float32,
                   precision=lax.Precision.HIGHEST)
         + ba_ref[...])
    out_ref[...] = _round_bf16(_lrelu(y))


def _layer2_proj_body(h_ref, p0_ref, p1_ref, q0_ref, q1_ref,
                      wmh_ref, wme_ref, wal_ref, war_ref, ba_ref,
                      ws_ref, wd_ref, bd_ref,
                      qs_ref, qd_ref):
    sh = p0_ref[...] + p1_ref[...]
    se = q0_ref[:, :ED] + q1_ref[:, :ED]
    hn = (jnp.dot(sh, wmh_ref[...], preferred_element_type=jnp.float32,
                   precision=lax.Precision.HIGHEST)
          + jnp.dot(se, wme_ref[...], preferred_element_type=jnp.float32,
                   precision=lax.Precision.HIGHEST))
    y = (jnp.dot(h_ref[...], wal_ref[...], preferred_element_type=jnp.float32,
                   precision=lax.Precision.HIGHEST)
         + jnp.dot(_round_bf16(hn), war_ref[...],
                   preferred_element_type=jnp.float32,
                   precision=lax.Precision.HIGHEST)
         + ba_ref[...])
    h2 = _round_bf16(_lrelu(y))
    qs_ref[...] = jnp.dot(h2, ws_ref[...], preferred_element_type=jnp.float32,
                   precision=lax.Precision.HIGHEST)
    qd_ref[...] = (jnp.dot(h2, wd_ref[...], preferred_element_type=jnp.float32,
                   precision=lax.Precision.HIGHEST)
                   + bd_ref[...])


def _head_tc_body(r_ref, c2_ref, c2b_ref, f2_ref, f2b_ref, co_ref, fo_ref):
    rb = _round_bf16(r_ref[...])
    co_ref[...] = (jnp.dot(rb[:, :32], c2_ref[...],
                           preferred_element_type=jnp.float32,
                   precision=lax.Precision.HIGHEST) + c2b_ref[...])
    fo_ref[...] = (jnp.dot(rb[:, 32:96], f2_ref[...],
                           preferred_element_type=jnp.float32,
                   precision=lax.Precision.HIGHEST) + f2b_ref[...])


_RB = 1000
_RBE = 4000


def _full(shape):
    return pl.BlockSpec(shape, lambda i: tuple(0 for _ in shape))


def _rows(width):
    return pl.BlockSpec((_RB, width), lambda i: (i, 0))


def _tc_layer(h, p0, p1, q0, q1, wmh, wme, wal, war, ba):
    return pl.pallas_call(
        _layer_tc_body,
        grid=(N // _RB,),
        in_specs=[_rows(D), _rows(D), _rows(D), _rows(D), _rows(D),
                  _full((D, D)), _full((ED, D)),
                  _full((D, D)), _full((D, D)), _full((1, D))],
        out_specs=_rows(D),
        out_shape=jax.ShapeDtypeStruct((N, D), jnp.float32),
    )(h, p0, p1, q0, q1, wmh, wme, wal, war, ba)


def _tc_layer2_proj(h, p0, p1, q0, q1, wmh, wme, wal, war, ba, ws, wd, bd):
    return pl.pallas_call(
        _layer2_proj_body,
        grid=(N // _RB,),
        in_specs=[_rows(D), _rows(D), _rows(D), _rows(D), _rows(D),
                  _full((D, D)), _full((ED, D)),
                  _full((D, D)), _full((D, D)), _full((1, D)),
                  _full((D, D)), _full((D, D)), _full((1, D))],
        out_specs=[pl.BlockSpec((_RB, D), lambda i: (i, 0)),
                   pl.BlockSpec((_RB, D), lambda i: (i, 0))],
        out_shape=[jax.ShapeDtypeStruct((N, D), jnp.float32),
                   jax.ShapeDtypeStruct((N, D), jnp.float32)],
    )(h, p0, p1, q0, q1, wmh, wme, wal, war, ba, ws, wd, bd)


def _tc_heads(r, c2t, c2b, f2t, f2b):
    return pl.pallas_call(
        _head_tc_body,
        grid=(E // _RBE,),
        in_specs=[pl.BlockSpec((_RBE, D), lambda i: (i, 0)),
                  _full((32, 2)), _full((1, 2)),
                  _full((64, 10)), _full((1, 10))],
        out_specs=[pl.BlockSpec((_RBE, 2), lambda i: (i, 0)),
                   pl.BlockSpec((_RBE, 10), lambda i: (i, 0))],
        out_shape=[jax.ShapeDtypeStruct((E, 2), jnp.float32),
                   jax.ShapeDtypeStruct((E, 10), jnp.float32)],
    )(r, c2t, c2b, f2t, f2b)


def kernel(nfeats, efeats, edge_index,
           w_msg1, b_msg1, w_apply1, b_apply1, attn1,
           w_msg2, b_msg2, w_apply2, b_apply2, attn2,
           c1_w, c1_b, c2_w, c2_b,
           f1_w, f1_b, bn_g, bn_b, f2_w, f2_b):
    def bf(x):
        return x.astype(jnp.bfloat16).astype(jnp.float32)

    h0 = bf(nfeats.reshape(N, D))
    ef = bf(efeats.reshape(E, ED))
    src = edge_index[0]
    dst = edge_index[1]

    wmh1 = bf(w_msg1[:, :D]).T
    wme1 = bf(w_msg1[:, D:]).T
    wal1 = bf(w_apply1[:, :D]).T
    war1 = bf(w_apply1[:, D:]).T
    ba1 = b_apply1.reshape(1, D)
    wmh2 = bf(w_msg2[:, :D]).T
    wme2 = bf(w_msg2[:, D:]).T
    wal2 = bf(w_apply2[:, :D]).T
    war2 = bf(w_apply2[:, D:]).T
    ba2 = b_apply2.reshape(1, D)

    sbn = bn_g / np.sqrt(1.0 + 1e-5).astype(np.float32)
    f1s = bf(f1_w[:, :D]) * sbn[:, None]
    f1d = bf(f1_w[:, D:]) * sbn[:, None]
    zpad = jnp.zeros((32, D), jnp.float32)
    ws = jnp.concatenate([bf(c1_w[:, :D]), f1s, zpad], axis=0).T
    wd = jnp.concatenate([bf(c1_w[:, D:]), f1d, zpad], axis=0).T
    bd = jnp.concatenate([c1_b, f1_b * sbn + bn_b,
                          jnp.zeros((32,), jnp.float32)]).reshape(1, D)

    sh0, sed = _segsum_ef(h0, src, dst, ef)
    h1 = _tc_layer(h0, sh0[0], sh0[1], sed[0], sed[1],
                   wmh1, wme1, wal1, war1, ba1)
    sh1 = _segsum(h1, src, dst)
    qs, qd = _tc_layer2_proj(h1, sh1[0], sh1[1], sed[0], sed[1],
                             wmh2, wme2, wal2, war2, ba2, ws, wd, bd)
    r = _edge_heads(qs, qd, src, dst)
    coarse, fine = _tc_heads(r, bf(c2_w).T, c2_b.reshape(1, 2),
                             bf(f2_w).T, f2_b.reshape(1, 10))
    return coarse, fine

# --- scband reference (transcript-rebuilt; emitter-appended) ---
"""Pipeline reference for scband-hierarchical-gat-81767587381919 (READ-ONLY COPY).

The authoritative reference and input builder live on the scoring server;
editing this copy changes nothing except your own understanding.
"""

import jax, jax.numpy as jnp
import numpy as np

N = 10000
E = 320000
D = 128
ED = 16
NFINE = 10


def _linear(x, w, b=None):
    y = x @ w.T
    if b is not None:
        y = y + b
    return y


def setup_inputs(seed: int = 0) -> dict:
    key = jax.random.key(seed)
    ks = jax.random.split(key, 30)
    s = 0.05
    inp = {}
    inp["nfeats"] = jax.random.normal(ks[0], (N, 1, D), dtype=jnp.float32)
    inp["efeats"] = jax.random.normal(ks[1], (E, 1, ED), dtype=jnp.float32)
    inp["edge_index"] = jax.random.randint(ks[2], (2, E), 0, N, dtype=jnp.int32)
    # GAT layer 1: W_msg (D+ED -> 128), W_apply (D+128 -> 128), attn_fc (256 -> 1, no bias)
    inp["w_msg1"] = jax.random.normal(ks[3], (128, D + ED), dtype=jnp.float32) * s
    inp["b_msg1"] = jnp.zeros((128,), dtype=jnp.float32)
    inp["w_apply1"] = jax.random.normal(ks[4], (128, D + 128), dtype=jnp.float32) * s
    inp["b_apply1"] = jnp.zeros((128,), dtype=jnp.float32)
    inp["attn1"] = jax.random.normal(ks[5], (1, 256), dtype=jnp.float32) * s
    # GAT layer 2: W_msg (128+ED -> 128), W_apply (128+128 -> 128), attn_fc (256 -> 1)
    inp["w_msg2"] = jax.random.normal(ks[6], (128, 128 + ED), dtype=jnp.float32) * s
    inp["b_msg2"] = jnp.zeros((128,), dtype=jnp.float32)
    inp["w_apply2"] = jax.random.normal(ks[7], (128, 256), dtype=jnp.float32) * s
    inp["b_apply2"] = jnp.zeros((128,), dtype=jnp.float32)
    inp["attn2"] = jax.random.normal(ks[8], (1, 256), dtype=jnp.float32) * s
    # coarse head: Linear(256,32) -> ReLU -> Linear(32,2)
    inp["c1_w"] = jax.random.normal(ks[9], (32, 256), dtype=jnp.float32) * s
    inp["c1_b"] = jnp.zeros((32,), dtype=jnp.float32)
    inp["c2_w"] = jax.random.normal(ks[10], (2, 32), dtype=jnp.float32) * s
    inp["c2_b"] = jnp.zeros((2,), dtype=jnp.float32)
    # fine head: Linear(256,64) -> BN(64, eval) -> ReLU -> Dropout(eval) -> Linear(64,NFINE)
    inp["f1_w"] = jax.random.normal(ks[11], (64, 256), dtype=jnp.float32) * s
    inp["f1_b"] = jnp.zeros((64,), dtype=jnp.float32)
    inp["bn_g"] = jnp.ones((64,), dtype=jnp.float32)
    inp["bn_b"] = jnp.zeros((64,), dtype=jnp.float32)
    inp["f2_w"] = jax.random.normal(ks[12], (NFINE, 64), dtype=jnp.float32) * s
    inp["f2_b"] = jnp.zeros((NFINE,), dtype=jnp.float32)
    return inp


def _gat_layer(h, ef, src, dst, wm, bm, wa, ba, watt):
    # apply_edges: z = W_msg(cat([src_h, edge_h], dim=2))
    z = _linear(jnp.concatenate([h[src], ef], axis=2), wm, bm)  # [E,1,128]
    # edge_attention: e = leaky_relu(attn_fc(cat([src_h, dst_h], dim=2)))
    e = jax.nn.leaky_relu(_linear(jnp.concatenate([h[src], h[dst]], axis=2), watt), negative_slope=0.01)  # [E,1,1]
    # softmax over dim=1 (singleton dim -> all ones, faithful to original)
    a = jax.nn.softmax(e, axis=1)
    m = z * a  # [E,1,128]
    # reduce: sum of mailbox messages per destination node (scatter-add)
    h_neigh = jax.ops.segment_sum(m, dst, num_segments=N)  # [N,1,128]
    return jax.nn.leaky_relu(_linear(jnp.concatenate([h, h_neigh], axis=2), wa, ba), negative_slope=0.01)


def reference(nfeats, efeats, edge_index,
              w_msg1, b_msg1, w_apply1, b_apply1, attn1,
              w_msg2, b_msg2, w_apply2, b_apply2, attn2,
              c1_w, c1_b, c2_w, c2_b,
              f1_w, f1_b, bn_g, bn_b, f2_w, f2_b):
    src = edge_index[0]
    dst = edge_index[1]
    h = _gat_layer(nfeats, efeats, src, dst, w_msg1, b_msg1, w_apply1, b_apply1, attn1)
    # dropout (eval mode -> identity) between layers
    h = _gat_layer(h, efeats, src, dst, w_msg2, b_msg2, w_apply2, b_apply2, attn2)
    h = h.sum(axis=1)  # [N,128]
    h_src = h[src]
    h_dst = h[dst]
    pair_feats = jnp.concatenate([h_src, h_dst], axis=1)  # [E,256]
    coarse_logits = _linear(jax.nn.relu(_linear(pair_feats, c1_w, c1_b)), c2_w, c2_b)
    f = _linear(pair_feats, f1_w, f1_b)
    # BatchNorm1d in eval mode: running_mean=0, running_var=1, eps=1e-5
    f = (f - 0.0) / jnp.sqrt(1.0 + 1e-5) * bn_g + bn_b
    f = jax.nn.relu(f)
    fine_logits = _linear(f, f2_w, f2_b)
    return (coarse_logits, fine_logits)

if __name__ == "__main__":
    import jax
    _d = setup_inputs()
    print(jax.jit(kernel)(*tuple(_d.values())))

</pallas_src>

<mosaic_0001>
#map = affine_map<(d0, d1) -> (0, 0)>
#map1 = affine_map<(d0, d1) -> (0)>
module attributes {stable_mosaic.version = 14 : i64} {
  func.func @_edge_body(%arg0: i32, %arg1: i32, %arg2: memref<10000x128xf32, #tpu.memory_space<hbm>>, %arg3: memref<10000x128xf32, #tpu.memory_space<hbm>>, %arg4: memref<320000xi32, #tpu.memory_space<hbm>>, %arg5: memref<320000xi32, #tpu.memory_space<hbm>>, %arg6: memref<320000x128xf32, #tpu.memory_space<hbm>>, %arg7: memref<10000xi32, #tpu.memory_space<vmem>>, %arg8: memref<10000xi32, #tpu.memory_space<vmem>>, %arg9: memref<80x128xf32, #tpu.memory_space<vmem>>, %arg10: memref<80x128xf32, #tpu.memory_space<vmem>>, %arg11: memref<80x128xf32, #tpu.memory_space<vmem>>, %arg12: memref<80x128xf32, #tpu.memory_space<vmem>>, %arg13: memref<!tpu.dma_semaphore, #tpu.memory_space<semaphore_mem>>, %arg14: memref<!tpu.dma_semaphore, #tpu.memory_space<semaphore_mem>>, %arg15: memref<!tpu.dma_semaphore, #tpu.memory_space<semaphore_mem>>, %arg16: memref<!tpu.dma_semaphore, #tpu.memory_space<semaphore_mem>>) attributes {dimension_semantics = [#tpu.dimension_semantics<core_parallel>, #tpu.dimension_semantics<subcore_parallel>], iteration_bounds = array<i64: 2, 16>, scalar_prefetch = 0 : i64, scratch_operands = 10 : i64, tpu.core_type = #tpu.core_type<sc_vector_subcore>, window_params = [{transform_indices = #map}, {transform_indices = #map}, {transform_indices = #map1}, {transform_indices = #map1}, {transform_indices = #map}]} {
    %mul3A = arith.constant 16 : i32
    %mul3A_0 = arith.muli %arg0, %mul3A : i32
    %add3A = arith.addi %mul3A_0, %arg1 : i32
    %mul3A_1 = arith.constant 10000 : i32
    %mul3A_2 = arith.muli %add3A, %mul3A_1 : i32
    "tpu.region"() ({
      %run_scoped3A = tpu.sem_alloc : memref<!tpu.dma_semaphore, #tpu.memory_space<semaphore_mem>>
      %dma_start3A_86 = tpu.memref_slice %arg4[%mul3A_2] : memref<320000xi32, #tpu.memory_space<hbm>> -> memref<10000xi32, #tpu.memory_space<hbm>>
      %dma_start3A_87 = tpu.memref_slice %arg4[%mul3A_2] : memref<320000xi32, #tpu.memory_space<hbm>> -> memref<10000xi32, #tpu.memory_space<hbm>>
      tpu.enqueue_dma source(%dma_start3A_87 : memref<10000xi32, #tpu.memory_space<hbm>>) target(%arg7 : memref<10000xi32, #tpu.memory_space<vmem>>) target_semaphore(%run_scoped3A : memref<!tpu.dma_semaphore, #tpu.memory_space<semaphore_mem>>)
      %dma_wait3A_88 = tpu.memref_slice %arg4[%mul3A_2] : memref<320000xi32, #tpu.memory_space<hbm>> -> memref<10000xi32, #tpu.memory_space<hbm>>
      %dma_wait3A_89 = tpu.memref_slice %arg4[%mul3A_2] : memref<320000xi32, #tpu.memory_space<hbm>> -> memref<10000xi32, #tpu.memory_space<hbm>>
      tpu.wait_dma2 semaphore(%run_scoped3A : memref<!tpu.dma_semaphore, #tpu.memory_space<semaphore_mem>>) src(%dma_wait3A_89 : memref<10000xi32, #tpu.memory_space<hbm>>) dst(%arg7 : memref<10000xi32, #tpu.memory_space<vmem>>)
      tpu.yield
    }) : () -> ()
    "tpu.region"() ({
      %run_scoped3A = tpu.sem_alloc : memref<!tpu.dma_semaphore, #tpu.memory_space<semaphore_mem>>
      %dma_start3A_86 = tpu.memref_slice %arg5[%mul3A_2] : memref<320000xi32, #tpu.memory_space<hbm>> -> memref<10000xi32, #tpu.memory_space<hbm>>
      %dma_start3A_87 = tpu.memref_slice %arg5[%mul3A_2] : memref<320000xi32, #tpu.memory_space<hbm>> -> memref<10000xi32, #tpu.memory_space<hbm>>
      tpu.enqueue_dma source(%dma_start3A_87 : memref<10000xi32, #tpu.memory_space<hbm>>) target(%arg8 : memref<10000xi32, #tpu.memory_space<vmem>>) target_semaphore(%run_scoped3A : memref<!tpu.dma_semaphore, #tpu.memory_space<semaphore_mem>>)
      %dma_wait3A_88 = tpu.memref_slice %arg5[%mul3A_2] : memref<320000xi32, #tpu.memory_space<hbm>> -> memref<10000xi32, #tpu.memory_space<hbm>>
      %dma_wait3A_89 = tpu.memref_slice %arg5[%mul3A_2] : memref<320000xi32, #tpu.memory_space<hbm>> -> memref<10000xi32, #tpu.memory_space<hbm>>
      tpu.wait_dma2 semaphore(%run_scoped3A : memref<!tpu.dma_semaphore, #tpu.memory_space<semaphore_mem>>) src(%dma_wait3A_89 : memref<10000xi32, #tpu.memory_space<hbm>>) dst(%arg8 : memref<10000xi32, #tpu.memory_space<vmem>>)
      tpu.yield
    }) : () -> ()
    %dma_start3A = arith.constant 0 : i32
    %dma_start3A_3 = tpu.memref_slice %arg7[%dma_start3A] : memref<10000xi32, #tpu.memory_space<vmem>> -> memref<80xi32, #tpu.memory_space<vmem>>
    %dma_start3A_4 = arith.constant 0 : i32
    %dma_start3A_5 = arith.constant 0 : i32
    %dma_start3A_6 = tpu.memref_slice %arg2[%dma_start3A_4, %dma_start3A_5] : memref<10000x128xf32, #tpu.memory_space<hbm>> -> memref<10000x128xf32, #tpu.memory_space<hbm>>
    tpu.enqueue_indirect_dma source(%dma_start3A_6 : memref<10000x128xf32, #tpu.memory_space<hbm>>) target(%arg9 : memref<80x128xf32, #tpu.memory_space<vmem>>) offsets(%dma_start3A_3 : memref<80xi32, #tpu.memory_space<vmem>>) semaphore(%arg13 : memref<!tpu.dma_semaphore, #tpu.memory_space<semaphore_mem>>)
    %dma_start3A_7 = arith.constant 0 : i32
    %dma_start3A_8 = tpu.memref_slice %arg8[%dma_start3A_7] : memref<10000xi32, #tpu.memory_space<vmem>> -> memref<80xi32, #tpu.memory_space<vmem>>
    %dma_start3A_9 = arith.constant 0 : i32
    %dma_start3A_10 = arith.constant 0 : i32
    %dma_start3A_11 = tpu.memref_slice %arg3[%dma_start3A_9, %dma_start3A_10] : memref<10000x128xf32, #tpu.memory_space<hbm>> -> memref<10000x128xf32, #tpu.memory_space<hbm>>
    tpu.enqueue_indirect_dma source(%dma_start3A_11 : memref<10000x128xf32, #tpu.memory_space<hbm>>) target(%arg10 : memref<80x128xf32, #tpu.memory_space<vmem>>) offsets(%dma_start3A_8 : memref<80xi32, #tpu.memory_space<vmem>>) semaphore(%arg14 : memref<!tpu.dma_semaphore, #tpu.memory_space<semaphore_mem>>)
    %dma_start3A_12 = arith.constant 80 : i32
    %dma_start3A_13 = tpu.memref_slice %arg7[%dma_start3A_12] : memref<10000xi32, #tpu.memory_space<vmem>> -> memref<80xi32, #tpu.memory_space<vmem>>
    %dma_start3A_14 = arith.constant 0 : i32
    %dma_start3A_15 = arith.constant 0 : i32
    %dma_start3A_16 = tpu.memref_slice %arg2[%dma_start3A_14, %dma_start3A_15] : memref<10000x128xf32, #tpu.memory_space<hbm>> -> memref<10000x128xf32, #tpu.memory_space<hbm>>
    tpu.enqueue_indirect_dma source(%dma_start3A_16 : memref<10000x128xf32, #tpu.memory_space<hbm>>) target(%arg11 : memref<80x128xf32, #tpu.memory_space<vmem>>) offsets(%dma_start3A_13 : memref<80xi32, #tpu.memory_space<vmem>>) semaphore(%arg15 : memref<!tpu.dma_semaphore, #tpu.memory_space<semaphore_mem>>)
    %dma_start3A_17 = arith.constant 80 : i32
    %dma_start3A_18 = tpu.memref_slice %arg8[%dma_start3A_17] : memref<10000xi32, #tpu.memory_space<vmem>> -> memref<80xi32, #tpu.memory_space<vmem>>
    %dma_start3A_19 = arith.constant 0 : i32
    %dma_start3A_20 = arith.constant 0 : i32
    %dma_start3A_21 = tpu.memref_slice %arg3[%dma_start3A_19, %dma_start3A_20] : memref<10000x128xf32, #tpu.memory_space<hbm>> -> memref<10000x128xf32, #tpu.memory_space<hbm>>
    tpu.enqueue_indirect_dma source(%dma_start3A_21 : memref<10000x128xf32, #tpu.memory_space<hbm>>) target(%arg12 : memref<80x128xf32, #tpu.memory_space<vmem>>) offsets(%dma_start3A_18 : memref<80xi32, #tpu.memory_space<vmem>>) semaphore(%arg16 : memref<!tpu.dma_semaphore, #tpu.memory_space<semaphore_mem>>)
    %scan3A = arith.constant 0 : i32
    %scan3A_22 = arith.constant 61 : i32
    %scan3A_23 = arith.addi %scan3A, %scan3A_22 : i32
    %scan3A_24 = arith.constant 1 : i32
    scf.for %scan3A_86 = %scan3A to %scan3A_23 step %scan3A_24  : i32 {
      %mul3A_87 = arith.constant 2 : i32
      %mul3A_88 = arith.muli %mul3A_87, %scan3A_86 : i32
      %mul3A_89 = arith.constant 80 : i32
      %mul3A_90 = arith.muli %mul3A_88, %mul3A_89 : i32
      %dma_wait3A_91 = tpu.memref_slice %arg7[%mul3A_90] : memref<10000xi32, #tpu.memory_space<vmem>> -> memref<80xi32, #tpu.memory_space<vmem>>
      %dma_wait3A_92 = arith.constant 0 : i32
      %dma_wait3A_93 = arith.constant 0 : i32
      %dma_wait3A_94 = tpu.memref_slice %arg2[%dma_wait3A_92, %dma_wait3A_93] : memref<10000x128xf32, #tpu.memory_space<hbm>> -> memref<10000x128xf32, #tpu.memory_space<hbm>>
      tpu.wait_indirect_dma semaphore(%arg13 : memref<!tpu.dma_semaphore, #tpu.memory_space<semaphore_mem>>) src(%dma_wait3A_94 : memref<10000x128xf32, #tpu.memory_space<hbm>>) dst(%arg9 : memref<80x128xf32, #tpu.memory_space<vmem>>)
      %mul3A_95 = arith.constant 80 : i32
      %mul3A_96 = arith.muli %mul3A_88, %mul3A_95 : i32
      %dma_wait3A_97 = tpu.memref_slice %arg8[%mul3A_96] : memref<10000xi32, #tpu.memory_space<vmem>> -> memref<80xi32, #tpu.memory_space<vmem>>
      %dma_wait3A_98 = arith.constant 0 : i32
      %dma_wait3A_99 = arith.constant 0 : i32
      %dma_wait3A_100 = tpu.memref_slice %arg3[%dma_wait3A_98, %dma_wait3A_99] : memref<10000x128xf32, #tpu.memory_space<hbm>> -> memref<10000x128xf32, #tpu.memory_space<hbm>>
      tpu.wait_indirect_dma semaphore(%arg14 : memref<!tpu.dma_semaphore, #tpu.memory_space<semaphore_mem>>) src(%dma_wait3A_100 : memref<10000x128xf32, #tpu.memory_space<hbm>>) dst(%arg10 : memref<80x128xf32, #tpu.memory_space<vmem>>)
      %scan3A_101 = arith.constant 0 : i32
      %scan3A_102 = arith.constant 80 : i32
      %scan3A_103 = arith.addi %scan3A_101, %scan3A_102 : i32
      %scan3A_104 = arith.constant 1 : i32
      scf.for %scan3A_159 = %scan3A_101 to %scan3A_103 step %scan3A_104  : i32 {
        %get3A = arith.index_cast %scan3A_159 : i32 to index
        %get3A_160 = arith.constant 0 : index
        %get3A_161 = tpu.vector_load %arg9[%get3A, %get3A_160] {strides = array<i32>} : memref<80x128xf32, #tpu.memory_space<vmem>>, vector<1x16xf32>,
        %get3A_162 = vector.shape_cast %get3A_161 : vector<1x16xf32> to vector<16xf32>
        %get3A_163 = arith.index_cast %scan3A_159 : i32 to index
        %get3A_164 = arith.constant 0 : index
        %get3A_165 = tpu.vector_load %arg10[%get3A_163, %get3A_164] {strides = array<i32>} : memref<80x128xf32, #tpu.memory_space<vmem>>, vector<1x16xf32>,
        %get3A_166 = vector.shape_cast %get3A_165 : vector<1x16xf32> to vector<16xf32>
        %add3A_167 = arith.addf %get3A_162, %get3A_166 : vector<16xf32>
        %max3A = arith.constant 0.000000e+00 : f32
        %max3A_168 = vector.broadcast %max3A : f32 to vector<16xf32>
        %max3A_169 = arith.maximumf %add3A_167, %max3A_168 : vector<16xf32>
        %swap3A = arith.index_cast %scan3A_159 : i32 to index
        %swap3A_170 = arith.constant 0 : index
        %swap3A_171 = tpu.vector_load %arg9[%swap3A, %swap3A_170] {strides = array<i32>} : memref<80x128xf32, #tpu.memory_space<vmem>>, vector<1x16xf32>,
        %swap3A_172 = vector.shape_cast %swap3A_171 : vector<1x16xf32> to vector<16xf32>
        %swap3A_173 = vector.shape_cast %max3A_169 : vector<16xf32> to vector<1x16xf32>
        tpu.vector_store %arg9[%swap3A, %swap3A_170], %swap3A_173 {strides = array<i32>} : memref<80x128xf32, #tpu.memory_space<vmem>>, vector<1x16xf32>,
        %get3A_174 = arith.index_cast %scan3A_159 : i32 to index
        %get3A_175 = arith.constant 16 : index
        %get3A_176 = tpu.vector_load %arg9[%get3A_174, %get3A_175] {strides = array<i32>} : memref<80x128xf32, #tpu.memory_space<vmem>>, vector<1x16xf32>,
        %get3A_177 = vector.shape_cast %get3A_176 : vector<1x16xf32> to vector<16xf32>
        %get3A_178 = arith.index_cast %scan3A_159 : i32 to index
        %get3A_179 = arith.constant 16 : index
        %get3A_180 = tpu.vector_load %arg10[%get3A_178, %get3A_179] {strides = array<i32>} : memref<80x128xf32, #tpu.memory_space<vmem>>, vector<1x16xf32>,
        %get3A_181 = vector.shape_cast %get3A_180 : vector<1x16xf32> to vector<16xf32>
        %add3A_182 = arith.addf %get3A_177, %get3A_181 : vector<16xf32>
        %max3A_183 = arith.constant 0.000000e+00 : f32
        %max3A_184 = vector.broadcast %max3A_183 : f32 to vector<16xf32>
        %max3A_185 = arith.maximumf %add3A_182, %max3A_184 : vector<16xf32>
        %swap3A_186 = arith.index_cast %scan3A_159 : i32 to index
        %swap3A_187 = arith.constant 16 : index
        %swap3A_188 = tpu.vector_load %arg9[%swap3A_186, %swap3A_187] {strides = array<i32>} : memref<80x128xf32, #tpu.memory_space<vmem>>, vector<1x16xf32>,
        %swap3A_189 = vector.shape_cast %swap3A_188 : vector<1x16xf32> to vector<16xf32>
        %swap3A_190 = vector.shape_cast %max3A_185 : vector<16xf32> to vector<1x16xf32>
        tpu.vector_store %arg9[%swap3A_186, %swap3A_187], %swap3A_190 {strides = array<i32>} : memref<80x128xf32, #tpu.memory_space<vmem>>, vector<1x16xf32>,
        %get3A_191 = arith.index_cast %scan3A_159 : i32 to index
        %get3A_192 = arith.constant 32 : index
        %get3A_193 = tpu.vector_load %arg9[%get3A_191, %get3A_192] {strides = array<i32>} : memref<80x128xf32, #tpu.memory_space<vmem>>, vector<1x16xf32>,
        %get3A_194 = vector.shape_cast %get3A_193 : vector<1x16xf32> to vector<16xf32>
        %get3A_195 = arith.index_cast %scan3A_159 : i32 to index
        %get3A_196 = arith.constant 32 : index
        %get3A_197 = tpu.vector_load %arg10[%get3A_195, %get3A_196] {strides = array<i32>} : memref<80x128xf32, #tpu.memory_space<vmem>>, vector<1x16xf32>,
        %get3A_198 = vector.shape_cast %get3A_197 : vector<1x16xf32> to vector<16xf32>
        %add3A_199 = arith.addf %get3A_194, %get3A_198 : vector<16xf32>
        %max3A_200 = arith.constant 0.000000e+00 : f32
        %max3A_201 = vector.broadcast %max3A_200 : f32 to vector<16xf32>
        %max3A_202 = arith.maximumf %add3A_199, %max3A_201 : vector<16xf32>
        %swap3A_203 = arith.index_cast %scan3A_159 : i32 to index
        %swap3A_204 = arith.constant 32 : index
        %swap3A_205 = tpu.vector_load %arg9[%swap3A_203, %swap3A_204] {strides = array<i32>} : memref<80x128xf32, #tpu.memory_space<vmem>>, vector<1x16xf32>,
        %swap3A_206 = vector.shape_cast %swap3A_205 : vector<1x16xf32> to vector<16xf32>
        %swap3A_207 = vector.shape_cast %max3A_202 : vector<16xf32> to vector<1x16xf32>
        tpu.vector_store %arg9[%swap3A_203, %swap3A_204], %swap3A_207 {strides = array<i32>} : memref<80x128xf32, #tpu.memory_space<vmem>>, vector<1x16xf32>,
        %get3A_208 = arith.index_cast %scan3A_159 : i32 to index
        %get3A_209 = arith.constant 48 : index
        %get3A_210 = tpu.vector_load %arg9[%get3A_208, %get3A_209] {strides = array<i32>} : memref<80x128xf32, #tpu.memory_space<vmem>>, vector<1x16xf32>,
        %get3A_211 = vector.shape_cast %get3A_210 : vector<1x16xf32> to vector<16xf32>
        %get3A_212 = arith.index_cast %scan3A_159 : i32 to index
        %get3A_213 = arith.constant 48 : index
        %get3A_214 = tpu.vector_load %arg10[%get3A_212, %get3A_213] {strides = array<i32>} : memref<80x128xf32, #tpu.memory_space<vmem>>, vector<1x16xf32>,
        %get3A_215 = vector.shape_cast %get3A_214 : vector<1x16xf32> to vector<16xf32>
        %add3A_216 = arith.addf %get3A_211, %get3A_215 : vector<16xf32>
        %max3A_217 = arith.constant 0.000000e+00 : f32
        %max3A_218 = vector.broadcast %max3A_217 : f32 to vector<16xf32>
        %max3A_219 = arith.maximumf %add3A_216, %max3A_218 : vector<16xf32>
        %swap3A_220 = arith.index_cast %scan3A_159 : i32 to index
        %swap3A_221 = arith.constant 48 : index
        %swap3A_222 = tpu.vector_load %arg9[%swap3A_220, %swap3A_221] {strides = array<i32>} : memref<80x128xf32, #tpu.memory_space<vmem>>, vector<1x16xf32>,
        %swap3A_223 = vector.shape_cast %swap3A_222 : vector<1x16xf32> to vector<16xf32>
        %swap3A_224 = vector.shape_cast %max3A_219 : vector<16xf32> to vector<1x16xf32>
        tpu.vector_store %arg9[%swap3A_220, %swap3A_221], %swap3A_224 {strides = array<i32>} : memref<80x128xf32, #tpu.memory_space<vmem>>, vector<1x16xf32>,
        %get3A_225 = arith.index_cast %scan3A_159 : i32 to index
        %get3A_226 = arith.constant 64 : index
        %get3A_227 = tpu.vector_load %arg9[%get3A_225, %get3A_226] {strides = array<i32>} : memref<80x128xf32, #tpu.memory_space<vmem>>, vector<1x16xf32>,
        %get3A_228 = vector.shape_cast %get3A_227 : vector<1x16xf32> to vector<16xf32>
        %get3A_229 = arith.index_cast %scan3A_159 : i32 to index
        %get3A_230 = arith.constant 64 : index
        %get3A_231 = tpu.vector_load %arg10[%get3A_229, %get3A_230] {strides = array<i32>} : memref<80x128xf32, #tpu.memory_space<vmem>>, vector<1x16xf32>,
        %get3A_232 = vector.shape_cast %get3A_231 : vector<1x16xf32> to vector<16xf32>
        %add3A_233 = arith.addf %get3A_228, %get3A_232 : vector<16xf32>
        %max3A_234 = arith.constant 0.000000e+00 : f32
        %max3A_235 = vector.broadcast %max3A_234 : f32 to vector<16xf32>
        %max3A_236 = arith.maximumf %add3A_233, %max3A_235 : vector<16xf32>
        %swap3A_237 = arith.index_cast %scan3A_159 : i32 to index
        %swap3A_238 = arith.constant 64 : index
        %swap3A_239 = tpu.vector_load %arg9[%swap3A_237, %swap3A_238] {strides = array<i32>} : memref<80x128xf32, #tpu.memory_space<vmem>>, vector<1x16xf32>,
        %swap3A_240 = vector.shape_cast %swap3A_239 : vector<1x16xf32> to vector<16xf32>
        %swap3A_241 = vector.shape_cast %max3A_236 : vector<16xf32> to vector<1x16xf32>
        tpu.vector_store %arg9[%swap3A_237, %swap3A_238], %swap3A_241 {strides = array<i32>} : memref<80x128xf32, #tpu.memory_space<vmem>>, vector<1x16xf32>,
        %get3A_242 = arith.index_cast %scan3A_159 : i32 to index
        %get3A_243 = arith.constant 80 : index
        %get3A_244 = tpu.vector_load %arg9[%get3A_242, %get3A_243] {strides = array<i32>} : memref<80x128xf32, #tpu.memory_space<vmem>>, vector<1x16xf32>,
        %get3A_245 = vector.shape_cast %get3A_244 : vector<1x16xf32> to vector<16xf32>
        %get3A_246 = arith.index_cast %scan3A_159 : i32 to index
        %get3A_247 = arith.constant 80 : index
        %get3A_248 = tpu.vector_load %arg10[%get3A_246, %get3A_247] {strides = array<i32>} : memref<80x128xf32, #tpu.memory_space<vmem>>, vector<1x16xf32>,
        %get3A_249 = vector.shape_cast %get3A_248 : vector<1x16xf32> to vector<16xf32>
        %add3A_250 = arith.addf %get3A_245, %get3A_249 : vector<16xf32>
        %max3A_251 = arith.constant 0.000000e+00 : f32
        %max3A_252 = vector.broadcast %max3A_251 : f32 to vector<16xf32>
        %max3A_253 = arith.maximumf %add3A_250, %max3A_252 : vector<16xf32>
        %swap3A_254 = arith.index_cast %scan3A_159 : i32 to index
        %swap3A_255 = arith.constant 80 : index
        %swap3A_256 = tpu.vector_load %arg9[%swap3A_254, %swap3A_255] {strides = array<i32>} : memref<80x128xf32, #tpu.memory_space<vmem>>, vector<1x16xf32>,
        %swap3A_257 = vector.shape_cast %swap3A_256 : vector<1x16xf32> to vector<16xf32>
        %swap3A_258 = vector.shape_cast %max3A_253 : vector<16xf32> to vector<1x16xf32>
        tpu.vector_store %arg9[%swap3A_254, %swap3A_255], %swap3A_258 {strides = array<i32>} : memref<80x128xf32, #tpu.memory_space<vmem>>, vector<1x16xf32>,
        %get3A_259 = arith.index_cast %scan3A_159 : i32 to index
        %get3A_260 = arith.constant 96 : index
        %get3A_261 = tpu.vector_load %arg9[%get3A_259, %get3A_260] {strides = array<i32>} : memref<80x128xf32, #tpu.memory_space<vmem>>, vector<1x16xf32>,
        %get3A_262 = vector.shape_cast %get3A_261 : vector<1x16xf32> to vector<16xf32>
        %get3A_263 = arith.index_cast %scan3A_159 : i32 to index
        %get3A_264 = arith.constant 96 : index
        %get3A_265 = tpu.vector_load %arg10[%get3A_263, %get3A_264] {strides = array<i32>} : memref<80x128xf32, #tpu.memory_space<vmem>>, vector<1x16xf32>,
        %get3A_266 = vector.shape_cast %get3A_265 : vector<1x16xf32> to vector<16xf32>
        %add3A_267 = arith.addf %get3A_262, %get3A_266 : vector<16xf32>
        %max3A_268 = arith.constant 0.000000e+00 : f32
        %max3A_269 = vector.broadcast %max3A_268 : f32 to vector<16xf32>
        %max3A_270 = arith.maximumf %add3A_267, %max3A_269 : vector<16xf32>
        %swap3A_271 = arith.index_cast %scan3A_159 : i32 to index
        %swap3A_272 = arith.constant 96 : index
        %swap3A_273 = tpu.vector_load %arg9[%swap3A_271, %swap3A_272] {strides = array<i32>} : memref<80x128xf32, #tpu.memory_space<vmem>>, vector<1x16xf32>,
        %swap3A_274 = vector.shape_cast %swap3A_273 : vector<1x16xf32> to vector<16xf32>
        %swap3A_275 = vector.shape_cast %max3A_270 : vector<16xf32> to vector<1x16xf32>
        tpu.vector_store %arg9[%swap3A_271, %swap3A_272], %swap3A_275 {strides = array<i32>} : memref<80x128xf32, #tpu.memory_space<vmem>>, vector<1x16xf32>,
        %get3A_276 = arith.index_cast %scan3A_159 : i32 to index
        %get3A_277 = arith.constant 112 : index
        %get3A_278 = tpu.vector_load %arg9[%get3A_276, %get3A_277] {strides = array<i32>} : memref<80x128xf32, #tpu.memory_space<vmem>>, vector<1x16xf32>,
        %get3A_279 = vector.shape_cast %get3A_278 : vector<1x16xf32> to vector<16xf32>
        %get3A_280 = arith.index_cast %scan3A_159 : i32 to index
        %get3A_281 = arith.constant 112 : index
        %get3A_282 = tpu.vector_load %arg10[%get3A_280, %get3A_281] {strides = array<i32>} : memref<80x128xf32, #tpu.memory_space<vmem>>, vector<1x16xf32>,
        %get3A_283 = vector.shape_cast %get3A_282 : vector<1x16xf32> to vector<16xf32>
        %add3A_284 = arith.addf %get3A_279, %get3A_283 : vector<16xf32>
        %max3A_285 = arith.constant 0.000000e+00 : f32
        %max3A_286 = vector.broadcast %max3A_285 : f32 to vector<16xf32>
        %max3A_287 = arith.maximumf %add3A_284, %max3A_286 : vector<16xf32>
        %swap3A_288 = arith.index_cast %scan3A_159 : i32 to index
        %swap3A_289 = arith.constant 112 : index
        %swap3A_290 = tpu.vector_load %arg9[%swap3A_288, %swap3A_289] {strides = array<i32>} : memref<80x128xf32, #tpu.memory_space<vmem>>, vector<1x16xf32>,
        %swap3A_291 = vector.shape_cast %swap3A_290 : vector<1x16xf32> to vector<16xf32>
        %swap3A_292 = vector.shape_cast %max3A_287 : vector<16xf32> to vector<1x16xf32>
        tpu.vector_store %arg9[%swap3A_288, %swap3A_289], %swap3A_292 {strides = array<i32>} : memref<80x128xf32, #tpu.memory_space<vmem>>, vector<1x16xf32>,
      }
      %scan3A_105 = arith.constant 80 : i32
      %mul3A_106 = arith.constant 80 : i32
      %mul3A_107 = arith.muli %mul3A_88, %mul3A_106 : i32
      %add3A_108 = arith.addi %mul3A_2, %mul3A_107 : i32
      "tpu.region"() ({
        %run_scoped3A = tpu.sem_alloc : memref<!tpu.dma_semaphore, #tpu.memory_space<semaphore_mem>>
        %dma_start3A_159 = arith.constant 0 : i32
        %dma_start3A_160 = tpu.memref_slice %arg6[%add3A_108, %dma_start3A_159] : memref<320000x128xf32, #tpu.memory_space<hbm>> -> memref<80x128xf32, #tpu.memory_space<hbm>>
        %dma_start3A_161 = arith.constant 0 : i32
        %dma_start3A_162 = tpu.memref_slice %arg6[%add3A_108, %dma_start3A_161] : memref<320000x128xf32, #tpu.memory_space<hbm>> -> memref<80x128xf32, #tpu.memory_space<hbm>>
        tpu.enqueue_dma source(%arg9 : memref<80x128xf32, #tpu.memory_space<vmem>>) target(%dma_start3A_162 : memref<80x128xf32, #tpu.memory_space<hbm>>) target_semaphore(%run_scoped3A : memref<!tpu.dma_semaphore, #tpu.memory_space<semaphore_mem>>)
        %dma_wait3A_163 = arith.constant 0 : i32
        %dma_wait3A_164 = tpu.memref_slice %arg6[%add3A_108, %dma_wait3A_163] : memref<320000x128xf32, #tpu.memory_space<hbm>> -> memref<80x128xf32, #tpu.memory_space<hbm>>
        %dma_wait3A_165 = arith.constant 0 : i32
        %dma_wait3A_166 = tpu.memref_slice %arg6[%add3A_108, %dma_wait3A_165] : memref<320000x128xf32, #tpu.memory_space<hbm>> -> memref<80x128xf32, #tpu.memory_space<hbm>>
        tpu.wait_dma2 semaphore(%run_scoped3A : memref<!tpu.dma_semaphore, #tpu.memory_space<semaphore_mem>>) src(%arg9 : memref<80x128xf32, #tpu.memory_space<vmem>>) dst(%dma_wait3A_166 : memref<80x128xf32, #tpu.memory_space<hbm>>)
        tpu.yield
      }) : () -> ()
      %add3A_109 = arith.constant 2 : i32
      %add3A_110 = arith.addi %mul3A_88, %add3A_109 : i32
      %mul3A_111 = arith.constant 80 : i32
      %mul3A_112 = arith.muli %add3A_110, %mul3A_111 : i32
      %dma_start3A_113 = tpu.memref_slice %arg7[%mul3A_112] : memref<10000xi32, #tpu.memory_space<vmem>> -> memref<80xi32, #tpu.memory_space<vmem>>
      %dma_start3A_114 = arith.constant 0 : i32
      %dma_start3A_115 = arith.constant 0 : i32
      %dma_start3A_116 = tpu.memref_slice %arg2[%dma_start3A_114, %dma_start3A_115] : memref<10000x128xf32, #tpu.memory_space<hbm>> -> memref<10000x128xf32, #tpu.memory_space<hbm>>
      tpu.enqueue_indirect_dma source(%dma_start3A_116 : memref<10000x128xf32, #tpu.memory_space<hbm>>) target(%arg9 : memref<80x128xf32, #tpu.memory_space<vmem>>) offsets(%dma_start3A_113 : memref<80xi32, #tpu.memory_space<vmem>>) semaphore(%arg13 : memref<!tpu.dma_semaphore, #tpu.memory_space<semaphore_mem>>)
      %mul3A_117 = arith.constant 80 : i32
      %mul3A_118 = arith.muli %add3A_110, %mul3A_117 : i32
      %dma_start3A_119 = tpu.memref_slice %arg8[%mul3A_118] : memref<10000xi32, #tpu.memory_space<vmem>> -> memref<80xi32, #tpu.memory_space<vmem>>
      %dma_start3A_120 = arith.constant 0 : i32
      %dma_start3A_121 = arith.constant 0 : i32
      %dma_start3A_122 = tpu.memref_slice %arg3[%dma_start3A_120, %dma_start3A_121] : memref<10000x128xf32, #tpu.memory_space<hbm>> -> memref<10000x128xf32, #tpu.memory_space<hbm>>
      tpu.enqueue_indirect_dma source(%dma_start3A_122 : memref<10000x128xf32, #tpu.memory_space<hbm>>) target(%arg10 : memref<80x128xf32, #tpu.memory_space<vmem>>) offsets(%dma_start3A_119 : memref<80xi32, #tpu.memory_space<vmem>>) semaphore(%arg14 : memref<!tpu.dma_semaphore, #tpu.memory_space<semaphore_mem>>)
      %add3A_123 = arith.constant 1 : i32
      %add3A_124 = arith.addi %mul3A_88, %add3A_123 : i32
      %mul3A_125 = arith.constant 80 : i32
      %mul3A_126 = arith.muli %add3A_124, %mul3A_125 : i32
      %dma_wait3A_127 = tpu.memref_slice %arg7[%mul3A_126] : memref<10000xi32, #tpu.memory_space<vmem>> -> memref<80xi32, #tpu.memory_space<vmem>>
      %dma_wait3A_128 = arith.constant 0 : i32
      %dma_wait3A_129 = arith.constant 0 : i32
      %dma_wait3A_130 = tpu.memref_slice %arg2[%dma_wait3A_128, %dma_wait3A_129] : memref<10000x128xf32, #tpu.memory_space<hbm>> -> memref<10000x128xf32, #tpu.memory_space<hbm>>
      tpu.wait_indirect_dma semaphore(%arg15 : memref<!tpu.dma_semaphore, #tpu.memory_space<semaphore_mem>>) src(%dma_wait3A_130 : memref<10000x128xf32, #tpu.memory_space<hbm>>) dst(%arg11 : memref<80x128xf32, #tpu.memory_space<vmem>>)
      %mul3A_131 = arith.constant 80 : i32
      %mul3A_132 = arith.muli %add3A_124, %mul3A_131 : i32
      %dma_wait3A_133 = tpu.memref_slice %arg8[%mul3A_132] : memref<10000xi32, #tpu.memory_space<vmem>> -> memref<80xi32, #tpu.memory_space<vmem>>
      %dma_wait3A_134 = arith.constant 0 : i32
      %dma_wait3A_135 = arith.constant 0 : i32
      %dma_wait3A_136 = tpu.memref_slice %arg3[%dma_wait3A_134, %dma_wait3A_135] : memref<10000x128xf32, #tpu.memory_space<hbm>> -> memref<10000x128xf32, #tpu.memory_space<hbm>>
      tpu.wait_indirect_dma semaphore(%arg16 : memref<!tpu.dma_semaphore, #tpu.memory_space<semaphore_mem>>) src(%dma_wait3A_136 : memref<10000x128xf32, #tpu.memory_space<hbm>>) dst(%arg12 : memref<80x128xf32, #tpu.memory_space<vmem>>)
      %scan3A_137 = arith.constant 0 : i32
      %scan3A_138 = arith.constant 80 : i32
      %scan3A_139 = arith.addi %scan3A_137, %scan3A_138 : i32
      %scan3A_140 = arith.constant 1 : i32
      scf.for %scan3A_159 = %scan3A_137 to %scan3A_139 step %scan3A_140  : i32 {
        %get3A = arith.index_cast %scan3A_159 : i32 to index
        %get3A_160 = arith.constant 0 : index
        %get3A_161 = tpu.vector_load %arg11[%get3A, %get3A_160] {strides = array<i32>} : memref<80x128xf32, #tpu.memory_space<vmem>>, vector<1x16xf32>,
        %get3A_162 = vector.shape_cast %get3A_161 : vector<1x16xf32> to vector<16xf32>
        %get3A_163 = arith.index_cast %scan3A_159 : i32 to index
        %get3A_164 = arith.constant 0 : index
        %get3A_165 = tpu.vector_load %arg12[%get3A_163, %get3A_164] {strides = array<i32>} : memref<80x128xf32, #tpu.memory_space<vmem>>, vector<1x16xf32>,
        %get3A_166 = vector.shape_cast %get3A_165 : vector<1x16xf32> to vector<16xf32>
        %add3A_167 = arith.addf %get3A_162, %get3A_166 : vector<16xf32>
        %max3A = arith.constant 0.000000e+00 : f32
        %max3A_168 = vector.broadcast %max3A : f32 to vector<16xf32>
        %max3A_169 = arith.maximumf %add3A_167, %max3A_168 : vector<16xf32>
        %swap3A = arith.index_cast %scan3A_159 : i32 to index
        %swap3A_170 = arith.constant 0 : index
        %swap3A_171 = tpu.vector_load %arg11[%swap3A, %swap3A_170] {strides = array<i32>} : memref<80x128xf32, #tpu.memory_space<vmem>>, vector<1x16xf32>,
        %swap3A_172 = vector.shape_cast %swap3A_171 : vector<1x16xf32> to vector<16xf32>
        %swap3A_173 = vector.shape_cast %max3A_169 : vector<16xf32> to vector<1x16xf32>
        tpu.vector_store %arg11[%swap3A, %swap3A_170], %swap3A_173 {strides = array<i32>} : memref<80x128xf32, #tpu.memory_space<vmem>>, vector<1x16xf32>,
        %get3A_174 = arith.index_cast %scan3A_159 : i32 to index
        %get3A_175 = arith.constant 16 : index
        %get3A_176 = tpu.vector_load %arg11[%get3A_174, %get3A_175] {strides = array<i32>} : memref<80x128xf32, #tpu.memory_space<vmem>>, vector<1x16xf32>,
        %get3A_177 = vector.shape_cast %get3A_176 : vector<1x16xf32> to vector<16xf32>
        %get3A_178 = arith.index_cast %scan3A_159 : i32 to index
        %get3A_179 = arith.constant 16 : index
        %get3A_180 = tpu.vector_load %arg12[%get3A_178, %get3A_179] {strides = array<i32>} : memref<80x128xf32, #tpu.memory_space<vmem>>, vector<1x16xf32>,
        %get3A_181 = vector.shape_cast %get3A_180 : vector<1x16xf32> to vector<16xf32>
        %add3A_182 = arith.addf %get3A_177, %get3A_181 : vector<16xf32>
        %max3A_183 = arith.constant 0.000000e+00 : f32
        %max3A_184 = vector.broadcast %max3A_183 : f32 to vector<16xf32>
        %max3A_185 = arith.maximumf %add3A_182, %max3A_184 : vector<16xf32>
        %swap3A_186 = arith.index_cast %scan3A_159 : i32 to index
        %swap3A_187 = arith.constant 16 : index
        %swap3A_188 = tpu.vector_load %arg11[%swap3A_186, %swap3A_187] {strides = array<i32>} : memref<80x128xf32, #tpu.memory_space<vmem>>, vector<1x16xf32>,
        %swap3A_189 = vector.shape_cast %swap3A_188 : vector<1x16xf32> to vector<16xf32>
        %swap3A_190 = vector.shape_cast %max3A_185 : vector<16xf32> to vector<1x16xf32>
        tpu.vector_store %arg11[%swap3A_186, %swap3A_187], %swap3A_190 {strides = array<i32>} : memref<80x128xf32, #tpu.memory_space<vmem>>, vector<1x16xf32>,
        %get3A_191 = arith.index_cast %scan3A_159 : i32 to index
        %get3A_192 = arith.constant 32 : index
        %get3A_193 = tpu.vector_load %arg11[%get3A_191, %get3A_192] {strides = array<i32>} : memref<80x128xf32, #tpu.memory_space<vmem>>, vector<1x16xf32>,
        %get3A_194 = vector.shape_cast %get3A_193 : vector<1x16xf32> to vector<16xf32>
        %get3A_195 = arith.index_cast %scan3A_159 : i32 to index
        %get3A_196 = arith.constant 32 : index
        %get3A_197 = tpu.vector_load %arg12[%get3A_195, %get3A_196] {strides = array<i32>} : memref<80x128xf32, #tpu.memory_space<vmem>>, vector<1x16xf32>,
        %get3A_198 = vector.shape_cast %get3A_197 : vector<1x16xf32> to vector<16xf32>
        %add3A_199 = arith.addf %get3A_194, %get3A_198 : vector<16xf32>
        %max3A_200 = arith.constant 0.000000e+00 : f32
        %max3A_201 = vector.broadcast %max3A_200 : f32 to vector<16xf32>
        %max3A_202 = arith.maximumf %add3A_199, %max3A_201 : vector<16xf32>
        %swap3A_203 = arith.index_cast %scan3A_159 : i32 to index
        %swap3A_204 = arith.constant 32 : index
        %swap3A_205 = tpu.vector_load %arg11[%swap3A_203, %swap3A_204] {strides = array<i32>} : memref<80x128xf32, #tpu.memory_space<vmem>>, vector<1x16xf32>,
        %swap3A_206 = vector.shape_cast %swap3A_205 : vector<1x16xf32> to vector<16xf32>
        %swap3A_207 = vector.shape_cast %max3A_202 : vector<16xf32> to vector<1x16xf32>
        tpu.vector_store %arg11[%swap3A_203, %swap3A_204], %swap3A_207 {strides = array<i32>} : memref<80x128xf32, #tpu.memory_space<vmem>>, vector<1x16xf32>,
        %get3A_208 = arith.index_cast %scan3A_159 : i32 to index
        %get3A_209 = arith.constant 48 : index
        %get3A_210 = tpu.vector_load %arg11[%get3A_208, %get3A_209] {strides = array<i32>} : memref<80x128xf32, #tpu.memory_space<vmem>>, vector<1x16xf32>,
        %get3A_211 = vector.shape_cast %get3A_210 : vector<1x16xf32> to vector<16xf32>
        %get3A_212 = arith.index_cast %scan3A_159 : i32 to index
        %get3A_213 = arith.constant 48 : index
        %get3A_214 = tpu.vector_load %arg12[%get3A_212, %get3A_213] {strides = array<i32>} : memref<80x128xf32, #tpu.memory_space<vmem>>, vector<1x16xf32>,
        %get3A_215 = vector.shape_cast %get3A_214 : vector<1x16xf32> to vector<16xf32>
        %add3A_216 = arith.addf %get3A_211, %get3A_215 : vector<16xf32>
        %max3A_217 = arith.constant 0.000000e+00 : f32
        %max3A_218 = vector.broadcast %max3A_217 : f32 to vector<16xf32>
        %max3A_219 = arith.maximumf %add3A_216, %max3A_218 : vector<16xf32>
        %swap3A_220 = arith.index_cast %scan3A_159 : i32 to index
        %swap3A_221 = arith.constant 48 : index
        %swap3A_222 = tpu.vector_load %arg11[%swap3A_220, %swap3A_221] {strides = array<i32>} : memref<80x128xf32, #tpu.memory_space<vmem>>, vector<1x16xf32>,
        %swap3A_223 = vector.shape_cast %swap3A_222 : vector<1x16xf32> to vector<16xf32>
        %swap3A_224 = vector.shape_cast %max3A_219 : vector<16xf32> to vector<1x16xf32>
        tpu.vector_store %arg11[%swap3A_220, %swap3A_221], %swap3A_224 {strides = array<i32>} : memref<80x128xf32, #tpu.memory_space<vmem>>, vector<1x16xf32>,
        %get3A_225 = arith.index_cast %scan3A_159 : i32 to index
        %get3A_226 = arith.constant 64 : index
        %get3A_227 = tpu.vector_load %arg11[%get3A_225, %get3A_226] {strides = array<i32>} : memref<80x128xf32, #tpu.memory_space<vmem>>, vector<1x16xf32>,
        %get3A_228 = vector.shape_cast %get3A_227 : vector<1x16xf32> to vector<16xf32>
        %get3A_229 = arith.index_cast %scan3A_159 : i32 to index
        %get3A_230 = arith.constant 64 : index
        %get3A_231 = tpu.vector_load %arg12[%get3A_229, %get3A_230] {strides = array<i32>} : memref<80x128xf32, #tpu.memory_space<vmem>>, vector<1x16xf32>,
        %get3A_232 = vector.shape_cast %get3A_231 : vector<1x16xf32> to vector<16xf32>
        %add3A_233 = arith.addf %get3A_228, %get3A_232 : vector<16xf32>
        %max3A_234 = arith.constant 0.000000e+00 : f32
        %max3A_235 = vector.broadcast %max3A_234 : f32 to vector<16xf32>
        %max3A_236 = arith.maximumf %add3A_233, %max3A_235 : vector<16xf32>
        %swap3A_237 = arith.index_cast %scan3A_159 : i32 to index
        %swap3A_238 = arith.constant 64 : index
        %swap3A_239 = tpu.vector_load %arg11[%swap3A_237, %swap3A_238] {strides = array<i32>} : memref<80x128xf32, #tpu.memory_space<vmem>>, vector<1x16xf32>,
        %swap3A_240 = vector.shape_cast %swap3A_239 : vector<1x16xf32> to vector<16xf32>
        %swap3A_241 = vector.shape_cast %max3A_236 : vector<16xf32> to vector<1x16xf32>
        tpu.vector_store %arg11[%swap3A_237, %swap3A_238], %swap3A_241 {strides = array<i32>} : memref<80x128xf32, #tpu.memory_space<vmem>>, vector<1x16xf32>,
        %get3A_242 = arith.index_cast %scan3A_159 : i32 to index
        %get3A_243 = arith.constant 80 : index
        %get3A_244 = tpu.vector_load %arg11[%get3A_242, %get3A_243] {strides = array<i32>} : memref<80x128xf32, #tpu.memory_space<vmem>>, vector<1x16xf32>,
        %get3A_245 = vector.shape_cast %get3A_244 : vector<1x16xf32> to vector<16xf32>
        %get3A_246 = arith.index_cast %scan3A_159 : i32 to index
        %get3A_247 = arith.constant 80 : index
        %get3A_248 = tpu.vector_load %arg12[%get3A_246, %get3A_247] {strides = array<i32>} : memref<80x128xf32, #tpu.memory_space<vmem>>, vector<1x16xf32>,
        %get3A_249 = vector.shape_cast %get3A_248 : vector<1x16xf32> to vector<16xf32>
        %add3A_250 = arith.addf %get3A_245, %get3A_249 : vector<16xf32>
        %max3A_251 = arith.constant 0.000000e+00 : f32
        %max3A_252 = vector.broadcast %max3A_251 : f32 to vector<16xf32>
        %max3A_253 = arith.maximumf %add3A_250, %max3A_252 : vector<16xf32>
        %swap3A_254 = arith.index_cast %scan3A_159 : i32 to index
        %swap3A_255 = arith.constant 80 : index
        %swap3A_256 = tpu.vector_load %arg11[%swap3A_254, %swap3A_255] {strides = array<i32>} : memref<80x128xf32, #tpu.memory_space<vmem>>, vector<1x16xf32>,
        %swap3A_257 = vector.shape_cast %swap3A_256 : vector<1x16xf32> to vector<16xf32>
        %swap3A_258 = vector.shape_cast %max3A_253 : vector<16xf32> to vector<1x16xf32>
        tpu.vector_store %arg11[%swap3A_254, %swap3A_255], %swap3A_258 {strides = array<i32>} : memref<80x128xf32, #tpu.memory_space<vmem>>, vector<1x16xf32>,
        %get3A_259 = arith.index_cast %scan3A_159 : i32 to index
        %get3A_260 = arith.constant 96 : index
        %get3A_261 = tpu.vector_load %arg11[%get3A_259, %get3A_260] {strides = array<i32>} : memref<80x128xf32, #tpu.memory_space<vmem>>, vector<1x16xf32>,
        %get3A_262 = vector.shape_cast %get3A_261 : vector<1x16xf32> to vector<16xf32>
        %get3A_263 = arith.index_cast %scan3A_159 : i32 to index
        %get3A_264 = arith.constant 96 : index
        %get3A_265 = tpu.vector_load %arg12[%get3A_263, %get3A_264] {strides = array<i32>} : memref<80x128xf32, #tpu.memory_space<vmem>>, vector<1x16xf32>,
        %get3A_266 = vector.shape_cast %get3A_265 : vector<1x16xf32> to vector<16xf32>
        %add3A_267 = arith.addf %get3A_262, %get3A_266 : vector<16xf32>
        %max3A_268 = arith.constant 0.000000e+00 : f32
        %max3A_269 = vector.broadcast %max3A_268 : f32 to vector<16xf32>
        %max3A_270 = arith.maximumf %add3A_267, %max3A_269 : vector<16xf32>
        %swap3A_271 = arith.index_cast %scan3A_159 : i32 to index
        %swap3A_272 = arith.constant 96 : index
        %swap3A_273 = tpu.vector_load %arg11[%swap3A_271, %swap3A_272] {strides = array<i32>} : memref<80x128xf32, #tpu.memory_space<vmem>>, vector<1x16xf32>,
        %swap3A_274 = vector.shape_cast %swap3A_273 : vector<1x16xf32> to vector<16xf32>
        %swap3A_275 = vector.shape_cast %max3A_270 : vector<16xf32> to vector<1x16xf32>
        tpu.vector_store %arg11[%swap3A_271, %swap3A_272], %swap3A_275 {strides = array<i32>} : memref<80x128xf32, #tpu.memory_space<vmem>>, vector<1x16xf32>,
        %get3A_276 = arith.index_cast %scan3A_159 : i32 to index
        %get3A_277 = arith.constant 112 : index
        %get3A_278 = tpu.vector_load %arg11[%get3A_276, %get3A_277] {strides = array<i32>} : memref<80x128xf32, #tpu.memory_space<vmem>>, vector<1x16xf32>,
        %get3A_279 = vector.shape_cast %get3A_278 : vector<1x16xf32> to vector<16xf32>
        %get3A_280 = arith.index_cast %scan3A_159 : i32 to index
        %get3A_281 = arith.constant 112 : index
        %get3A_282 = tpu.vector_load %arg12[%get3A_280, %get3A_281] {strides = array<i32>} : memref<80x128xf32, #tpu.memory_space<vmem>>, vector<1x16xf32>,
        %get3A_283 = vector.shape_cast %get3A_282 : vector<1x16xf32> to vector<16xf32>
        %add3A_284 = arith.addf %get3A_279, %get3A_283 : vector<16xf32>
        %max3A_285 = arith.constant 0.000000e+00 : f32
        %max3A_286 = vector.broadcast %max3A_285 : f32 to vector<16xf32>
        %max3A_287 = arith.maximumf %add3A_284, %max3A_286 : vector<16xf32>
        %swap3A_288 = arith.index_cast %scan3A_159 : i32 to index
        %swap3A_289 = arith.constant 112 : index
        %swap3A_290 = tpu.vector_load %arg11[%swap3A_288, %swap3A_289] {strides = array<i32>} : memref<80x128xf32, #tpu.memory_space<vmem>>, vector<1x16xf32>,
        %swap3A_291 = vector.shape_cast %swap3A_290 : vector<1x16xf32> to vector<16xf32>
        %swap3A_292 = vector.shape_cast %max3A_287 : vector<16xf32> to vector<1x16xf32>
        tpu.vector_store %arg11[%swap3A_288, %swap3A_289], %swap3A_292 {strides = array<i32>} : memref<80x128xf32, #tpu.memory_space<vmem>>, vector<1x16xf32>,
      }
      %scan3A_141 = arith.constant 80 : i32
      %mul3A_142 = arith.constant 80 : i32
      %mul3A_143 = arith.muli %add3A_124, %mul3A_142 : i32
      %add3A_144 = arith.addi %mul3A_2, %mul3A_143 : i32
      "tpu.region"() ({
        %run_scoped3A = tpu.sem_alloc : memref<!tpu.dma_semaphore, #tpu.memory_space<semaphore_mem>>
        %dma_start3A_159 = arith.constant 0 : i32
        %dma_start3A_160 = tpu.memref_slice %arg6[%add3A_144, %dma_start3A_159] : memref<320000x128xf32, #tpu.memory_space<hbm>> -> memref<80x128xf32, #tpu.memory_space<hbm>>
        %dma_start3A_161 = arith.constant 0 : i32
        %dma_start3A_162 = tpu.memref_slice %arg6[%add3A_144, %dma_start3A_161] : memref<320000x128xf32, #tpu.memory_space<hbm>> -> memref<80x128xf32, #tpu.memory_space<hbm>>
        tpu.enqueue_dma source(%arg11 : memref<80x128xf32, #tpu.memory_space<vmem>>) target(%dma_start3A_162 : memref<80x128xf32, #tpu.memory_space<hbm>>) target_semaphore(%run_scoped3A : memref<!tpu.dma_semaphore, #tpu.memory_space<semaphore_mem>>)
        %dma_wait3A_163 = arith.constant 0 : i32
        %dma_wait3A_164 = tpu.memref_slice %arg6[%add3A_144, %dma_wait3A_163] : memref<320000x128xf32, #tpu.memory_space<hbm>> -> memref<80x128xf32, #tpu.memory_space<hbm>>
        %dma_wait3A_165 = arith.constant 0 : i32
        %dma_wait3A_166 = tpu.memref_slice %arg6[%add3A_144, %dma_wait3A_165] : memref<320000x128xf32, #tpu.memory_space<hbm>> -> memref<80x128xf32, #tpu.memory_space<hbm>>
        tpu.wait_dma2 semaphore(%run_scoped3A : memref<!tpu.dma_semaphore, #tpu.memory_space<semaphore_mem>>) src(%arg11 : memref<80x128xf32, #tpu.memory_space<vmem>>) dst(%dma_wait3A_166 : memref<80x128xf32, #tpu.memory_space<hbm>>)
        tpu.yield
      }) : () -> ()
      %add3A_145 = arith.constant 2 : i32
      %add3A_146 = arith.addi %add3A_124, %add3A_145 : i32
      %mul3A_147 = arith.constant 80 : i32
      %mul3A_148 = arith.muli %add3A_146, %mul3A_147 : i32
      %dma_start3A_149 = tpu.memref_slice %arg7[%mul3A_148] : memref<10000xi32, #tpu.memory_space<vmem>> -> memref<80xi32, #tpu.memory_space<vmem>>
      %dma_start3A_150 = arith.constant 0 : i32
      %dma_start3A_151 = arith.constant 0 : i32
      %dma_start3A_152 = tpu.memref_slice %arg2[%dma_start3A_150, %dma_start3A_151] : memref<10000x128xf32, #tpu.memory_space<hbm>> -> memref<10000x128xf32, #tpu.memory_space<hbm>>
      tpu.enqueue_indirect_dma source(%dma_start3A_152 : memref<10000x128xf32, #tpu.memory_space<hbm>>) target(%arg11 : memref<80x128xf32, #tpu.memory_space<vmem>>) offsets(%dma_start3A_149 : memref<80xi32, #tpu.memory_space<vmem>>) semaphore(%arg15 : memref<!tpu.dma_semaphore, #tpu.memory_space<semaphore_mem>>)
      %mul3A_153 = arith.constant 80 : i32
      %mul3A_154 = arith.muli %add3A_146, %mul3A_153 : i32
      %dma_start3A_155 = tpu.memref_slice %arg8[%mul3A_154] : memref<10000xi32, #tpu.memory_space<vmem>> -> memref<80xi32, #tpu.memory_space<vmem>>
      %dma_start3A_156 = arith.constant 0 : i32
      %dma_start3A_157 = arith.constant 0 : i32
      %dma_start3A_158 = tpu.memref_slice %arg3[%dma_start3A_156, %dma_start3A_157] : memref<10000x128xf32, #tpu.memory_space<hbm>> -> memref<10000x128xf32, #tpu.memory_space<hbm>>
      tpu.enqueue_indirect_dma source(%dma_start3A_158 : memref<10000x128xf32, #tpu.memory_space<hbm>>) target(%arg12 : memref<80x128xf32, #tpu.memory_space<vmem>>) offsets(%dma_start3A_155 : memref<80xi32, #tpu.memory_space<vmem>>) semaphore(%arg16 : memref<!tpu.dma_semaphore, #tpu.memory_space<semaphore_mem>>)
    }
    %scan3A_25 = arith.constant 61 : i32
    %dma_wait3A = arith.constant 9760 : i32
    %dma_wait3A_26 = tpu.memref_slice %arg7[%dma_wait3A] : memref<10000xi32, #tpu.memory_space<vmem>> -> memref<80xi32, #tpu.memory_space<vmem>>
    %dma_wait3A_27 = arith.constant 0 : i32
    %dma_wait3A_28 = arith.constant 0 : i32
    %dma_wait3A_29 = tpu.memref_slice %arg2[%dma_wait3A_27, %dma_wait3A_28] : memref<10000x128xf32, #tpu.memory_space<hbm>> -> memref<10000x128xf32, #tpu.memory_space<hbm>>
    tpu.wait_indirect_dma semaphore(%arg13 : memref<!tpu.dma_semaphore, #tpu.memory_space<semaphore_mem>>) src(%dma_wait3A_29 : memref<10000x128xf32, #tpu.memory_space<hbm>>) dst(%arg9 : memref<80x128xf32, #tpu.memory_space<vmem>>)
    %dma_wait3A_30 = arith.constant 9760 : i32
    %dma_wait3A_31 = tpu.memref_slice %arg8[%dma_wait3A_30] : memref<10000xi32, #tpu.memory_space<vmem>> -> memref<80xi32, #tpu.memory_space<vmem>>
    %dma_wait3A_32 = arith.constant 0 : i32
    %dma_wait3A_33 = arith.constant 0 : i32
    %dma_wait3A_34 = tpu.memref_slice %arg3[%dma_wait3A_32, %dma_wait3A_33] : memref<10000x128xf32, #tpu.memory_space<hbm>> -> memref<10000x128xf32, #tpu.memory_space<hbm>>
    tpu.wait_indirect_dma semaphore(%arg14 : memref<!tpu.dma_semaphore, #tpu.memory_space<semaphore_mem>>) src(%dma_wait3A_34 : memref<10000x128xf32, #tpu.memory_space<hbm>>) dst(%arg10 : memref<80x128xf32, #tpu.memory_space<vmem>>)
    %scan3A_35 = arith.constant 0 : i32
    %scan3A_36 = arith.constant 80 : i32
    %scan3A_37 = arith.addi %scan3A_35, %scan3A_36 : i32
    %scan3A_38 = arith.constant 1 : i32
    scf.for %scan3A_86 = %scan3A_35 to %scan3A_37 step %scan3A_38  : i32 {
      %get3A = arith.index_cast %scan3A_86 : i32 to index
      %get3A_87 = arith.constant 0 : index
      %get3A_88 = tpu.vector_load %arg9[%get3A, %get3A_87] {strides = array<i32>} : memref<80x128xf32, #tpu.memory_space<vmem>>, vector<1x16xf32>,
      %get3A_89 = vector.shape_cast %get3A_88 : vector<1x16xf32> to vector<16xf32>
      %get3A_90 = arith.index_cast %scan3A_86 : i32 to index
      %get3A_91 = arith.constant 0 : index
      %get3A_92 = tpu.vector_load %arg10[%get3A_90, %get3A_91] {strides = array<i32>} : memref<80x128xf32, #tpu.memory_space<vmem>>, vector<1x16xf32>,
      %get3A_93 = vector.shape_cast %get3A_92 : vector<1x16xf32> to vector<16xf32>
      %add3A_94 = arith.addf %get3A_89, %get3A_93 : vector<16xf32>
      %max3A = arith.constant 0.000000e+00 : f32
      %max3A_95 = vector.broadcast %max3A : f32 to vector<16xf32>
      %max3A_96 = arith.maximumf %add3A_94, %max3A_95 : vector<16xf32>
      %swap3A = arith.index_cast %scan3A_86 : i32 to index
      %swap3A_97 = arith.constant 0 : index
      %swap3A_98 = tpu.vector_load %arg9[%swap3A, %swap3A_97] {strides = array<i32>} : memref<80x128xf32, #tpu.memory_space<vmem>>, vector<1x16xf32>,
      %swap3A_99 = vector.shape_cast %swap3A_98 : vector<1x16xf32> to vector<16xf32>
      %swap3A_100 = vector.shape_cast %max3A_96 : vector<16xf32> to vector<1x16xf32>
      tpu.vector_store %arg9[%swap3A, %swap3A_97], %swap3A_100 {strides = array<i32>} : memref<80x128xf32, #tpu.memory_space<vmem>>, vector<1x16xf32>,
      %get3A_101 = arith.index_cast %scan3A_86 : i32 to index
      %get3A_102 = arith.constant 16 : index
      %get3A_103 = tpu.vector_load %arg9[%get3A_101, %get3A_102] {strides = array<i32>} : memref<80x128xf32, #tpu.memory_space<vmem>>, vector<1x16xf32>,
      %get3A_104 = vector.shape_cast %get3A_103 : vector<1x16xf32> to vector<16xf32>
      %get3A_105 = arith.index_cast %scan3A_86 : i32 to index
      %get3A_106 = arith.constant 16 : index
      %get3A_107 = tpu.vector_load %arg10[%get3A_105, %get3A_106] {strides = array<i32>} : memref<80x128xf32, #tpu.memory_space<vmem>>, vector<1x16xf32>,
      %get3A_108 = vector.shape_cast %get3A_107 : vector<1x16xf32> to vector<16xf32>
      %add3A_109 = arith.addf %get3A_104, %get3A_108 : vector<16xf32>
      %max3A_110 = arith.constant 0.000000e+00 : f32
      %max3A_111 = vector.broadcast %max3A_110 : f32 to vector<16xf32>
      %max3A_112 = arith.maximumf %add3A_109, %max3A_111 : vector<16xf32>
      %swap3A_113 = arith.index_cast %scan3A_86 : i32 to index
      %swap3A_114 = arith.constant 16 : index
      %swap3A_115 = tpu.vector_load %arg9[%swap3A_113, %swap3A_114] {strides = array<i32>} : memref<80x128xf32, #tpu.memory_space<vmem>>, vector<1x16xf32>,
      %swap3A_116 = vector.shape_cast %swap3A_115 : vector<1x16xf32> to vector<16xf32>
      %swap3A_117 = vector.shape_cast %max3A_112 : vector<16xf32> to vector<1x16xf32>
      tpu.vector_store %arg9[%swap3A_113, %swap3A_114], %swap3A_117 {strides = array<i32>} : memref<80x128xf32, #tpu.memory_space<vmem>>, vector<1x16xf32>,
      %get3A_118 = arith.index_cast %scan3A_86 : i32 to index
      %get3A_119 = arith.constant 32 : index
      %get3A_120 = tpu.vector_load %arg9[%get3A_118, %get3A_119] {strides = array<i32>} : memref<80x128xf32, #tpu.memory_space<vmem>>, vector<1x16xf32>,
      %get3A_121 = vector.shape_cast %get3A_120 : vector<1x16xf32> to vector<16xf32>
      %get3A_122 = arith.index_cast %scan3A_86 : i32 to index
      %get3A_123 = arith.constant 32 : index
      %get3A_124 = tpu.vector_load %arg10[%get3A_122, %get3A_123] {strides = array<i32>} : memref<80x128xf32, #tpu.memory_space<vmem>>, vector<1x16xf32>,
      %get3A_125 = vector.shape_cast %get3A_124 : vector<1x16xf32> to vector<16xf32>
      %add3A_126 = arith.addf %get3A_121, %get3A_125 : vector<16xf32>
      %max3A_127 = arith.constant 0.000000e+00 : f32
      %max3A_128 = vector.broadcast %max3A_127 : f32 to vector<16xf32>
      %max3A_129 = arith.maximumf %add3A_126, %max3A_128 : vector<16xf32>
      %swap3A_130 = arith.index_cast %scan3A_86 : i32 to index
      %swap3A_131 = arith.constant 32 : index
      %swap3A_132 = tpu.vector_load %arg9[%swap3A_130, %swap3A_131] {strides = array<i32>} : memref<80x128xf32, #tpu.memory_space<vmem>>, vector<1x16xf32>,
      %swap3A_133 = vector.shape_cast %swap3A_132 : vector<1x16xf32> to vector<16xf32>
      %swap3A_134 = vector.shape_cast %max3A_129 : vector<16xf32> to vector<1x16xf32>
      tpu.vector_store %arg9[%swap3A_130, %swap3A_131], %swap3A_134 {strides = array<i32>} : memref<80x128xf32, #tpu.memory_space<vmem>>, vector<1x16xf32>,
      %get3A_135 = arith.index_cast %scan3A_86 : i32 to index
      %get3A_136 = arith.constant 48 : index
      %get3A_137 = tpu.vector_load %arg9[%get3A_135, %get3A_136] {strides = array<i32>} : memref<80x128xf32, #tpu.memory_space<vmem>>, vector<1x16xf32>,
      %get3A_138 = vector.shape_cast %get3A_137 : vector<1x16xf32> to vector<16xf32>
      %get3A_139 = arith.index_cast %scan3A_86 : i32 to index
      %get3A_140 = arith.constant 48 : index
      %get3A_141 = tpu.vector_load %arg10[%get3A_139, %get3A_140] {strides = array<i32>} : memref<80x128xf32, #tpu.memory_space<vmem>>, vector<1x16xf32>,
      %get3A_142 = vector.shape_cast %get3A_141 : vector<1x16xf32> to vector<16xf32>
      %add3A_143 = arith.addf %get3A_138, %get3A_142 : vector<16xf32>
      %max3A_144 = arith.constant 0.000000e+00 : f32
      %max3A_145 = vector.broadcast %max3A_144 : f32 to vector<16xf32>
      %max3A_146 = arith.maximumf %add3A_143, %max3A_145 : vector<16xf32>
      %swap3A_147 = arith.index_cast %scan3A_86 : i32 to index
      %swap3A_148 = arith.constant 48 : index
      %swap3A_149 = tpu.vector_load %arg9[%swap3A_147, %swap3A_148] {strides = array<i32>} : memref<80x128xf32, #tpu.memory_space<vmem>>, vector<1x16xf32>,
      %swap3A_150 = vector.shape_cast %swap3A_149 : vector<1x16xf32> to vector<16xf32>
      %swap3A_151 = vector.shape_cast %max3A_146 : vector<16xf32> to vector<1x16xf32>
      tpu.vector_store %arg9[%swap3A_147, %swap3A_148], %swap3A_151 {strides = array<i32>} : memref<80x128xf32, #tpu.memory_space<vmem>>, vector<1x16xf32>,
      %get3A_152 = arith.index_cast %scan3A_86 : i32 to index
      %get3A_153 = arith.constant 64 : index
      %get3A_154 = tpu.vector_load %arg9[%get3A_152, %get3A_153] {strides = array<i32>} : memref<80x128xf32, #tpu.memory_space<vmem>>, vector<1x16xf32>,
      %get3A_155 = vector.shape_cast %get3A_154 : vector<1x16xf32> to vector<16xf32>
      %get3A_156 = arith.index_cast %scan3A_86 : i32 to index
      %get3A_157 = arith.constant 64 : index
      %get3A_158 = tpu.vector_load %arg10[%get3A_156, %get3A_157] {strides = array<i32>} : memref<80x128xf32, #tpu.memory_space<vmem>>, vector<1x16xf32>,
      %get3A_159 = vector.shape_cast %get3A_158 : vector<1x16xf32> to vector<16xf32>
      %add3A_160 = arith.addf %get3A_155, %get3A_159 : vector<16xf32>
      %max3A_161 = arith.constant 0.000000e+00 : f32
      %max3A_162 = vector.broadcast %max3A_161 : f32 to vector<16xf32>
      %max3A_163 = arith.maximumf %add3A_160, %max3A_162 : vector<16xf32>
      %swap3A_164 = arith.index_cast %scan3A_86 : i32 to index
      %swap3A_165 = arith.constant 64 : index
      %swap3A_166 = tpu.vector_load %arg9[%swap3A_164, %swap3A_165] {strides = array<i32>} : memref<80x128xf32, #tpu.memory_space<vmem>>, vector<1x16xf32>,
      %swap3A_167 = vector.shape_cast %swap3A_166 : vector<1x16xf32> to vector<16xf32>
      %swap3A_168 = vector.shape_cast %max3A_163 : vector<16xf32> to vector<1x16xf32>
      tpu.vector_store %arg9[%swap3A_164, %swap3A_165], %swap3A_168 {strides = array<i32>} : memref<80x128xf32, #tpu.memory_space<vmem>>, vector<1x16xf32>,
      %get3A_169 = arith.index_cast %scan3A_86 : i32 to index
      %get3A_170 = arith.constant 80 : index
      %get3A_171 = tpu.vector_load %arg9[%get3A_169, %get3A_170] {strides = array<i32>} : memref<80x128xf32, #tpu.memory_space<vmem>>, vector<1x16xf32>,
      %get3A_172 = vector.shape_cast %get3A_171 : vector<1x16xf32> to vector<16xf32>
      %get3A_173 = arith.index_cast %scan3A_86 : i32 to index
      %get3A_174 = arith.constant 80 : index
      %get3A_175 = tpu.vector_load %arg10[%get3A_173, %get3A_174] {strides = array<i32>} : memref<80x128xf32, #tpu.memory_space<vmem>>, vector<1x16xf32>,
      %get3A_176 = vector.shape_cast %get3A_175 : vector<1x16xf32> to vector<16xf32>
      %add3A_177 = arith.addf %get3A_172, %get3A_176 : vector<16xf32>
      %max3A_178 = arith.constant 0.000000e+00 : f32
      %max3A_179 = vector.broadcast %max3A_178 : f32 to vector<16xf32>
      %max3A_180 = arith.maximumf %add3A_177, %max3A_179 : vector<16xf32>
      %swap3A_181 = arith.index_cast %scan3A_86 : i32 to index
      %swap3A_182 = arith.constant 80 : index
      %swap3A_183 = tpu.vector_load %arg9[%swap3A_181, %swap3A_182] {strides = array<i32>} : memref<80x128xf32, #tpu.memory_space<vmem>>, vector<1x16xf32>,
      %swap3A_184 = vector.shape_cast %swap3A_183 : vector<1x16xf32> to vector<16xf32>
      %swap3A_185 = vector.shape_cast %max3A_180 : vector<16xf32> to vector<1x16xf32>
      tpu.vector_store %arg9[%swap3A_181, %swap3A_182], %swap3A_185 {strides = array<i32>} : memref<80x128xf32, #tpu.memory_space<vmem>>, vector<1x16xf32>,
      %get3A_186 = arith.index_cast %scan3A_86 : i32 to index
      %get3A_187 = arith.constant 96 : index
      %get3A_188 = tpu.vector_load %arg9[%get3A_186, %get3A_187] {strides = array<i32>} : memref<80x128xf32, #tpu.memory_space<vmem>>, vector<1x16xf32>,
      %get3A_189 = vector.shape_cast %get3A_188 : vector<1x16xf32> to vector<16xf32>
      %get3A_190 = arith.index_cast %scan3A_86 : i32 to index
      %get3A_191 = arith.constant 96 : index
      %get3A_192 = tpu.vector_load %arg10[%get3A_190, %get3A_191] {strides = array<i32>} : memref<80x128xf32, #tpu.memory_space<vmem>>, vector<1x16xf32>,
      %get3A_193 = vector.shape_cast %get3A_192 : vector<1x16xf32> to vector<16xf32>
      %add3A_194 = arith.addf %get3A_189, %get3A_193 : vector<16xf32>
      %max3A_195 = arith.constant 0.000000e+00 : f32
      %max3A_196 = vector.broadcast %max3A_195 : f32 to vector<16xf32>
      %max3A_197 = arith.maximumf %add3A_194, %max3A_196 : vector<16xf32>
      %swap3A_198 = arith.index_cast %scan3A_86 : i32 to index
      %swap3A_199 = arith.constant 96 : index
      %swap3A_200 = tpu.vector_load %arg9[%swap3A_198, %swap3A_199] {strides = array<i32>} : memref<80x128xf32, #tpu.memory_space<vmem>>, vector<1x16xf32>,
      %swap3A_201 = vector.shape_cast %swap3A_200 : vector<1x16xf32> to vector<16xf32>
      %swap3A_202 = vector.shape_cast %max3A_197 : vector<16xf32> to vector<1x16xf32>
      tpu.vector_store %arg9[%swap3A_198, %swap3A_199], %swap3A_202 {strides = array<i32>} : memref<80x128xf32, #tpu.memory_space<vmem>>, vector<1x16xf32>,
      %get3A_203 = arith.index_cast %scan3A_86 : i32 to index
      %get3A_204 = arith.constant 112 : index
      %get3A_205 = tpu.vector_load %arg9[%get3A_203, %get3A_204] {strides = array<i32>} : memref<80x128xf32, #tpu.memory_space<vmem>>, vector<1x16xf32>,
      %get3A_206 = vector.shape_cast %get3A_205 : vector<1x16xf32> to vector<16xf32>
      %get3A_207 = arith.index_cast %scan3A_86 : i32 to index
      %get3A_208 = arith.constant 112 : index
      %get3A_209 = tpu.vector_load %arg10[%get3A_207, %get3A_208] {strides = array<i32>} : memref<80x128xf32, #tpu.memory_space<vmem>>, vector<1x16xf32>,
      %get3A_210 = vector.shape_cast %get3A_209 : vector<1x16xf32> to vector<16xf32>
      %add3A_211 = arith.addf %get3A_206, %get3A_210 : vector<16xf32>
      %max3A_212 = arith.constant 0.000000e+00 : f32
      %max3A_213 = vector.broadcast %max3A_212 : f32 to vector<16xf32>
      %max3A_214 = arith.maximumf %add3A_211, %max3A_213 : vector<16xf32>
      %swap3A_215 = arith.index_cast %scan3A_86 : i32 to index
      %swap3A_216 = arith.constant 112 : index
      %swap3A_217 = tpu.vector_load %arg9[%swap3A_215, %swap3A_216] {strides = array<i32>} : memref<80x128xf32, #tpu.memory_space<vmem>>, vector<1x16xf32>,
      %swap3A_218 = vector.shape_cast %swap3A_217 : vector<1x16xf32> to vector<16xf32>
      %swap3A_219 = vector.shape_cast %max3A_214 : vector<16xf32> to vector<1x16xf32>
      tpu.vector_store %arg9[%swap3A_215, %swap3A_216], %swap3A_219 {strides = array<i32>} : memref<80x128xf32, #tpu.memory_space<vmem>>, vector<1x16xf32>,
    }
    %scan3A_39 = arith.constant 80 : i32
    %add3A_40 = arith.constant 9760 : i32
    %add3A_41 = arith.addi %mul3A_2, %add3A_40 : i32
    "tpu.region"() ({
      %run_scoped3A = tpu.sem_alloc : memref<!tpu.dma_semaphore, #tpu.memory_space<semaphore_mem>>
      %dma_start3A_86 = arith.constant 0 : i32
      %dma_start3A_87 = tpu.memref_slice %arg6[%add3A_41, %dma_start3A_86] : memref<320000x128xf32, #tpu.memory_space<hbm>> -> memref<80x128xf32, #tpu.memory_space<hbm>>
      %dma_start3A_88 = arith.constant 0 : i32
      %dma_start3A_89 = tpu.memref_slice %arg6[%add3A_41, %dma_start3A_88] : memref<320000x128xf32, #tpu.memory_space<hbm>> -> memref<80x128xf32, #tpu.memory_space<hbm>>
      tpu.enqueue_dma source(%arg9 : memref<80x128xf32, #tpu.memory_space<vmem>>) target(%dma_start3A_89 : memref<80x128xf32, #tpu.memory_space<hbm>>) target_semaphore(%run_scoped3A : memref<!tpu.dma_semaphore, #tpu.memory_space<semaphore_mem>>)
      %dma_wait3A_90 = arith.constant 0 : i32
      %dma_wait3A_91 = tpu.memref_slice %arg6[%add3A_41, %dma_wait3A_90] : memref<320000x128xf32, #tpu.memory_space<hbm>> -> memref<80x128xf32, #tpu.memory_space<hbm>>
      %dma_wait3A_92 = arith.constant 0 : i32
      %dma_wait3A_93 = tpu.memref_slice %arg6[%add3A_41, %dma_wait3A_92] : memref<320000x128xf32, #tpu.memory_space<hbm>> -> memref<80x128xf32, #tpu.memory_space<hbm>>
      tpu.wait_dma2 semaphore(%run_scoped3A : memref<!tpu.dma_semaphore, #tpu.memory_space<semaphore_mem>>) src(%arg9 : memref<80x128xf32, #tpu.memory_space<vmem>>) dst(%dma_wait3A_93 : memref<80x128xf32, #tpu.memory_space<hbm>>)
      tpu.yield
    }) : () -> ()
    %dma_start3A_42 = arith.constant 9920 : i32
    %dma_start3A_43 = tpu.memref_slice %arg7[%dma_start3A_42] : memref<10000xi32, #tpu.memory_space<vmem>> -> memref<80xi32, #tpu.memory_space<vmem>>
    %dma_start3A_44 = arith.constant 0 : i32
    %dma_start3A_45 = arith.constant 0 : i32
    %dma_start3A_46 = tpu.memref_slice %arg2[%dma_start3A_44, %dma_start3A_45] : memref<10000x128xf32, #tpu.memory_space<hbm>> -> memref<10000x128xf32, #tpu.memory_space<hbm>>
    tpu.enqueue_indirect_dma source(%dma_start3A_46 : memref<10000x128xf32, #tpu.memory_space<hbm>>) target(%arg9 : memref<80x128xf32, #tpu.memory_space<vmem>>) offsets(%dma_start3A_43 : memref<80xi32, #tpu.memory_space<vmem>>) semaphore(%arg13 : memref<!tpu.dma_semaphore, #tpu.memory_space<semaphore_mem>>)
    %dma_start3A_47 = arith.constant 9920 : i32
    %dma_start3A_48 = tpu.memref_slice %arg8[%dma_start3A_47] : memref<10000xi32, #tpu.memory_space<vmem>> -> memref<80xi32, #tpu.memory_space<vmem>>
    %dma_start3A_49 = arith.constant 0 : i32
    %dma_start3A_50 = arith.constant 0 : i32
    %dma_start3A_51 = tpu.memref_slice %arg3[%dma_start3A_49, %dma_start3A_50] : memref<10000x128xf32, #tpu.memory_space<hbm>> -> memref<10000x128xf32, #tpu.memory_space<hbm>>
    tpu.enqueue_indirect_dma source(%dma_start3A_51 : memref<10000x128xf32, #tpu.memory_space<hbm>>) target(%arg10 : memref<80x128xf32, #tpu.memory_space<vmem>>) offsets(%dma_start3A_48 : memref<80xi32, #tpu.memory_space<vmem>>) semaphore(%arg14 : memref<!tpu.dma_semaphore, #tpu.memory_space<semaphore_mem>>)
    %dma_wait3A_52 = arith.constant 9840 : i32
    %dma_wait3A_53 = tpu.memref_slice %arg7[%dma_wait3A_52] : memref<10000xi32, #tpu.memory_space<vmem>> -> memref<80xi32, #tpu.memory_space<vmem>>
    %dma_wait3A_54 = arith.constant 0 : i32
    %dma_wait3A_55 = arith.constant 0 : i32
    %dma_wait3A_56 = tpu.memref_slice %arg2[%dma_wait3A_54, %dma_wait3A_55] : memref<10000x128xf32, #tpu.memory_space<hbm>> -> memref<10000x128xf32, #tpu.memory_space<hbm>>
    tpu.wait_indirect_dma semaphore(%arg15 : memref<!tpu.dma_semaphore, #tpu.memory_space<semaphore_mem>>) src(%dma_wait3A_56 : memref<10000x128xf32, #tpu.memory_space<hbm>>) dst(%arg11 : memref<80x128xf32, #tpu.memory_space<vmem>>)
    %dma_wait3A_57 = arith.constant 9840 : i32
    %dma_wait3A_58 = tpu.memref_slice %arg8[%dma_wait3A_57] : memref<10000xi32, #tpu.memory_space<vmem>> -> memref<80xi32, #tpu.memory_space<vmem>>
    %dma_wait3A_59 = arith.constant 0 : i32
    %dma_wait3A_60 = arith.constant 0 : i32
    %dma_wait3A_61 = tpu.memref_slice %arg3[%dma_wait3A_59, %dma_wait3A_60] : memref<10000x128xf32, #tpu.memory_space<hbm>> -> memref<10000x128xf32, #tpu.memory_space<hbm>>
    tpu.wait_indirect_dma semaphore(%arg16 : memref<!tpu.dma_semaphore, #tpu.memory_space<semaphore_mem>>) src(%dma_wait3A_61 : memref<10000x128xf32, #tpu.memory_space<hbm>>) dst(%arg12 : memref<80x128xf32, #tpu.memory_space<vmem>>)
    %scan3A_62 = arith.constant 0 : i32
    %scan3A_63 = arith.constant 80 : i32
    %scan3A_64 = arith.addi %scan3A_62, %scan3A_63 : i32
    %scan3A_65 = arith.constant 1 : i32
    scf.for %scan3A_86 = %scan3A_62 to %scan3A_64 step %scan3A_65  : i32 {
      %get3A = arith.index_cast %scan3A_86 : i32 to index
      %get3A_87 = arith.constant 0 : index
      %get3A_88 = tpu.vector_load %arg11[%get3A, %get3A_87] {strides = array<i32>} : memref<80x128xf32, #tpu.memory_space<vmem>>, vector<1x16xf32>,
      %get3A_89 = vector.shape_cast %get3A_88 : vector<1x16xf32> to vector<16xf32>
      %get3A_90 = arith.index_cast %scan3A_86 : i32 to index
      %get3A_91 = arith.constant 0 : index
      %get3A_92 = tpu.vector_load %arg12[%get3A_90, %get3A_91] {strides = array<i32>} : memref<80x128xf32, #tpu.memory_space<vmem>>, vector<1x16xf32>,
      %get3A_93 = vector.shape_cast %get3A_92 : vector<1x16xf32> to vector<16xf32>
      %add3A_94 = arith.addf %get3A_89, %get3A_93 : vector<16xf32>
      %max3A = arith.constant 0.000000e+00 : f32
      %max3A_95 = vector.broadcast %max3A : f32 to vector<16xf32>
      %max3A_96 = arith.maximumf %add3A_94, %max3A_95 : vector<16xf32>
      %swap3A = arith.index_cast %scan3A_86 : i32 to index
      %swap3A_97 = arith.constant 0 : index
      %swap3A_98 = tpu.vector_load %arg11[%swap3A, %swap3A_97] {strides = array<i32>} : memref<80x128xf32, #tpu.memory_space<vmem>>, vector<1x16xf32>,
      %swap3A_99 = vector.shape_cast %swap3A_98 : vector<1x16xf32> to vector<16xf32>
      %swap3A_100 = vector.shape_cast %max3A_96 : vector<16xf32> to vector<1x16xf32>
      tpu.vector_store %arg11[%swap3A, %swap3A_97], %swap3A_100 {strides = array<i32>} : memref<80x128xf32, #tpu.memory_space<vmem>>, vector<1x16xf32>,
      %get3A_101 = arith.index_cast %scan3A_86 : i32 to index
      %get3A_102 = arith.constant 16 : index
      %get3A_103 = tpu.vector_load %arg11[%get3A_101, %get3A_102] {strides = array<i32>} : memref<80x128xf32, #tpu.memory_space<vmem>>, vector<1x16xf32>,
      %get3A_104 = vector.shape_cast %get3A_103 : vector<1x16xf32> to vector<16xf32>
      %get3A_105 = arith.index_cast %scan3A_86 : i32 to index
      %get3A_106 = arith.constant 16 : index
      %get3A_107 = tpu.vector_load %arg12[%get3A_105, %get3A_106] {strides = array<i32>} : memref<80x128xf32, #tpu.memory_space<vmem>>, vector<1x16xf32>,
      %get3A_108 = vector.shape_cast %get3A_107 : vector<1x16xf32> to vector<16xf32>
      %add3A_109 = arith.addf %get3A_104, %get3A_108 : vector<16xf32>
      %max3A_110 = arith.constant 0.000000e+00 : f32
      %max3A_111 = vector.broadcast %max3A_110 : f32 to vector<16xf32>
      %max3A_112 = arith.maximumf %add3A_109, %max3A_111 : vector<16xf32>
      %swap3A_113 = arith.index_cast %scan3A_86 : i32 to index
      %swap3A_114 = arith.constant 16 : index
      %swap3A_115 = tpu.vector_load %arg11[%swap3A_113, %swap3A_114] {strides = array<i32>} : memref<80x128xf32, #tpu.memory_space<vmem>>, vector<1x16xf32>,
      %swap3A_116 = vector.shape_cast %swap3A_115 : vector<1x16xf32> to vector<16xf32>
      %swap3A_117 = vector.shape_cast %max3A_112 : vector<16xf32> to vector<1x16xf32>
      tpu.vector_store %arg11[%swap3A_113, %swap3A_114], %swap3A_117 {strides = array<i32>} : memref<80x128xf32, #tpu.memory_space<vmem>>, vector<1x16xf32>,
      %get3A_118 = arith.index_cast %scan3A_86 : i32 to index
      %get3A_119 = arith.constant 32 : index
      %get3A_120 = tpu.vector_load %arg11[%get3A_118, %get3A_119] {strides = array<i32>} : memref<80x128xf32, #tpu.memory_space<vmem>>, vector<1x16xf32>,
      %get3A_121 = vector.shape_cast %get3A_120 : vector<1x16xf32> to vector<16xf32>
      %get3A_122 = arith.index_cast %scan3A_86 : i32 to index
      %get3A_123 = arith.constant 32 : index
      %get3A_124 = tpu.vector_load %arg12[%get3A_122, %get3A_123] {strides = array<i32>} : memref<80x128xf32, #tpu.memory_space<vmem>>, vector<1x16xf32>,
      %get3A_125 = vector.shape_cast %get3A_124 : vector<1x16xf32> to vector<16xf32>
      %add3A_126 = arith.addf %get3A_121, %get3A_125 : vector<16xf32>
      %max3A_127 = arith.constant 0.000000e+00 : f32
      %max3A_128 = vector.broadcast %max3A_127 : f32 to vector<16xf32>
      %max3A_129 = arith.maximumf %add3A_126, %max3A_128 : vector<16xf32>
      %swap3A_130 = arith.index_cast %scan3A_86 : i32 to index
      %swap3A_131 = arith.constant 32 : index
      %swap3A_132 = tpu.vector_load %arg11[%swap3A_130, %swap3A_131] {strides = array<i32>} : memref<80x128xf32, #tpu.memory_space<vmem>>, vector<1x16xf32>,
      %swap3A_133 = vector.shape_cast %swap3A_132 : vector<1x16xf32> to vector<16xf32>
      %swap3A_134 = vector.shape_cast %max3A_129 : vector<16xf32> to vector<1x16xf32>
      tpu.vector_store %arg11[%swap3A_130, %swap3A_131], %swap3A_134 {strides = array<i32>} : memref<80x128xf32, #tpu.memory_space<vmem>>, vector<1x16xf32>,
      %get3A_135 = arith.index_cast %scan3A_86 : i32 to index
      %get3A_136 = arith.constant 48 : index
      %get3A_137 = tpu.vector_load %arg11[%get3A_135, %get3A_136] {strides = array<i32>} : memref<80x128xf32, #tpu.memory_space<vmem>>, vector<1x16xf32>,
      %get3A_138 = vector.shape_cast %get3A_137 : vector<1x16xf32> to vector<16xf32>
      %get3A_139 = arith.index_cast %scan3A_86 : i32 to index
      %get3A_140 = arith.constant 48 : index
      %get3A_141 = tpu.vector_load %arg12[%get3A_139, %get3A_140] {strides = array<i32>} : memref<80x128xf32, #tpu.memory_space<vmem>>, vector<1x16xf32>,
      %get3A_142 = vector.shape_cast %get3A_141 : vector<1x16xf32> to vector<16xf32>
      %add3A_143 = arith.addf %get3A_138, %get3A_142 : vector<16xf32>
      %max3A_144 = arith.constant 0.000000e+00 : f32
      %max3A_145 = vector.broadcast %max3A_144 : f32 to vector<16xf32>
      %max3A_146 = arith.maximumf %add3A_143, %max3A_145 : vector<16xf32>
      %swap3A_147 = arith.index_cast %scan3A_86 : i32 to index
      %swap3A_148 = arith.constant 48 : index
      %swap3A_149 = tpu.vector_load %arg11[%swap3A_147, %swap3A_148] {strides = array<i32>} : memref<80x128xf32, #tpu.memory_space<vmem>>, vector<1x16xf32>,
      %swap3A_150 = vector.shape_cast %swap3A_149 : vector<1x16xf32> to vector<16xf32>
      %swap3A_151 = vector.shape_cast %max3A_146 : vector<16xf32> to vector<1x16xf32>
      tpu.vector_store %arg11[%swap3A_147, %swap3A_148], %swap3A_151 {strides = array<i32>} : memref<80x128xf32, #tpu.memory_space<vmem>>, vector<1x16xf32>,
      %get3A_152 = arith.index_cast %scan3A_86 : i32 to index
      %get3A_153 = arith.constant 64 : index
      %get3A_154 = tpu.vector_load %arg11[%get3A_152, %get3A_153] {strides = array<i32>} : memref<80x128xf32, #tpu.memory_space<vmem>>, vector<1x16xf32>,
      %get3A_155 = vector.shape_cast %get3A_154 : vector<1x16xf32> to vector<16xf32>
      %get3A_156 = arith.index_cast %scan3A_86 : i32 to index
      %get3A_157 = arith.constant 64 : index
      %get3A_158 = tpu.vector_load %arg12[%get3A_156, %get3A_157] {strides = array<i32>} : memref<80x128xf32, #tpu.memory_space<vmem>>, vector<1x16xf32>,
      %get3A_159 = vector.shape_cast %get3A_158 : vector<1x16xf32> to vector<16xf32>
      %add3A_160 = arith.addf %get3A_155, %get3A_159 : vector<16xf32>
      %max3A_161 = arith.constant 0.000000e+00 : f32
      %max3A_162 = vector.broadcast %max3A_161 : f32 to vector<16xf32>
      %max3A_163 = arith.maximumf %add3A_160, %max3A_162 : vector<16xf32>
      %swap3A_164 = arith.index_cast %scan3A_86 : i32 to index
      %swap3A_165 = arith.constant 64 : index
      %swap3A_166 = tpu.vector_load %arg11[%swap3A_164, %swap3A_165] {strides = array<i32>} : memref<80x128xf32, #tpu.memory_space<vmem>>, vector<1x16xf32>,
      %swap3A_167 = vector.shape_cast %swap3A_166 : vector<1x16xf32> to vector<16xf32>
      %swap3A_168 = vector.shape_cast %max3A_163 : vector<16xf32> to vector<1x16xf32>
      tpu.vector_store %arg11[%swap3A_164, %swap3A_165], %swap3A_168 {strides = array<i32>} : memref<80x128xf32, #tpu.memory_space<vmem>>, vector<1x16xf32>,
      %get3A_169 = arith.index_cast %scan3A_86 : i32 to index
      %get3A_170 = arith.constant 80 : index
      %get3A_171 = tpu.vector_load %arg11[%get3A_169, %get3A_170] {strides = array<i32>} : memref<80x128xf32, #tpu.memory_space<vmem>>, vector<1x16xf32>,
      %get3A_172 = vector.shape_cast %get3A_171 : vector<1x16xf32> to vector<16xf32>
      %get3A_173 = arith.index_cast %scan3A_86 : i32 to index
      %get3A_174 = arith.constant 80 : index
      %get3A_175 = tpu.vector_load %arg12[%get3A_173, %get3A_174] {strides = array<i32>} : memref<80x128xf32, #tpu.memory_space<vmem>>, vector<1x16xf32>,
      %get3A_176 = vector.shape_cast %get3A_175 : vector<1x16xf32> to vector<16xf32>
      %add3A_177 = arith.addf %get3A_172, %get3A_176 : vector<16xf32>
      %max3A_178 = arith.constant 0.000000e+00 : f32
      %max3A_179 = vector.broadcast %max3A_178 : f32 to vector<16xf32>
      %max3A_180 = arith.maximumf %add3A_177, %max3A_179 : vector<16xf32>
      %swap3A_181 = arith.index_cast %scan3A_86 : i32 to index
      %swap3A_182 = arith.constant 80 : index
      %swap3A_183 = tpu.vector_load %arg11[%swap3A_181, %swap3A_182] {strides = array<i32>} : memref<80x128xf32, #tpu.memory_space<vmem>>, vector<1x16xf32>,
      %swap3A_184 = vector.shape_cast %swap3A_183 : vector<1x16xf32> to vector<16xf32>
      %swap3A_185 = vector.shape_cast %max3A_180 : vector<16xf32> to vector<1x16xf32>
      tpu.vector_store %arg11[%swap3A_181, %swap3A_182], %swap3A_185 {strides = array<i32>} : memref<80x128xf32, #tpu.memory_space<vmem>>, vector<1x16xf32>,
      %get3A_186 = arith.index_cast %scan3A_86 : i32 to index
      %get3A_187 = arith.constant 96 : index
      %get3A_188 = tpu.vector_load %arg11[%get3A_186, %get3A_187] {strides = array<i32>} : memref<80x128xf32, #tpu.memory_space<vmem>>, vector<1x16xf32>,
      %get3A_189 = vector.shape_cast %get3A_188 : vector<1x16xf32> to vector<16xf32>
      %get3A_190 = arith.index_cast %scan3A_86 : i32 to index
      %get3A_191 = arith.constant 96 : index
      %get3A_192 = tpu.vector_load %arg12[%get3A_190, %get3A_191] {strides = array<i32>} : memref<80x128xf32, #tpu.memory_space<vmem>>, vector<1x16xf32>,
      %get3A_193 = vector.shape_cast %get3A_192 : vector<1x16xf32> to vector<16xf32>
      %add3A_194 = arith.addf %get3A_189, %get3A_193 : vector<16xf32>
      %max3A_195 = arith.constant 0.000000e+00 : f32
      %max3A_196 = vector.broadcast %max3A_195 : f32 to vector<16xf32>
      %max3A_197 = arith.maximumf %add3A_194, %max3A_196 : vector<16xf32>
      %swap3A_198 = arith.index_cast %scan3A_86 : i32 to index
      %swap3A_199 = arith.constant 96 : index
      %swap3A_200 = tpu.vector_load %arg11[%swap3A_198, %swap3A_199] {strides = array<i32>} : memref<80x128xf32, #tpu.memory_space<vmem>>, vector<1x16xf32>,
      %swap3A_201 = vector.shape_cast %swap3A_200 : vector<1x16xf32> to vector<16xf32>
      %swap3A_202 = vector.shape_cast %max3A_197 : vector<16xf32> to vector<1x16xf32>
      tpu.vector_store %arg11[%swap3A_198, %swap3A_199], %swap3A_202 {strides = array<i32>} : memref<80x128xf32, #tpu.memory_space<vmem>>, vector<1x16xf32>,
      %get3A_203 = arith.index_cast %scan3A_86 : i32 to index
      %get3A_204 = arith.constant 112 : index
      %get3A_205 = tpu.vector_load %arg11[%get3A_203, %get3A_204] {strides = array<i32>} : memref<80x128xf32, #tpu.memory_space<vmem>>, vector<1x16xf32>,
      %get3A_206 = vector.shape_cast %get3A_205 : vector<1x16xf32> to vector<16xf32>
      %get3A_207 = arith.index_cast %scan3A_86 : i32 to index
      %get3A_208 = arith.constant 112 : index
      %get3A_209 = tpu.vector_load %arg12[%get3A_207, %get3A_208] {strides = array<i32>} : memref<80x128xf32, #tpu.memory_space<vmem>>, vector<1x16xf32>,
      %get3A_210 = vector.shape_cast %get3A_209 : vector<1x16xf32> to vector<16xf32>
      %add3A_211 = arith.addf %get3A_206, %get3A_210 : vector<16xf32>
      %max3A_212 = arith.constant 0.000000e+00 : f32
      %max3A_213 = vector.broadcast %max3A_212 : f32 to vector<16xf32>
      %max3A_214 = arith.maximumf %add3A_211, %max3A_213 : vector<16xf32>
      %swap3A_215 = arith.index_cast %scan3A_86 : i32 to index
      %swap3A_216 = arith.constant 112 : index
      %swap3A_217 = tpu.vector_load %arg11[%swap3A_215, %swap3A_216] {strides = array<i32>} : memref<80x128xf32, #tpu.memory_space<vmem>>, vector<1x16xf32>,
      %swap3A_218 = vector.shape_cast %swap3A_217 : vector<1x16xf32> to vector<16xf32>
      %swap3A_219 = vector.shape_cast %max3A_214 : vector<16xf32> to vector<1x16xf32>
      tpu.vector_store %arg11[%swap3A_215, %swap3A_216], %swap3A_219 {strides = array<i32>} : memref<80x128xf32, #tpu.memory_space<vmem>>, vector<1x16xf32>,
    }
    %scan3A_66 = arith.constant 80 : i32
    %add3A_67 = arith.constant 9840 : i32
    %add3A_68 = arith.addi %mul3A_2, %add3A_67 : i32
    "tpu.region"() ({
      %run_scoped3A = tpu.sem_alloc : memref<!tpu.dma_semaphore, #tpu.memory_space<semaphore_mem>>
      %dma_start3A_86 = arith.constant 0 : i32
      %dma_start3A_87 = tpu.memref_slice %arg6[%add3A_68, %dma_start3A_86] : memref<320000x128xf32, #tpu.memory_space<hbm>> -> memref<80x128xf32, #tpu.memory_space<hbm>>
      %dma_start3A_88 = arith.constant 0 : i32
      %dma_start3A_89 = tpu.memref_slice %arg6[%add3A_68, %dma_start3A_88] : memref<320000x128xf32, #tpu.memory_space<hbm>> -> memref<80x128xf32, #tpu.memory_space<hbm>>
      tpu.enqueue_dma source(%arg11 : memref<80x128xf32, #tpu.memory_space<vmem>>) target(%dma_start3A_89 : memref<80x128xf32, #tpu.memory_space<hbm>>) target_semaphore(%run_scoped3A : memref<!tpu.dma_semaphore, #tpu.memory_space<semaphore_mem>>)
      %dma_wait3A_90 = arith.constant 0 : i32
      %dma_wait3A_91 = tpu.memref_slice %arg6[%add3A_68, %dma_wait3A_90] : memref<320000x128xf32, #tpu.memory_space<hbm>> -> memref<80x128xf32, #tpu.memory_space<hbm>>
      %dma_wait3A_92 = arith.constant 0 : i32
      %dma_wait3A_93 = tpu.memref_slice %arg6[%add3A_68, %dma_wait3A_92] : memref<320000x128xf32, #tpu.memory_space<hbm>> -> memref<80x128xf32, #tpu.memory_space<hbm>>
      tpu.wait_dma2 semaphore(%run_scoped3A : memref<!tpu.dma_semaphore, #tpu.memory_space<semaphore_mem>>) src(%arg11 : memref<80x128xf32, #tpu.memory_space<vmem>>) dst(%dma_wait3A_93 : memref<80x128xf32, #tpu.memory_space<hbm>>)
      tpu.yield
    }) : () -> ()
    %dma_wait3A_69 = arith.constant 9920 : i32
    %dma_wait3A_70 = tpu.memref_slice %arg7[%dma_wait3A_69] : memref<10000xi32, #tpu.memory_space<vmem>> -> memref<80xi32, #tpu.memory_space<vmem>>
    %dma_wait3A_71 = arith.constant 0 : i32
    %dma_wait3A_72 = arith.constant 0 : i32
    %dma_wait3A_73 = tpu.memref_slice %arg2[%dma_wait3A_71, %dma_wait3A_72] : memref<10000x128xf32, #tpu.memory_space<hbm>> -> memref<10000x128xf32, #tpu.memory_space<hbm>>
    tpu.wait_indirect_dma semaphore(%arg13 : memref<!tpu.dma_semaphore, #tpu.memory_space<semaphore_mem>>) src(%dma_wait3A_73 : memref<10000x128xf32, #tpu.memory_space<hbm>>) dst(%arg9 : memref<80x128xf32, #tpu.memory_space<vmem>>)
    %dma_wait3A_74 = arith.constant 9920 : i32
    %dma_wait3A_75 = tpu.memref_slice %arg8[%dma_wait3A_74] : memref<10000xi32, #tpu.memory_space<vmem>> -> memref<80xi32, #tpu.memory_space<vmem>>
    %dma_wait3A_76 = arith.constant 0 : i32
    %dma_wait3A_77 = arith.constant 0 : i32
    %dma_wait3A_78 = tpu.memref_slice %arg3[%dma_wait3A_76, %dma_wait3A_77] : memref<10000x128xf32, #tpu.memory_space<hbm>> -> memref<10000x128xf32, #tpu.memory_space<hbm>>
    tpu.wait_indirect_dma semaphore(%arg14 : memref<!tpu.dma_semaphore, #tpu.memory_space<semaphore_mem>>) src(%dma_wait3A_78 : memref<10000x128xf32, #tpu.memory_space<hbm>>) dst(%arg10 : memref<80x128xf32, #tpu.memory_space<vmem>>)
    %scan3A_79 = arith.constant 0 : i32
    %scan3A_80 = arith.constant 80 : i32
    %scan3A_81 = arith.addi %scan3A_79, %scan3A_80 : i32
    %scan3A_82 = arith.constant 1 : i32
    scf.for %scan3A_86 = %scan3A_79 to %scan3A_81 step %scan3A_82  : i32 {
      %get3A = arith.index_cast %scan3A_86 : i32 to index
      %get3A_87 = arith.constant 0 : index
      %get3A_88 = tpu.vector_load %arg9[%get3A, %get3A_87] {strides = array<i32>} : memref<80x128xf32, #tpu.memory_space<vmem>>, vector<1x16xf32>,
      %get3A_89 = vector.shape_cast %get3A_88 : vector<1x16xf32> to vector<16xf32>
      %get3A_90 = arith.index_cast %scan3A_86 : i32 to index
      %get3A_91 = arith.constant 0 : index
      %get3A_92 = tpu.vector_load %arg10[%get3A_90, %get3A_91] {strides = array<i32>} : memref<80x128xf32, #tpu.memory_space<vmem>>, vector<1x16xf32>,
      %get3A_93 = vector.shape_cast %get3A_92 : vector<1x16xf32> to vector<16xf32>
      %add3A_94 = arith.addf %get3A_89, %get3A_93 : vector<16xf32>
      %max3A = arith.constant 0.000000e+00 : f32
      %max3A_95 = vector.broadcast %max3A : f32 to vector<16xf32>
      %max3A_96 = arith.maximumf %add3A_94, %max3A_95 : vector<16xf32>
      %swap3A = arith.index_cast %scan3A_86 : i32 to index
      %swap3A_97 = arith.constant 0 : index
      %swap3A_98 = tpu.vector_load %arg9[%swap3A, %swap3A_97] {strides = array<i32>} : memref<80x128xf32, #tpu.memory_space<vmem>>, vector<1x16xf32>,
      %swap3A_99 = vector.shape_cast %swap3A_98 : vector<1x16xf32> to vector<16xf32>
      %swap3A_100 = vector.shape_cast %max3A_96 : vector<16xf32> to vector<1x16xf32>
      tpu.vector_store %arg9[%swap3A, %swap3A_97], %swap3A_100 {strides = array<i32>} : memref<80x128xf32, #tpu.memory_space<vmem>>, vector<1x16xf32>,
      %get3A_101 = arith.index_cast %scan3A_86 : i32 to index
      %get3A_102 = arith.constant 16 : index
      %get3A_103 = tpu.vector_load %arg9[%get3A_101, %get3A_102] {strides = array<i32>} : memref<80x128xf32, #tpu.memory_space<vmem>>, vector<1x16xf32>,
      %get3A_104 = vector.shape_cast %get3A_103 : vector<1x16xf32> to vector<16xf32>
      %get3A_105 = arith.index_cast %scan3A_86 : i32 to index
      %get3A_106 = arith.constant 16 : index
      %get3A_107 = tpu.vector_load %arg10[%get3A_105, %get3A_106] {strides = array<i32>} : memref<80x128xf32, #tpu.memory_space<vmem>>, vector<1x16xf32>,
      %get3A_108 = vector.shape_cast %get3A_107 : vector<1x16xf32> to vector<16xf32>
      %add3A_109 = arith.addf %get3A_104, %get3A_108 : vector<16xf32>
      %max3A_110 = arith.constant 0.000000e+00 : f32
      %max3A_111 = vector.broadcast %max3A_110 : f32 to vector<16xf32>
      %max3A_112 = arith.maximumf %add3A_109, %max3A_111 : vector<16xf32>
      %swap3A_113 = arith.index_cast %scan3A_86 : i32 to index
      %swap3A_114 = arith.constant 16 : index
      %swap3A_115 = tpu.vector_load %arg9[%swap3A_113, %swap3A_114] {strides = array<i32>} : memref<80x128xf32, #tpu.memory_space<vmem>>, vector<1x16xf32>,
      %swap3A_116 = vector.shape_cast %swap3A_115 : vector<1x16xf32> to vector<16xf32>
      %swap3A_117 = vector.shape_cast %max3A_112 : vector<16xf32> to vector<1x16xf32>
      tpu.vector_store %arg9[%swap3A_113, %swap3A_114], %swap3A_117 {strides = array<i32>} : memref<80x128xf32, #tpu.memory_space<vmem>>, vector<1x16xf32>,
      %get3A_118 = arith.index_cast %scan3A_86 : i32 to index
      %get3A_119 = arith.constant 32 : index
      %get3A_120 = tpu.vector_load %arg9[%get3A_118, %get3A_119] {strides = array<i32>} : memref<80x128xf32, #tpu.memory_space<vmem>>, vector<1x16xf32>,
      %get3A_121 = vector.shape_cast %get3A_120 : vector<1x16xf32> to vector<16xf32>
      %get3A_122 = arith.index_cast %scan3A_86 : i32 to index
      %get3A_123 = arith.constant 32 : index
      %get3A_124 = tpu.vector_load %arg10[%get3A_122, %get3A_123] {strides = array<i32>} : memref<80x128xf32, #tpu.memory_space<vmem>>, vector<1x16xf32>,
      %get3A_125 = vector.shape_cast %get3A_124 : vector<1x16xf32> to vector<16xf32>
      %add3A_126 = arith.addf %get3A_121, %get3A_125 : vector<16xf32>
      %max3A_127 = arith.constant 0.000000e+00 : f32
      %max3A_128 = vector.broadcast %max3A_127 : f32 to vector<16xf32>
      %max3A_129 = arith.maximumf %add3A_126, %max3A_128 : vector<16xf32>
      %swap3A_130 = arith.index_cast %scan3A_86 : i32 to index
      %swap3A_131 = arith.constant 32 : index
      %swap3A_132 = tpu.vector_load %arg9[%swap3A_130, %swap3A_131] {strides = array<i32>} : memref<80x128xf32, #tpu.memory_space<vmem>>, vector<1x16xf32>,
      %swap3A_133 = vector.shape_cast %swap3A_132 : vector<1x16xf32> to vector<16xf32>
      %swap3A_134 = vector.shape_cast %max3A_129 : vector<16xf32> to vector<1x16xf32>
      tpu.vector_store %arg9[%swap3A_130, %swap3A_131], %swap3A_134 {strides = array<i32>} : memref<80x128xf32, #tpu.memory_space<vmem>>, vector<1x16xf32>,
      %get3A_135 = arith.index_cast %scan3A_86 : i32 to index
      %get3A_136 = arith.constant 48 : index
      %get3A_137 = tpu.vector_load %arg9[%get3A_135, %get3A_136] {strides = array<i32>} : memref<80x128xf32, #tpu.memory_space<vmem>>, vector<1x16xf32>,
      %get3A_138 = vector.shape_cast %get3A_137 : vector<1x16xf32> to vector<16xf32>
      %get3A_139 = arith.index_cast %scan3A_86 : i32 to index
      %get3A_140 = arith.constant 48 : index
      %get3A_141 = tpu.vector_load %arg10[%get3A_139, %get3A_140] {strides = array<i32>} : memref<80x128xf32, #tpu.memory_space<vmem>>, vector<1x16xf32>,
      %get3A_142 = vector.shape_cast %get3A_141 : vector<1x16xf32> to vector<16xf32>
      %add3A_143 = arith.addf %get3A_138, %get3A_142 : vector<16xf32>
      %max3A_144 = arith.constant 0.000000e+00 : f32
      %max3A_145 = vector.broadcast %max3A_144 : f32 to vector<16xf32>
      %max3A_146 = arith.maximumf %add3A_143, %max3A_145 : vector<16xf32>
      %swap3A_147 = arith.index_cast %scan3A_86 : i32 to index
      %swap3A_148 = arith.constant 48 : index
      %swap3A_149 = tpu.vector_load %arg9[%swap3A_147, %swap3A_148] {strides = array<i32>} : memref<80x128xf32, #tpu.memory_space<vmem>>, vector<1x16xf32>,
      %swap3A_150 = vector.shape_cast %swap3A_149 : vector<1x16xf32> to vector<16xf32>
      %swap3A_151 = vector.shape_cast %max3A_146 : vector<16xf32> to vector<1x16xf32>
      tpu.vector_store %arg9[%swap3A_147, %swap3A_148], %swap3A_151 {strides = array<i32>} : memref<80x128xf32, #tpu.memory_space<vmem>>, vector<1x16xf32>,
      %get3A_152 = arith.index_cast %scan3A_86 : i32 to index
      %get3A_153 = arith.constant 64 : index
      %get3A_154 = tpu.vector_load %arg9[%get3A_152, %get3A_153] {strides = array<i32>} : memref<80x128xf32, #tpu.memory_space<vmem>>, vector<1x16xf32>,
      %get3A_155 = vector.shape_cast %get3A_154 : vector<1x16xf32> to vector<16xf32>
      %get3A_156 = arith.index_cast %scan3A_86 : i32 to index
      %get3A_157 = arith.constant 64 : index
      %get3A_158 = tpu.vector_load %arg10[%get3A_156, %get3A_157] {strides = array<i32>} : memref<80x128xf32, #tpu.memory_space<vmem>>, vector<1x16xf32>,
      %get3A_159 = vector.shape_cast %get3A_158 : vector<1x16xf32> to vector<16xf32>
      %add3A_160 = arith.addf %get3A_155, %get3A_159 : vector<16xf32>
      %max3A_161 = arith.constant 0.000000e+00 : f32
      %max3A_162 = vector.broadcast %max3A_161 : f32 to vector<16xf32>
      %max3A_163 = arith.maximumf %add3A_160, %max3A_162 : vector<16xf32>
      %swap3A_164 = arith.index_cast %scan3A_86 : i32 to index
      %swap3A_165 = arith.constant 64 : index
      %swap3A_166 = tpu.vector_load %arg9[%swap3A_164, %swap3A_165] {strides = array<i32>} : memref<80x128xf32, #tpu.memory_space<vmem>>, vector<1x16xf32>,
      %swap3A_167 = vector.shape_cast %swap3A_166 : vector<1x16xf32> to vector<16xf32>
      %swap3A_168 = vector.shape_cast %max3A_163 : vector<16xf32> to vector<1x16xf32>
      tpu.vector_store %arg9[%swap3A_164, %swap3A_165], %swap3A_168 {strides = array<i32>} : memref<80x128xf32, #tpu.memory_space<vmem>>, vector<1x16xf32>,
      %get3A_169 = arith.index_cast %scan3A_86 : i32 to index
      %get3A_170 = arith.constant 80 : index
      %get3A_171 = tpu.vector_load %arg9[%get3A_169, %get3A_170] {strides = array<i32>} : memref<80x128xf32, #tpu.memory_space<vmem>>, vector<1x16xf32>,
      %get3A_172 = vector.shape_cast %get3A_171 : vector<1x16xf32> to vector<16xf32>
      %get3A_173 = arith.index_cast %scan3A_86 : i32 to index
      %get3A_174 = arith.constant 80 : index
      %get3A_175 = tpu.vector_load %arg10[%get3A_173, %get3A_174] {strides = array<i32>} : memref<80x128xf32, #tpu.memory_space<vmem>>, vector<1x16xf32>,
      %get3A_176 = vector.shape_cast %get3A_175 : vector<1x16xf32> to vector<16xf32>
      %add3A_177 = arith.addf %get3A_172, %get3A_176 : vector<16xf32>
      %max3A_178 = arith.constant 0.000000e+00 : f32
      %max3A_179 = vector.broadcast %max3A_178 : f32 to vector<16xf32>
      %max3A_180 = arith.maximumf %add3A_177, %max3A_179 : vector<16xf32>
      %swap3A_181 = arith.index_cast %scan3A_86 : i32 to index
      %swap3A_182 = arith.constant 80 : index
      %swap3A_183 = tpu.vector_load %arg9[%swap3A_181, %swap3A_182] {strides = array<i32>} : memref<80x128xf32, #tpu.memory_space<vmem>>, vector<1x16xf32>,
      %swap3A_184 = vector.shape_cast %swap3A_183 : vector<1x16xf32> to vector<16xf32>
      %swap3A_185 = vector.shape_cast %max3A_180 : vector<16xf32> to vector<1x16xf32>
      tpu.vector_store %arg9[%swap3A_181, %swap3A_182], %swap3A_185 {strides = array<i32>} : memref<80x128xf32, #tpu.memory_space<vmem>>, vector<1x16xf32>,
      %get3A_186 = arith.index_cast %scan3A_86 : i32 to index
      %get3A_187 = arith.constant 96 : index
      %get3A_188 = tpu.vector_load %arg9[%get3A_186, %get3A_187] {strides = array<i32>} : memref<80x128xf32, #tpu.memory_space<vmem>>, vector<1x16xf32>,
      %get3A_189 = vector.shape_cast %get3A_188 : vector<1x16xf32> to vector<16xf32>
      %get3A_190 = arith.index_cast %scan3A_86 : i32 to index
      %get3A_191 = arith.constant 96 : index
      %get3A_192 = tpu.vector_load %arg10[%get3A_190, %get3A_191] {strides = array<i32>} : memref<80x128xf32, #tpu.memory_space<vmem>>, vector<1x16xf32>,
      %get3A_193 = vector.shape_cast %get3A_192 : vector<1x16xf32> to vector<16xf32>
      %add3A_194 = arith.addf %get3A_189, %get3A_193 : vector<16xf32>
      %max3A_195 = arith.constant 0.000000e+00 : f32
      %max3A_196 = vector.broadcast %max3A_195 : f32 to vector<16xf32>
      %max3A_197 = arith.maximumf %add3A_194, %max3A_196 : vector<16xf32>
      %swap3A_198 = arith.index_cast %scan3A_86 : i32 to index
      %swap3A_199 = arith.constant 96 : index
      %swap3A_200 = tpu.vector_load %arg9[%swap3A_198, %swap3A_199] {strides = array<i32>} : memref<80x128xf32, #tpu.memory_space<vmem>>, vector<1x16xf32>,
      %swap3A_201 = vector.shape_cast %swap3A_200 : vector<1x16xf32> to vector<16xf32>
      %swap3A_202 = vector.shape_cast %max3A_197 : vector<16xf32> to vector<1x16xf32>
      tpu.vector_store %arg9[%swap3A_198, %swap3A_199], %swap3A_202 {strides = array<i32>} : memref<80x128xf32, #tpu.memory_space<vmem>>, vector<1x16xf32>,
      %get3A_203 = arith.index_cast %scan3A_86 : i32 to index
      %get3A_204 = arith.constant 112 : index
      %get3A_205 = tpu.vector_load %arg9[%get3A_203, %get3A_204] {strides = array<i32>} : memref<80x128xf32, #tpu.memory_space<vmem>>, vector<1x16xf32>,
      %get3A_206 = vector.shape_cast %get3A_205 : vector<1x16xf32> to vector<16xf32>
      %get3A_207 = arith.index_cast %scan3A_86 : i32 to index
      %get3A_208 = arith.constant 112 : index
      %get3A_209 = tpu.vector_load %arg10[%get3A_207, %get3A_208] {strides = array<i32>} : memref<80x128xf32, #tpu.memory_space<vmem>>, vector<1x16xf32>,
      %get3A_210 = vector.shape_cast %get3A_209 : vector<1x16xf32> to vector<16xf32>
      %add3A_211 = arith.addf %get3A_206, %get3A_210 : vector<16xf32>
      %max3A_212 = arith.constant 0.000000e+00 : f32
      %max3A_213 = vector.broadcast %max3A_212 : f32 to vector<16xf32>
      %max3A_214 = arith.maximumf %add3A_211, %max3A_213 : vector<16xf32>
      %swap3A_215 = arith.index_cast %scan3A_86 : i32 to index
      %swap3A_216 = arith.constant 112 : index
      %swap3A_217 = tpu.vector_load %arg9[%swap3A_215, %swap3A_216] {strides = array<i32>} : memref<80x128xf32, #tpu.memory_space<vmem>>, vector<1x16xf32>,
      %swap3A_218 = vector.shape_cast %swap3A_217 : vector<1x16xf32> to vector<16xf32>
      %swap3A_219 = vector.shape_cast %max3A_214 : vector<16xf32> to vector<1x16xf32>
      tpu.vector_store %arg9[%swap3A_215, %swap3A_216], %swap3A_219 {strides = array<i32>} : memref<80x128xf32, #tpu.memory_space<vmem>>, vector<1x16xf32>,
    }
    %scan3A_83 = arith.constant 80 : i32
    %add3A_84 = arith.constant 9920 : i32
    %add3A_85 = arith.addi %mul3A_2, %add3A_84 : i32
    "tpu.region"() ({
      %run_scoped3A = tpu.sem_alloc : memref<!tpu.dma_semaphore, #tpu.memory_space<semaphore_mem>>
      %dma_start3A_86 = arith.constant 0 : i32
      %dma_start3A_87 = tpu.memref_slice %arg6[%add3A_85, %dma_start3A_86] : memref<320000x128xf32, #tpu.memory_space<hbm>> -> memref<80x128xf32, #tpu.memory_space<hbm>>
      %dma_start3A_88 = arith.constant 0 : i32
      %dma_start3A_89 = tpu.memref_slice %arg6[%add3A_85, %dma_start3A_88] : memref<320000x128xf32, #tpu.memory_space<hbm>> -> memref<80x128xf32, #tpu.memory_space<hbm>>
      tpu.enqueue_dma source(%arg9 : memref<80x128xf32, #tpu.memory_space<vmem>>) target(%dma_start3A_89 : memref<80x128xf32, #tpu.memory_space<hbm>>) target_semaphore(%run_scoped3A : memref<!tpu.dma_semaphore, #tpu.memory_space<semaphore_mem>>)
      %dma_wait3A_90 = arith.constant 0 : i32
      %dma_wait3A_91 = tpu.memref_slice %arg6[%add3A_85, %dma_wait3A_90] : memref<320000x128xf32, #tpu.memory_space<hbm>> -> memref<80x128xf32, #tpu.memory_space<hbm>>
      %dma_wait3A_92 = arith.constant 0 : i32
      %dma_wait3A_93 = tpu.memref_slice %arg6[%add3A_85, %dma_wait3A_92] : memref<320000x128xf32, #tpu.memory_space<hbm>> -> memref<80x128xf32, #tpu.memory_space<hbm>>
      tpu.wait_dma2 semaphore(%run_scoped3A : memref<!tpu.dma_semaphore, #tpu.memory_space<semaphore_mem>>) src(%arg9 : memref<80x128xf32, #tpu.memory_space<vmem>>) dst(%dma_wait3A_93 : memref<80x128xf32, #tpu.memory_space<hbm>>)
      tpu.yield
    }) : () -> ()
    return
  }
}

#map = affine_map<(d0, d1) -> (0, 0)>
#map1 = affine_map<(d0, d1) -> (0)>
#map2 = affine_map<(d0, d1) -> (0, 0, 0)>
module attributes {stable_mosaic.version = 14 : i64} {
  func.func @_seg_body_ef(%arg0: i32, %arg1: i32, %arg2: memref<10000x128xf32, #tpu.memory_space<hbm>>, %arg3: memref<320000xi32, #tpu.memory_space<hbm>>, %arg4: memref<320000xi32, #tpu.memory_space<hbm>>, %arg5: memref<320000x16xf32, #tpu.memory_space<hbm>>, %arg6: memref<2x10240x128xf32, #tpu.memory_space<hbm>>, %arg7: memref<2x10240x128xf32, #tpu.memory_space<hbm>>, %arg8: memref<80xi32, #tpu.memory_space<vmem>>, %arg9: memref<80xi32, #tpu.memory_space<vmem>>, %arg10: memref<80xi32, #tpu.memory_space<vmem>>, %arg11: memref<80xi32, #tpu.memory_space<vmem>>, %arg12: memref<80x128xf32, #tpu.memory_space<vmem>>, %arg13: memref<80x128xf32, #tpu.memory_space<vmem>>, %arg14: memref<80x16xf32, #tpu.memory_space<vmem>>, %arg15: memref<!tpu.dma_semaphore, #tpu.memory_space<semaphore_mem>>, %arg16: memref<!tpu.dma_semaphore, #tpu.memory_space<semaphore_mem>>, %arg17: memref<10240x128xf32, #tpu.memory_space<vmem_shared>>) attributes {dimension_semantics = [#tpu.dimension_semantics<core_parallel>, #tpu.dimension_semantics<subcore_parallel>], iteration_bounds = array<i64: 2, 16>, scalar_prefetch = 0 : i64, scratch_operands = 10 : i64, tpu.core_type = #tpu.core_type<sc_vector_subcore>, window_params = [{transform_indices = #map}, {transform_indices = #map1}, {transform_indices = #map1}, {transform_indices = #map}, {transform_indices = #map2}, {transform_indices = #map2}]} {
    %mul3A = arith.constant 16 : i32
    %mul3A_0 = arith.muli %arg0, %mul3A : i32
    %add3A = arith.addi %mul3A_0, %arg1 : i32
    %broadcast_in_dim3A = arith.constant 0.000000e+00 : f32
    %broadcast_in_dim3A_1 = vector.broadcast %broadcast_in_dim3A : f32 to vector<16xf32>
    %scan3A = arith.constant 0 : i32
    %scan3A_2 = arith.constant 80 : i32
    %scan3A_3 = arith.addi %scan3A, %scan3A_2 : i32
    %scan3A_4 = arith.constant 1 : i32
    scf.for %scan3A_192 = %scan3A to %scan3A_3 step %scan3A_4  : i32 {
      %swap3A = arith.index_cast %scan3A_192 : i32 to index
      %swap3A_193 = arith.constant 0 : index
      %swap3A_194 = tpu.vector_load %arg12[%swap3A, %swap3A_193] {strides = array<i32>} : memref<80x128xf32, #tpu.memory_space<vmem>>, vector<1x16xf32>,
      %swap3A_195 = vector.shape_cast %swap3A_194 : vector<1x16xf32> to vector<16xf32>
      %swap3A_196 = vector.shape_cast %broadcast_in_dim3A_1 : vector<16xf32> to vector<1x16xf32>
      tpu.vector_store %arg12[%swap3A, %swap3A_193], %swap3A_196 {strides = array<i32>} : memref<80x128xf32, #tpu.memory_space<vmem>>, vector<1x16xf32>,
      %swap3A_197 = arith.index_cast %scan3A_192 : i32 to index
      %swap3A_198 = arith.constant 16 : index
      %swap3A_199 = tpu.vector_load %arg12[%swap3A_197, %swap3A_198] {strides = array<i32>} : memref<80x128xf32, #tpu.memory_space<vmem>>, vector<1x16xf32>,
      %swap3A_200 = vector.shape_cast %swap3A_199 : vector<1x16xf32> to vector<16xf32>
      %swap3A_201 = vector.shape_cast %broadcast_in_dim3A_1 : vector<16xf32> to vector<1x16xf32>
      tpu.vector_store %arg12[%swap3A_197, %swap3A_198], %swap3A_201 {strides = array<i32>} : memref<80x128xf32, #tpu.memory_space<vmem>>, vector<1x16xf32>,
      %swap3A_202 = arith.index_cast %scan3A_192 : i32 to index
      %swap3A_203 = arith.constant 32 : index
      %swap3A_204 = tpu.vector_load %arg12[%swap3A_202, %swap3A_203] {strides = array<i32>} : memref<80x128xf32, #tpu.memory_space<vmem>>, vector<1x16xf32>,
      %swap3A_205 = vector.shape_cast %swap3A_204 : vector<1x16xf32> to vector<16xf32>
      %swap3A_206 = vector.shape_cast %broadcast_in_dim3A_1 : vector<16xf32> to vector<1x16xf32>
      tpu.vector_store %arg12[%swap3A_202, %swap3A_203], %swap3A_206 {strides = array<i32>} : memref<80x128xf32, #tpu.memory_space<vmem>>, vector<1x16xf32>,
      %swap3A_207 = arith.index_cast %scan3A_192 : i32 to index
      %swap3A_208 = arith.constant 48 : index
      %swap3A_209 = tpu.vector_load %arg12[%swap3A_207, %swap3A_208] {strides = array<i32>} : memref<80x128xf32, #tpu.memory_space<vmem>>, vector<1x16xf32>,
      %swap3A_210 = vector.shape_cast %swap3A_209 : vector<1x16xf32> to vector<16xf32>
      %swap3A_211 = vector.shape_cast %broadcast_in_dim3A_1 : vector<16xf32> to vector<1x16xf32>
      tpu.vector_store %arg12[%swap3A_207, %swap3A_208], %swap3A_211 {strides = array<i32>} : memref<80x128xf32, #tpu.memory_space<vmem>>, vector<1x16xf32>,
      %swap3A_212 = arith.index_cast %scan3A_192 : i32 to index
      %swap3A_213 = arith.constant 64 : index
      %swap3A_214 = tpu.vector_load %arg12[%swap3A_212, %swap3A_213] {strides = array<i32>} : memref<80x128xf32, #tpu.memory_space<vmem>>, vector<1x16xf32>,
      %swap3A_215 = vector.shape_cast %swap3A_214 : vector<1x16xf32> to vector<16xf32>
      %swap3A_216 = vector.shape_cast %broadcast_in_dim3A_1 : vector<16xf32> to vector<1x16xf32>
      tpu.vector_store %arg12[%swap3A_212, %swap3A_213], %swap3A_216 {strides = array<i32>} : memref<80x128xf32, #tpu.memory_space<vmem>>, vector<1x16xf32>,
      %swap3A_217 = arith.index_cast %scan3A_192 : i32 to index
      %swap3A_218 = arith.constant 80 : index
      %swap3A_219 = tpu.vector_load %arg12[%swap3A_217, %swap3A_218] {strides = array<i32>} : memref<80x128xf32, #tpu.memory_space<vmem>>, vector<1x16xf32>,
      %swap3A_220 = vector.shape_cast %swap3A_219 : vector<1x16xf32> to vector<16xf32>
      %swap3A_221 = vector.shape_cast %broadcast_in_dim3A_1 : vector<16xf32> to vector<1x16xf32>
      tpu.vector_store %arg12[%swap3A_217, %swap3A_218], %swap3A_221 {strides = array<i32>} : memref<80x128xf32, #tpu.memory_space<vmem>>, vector<1x16xf32>,
      %swap3A_222 = arith.index_cast %scan3A_192 : i32 to index
      %swap3A_223 = arith.constant 96 : index
      %swap3A_224 = tpu.vector_load %arg12[%swap3A_222, %swap3A_223] {strides = array<i32>} : memref<80x128xf32, #tpu.memory_space<vmem>>, vector<1x16xf32>,
      %swap3A_225 = vector.shape_cast %swap3A_224 : vector<1x16xf32> to vector<16xf32>
      %swap3A_226 = vector.shape_cast %broadcast_in_dim3A_1 : vector<16xf32> to vector<1x16xf32>
      tpu.vector_store %arg12[%swap3A_222, %swap3A_223], %swap3A_226 {strides = array<i32>} : memref<80x128xf32, #tpu.memory_space<vmem>>, vector<1x16xf32>,
      %swap3A_227 = arith.index_cast %scan3A_192 : i32 to index
      %swap3A_228 = arith.constant 112 : index
      %swap3A_229 = tpu.vector_load %arg12[%swap3A_227, %swap3A_228] {strides = array<i32>} : memref<80x128xf32, #tpu.memory_space<vmem>>, vector<1x16xf32>,
      %swap3A_230 = vector.shape_cast %swap3A_229 : vector<1x16xf32> to vector<16xf32>
      %swap3A_231 = vector.shape_cast %broadcast_in_dim3A_1 : vector<16xf32> to vector<1x16xf32>
      tpu.vector_store %arg12[%swap3A_227, %swap3A_228], %swap3A_231 {strides = array<i32>} : memref<80x128xf32, #tpu.memory_space<vmem>>, vector<1x16xf32>,
    }
    %scan3A_5 = arith.constant 80 : i32
    %mul3A_6 = arith.constant 640 : i32
    %mul3A_7 = arith.muli %arg1, %mul3A_6 : i32
    %add3A_8 = arith.constant 0 : i32
    %add3A_9 = arith.addi %mul3A_7, %add3A_8 : i32
    "tpu.region"() ({
      %run_scoped3A = tpu.sem_alloc : memref<!tpu.dma_semaphore, #tpu.memory_space<semaphore_mem>>
      %dma_start3A_192 = arith.constant 0 : i32
      %dma_start3A_193 = tpu.memref_slice %arg17[%add3A_9, %dma_start3A_192] : memref<10240x128xf32, #tpu.memory_space<vmem_shared>> -> memref<80x128xf32, #tpu.memory_space<vmem_shared>>
      %dma_start3A_194 = arith.constant 0 : i32
      %dma_start3A_195 = tpu.memref_slice %arg17[%add3A_9, %dma_start3A_194] : memref<10240x128xf32, #tpu.memory_space<vmem_shared>> -> memref<80x128xf32, #tpu.memory_space<vmem_shared>>
      tpu.enqueue_dma source(%arg12 : memref<80x128xf32, #tpu.memory_space<vmem>>) target(%dma_start3A_195 : memref<80x128xf32, #tpu.memory_space<vmem_shared>>) target_semaphore(%run_scoped3A : memref<!tpu.dma_semaphore, #tpu.memory_space<semaphore_mem>>)
      %dma_wait3A_196 = arith.constant 0 : i32
      %dma_wait3A_197 = tpu.memref_slice %arg17[%add3A_9, %dma_wait3A_196] : memref<10240x128xf32, #tpu.memory_space<vmem_shared>> -> memref<80x128xf32, #tpu.memory_space<vmem_shared>>
      %dma_wait3A_198 = arith.constant 0 : i32
      %dma_wait3A_199 = tpu.memref_slice %arg17[%add3A_9, %dma_wait3A_198] : memref<10240x128xf32, #tpu.memory_space<vmem_shared>> -> memref<80x128xf32, #tpu.memory_space<vmem_shared>>
      tpu.wait_dma2 semaphore(%run_scoped3A : memref<!tpu.dma_semaphore, #tpu.memory_space<semaphore_mem>>) src(%arg12 : memref<80x128xf32, #tpu.memory_space<vmem>>) dst(%dma_wait3A_199 : memref<80x128xf32, #tpu.memory_space<vmem_shared>>)
      tpu.yield
    }) : () -> ()
    %mul3A_10 = arith.constant 640 : i32
    %mul3A_11 = arith.muli %arg1, %mul3A_10 : i32
    %add3A_12 = arith.constant 80 : i32
    %add3A_13 = arith.addi %mul3A_11, %add3A_12 : i32
    "tpu.region"() ({
      %run_scoped3A = tpu.sem_alloc : memref<!tpu.dma_semaphore, #tpu.memory_space<semaphore_mem>>
      %dma_start3A_192 = arith.constant 0 : i32
      %dma_start3A_193 = tpu.memref_slice %arg17[%add3A_13, %dma_start3A_192] : memref<10240x128xf32, #tpu.memory_space<vmem_shared>> -> memref<80x128xf32, #tpu.memory_space<vmem_shared>>
      %dma_start3A_194 = arith.constant 0 : i32
      %dma_start3A_195 = tpu.memref_slice %arg17[%add3A_13, %dma_start3A_194] : memref<10240x128xf32, #tpu.memory_space<vmem_shared>> -> memref<80x128xf32, #tpu.memory_space<vmem_shared>>
      tpu.enqueue_dma source(%arg12 : memref<80x128xf32, #tpu.memory_space<vmem>>) target(%dma_start3A_195 : memref<80x128xf32, #tpu.memory_space<vmem_shared>>) target_semaphore(%run_scoped3A : memref<!tpu.dma_semaphore, #tpu.memory_space<semaphore_mem>>)
      %dma_wait3A_196 = arith.constant 0 : i32
      %dma_wait3A_197 = tpu.memref_slice %arg17[%add3A_13, %dma_wait3A_196] : memref<10240x128xf32, #tpu.memory_space<vmem_shared>> -> memref<80x128xf32, #tpu.memory_space<vmem_shared>>
      %dma_wait3A_198 = arith.constant 0 : i32
      %dma_wait3A_199 = tpu.memref_slice %arg17[%add3A_13, %dma_wait3A_198] : memref<10240x128xf32, #tpu.memory_space<vmem_shared>> -> memref<80x128xf32, #tpu.memory_space<vmem_shared>>
      tpu.wait_dma2 semaphore(%run_scoped3A : memref<!tpu.dma_semaphore, #tpu.memory_space<semaphore_mem>>) src(%arg12 : memref<80x128xf32, #tpu.memory_space<vmem>>) dst(%dma_wait3A_199 : memref<80x128xf32, #tpu.memory_space<vmem_shared>>)
      tpu.yield
    }) : () -> ()
    %mul3A_14 = arith.constant 640 : i32
    %mul3A_15 = arith.muli %arg1, %mul3A_14 : i32
    %add3A_16 = arith.constant 160 : i32
    %add3A_17 = arith.addi %mul3A_15, %add3A_16 : i32
    "tpu.region"() ({
      %run_scoped3A = tpu.sem_alloc : memref<!tpu.dma_semaphore, #tpu.memory_space<semaphore_mem>>
      %dma_start3A_192 = arith.constant 0 : i32
      %dma_start3A_193 = tpu.memref_slice %arg17[%add3A_17, %dma_start3A_192] : memref<10240x128xf32, #tpu.memory_space<vmem_shared>> -> memref<80x128xf32, #tpu.memory_space<vmem_shared>>
      %dma_start3A_194 = arith.constant 0 : i32
      %dma_start3A_195 = tpu.memref_slice %arg17[%add3A_17, %dma_start3A_194] : memref<10240x128xf32, #tpu.memory_space<vmem_shared>> -> memref<80x128xf32, #tpu.memory_space<vmem_shared>>
      tpu.enqueue_dma source(%arg12 : memref<80x128xf32, #tpu.memory_space<vmem>>) target(%dma_start3A_195 : memref<80x128xf32, #tpu.memory_space<vmem_shared>>) target_semaphore(%run_scoped3A : memref<!tpu.dma_semaphore, #tpu.memory_space<semaphore_mem>>)
      %dma_wait3A_196 = arith.constant 0 : i32
      %dma_wait3A_197 = tpu.memref_slice %arg17[%add3A_17, %dma_wait3A_196] : memref<10240x128xf32, #tpu.memory_space<vmem_shared>> -> memref<80x128xf32, #tpu.memory_space<vmem_shared>>
      %dma_wait3A_198 = arith.constant 0 : i32
      %dma_wait3A_199 = tpu.memref_slice %arg17[%add3A_17, %dma_wait3A_198] : memref<10240x128xf32, #tpu.memory_space<vmem_shared>> -> memref<80x128xf32, #tpu.memory_space<vmem_shared>>
      tpu.wait_dma2 semaphore(%run_scoped3A : memref<!tpu.dma_semaphore, #tpu.memory_space<semaphore_mem>>) src(%arg12 : memref<80x128xf32, #tpu.memory_space<vmem>>) dst(%dma_wait3A_199 : memref<80x128xf32, #tpu.memory_space<vmem_shared>>)
      tpu.yield
    }) : () -> ()
    %mul3A_18 = arith.constant 640 : i32
    %mul3A_19 = arith.muli %arg1, %mul3A_18 : i32
    %add3A_20 = arith.constant 240 : i32
    %add3A_21 = arith.addi %mul3A_19, %add3A_20 : i32
    "tpu.region"() ({
      %run_scoped3A = tpu.sem_alloc : memref<!tpu.dma_semaphore, #tpu.memory_space<semaphore_mem>>
      %dma_start3A_192 = arith.constant 0 : i32
      %dma_start3A_193 = tpu.memref_slice %arg17[%add3A_21, %dma_start3A_192] : memref<10240x128xf32, #tpu.memory_space<vmem_shared>> -> memref<80x128xf32, #tpu.memory_space<vmem_shared>>
      %dma_start3A_194 = arith.constant 0 : i32
      %dma_start3A_195 = tpu.memref_slice %arg17[%add3A_21, %dma_start3A_194] : memref<10240x128xf32, #tpu.memory_space<vmem_shared>> -> memref<80x128xf32, #tpu.memory_space<vmem_shared>>
      tpu.enqueue_dma source(%arg12 : memref<80x128xf32, #tpu.memory_space<vmem>>) target(%dma_start3A_195 : memref<80x128xf32, #tpu.memory_space<vmem_shared>>) target_semaphore(%run_scoped3A : memref<!tpu.dma_semaphore, #tpu.memory_space<semaphore_mem>>)
      %dma_wait3A_196 = arith.constant 0 : i32
      %dma_wait3A_197 = tpu.memref_slice %arg17[%add3A_21, %dma_wait3A_196] : memref<10240x128xf32, #tpu.memory_space<vmem_shared>> -> memref<80x128xf32, #tpu.memory_space<vmem_shared>>
      %dma_wait3A_198 = arith.constant 0 : i32
      %dma_wait3A_199 = tpu.memref_slice %arg17[%add3A_21, %dma_wait3A_198] : memref<10240x128xf32, #tpu.memory_space<vmem_shared>> -> memref<80x128xf32, #tpu.memory_space<vmem_shared>>
      tpu.wait_dma2 semaphore(%run_scoped3A : memref<!tpu.dma_semaphore, #tpu.memory_space<semaphore_mem>>) src(%arg12 : memref<80x128xf32, #tpu.memory_space<vmem>>) dst(%dma_wait3A_199 : memref<80x128xf32, #tpu.memory_space<vmem_shared>>)
      tpu.yield
    }) : () -> ()
    %mul3A_22 = arith.constant 640 : i32
    %mul3A_23 = arith.muli %arg1, %mul3A_22 : i32
    %add3A_24 = arith.constant 320 : i32
    %add3A_25 = arith.addi %mul3A_23, %add3A_24 : i32
    "tpu.region"() ({
      %run_scoped3A = tpu.sem_alloc : memref<!tpu.dma_semaphore, #tpu.memory_space<semaphore_mem>>
      %dma_start3A_192 = arith.constant 0 : i32
      %dma_start3A_193 = tpu.memref_slice %arg17[%add3A_25, %dma_start3A_192] : memref<10240x128xf32, #tpu.memory_space<vmem_shared>> -> memref<80x128xf32, #tpu.memory_space<vmem_shared>>
      %dma_start3A_194 = arith.constant 0 : i32
      %dma_start3A_195 = tpu.memref_slice %arg17[%add3A_25, %dma_start3A_194] : memref<10240x128xf32, #tpu.memory_space<vmem_shared>> -> memref<80x128xf32, #tpu.memory_space<vmem_shared>>
      tpu.enqueue_dma source(%arg12 : memref<80x128xf32, #tpu.memory_space<vmem>>) target(%dma_start3A_195 : memref<80x128xf32, #tpu.memory_space<vmem_shared>>) target_semaphore(%run_scoped3A : memref<!tpu.dma_semaphore, #tpu.memory_space<semaphore_mem>>)
      %dma_wait3A_196 = arith.constant 0 : i32
      %dma_wait3A_197 = tpu.memref_slice %arg17[%add3A_25, %dma_wait3A_196] : memref<10240x128xf32, #tpu.memory_space<vmem_shared>> -> memref<80x128xf32, #tpu.memory_space<vmem_shared>>
      %dma_wait3A_198 = arith.constant 0 : i32
      %dma_wait3A_199 = tpu.memref_slice %arg17[%add3A_25, %dma_wait3A_198] : memref<10240x128xf32, #tpu.memory_space<vmem_shared>> -> memref<80x128xf32, #tpu.memory_space<vmem_shared>>
      tpu.wait_dma2 semaphore(%run_scoped3A : memref<!tpu.dma_semaphore, #tpu.memory_space<semaphore_mem>>) src(%arg12 : memref<80x128xf32, #tpu.memory_space<vmem>>) dst(%dma_wait3A_199 : memref<80x128xf32, #tpu.memory_space<vmem_shared>>)
      tpu.yield
    }) : () -> ()
    %mul3A_26 = arith.constant 640 : i32
    %mul3A_27 = arith.muli %arg1, %mul3A_26 : i32
    %add3A_28 = arith.constant 400 : i32
    %add3A_29 = arith.addi %mul3A_27, %add3A_28 : i32
    "tpu.region"() ({
      %run_scoped3A = tpu.sem_alloc : memref<!tpu.dma_semaphore, #tpu.memory_space<semaphore_mem>>
      %dma_start3A_192 = arith.constant 0 : i32
      %dma_start3A_193 = tpu.memref_slice %arg17[%add3A_29, %dma_start3A_192] : memref<10240x128xf32, #tpu.memory_space<vmem_shared>> -> memref<80x128xf32, #tpu.memory_space<vmem_shared>>
      %dma_start3A_194 = arith.constant 0 : i32
      %dma_start3A_195 = tpu.memref_slice %arg17[%add3A_29, %dma_start3A_194] : memref<10240x128xf32, #tpu.memory_space<vmem_shared>> -> memref<80x128xf32, #tpu.memory_space<vmem_shared>>
      tpu.enqueue_dma source(%arg12 : memref<80x128xf32, #tpu.memory_space<vmem>>) target(%dma_start3A_195 : memref<80x128xf32, #tpu.memory_space<vmem_shared>>) target_semaphore(%run_scoped3A : memref<!tpu.dma_semaphore, #tpu.memory_space<semaphore_mem>>)
      %dma_wait3A_196 = arith.constant 0 : i32
      %dma_wait3A_197 = tpu.memref_slice %arg17[%add3A_29, %dma_wait3A_196] : memref<10240x128xf32, #tpu.memory_space<vmem_shared>> -> memref<80x128xf32, #tpu.memory_space<vmem_shared>>
      %dma_wait3A_198 = arith.constant 0 : i32
      %dma_wait3A_199 = tpu.memref_slice %arg17[%add3A_29, %dma_wait3A_198] : memref<10240x128xf32, #tpu.memory_space<vmem_shared>> -> memref<80x128xf32, #tpu.memory_space<vmem_shared>>
      tpu.wait_dma2 semaphore(%run_scoped3A : memref<!tpu.dma_semaphore, #tpu.memory_space<semaphore_mem>>) src(%arg12 : memref<80x128xf32, #tpu.memory_space<vmem>>) dst(%dma_wait3A_199 : memref<80x128xf32, #tpu.memory_space<vmem_shared>>)
      tpu.yield
    }) : () -> ()
    %mul3A_30 = arith.constant 640 : i32
    %mul3A_31 = arith.muli %arg1, %mul3A_30 : i32
    %add3A_32 = arith.constant 480 : i32
    %add3A_33 = arith.addi %mul3A_31, %add3A_32 : i32
    "tpu.region"() ({
      %run_scoped3A = tpu.sem_alloc : memref<!tpu.dma_semaphore, #tpu.memory_space<semaphore_mem>>
      %dma_start3A_192 = arith.constant 0 : i32
      %dma_start3A_193 = tpu.memref_slice %arg17[%add3A_33, %dma_start3A_192] : memref<10240x128xf32, #tpu.memory_space<vmem_shared>> -> memref<80x128xf32, #tpu.memory_space<vmem_shared>>
      %dma_start3A_194 = arith.constant 0 : i32
      %dma_start3A_195 = tpu.memref_slice %arg17[%add3A_33, %dma_start3A_194] : memref<10240x128xf32, #tpu.memory_space<vmem_shared>> -> memref<80x128xf32, #tpu.memory_space<vmem_shared>>
      tpu.enqueue_dma source(%arg12 : memref<80x128xf32, #tpu.memory_space<vmem>>) target(%dma_start3A_195 : memref<80x128xf32, #tpu.memory_space<vmem_shared>>) target_semaphore(%run_scoped3A : memref<!tpu.dma_semaphore, #tpu.memory_space<semaphore_mem>>)
      %dma_wait3A_196 = arith.constant 0 : i32
      %dma_wait3A_197 = tpu.memref_slice %arg17[%add3A_33, %dma_wait3A_196] : memref<10240x128xf32, #tpu.memory_space<vmem_shared>> -> memref<80x128xf32, #tpu.memory_space<vmem_shared>>
      %dma_wait3A_198 = arith.constant 0 : i32
      %dma_wait3A_199 = tpu.memref_slice %arg17[%add3A_33, %dma_wait3A_198] : memref<10240x128xf32, #tpu.memory_space<vmem_shared>> -> memref<80x128xf32, #tpu.memory_space<vmem_shared>>
      tpu.wait_dma2 semaphore(%run_scoped3A : memref<!tpu.dma_semaphore, #tpu.memory_space<semaphore_mem>>) src(%arg12 : memref<80x128xf32, #tpu.memory_space<vmem>>) dst(%dma_wait3A_199 : memref<80x128xf32, #tpu.memory_space<vmem_shared>>)
      tpu.yield
    }) : () -> ()
    %mul3A_34 = arith.constant 640 : i32
    %mul3A_35 = arith.muli %arg1, %mul3A_34 : i32
    %add3A_36 = arith.constant 560 : i32
    %add3A_37 = arith.addi %mul3A_35, %add3A_36 : i32
    "tpu.region"() ({
      %run_scoped3A = tpu.sem_alloc : memref<!tpu.dma_semaphore, #tpu.memory_space<semaphore_mem>>
      %dma_start3A_192 = arith.constant 0 : i32
      %dma_start3A_193 = tpu.memref_slice %arg17[%add3A_37, %dma_start3A_192] : memref<10240x128xf32, #tpu.memory_space<vmem_shared>> -> memref<80x128xf32, #tpu.memory_space<vmem_shared>>
      %dma_start3A_194 = arith.constant 0 : i32
      %dma_start3A_195 = tpu.memref_slice %arg17[%add3A_37, %dma_start3A_194] : memref<10240x128xf32, #tpu.memory_space<vmem_shared>> -> memref<80x128xf32, #tpu.memory_space<vmem_shared>>
      tpu.enqueue_dma source(%arg12 : memref<80x128xf32, #tpu.memory_space<vmem>>) target(%dma_start3A_195 : memref<80x128xf32, #tpu.memory_space<vmem_shared>>) target_semaphore(%run_scoped3A : memref<!tpu.dma_semaphore, #tpu.memory_space<semaphore_mem>>)
      %dma_wait3A_196 = arith.constant 0 : i32
      %dma_wait3A_197 = tpu.memref_slice %arg17[%add3A_37, %dma_wait3A_196] : memref<10240x128xf32, #tpu.memory_space<vmem_shared>> -> memref<80x128xf32, #tpu.memory_space<vmem_shared>>
      %dma_wait3A_198 = arith.constant 0 : i32
      %dma_wait3A_199 = tpu.memref_slice %arg17[%add3A_37, %dma_wait3A_198] : memref<10240x128xf32, #tpu.memory_space<vmem_shared>> -> memref<80x128xf32, #tpu.memory_space<vmem_shared>>
      tpu.wait_dma2 semaphore(%run_scoped3A : memref<!tpu.dma_semaphore, #tpu.memory_space<semaphore_mem>>) src(%arg12 : memref<80x128xf32, #tpu.memory_space<vmem>>) dst(%dma_wait3A_199 : memref<80x128xf32, #tpu.memory_space<vmem_shared>>)
      tpu.yield
    }) : () -> ()
    %barrier3A = arith.constant 0 : index
    tpu.barrier barrier_id(%barrier3A)
    %mul3A_38 = arith.constant 10000 : i32
    %mul3A_39 = arith.muli %add3A, %mul3A_38 : i32
    %add3A_40 = arith.constant 0 : i32
    %add3A_41 = arith.addi %mul3A_39, %add3A_40 : i32
    "tpu.region"() ({
      %run_scoped3A = tpu.sem_alloc : memref<!tpu.dma_semaphore, #tpu.memory_space<semaphore_mem>>
      %dma_start3A_192 = tpu.memref_slice %arg3[%add3A_41] : memref<320000xi32, #tpu.memory_space<hbm>> -> memref<80xi32, #tpu.memory_space<hbm>>
      %dma_start3A_193 = tpu.memref_slice %arg3[%add3A_41] : memref<320000xi32, #tpu.memory_space<hbm>> -> memref<80xi32, #tpu.memory_space<hbm>>
      tpu.enqueue_dma source(%dma_start3A_193 : memref<80xi32, #tpu.memory_space<hbm>>) target(%arg8 : memref<80xi32, #tpu.memory_space<vmem>>) target_semaphore(%run_scoped3A : memref<!tpu.dma_semaphore, #tpu.memory_space<semaphore_mem>>)
      %dma_wait3A_194 = tpu.memref_slice %arg3[%add3A_41] : memref<320000xi32, #tpu.memory_space<hbm>> -> memref<80xi32, #tpu.memory_space<hbm>>
      %dma_wait3A_195 = tpu.memref_slice %arg3[%add3A_41] : memref<320000xi32, #tpu.memory_space<hbm>> -> memref<80xi32, #tpu.memory_space<hbm>>
      tpu.wait_dma2 semaphore(%run_scoped3A : memref<!tpu.dma_semaphore, #tpu.memory_space<semaphore_mem>>) src(%dma_wait3A_195 : memref<80xi32, #tpu.memory_space<hbm>>) dst(%arg8 : memref<80xi32, #tpu.memory_space<vmem>>)
      tpu.yield
    }) : () -> ()
    %add3A_42 = arith.constant 0 : i32
    %add3A_43 = arith.addi %mul3A_39, %add3A_42 : i32
    "tpu.region"() ({
      %run_scoped3A = tpu.sem_alloc : memref<!tpu.dma_semaphore, #tpu.memory_space<semaphore_mem>>
      %dma_start3A_192 = tpu.memref_slice %arg4[%add3A_43] : memref<320000xi32, #tpu.memory_space<hbm>> -> memref<80xi32, #tpu.memory_space<hbm>>
      %dma_start3A_193 = tpu.memref_slice %arg4[%add3A_43] : memref<320000xi32, #tpu.memory_space<hbm>> -> memref<80xi32, #tpu.memory_space<hbm>>
      tpu.enqueue_dma source(%dma_start3A_193 : memref<80xi32, #tpu.memory_space<hbm>>) target(%arg9 : memref<80xi32, #tpu.memory_space<vmem>>) target_semaphore(%run_scoped3A : memref<!tpu.dma_semaphore, #tpu.memory_space<semaphore_mem>>)
      %dma_wait3A_194 = tpu.memref_slice %arg4[%add3A_43] : memref<320000xi32, #tpu.memory_space<hbm>> -> memref<80xi32, #tpu.memory_space<hbm>>
      %dma_wait3A_195 = tpu.memref_slice %arg4[%add3A_43] : memref<320000xi32, #tpu.memory_space<hbm>> -> memref<80xi32, #tpu.memory_space<hbm>>
      tpu.wait_dma2 semaphore(%run_scoped3A : memref<!tpu.dma_semaphore, #tpu.memory_space<semaphore_mem>>) src(%dma_wait3A_195 : memref<80xi32, #tpu.memory_space<hbm>>) dst(%arg9 : memref<80xi32, #tpu.memory_space<vmem>>)
      tpu.yield
    }) : () -> ()
    %dma_start3A = arith.constant 0 : i32
    %dma_start3A_44 = arith.constant 0 : i32
    %dma_start3A_45 = tpu.memref_slice %arg2[%dma_start3A, %dma_start3A_44] : memref<10000x128xf32, #tpu.memory_space<hbm>> -> memref<10000x128xf32, #tpu.memory_space<hbm>>
    tpu.enqueue_indirect_dma source(%dma_start3A_45 : memref<10000x128xf32, #tpu.memory_space<hbm>>) target(%arg12 : memref<80x128xf32, #tpu.memory_space<vmem>>) offsets(%arg8 : memref<80xi32, #tpu.memory_space<vmem>>) semaphore(%arg15 : memref<!tpu.dma_semaphore, #tpu.memory_space<semaphore_mem>>)
    %add3A_46 = arith.constant 80 : i32
    %add3A_47 = arith.addi %mul3A_39, %add3A_46 : i32
    "tpu.region"() ({
      %run_scoped3A = tpu.sem_alloc : memref<!tpu.dma_semaphore, #tpu.memory_space<semaphore_mem>>
      %dma_start3A_192 = tpu.memref_slice %arg3[%add3A_47] : memref<320000xi32, #tpu.memory_space<hbm>> -> memref<80xi32, #tpu.memory_space<hbm>>
      %dma_start3A_193 = tpu.memref_slice %arg3[%add3A_47] : memref<320000xi32, #tpu.memory_space<hbm>> -> memref<80xi32, #tpu.memory_space<hbm>>
      tpu.enqueue_dma source(%dma_start3A_193 : memref<80xi32, #tpu.memory_space<hbm>>) target(%arg10 : memref<80xi32, #tpu.memory_space<vmem>>) target_semaphore(%run_scoped3A : memref<!tpu.dma_semaphore, #tpu.memory_space<semaphore_mem>>)
      %dma_wait3A_194 = tpu.memref_slice %arg3[%add3A_47] : memref<320000xi32, #tpu.memory_space<hbm>> -> memref<80xi32, #tpu.memory_space<hbm>>
      %dma_wait3A_195 = tpu.memref_slice %arg3[%add3A_47] : memref<320000xi32, #tpu.memory_space<hbm>> -> memref<80xi32, #tpu.memory_space<hbm>>
      tpu.wait_dma2 semaphore(%run_scoped3A : memref<!tpu.dma_semaphore, #tpu.memory_space<semaphore_mem>>) src(%dma_wait3A_195 : memref<80xi32, #tpu.memory_space<hbm>>) dst(%arg10 : memref<80xi32, #tpu.memory_space<vmem>>)
      tpu.yield
    }) : () -> ()
    %add3A_48 = arith.constant 80 : i32
    %add3A_49 = arith.addi %mul3A_39, %add3A_48 : i32
    "tpu.region"() ({
      %run_scoped3A = tpu.sem_alloc : memref<!tpu.dma_semaphore, #tpu.memory_space<semaphore_mem>>
      %dma_start3A_192 = tpu.memref_slice %arg4[%add3A_49] : memref<320000xi32, #tpu.memory_space<hbm>> -> memref<80xi32, #tpu.memory_space<hbm>>
      %dma_start3A_193 = tpu.memref_slice %arg4[%add3A_49] : memref<320000xi32, #tpu.memory_space<hbm>> -> memref<80xi32, #tpu.memory_space<hbm>>
      tpu.enqueue_dma source(%dma_start3A_193 : memref<80xi32, #tpu.memory_space<hbm>>) target(%arg11 : memref<80xi32, #tpu.memory_space<vmem>>) target_semaphore(%run_scoped3A : memref<!tpu.dma_semaphore, #tpu.memory_space<semaphore_mem>>)
      %dma_wait3A_194 = tpu.memref_slice %arg4[%add3A_49] : memref<320000xi32, #tpu.memory_space<hbm>> -> memref<80xi32, #tpu.memory_space<hbm>>
      %dma_wait3A_195 = tpu.memref_slice %arg4[%add3A_49] : memref<320000xi32, #tpu.memory_space<hbm>> -> memref<80xi32, #tpu.memory_space<hbm>>
      tpu.wait_dma2 semaphore(%run_scoped3A : memref<!tpu.dma_semaphore, #tpu.memory_space<semaphore_mem>>) src(%dma_wait3A_195 : memref<80xi32, #tpu.memory_space<hbm>>) dst(%arg11 : memref<80xi32, #tpu.memory_space<vmem>>)
      tpu.yield
    }) : () -> ()
    %dma_start3A_50 = arith.constant 0 : i32
    %dma_start3A_51 = arith.constant 0 : i32
    %dma_start3A_52 = tpu.memref_slice %arg2[%dma_start3A_50, %dma_start3A_51] : memref<10000x128xf32, #tpu.memory_space<hbm>> -> memref<10000x128xf32, #tpu.memory_space<hbm>>
    tpu.enqueue_indirect_dma source(%dma_start3A_52 : memref<10000x128xf32, #tpu.memory_space<hbm>>) target(%arg13 : memref<80x128xf32, #tpu.memory_space<vmem>>) offsets(%arg10 : memref<80xi32, #tpu.memory_space<vmem>>) semaphore(%arg16 : memref<!tpu.dma_semaphore, #tpu.memory_space<semaphore_mem>>)
    %scan3A_53 = arith.constant 0 : i32
    %scan3A_54 = arith.constant 61 : i32
    %scan3A_55 = arith.addi %scan3A_53, %scan3A_54 : i32
    %scan3A_56 = arith.constant 1 : i32
    scf.for %scan3A_192 = %scan3A_53 to %scan3A_55 step %scan3A_56  : i32 {
      %mul3A_193 = arith.constant 2 : i32
      %mul3A_194 = arith.muli %mul3A_193, %scan3A_192 : i32
      %dma_wait3A_195 = arith.constant 0 : i32
      %dma_wait3A_196 = arith.constant 0 : i32
      %dma_wait3A_197 = tpu.memref_slice %arg2[%dma_wait3A_195, %dma_wait3A_196] : memref<10000x128xf32, #tpu.memory_space<hbm>> -> memref<10000x128xf32, #tpu.memory_space<hbm>>
      tpu.wait_indirect_dma semaphore(%arg15 : memref<!tpu.dma_semaphore, #tpu.memory_space<semaphore_mem>>) src(%dma_wait3A_197 : memref<10000x128xf32, #tpu.memory_space<hbm>>) dst(%arg12 : memref<80x128xf32, #tpu.memory_space<vmem>>)
      "tpu.region"() ({
        %run_scoped3A = tpu.sem_alloc : memref<!tpu.dma_semaphore, #tpu.memory_space<semaphore_mem>>
        %dma_start3A_225 = arith.constant 0 : i32
        %dma_start3A_226 = arith.constant 0 : i32
        %dma_start3A_227 = tpu.memref_slice %arg17[%dma_start3A_225, %dma_start3A_226] : memref<10240x128xf32, #tpu.memory_space<vmem_shared>> -> memref<10240x128xf32, #tpu.memory_space<vmem_shared>>
        tpu.enqueue_indirect_dma source(%arg12 : memref<80x128xf32, #tpu.memory_space<vmem>>) target(%dma_start3A_227 : memref<10240x128xf32, #tpu.memory_space<vmem_shared>>) offsets(%arg9 : memref<80xi32, #tpu.memory_space<vmem>>) semaphore(%run_scoped3A : memref<!tpu.dma_semaphore, #tpu.memory_space<semaphore_mem>>) {add = true}
        %dma_wait3A_228 = arith.constant 0 : i32
        %dma_wait3A_229 = arith.constant 0 : i32
        %dma_wait3A_230 = tpu.memref_slice %arg17[%dma_wait3A_228, %dma_wait3A_229] : memref<10240x128xf32, #tpu.memory_space<vmem_shared>> -> memref<10240x128xf32, #tpu.memory_space<vmem_shared>>
        tpu.wait_indirect_dma semaphore(%run_scoped3A : memref<!tpu.dma_semaphore, #tpu.memory_space<semaphore_mem>>) src(%arg12 : memref<80x128xf32, #tpu.memory_space<vmem>>) dst(%dma_wait3A_230 : memref<10240x128xf32, #tpu.memory_space<vmem_shared>>)
        tpu.yield
      }) : () -> ()
      %add3A_198 = arith.constant 2 : i32
      %add3A_199 = arith.addi %mul3A_194, %add3A_198 : i32
      %mul3A_200 = arith.constant 80 : i32
      %mul3A_201 = arith.muli %add3A_199, %mul3A_200 : i32
      %add3A_202 = arith.addi %mul3A_39, %mul3A_201 : i32
      "tpu.region"() ({
        %run_scoped3A = tpu.sem_alloc : memref<!tpu.dma_semaphore, #tpu.memory_space<semaphore_mem>>
        %dma_start3A_225 = tpu.memref_slice %arg3[%add3A_202] : memref<320000xi32, #tpu.memory_space<hbm>> -> memref<80xi32, #tpu.memory_space<hbm>>
        %dma_start3A_226 = tpu.memref_slice %arg3[%add3A_202] : memref<320000xi32, #tpu.memory_space<hbm>> -> memref<80xi32, #tpu.memory_space<hbm>>
        tpu.enqueue_dma source(%dma_start3A_226 : memref<80xi32, #tpu.memory_space<hbm>>) target(%arg8 : memref<80xi32, #tpu.memory_space<vmem>>) target_semaphore(%run_scoped3A : memref<!tpu.dma_semaphore, #tpu.memory_space<semaphore_mem>>)
        %dma_wait3A_227 = tpu.memref_slice %arg3[%add3A_202] : memref<320000xi32, #tpu.memory_space<hbm>> -> memref<80xi32, #tpu.memory_space<hbm>>
        %dma_wait3A_228 = tpu.memref_slice %arg3[%add3A_202] : memref<320000xi32, #tpu.memory_space<hbm>> -> memref<80xi32, #tpu.memory_space<hbm>>
        tpu.wait_dma2 semaphore(%run_scoped3A : memref<!tpu.dma_semaphore, #tpu.memory_space<semaphore_mem>>) src(%dma_wait3A_228 : memref<80xi32, #tpu.memory_space<hbm>>) dst(%arg8 : memref<80xi32, #tpu.memory_space<vmem>>)
        tpu.yield
      }) : () -> ()
      %mul3A_203 = arith.constant 80 : i32
      %mul3A_204 = arith.muli %add3A_199, %mul3A_203 : i32
      %add3A_205 = arith.addi %mul3A_39, %mul3A_204 : i32
      "tpu.region"() ({
        %run_scoped3A = tpu.sem_alloc : memref<!tpu.dma_semaphore, #tpu.memory_space<semaphore_mem>>
        %dma_start3A_225 = tpu.memref_slice %arg4[%add3A_205] : memref<320000xi32, #tpu.memory_space<hbm>> -> memref<80xi32, #tpu.memory_space<hbm>>
        %dma_start3A_226 = tpu.memref_slice %arg4[%add3A_205] : memref<320000xi32, #tpu.memory_space<hbm>> -> memref<80xi32, #tpu.memory_space<hbm>>
        tpu.enqueue_dma source(%dma_start3A_226 : memref<80xi32, #tpu.memory_space<hbm>>) target(%arg9 : memref<80xi32, #tpu.memory_space<vmem>>) target_semaphore(%run_scoped3A : memref<!tpu.dma_semaphore, #tpu.memory_space<semaphore_mem>>)
        %dma_wait3A_227 = tpu.memref_slice %arg4[%add3A_205] : memref<320000xi32, #tpu.memory_space<hbm>> -> memref<80xi32, #tpu.memory_space<hbm>>
        %dma_wait3A_228 = tpu.memref_slice %arg4[%add3A_205] : memref<320000xi32, #tpu.memory_space<hbm>> -> memref<80xi32, #tpu.memory_space<hbm>>
        tpu.wait_dma2 semaphore(%run_scoped3A : memref<!tpu.dma_semaphore, #tpu.memory_space<semaphore_mem>>) src(%dma_wait3A_228 : memref<80xi32, #tpu.memory_space<hbm>>) dst(%arg9 : memref<80xi32, #tpu.memory_space<vmem>>)
        tpu.yield
      }) : () -> ()
      %dma_start3A_206 = arith.constant 0 : i32
      %dma_start3A_207 = arith.constant 0 : i32
      %dma_start3A_208 = tpu.memref_slice %arg2[%dma_start3A_206, %dma_start3A_207] : memref<10000x128xf32, #tpu.memory_space<hbm>> -> memref<10000x128xf32, #tpu.memory_space<hbm>>
      tpu.enqueue_indirect_dma source(%dma_start3A_208 : memref<10000x128xf32, #tpu.memory_space<hbm>>) target(%arg12 : memref<80x128xf32, #tpu.memory_space<vmem>>) offsets(%arg8 : memref<80xi32, #tpu.memory_space<vmem>>) semaphore(%arg15 : memref<!tpu.dma_semaphore, #tpu.memory_space<semaphore_mem>>)
      %add3A_209 = arith.constant 1 : i32
      %add3A_210 = arith.addi %mul3A_194, %add3A_209 : i32
      %dma_wait3A_211 = arith.constant 0 : i32
      %dma_wait3A_212 = arith.constant 0 : i32
      %dma_wait3A_213 = tpu.memref_slice %arg2[%dma_wait3A_211, %dma_wait3A_212] : memref<10000x128xf32, #tpu.memory_space<hbm>> -> memref<10000x128xf32, #tpu.memory_space<hbm>>
      tpu.wait_indirect_dma semaphore(%arg16 : memref<!tpu.dma_semaphore, #tpu.memory_space<semaphore_mem>>) src(%dma_wait3A_213 : memref<10000x128xf32, #tpu.memory_space<hbm>>) dst(%arg13 : memref<80x128xf32, #tpu.memory_space<vmem>>)
      "tpu.region"() ({
        %run_scoped3A = tpu.sem_alloc : memref<!tpu.dma_semaphore, #tpu.memory_space<semaphore_mem>>
        %dma_start3A_225 = arith.constant 0 : i32
        %dma_start3A_226 = arith.constant 0 : i32
        %dma_start3A_227 = tpu.memref_slice %arg17[%dma_start3A_225, %dma_start3A_226] : memref<10240x128xf32, #tpu.memory_space<vmem_shared>> -> memref<10240x128xf32, #tpu.memory_space<vmem_shared>>
        tpu.enqueue_indirect_dma source(%arg13 : memref<80x128xf32, #tpu.memory_space<vmem>>) target(%dma_start3A_227 : memref<10240x128xf32, #tpu.memory_space<vmem_shared>>) offsets(%arg11 : memref<80xi32, #tpu.memory_space<vmem>>) semaphore(%run_scoped3A : memref<!tpu.dma_semaphore, #tpu.memory_space<semaphore_mem>>) {add = true}
        %dma_wait3A_228 = arith.constant 0 : i32
        %dma_wait3A_229 = arith.constant 0 : i32
        %dma_wait3A_230 = tpu.memref_slice %arg17[%dma_wait3A_228, %dma_wait3A_229] : memref<10240x128xf32, #tpu.memory_space<vmem_shared>> -> memref<10240x128xf32, #tpu.memory_space<vmem_shared>>
        tpu.wait_indirect_dma semaphore(%run_scoped3A : memref<!tpu.dma_semaphore, #tpu.memory_space<semaphore_mem>>) src(%arg13 : memref<80x128xf32, #tpu.memory_space<vmem>>) dst(%dma_wait3A_230 : memref<10240x128xf32, #tpu.memory_space<vmem_shared>>)
        tpu.yield
      }) : () -> ()
      %add3A_214 = arith.constant 2 : i32
      %add3A_215 = arith.addi %add3A_210, %add3A_214 : i32
      %mul3A_216 = arith.constant 80 : i32
      %mul3A_217 = arith.muli %add3A_215, %mul3A_216 : i32
      %add3A_218 = arith.addi %mul3A_39, %mul3A_217 : i32
      "tpu.region"() ({
        %run_scoped3A = tpu.sem_alloc : memref<!tpu.dma_semaphore, #tpu.memory_space<semaphore_mem>>
        %dma_start3A_225 = tpu.memref_slice %arg3[%add3A_218] : memref<320000xi32, #tpu.memory_space<hbm>> -> memref<80xi32, #tpu.memory_space<hbm>>
        %dma_start3A_226 = tpu.memref_slice %arg3[%add3A_218] : memref<320000xi32, #tpu.memory_space<hbm>> -> memref<80xi32, #tpu.memory_space<hbm>>
        tpu.enqueue_dma source(%dma_start3A_226 : memref<80xi32, #tpu.memory_space<hbm>>) target(%arg10 : memref<80xi32, #tpu.memory_space<vmem>>) target_semaphore(%run_scoped3A : memref<!tpu.dma_semaphore, #tpu.memory_space<semaphore_mem>>)
        %dma_wait3A_227 = tpu.memref_slice %arg3[%add3A_218] : memref<320000xi32, #tpu.memory_space<hbm>> -> memref<80xi32, #tpu.memory_space<hbm>>
        %dma_wait3A_228 = tpu.memref_slice %arg3[%add3A_218] : memref<320000xi32, #tpu.memory_space<hbm>> -> memref<80xi32, #tpu.memory_space<hbm>>
        tpu.wait_dma2 semaphore(%run_scoped3A : memref<!tpu.dma_semaphore, #tpu.memory_space<semaphore_mem>>) src(%dma_wait3A_228 : memref<80xi32, #tpu.memory_space<hbm>>) dst(%arg10 : memref<80xi32, #tpu.memory_space<vmem>>)
        tpu.yield
      }) : () -> ()
      %mul3A_219 = arith.constant 80 : i32
      %mul3A_220 = arith.muli %add3A_215, %mul3A_219 : i32
      %add3A_221 = arith.addi %mul3A_39, %mul3A_220 : i32
      "tpu.region"() ({
        %run_scoped3A = tpu.sem_alloc : memref<!tpu.dma_semaphore, #tpu.memory_space<semaphore_mem>>
        %dma_start3A_225 = tpu.memref_slice %arg4[%add3A_221] : memref<320000xi32, #tpu.memory_space<hbm>> -> memref<80xi32, #tpu.memory_space<hbm>>
        %dma_start3A_226 = tpu.memref_slice %arg4[%add3A_221] : memref<320000xi32, #tpu.memory_space<hbm>> -> memref<80xi32, #tpu.memory_space<hbm>>
        tpu.enqueue_dma source(%dma_start3A_226 : memref<80xi32, #tpu.memory_space<hbm>>) target(%arg11 : memref<80xi32, #tpu.memory_space<vmem>>) target_semaphore(%run_scoped3A : memref<!tpu.dma_semaphore, #tpu.memory_space<semaphore_mem>>)
        %dma_wait3A_227 = tpu.memref_slice %arg4[%add3A_221] : memref<320000xi32, #tpu.memory_space<hbm>> -> memref<80xi32, #tpu.memory_space<hbm>>
        %dma_wait3A_228 = tpu.memref_slice %arg4[%add3A_221] : memref<320000xi32, #tpu.memory_space<hbm>> -> memref<80xi32, #tpu.memory_space<hbm>>
        tpu.wait_dma2 semaphore(%run_scoped3A : memref<!tpu.dma_semaphore, #tpu.memory_space<semaphore_mem>>) src(%dma_wait3A_228 : memref<80xi32, #tpu.memory_space<hbm>>) dst(%arg11 : memref<80xi32, #tpu.memory_space<vmem>>)
        tpu.yield
      }) : () -> ()
      %dma_start3A_222 = arith.constant 0 : i32
      %dma_start3A_223 = arith.constant 0 : i32
      %dma_start3A_224 = tpu.memref_slice %arg2[%dma_start3A_222, %dma_start3A_223] : memref<10000x128xf32, #tpu.memory_space<hbm>> -> memref<10000x128xf32, #tpu.memory_space<hbm>>
      tpu.enqueue_indirect_dma source(%dma_start3A_224 : memref<10000x128xf32, #tpu.memory_space<hbm>>) target(%arg13 : memref<80x128xf32, #tpu.memory_space<vmem>>) offsets(%arg10 : memref<80xi32, #tpu.memory_space<vmem>>) semaphore(%arg16 : memref<!tpu.dma_semaphore, #tpu.memory_space<semaphore_mem>>)
    }
    %scan3A_57 = arith.constant 61 : i32
    %dma_wait3A = arith.constant 0 : i32
    %dma_wait3A_58 = arith.constant 0 : i32
    %dma_wait3A_59 = tpu.memref_slice %arg2[%dma_wait3A, %dma_wait3A_58] : memref<10000x128xf32, #tpu.memory_space<hbm>> -> memref<10000x128xf32, #tpu.memory_space<hbm>>
    tpu.wait_indirect_dma semaphore(%arg15 : memref<!tpu.dma_semaphore, #tpu.memory_space<semaphore_mem>>) src(%dma_wait3A_59 : memref<10000x128xf32, #tpu.memory_space<hbm>>) dst(%arg12 : memref<80x128xf32, #tpu.memory_space<vmem>>)
    "tpu.region"() ({
      %run_scoped3A = tpu.sem_alloc : memref<!tpu.dma_semaphore, #tpu.memory_space<semaphore_mem>>
      %dma_start3A_192 = arith.constant 0 : i32
      %dma_start3A_193 = arith.constant 0 : i32
      %dma_start3A_194 = tpu.memref_slice %arg17[%dma_start3A_192, %dma_start3A_193] : memref<10240x128xf32, #tpu.memory_space<vmem_shared>> -> memref<10240x128xf32, #tpu.memory_space<vmem_shared>>
      tpu.enqueue_indirect_dma source(%arg12 : memref<80x128xf32, #tpu.memory_space<vmem>>) target(%dma_start3A_194 : memref<10240x128xf32, #tpu.memory_space<vmem_shared>>) offsets(%arg9 : memref<80xi32, #tpu.memory_space<vmem>>) semaphore(%run_scoped3A : memref<!tpu.dma_semaphore, #tpu.memory_space<semaphore_mem>>) {add = true}
      %dma_wait3A_195 = arith.constant 0 : i32
      %dma_wait3A_196 = arith.constant 0 : i32
      %dma_wait3A_197 = tpu.memref_slice %arg17[%dma_wait3A_195, %dma_wait3A_196] : memref<10240x128xf32, #tpu.memory_space<vmem_shared>> -> memref<10240x128xf32, #tpu.memory_space<vmem_shared>>
      tpu.wait_indirect_dma semaphore(%run_scoped3A : memref<!tpu.dma_semaphore, #tpu.memory_space<semaphore_mem>>) src(%arg12 : memref<80x128xf32, #tpu.memory_space<vmem>>) dst(%dma_wait3A_197 : memref<10240x128xf32, #tpu.memory_space<vmem_shared>>)
      tpu.yield
    }) : () -> ()
    %add3A_60 = arith.constant 9920 : i32
    %add3A_61 = arith.addi %mul3A_39, %add3A_60 : i32
    "tpu.region"() ({
      %run_scoped3A = tpu.sem_alloc : memref<!tpu.dma_semaphore, #tpu.memory_space<semaphore_mem>>
      %dma_start3A_192 = tpu.memref_slice %arg3[%add3A_61] : memref<320000xi32, #tpu.memory_space<hbm>> -> memref<80xi32, #tpu.memory_space<hbm>>
      %dma_start3A_193 = tpu.memref_slice %arg3[%add3A_61] : memref<320000xi32, #tpu.memory_space<hbm>> -> memref<80xi32, #tpu.memory_space<hbm>>
      tpu.enqueue_dma source(%dma_start3A_193 : memref<80xi32, #tpu.memory_space<hbm>>) target(%arg8 : memref<80xi32, #tpu.memory_space<vmem>>) target_semaphore(%run_scoped3A : memref<!tpu.dma_semaphore, #tpu.memory_space<semaphore_mem>>)
      %dma_wait3A_194 = tpu.memref_slice %arg3[%add3A_61] : memref<320000xi32, #tpu.memory_space<hbm>> -> memref<80xi32, #tpu.memory_space<hbm>>
      %dma_wait3A_195 = tpu.memref_slice %arg3[%add3A_61] : memref<320000xi32, #tpu.memory_space<hbm>> -> memref<80xi32, #tpu.memory_space<hbm>>
      tpu.wait_dma2 semaphore(%run_scoped3A : memref<!tpu.dma_semaphore, #tpu.memory_space<semaphore_mem>>) src(%dma_wait3A_195 : memref<80xi32, #tpu.memory_space<hbm>>) dst(%arg8 : memref<80xi32, #tpu.memory_space<vmem>>)
      tpu.yield
    }) : () -> ()
    %add3A_62 = arith.constant 9920 : i32
    %add3A_63 = arith.addi %mul3A_39, %add3A_62 : i32
    "tpu.region"() ({
      %run_scoped3A = tpu.sem_alloc : memref<!tpu.dma_semaphore, #tpu.memory_space<semaphore_mem>>
      %dma_start3A_192 = tpu.memref_slice %arg4[%add3A_63] : memref<320000xi32, #tpu.memory_space<hbm>> -> memref<80xi32, #tpu.memory_space<hbm>>
      %dma_start3A_193 = tpu.memref_slice %arg4[%add3A_63] : memref<320000xi32, #tpu.memory_space<hbm>> -> memref<80xi32, #tpu.memory_space<hbm>>
      tpu.enqueue_dma source(%dma_start3A_193 : memref<80xi32, #tpu.memory_space<hbm>>) target(%arg9 : memref<80xi32, #tpu.memory_space<vmem>>) target_semaphore(%run_scoped3A : memref<!tpu.dma_semaphore, #tpu.memory_space<semaphore_mem>>)
      %dma_wait3A_194 = tpu.memref_slice %arg4[%add3A_63] : memref<320000xi32, #tpu.memory_space<hbm>> -> memref<80xi32, #tpu.memory_space<hbm>>
      %dma_wait3A_195 = tpu.memref_slice %arg4[%add3A_63] : memref<320000xi32, #tpu.memory_space<hbm>> -> memref<80xi32, #tpu.memory_space<hbm>>
      tpu.wait_dma2 semaphore(%run_scoped3A : memref<!tpu.dma_semaphore, #tpu.memory_space<semaphore_mem>>) src(%dma_wait3A_195 : memref<80xi32, #tpu.memory_space<hbm>>) dst(%arg9 : memref<80xi32, #tpu.memory_space<vmem>>)
      tpu.yield
    }) : () -> ()
    %dma_start3A_64 = arith.constant 0 : i32
    %dma_start3A_65 = arith.constant 0 : i32
    %dma_start3A_66 = tpu.memref_slice %arg2[%dma_start3A_64, %dma_start3A_65] : memref<10000x128xf32, #tpu.memory_space<hbm>> -> memref<10000x128xf32, #tpu.memory_space<hbm>>
    tpu.enqueue_indirect_dma source(%dma_start3A_66 : memref<10000x128xf32, #tpu.memory_space<hbm>>) target(%arg12 : memref<80x128xf32, #tpu.memory_space<vmem>>) offsets(%arg8 : memref<80xi32, #tpu.memory_space<vmem>>) semaphore(%arg15 : memref<!tpu.dma_semaphore, #tpu.memory_space<semaphore_mem>>)
    %dma_wait3A_67 = arith.constant 0 : i32
    %dma_wait3A_68 = arith.constant 0 : i32
    %dma_wait3A_69 = tpu.memref_slice %arg2[%dma_wait3A_67, %dma_wait3A_68] : memref<10000x128xf32, #tpu.memory_space<hbm>> -> memref<10000x128xf32, #tpu.memory_space<hbm>>
    tpu.wait_indirect_dma semaphore(%arg16 : memref<!tpu.dma_semaphore, #tpu.memory_space<semaphore_mem>>) src(%dma_wait3A_69 : memref<10000x128xf32, #tpu.memory_space<hbm>>) dst(%arg13 : memref<80x128xf32, #tpu.memory_space<vmem>>)
    "tpu.region"() ({
      %run_scoped3A = tpu.sem_alloc : memref<!tpu.dma_semaphore, #tpu.memory_space<semaphore_mem>>
      %dma_start3A_192 = arith.constant 0 : i32
      %dma_start3A_193 = arith.constant 0 : i32
      %dma_start3A_194 = tpu.memref_slice %arg17[%dma_start3A_192, %dma_start3A_193] : memref<10240x128xf32, #tpu.memory_space<vmem_shared>> -> memref<10240x128xf32, #tpu.memory_space<vmem_shared>>
      tpu.enqueue_indirect_dma source(%arg13 : memref<80x128xf32, #tpu.memory_space<vmem>>) target(%dma_start3A_194 : memref<10240x128xf32, #tpu.memory_space<vmem_shared>>) offsets(%arg11 : memref<80xi32, #tpu.memory_space<vmem>>) semaphore(%run_scoped3A : memref<!tpu.dma_semaphore, #tpu.memory_space<semaphore_mem>>) {add = true}
      %dma_wait3A_195 = arith.constant 0 : i32
      %dma_wait3A_196 = arith.constant 0 : i32
      %dma_wait3A_197 = tpu.memref_slice %arg17[%dma_wait3A_195, %dma_wait3A_196] : memref<10240x128xf32, #tpu.memory_space<vmem_shared>> -> memref<10240x128xf32, #tpu.memory_space<vmem_shared>>
      tpu.wait_indirect_dma semaphore(%run_scoped3A : memref<!tpu.dma_semaphore, #tpu.memory_space<semaphore_mem>>) src(%arg13 : memref<80x128xf32, #tpu.memory_space<vmem>>) dst(%dma_wait3A_197 : memref<10240x128xf32, #tpu.memory_space<vmem_shared>>)
      tpu.yield
    }) : () -> ()
    %dma_wait3A_70 = arith.constant 0 : i32
    %dma_wait3A_71 = arith.constant 0 : i32
    %dma_wait3A_72 = tpu.memref_slice %arg2[%dma_wait3A_70, %dma_wait3A_71] : memref<10000x128xf32, #tpu.memory_space<hbm>> -> memref<10000x128xf32, #tpu.memory_space<hbm>>
    tpu.wait_indirect_dma semaphore(%arg15 : memref<!tpu.dma_semaphore, #tpu.memory_space<semaphore_mem>>) src(%dma_wait3A_72 : memref<10000x128xf32, #tpu.memory_space<hbm>>) dst(%arg12 : memref<80x128xf32, #tpu.memory_space<vmem>>)
    "tpu.region"() ({
      %run_scoped3A = tpu.sem_alloc : memref<!tpu.dma_semaphore, #tpu.memory_space<semaphore_mem>>
      %dma_start3A_192 = arith.constant 0 : i32
      %dma_start3A_193 = arith.constant 0 : i32
      %dma_start3A_194 = tpu.memref_slice %arg17[%dma_start3A_192, %dma_start3A_193] : memref<10240x128xf32, #tpu.memory_space<vmem_shared>> -> memref<10240x128xf32, #tpu.memory_space<vmem_shared>>
      tpu.enqueue_indirect_dma source(%arg12 : memref<80x128xf32, #tpu.memory_space<vmem>>) target(%dma_start3A_194 : memref<10240x128xf32, #tpu.memory_space<vmem_shared>>) offsets(%arg9 : memref<80xi32, #tpu.memory_space<vmem>>) semaphore(%run_scoped3A : memref<!tpu.dma_semaphore, #tpu.memory_space<semaphore_mem>>) {add = true}
      %dma_wait3A_195 = arith.constant 0 : i32
      %dma_wait3A_196 = arith.constant 0 : i32
      %dma_wait3A_197 = tpu.memref_slice %arg17[%dma_wait3A_195, %dma_wait3A_196] : memref<10240x128xf32, #tpu.memory_space<vmem_shared>> -> memref<10240x128xf32, #tpu.memory_space<vmem_shared>>
      tpu.wait_indirect_dma semaphore(%run_scoped3A : memref<!tpu.dma_semaphore, #tpu.memory_space<semaphore_mem>>) src(%arg12 : memref<80x128xf32, #tpu.memory_space<vmem>>) dst(%dma_wait3A_197 : memref<10240x128xf32, #tpu.memory_space<vmem_shared>>)
      tpu.yield
    }) : () -> ()
    %barrier3A_73 = arith.constant 0 : index
    tpu.barrier barrier_id(%barrier3A_73)
    %mul3A_74 = arith.constant 640 : i32
    %mul3A_75 = arith.muli %arg1, %mul3A_74 : i32
    %add3A_76 = arith.constant 0 : i32
    %add3A_77 = arith.addi %mul3A_75, %add3A_76 : i32
    "tpu.region"() ({
      %run_scoped3A = tpu.sem_alloc : memref<!tpu.dma_semaphore, #tpu.memory_space<semaphore_mem>>
      %dma_start3A_192 = arith.constant 0 : i32
      %dma_start3A_193 = tpu.memref_slice %arg17[%add3A_77, %dma_start3A_192] : memref<10240x128xf32, #tpu.memory_space<vmem_shared>> -> memref<80x128xf32, #tpu.memory_space<vmem_shared>>
      %dma_start3A_194 = arith.constant 0 : i32
      %dma_start3A_195 = tpu.memref_slice %arg17[%add3A_77, %dma_start3A_194] : memref<10240x128xf32, #tpu.memory_space<vmem_shared>> -> memref<80x128xf32, #tpu.memory_space<vmem_shared>>
      tpu.enqueue_dma source(%dma_start3A_195 : memref<80x128xf32, #tpu.memory_space<vmem_shared>>) target(%arg12 : memref<80x128xf32, #tpu.memory_space<vmem>>) target_semaphore(%run_scoped3A : memref<!tpu.dma_semaphore, #tpu.memory_space<semaphore_mem>>)
      %dma_wait3A_196 = arith.constant 0 : i32
      %dma_wait3A_197 = tpu.memref_slice %arg17[%add3A_77, %dma_wait3A_196] : memref<10240x128xf32, #tpu.memory_space<vmem_shared>> -> memref<80x128xf32, #tpu.memory_space<vmem_shared>>
      %dma_wait3A_198 = arith.constant 0 : i32
      %dma_wait3A_199 = tpu.memref_slice %arg17[%add3A_77, %dma_wait3A_198] : memref<10240x128xf32, #tpu.memory_space<vmem_shared>> -> memref<80x128xf32, #tpu.memory_space<vmem_shared>>
      tpu.wait_dma2 semaphore(%run_scoped3A : memref<!tpu.dma_semaphore, #tpu.memory_space<semaphore_mem>>) src(%dma_wait3A_199 : memref<80x128xf32, #tpu.memory_space<vmem_shared>>) dst(%arg12 : memref<80x128xf32, #tpu.memory_space<vmem>>)
      tpu.yield
    }) : () -> ()
    "tpu.region"() ({
      %run_scoped3A = tpu.sem_alloc : memref<!tpu.dma_semaphore, #tpu.memory_space<semaphore_mem>>
      %dma_start3A_192 = arith.constant 0 : i32
      %dma_start3A_193 = tpu.memref_slice %arg6[%arg0, %add3A_77, %dma_start3A_192] : memref<2x10240x128xf32, #tpu.memory_space<hbm>> -> memref<1x80x128xf32, #tpu.memory_space<hbm>>
      %dma_start3A_194 = tpu.memref_squeeze %dma_start3A_193 : memref<1x80x128xf32, #tpu.memory_space<hbm>> -> memref<80x128xf32, #tpu.memory_space<hbm>>
      %dma_start3A_195 = arith.constant 0 : i32
      %dma_start3A_196 = tpu.memref_slice %arg6[%arg0, %add3A_77, %dma_start3A_195] : memref<2x10240x128xf32, #tpu.memory_space<hbm>> -> memref<1x80x128xf32, #tpu.memory_space<hbm>>
      %dma_start3A_197 = tpu.memref_squeeze %dma_start3A_196 : memref<1x80x128xf32, #tpu.memory_space<hbm>> -> memref<80x128xf32, #tpu.memory_space<hbm>>
      tpu.enqueue_dma source(%arg12 : memref<80x128xf32, #tpu.memory_space<vmem>>) target(%dma_start3A_197 : memref<80x128xf32, #tpu.memory_space<hbm>>) target_semaphore(%run_scoped3A : memref<!tpu.dma_semaphore, #tpu.memory_space<semaphore_mem>>)
      %dma_wait3A_198 = arith.constant 0 : i32
      %dma_wait3A_199 = tpu.memref_slice %arg6[%arg0, %add3A_77, %dma_wait3A_198] : memref<2x10240x128xf32, #tpu.memory_space<hbm>> -> memref<1x80x128xf32, #tpu.memory_space<hbm>>
      %dma_wait3A_200 = tpu.memref_squeeze %dma_wait3A_199 : memref<1x80x128xf32, #tpu.memory_space<hbm>> -> memref<80x128xf32, #tpu.memory_space<hbm>>
      %dma_wait3A_201 = arith.constant 0 : i32
      %dma_wait3A_202 = tpu.memref_slice %arg6[%arg0, %add3A_77, %dma_wait3A_201] : memref<2x10240x128xf32, #tpu.memory_space<hbm>> -> memref<1x80x128xf32, #tpu.memory_space<hbm>>
      %dma_wait3A_203 = tpu.memref_squeeze %dma_wait3A_202 : memref<1x80x128xf32, #tpu.memory_space<hbm>> -> memref<80x128xf32, #tpu.memory_space<hbm>>
      tpu.wait_dma2 semaphore(%run_scoped3A : memref<!tpu.dma_semaphore, #tpu.memory_space<semaphore_mem>>) src(%arg12 : memref<80x128xf32, #tpu.memory_space<vmem>>) dst(%dma_wait3A_203 : memref<80x128xf32, #tpu.memory_space<hbm>>)
      tpu.yield
    }) : () -> ()
    %mul3A_78 = arith.constant 640 : i32
    %mul3A_79 = arith.muli %arg1, %mul3A_78 : i32
    %add3A_80 = arith.constant 80 : i32
    %add3A_81 = arith.addi %mul3A_79, %add3A_80 : i32
    "tpu.region"() ({
      %run_scoped3A = tpu.sem_alloc : memref<!tpu.dma_semaphore, #tpu.memory_space<semaphore_mem>>
      %dma_start3A_192 = arith.constant 0 : i32
      %dma_start3A_193 = tpu.memref_slice %arg17[%add3A_81, %dma_start3A_192] : memref<10240x128xf32, #tpu.memory_space<vmem_shared>> -> memref<80x128xf32, #tpu.memory_space<vmem_shared>>
      %dma_start3A_194 = arith.constant 0 : i32
      %dma_start3A_195 = tpu.memref_slice %arg17[%add3A_81, %dma_start3A_194] : memref<10240x128xf32, #tpu.memory_space<vmem_shared>> -> memref<80x128xf32, #tpu.memory_space<vmem_shared>>
      tpu.enqueue_dma source(%dma_start3A_195 : memref<80x128xf32, #tpu.memory_space<vmem_shared>>) target(%arg12 : memref<80x128xf32, #tpu.memory_space<vmem>>) target_semaphore(%run_scoped3A : memref<!tpu.dma_semaphore, #tpu.memory_space<semaphore_mem>>)
      %dma_wait3A_196 = arith.constant 0 : i32
      %dma_wait3A_197 = tpu.memref_slice %arg17[%add3A_81, %dma_wait3A_196] : memref<10240x128xf32, #tpu.memory_space<vmem_shared>> -> memref<80x128xf32, #tpu.memory_space<vmem_shared>>
      %dma_wait3A_198 = arith.constant 0 : i32
      %dma_wait3A_199 = tpu.memref_slice %arg17[%add3A_81, %dma_wait3A_198] : memref<10240x128xf32, #tpu.memory_space<vmem_shared>> -> memref<80x128xf32, #tpu.memory_space<vmem_shared>>
      tpu.wait_dma2 semaphore(%run_scoped3A : memref<!tpu.dma_semaphore, #tpu.memory_space<semaphore_mem>>) src(%dma_wait3A_199 : memref<80x128xf32, #tpu.memory_space<vmem_shared>>) dst(%arg12 : memref<80x128xf32, #tpu.memory_space<vmem>>)
      tpu.yield
    }) : () -> ()
    "tpu.region"() ({
      %run_scoped3A = tpu.sem_alloc : memref<!tpu.dma_semaphore, #tpu.memory_space<semaphore_mem>>
      %dma_start3A_192 = arith.constant 0 : i32
      %dma_start3A_193 = tpu.memref_slice %arg6[%arg0, %add3A_81, %dma_start3A_192] : memref<2x10240x128xf32, #tpu.memory_space<hbm>> -> memref<1x80x128xf32, #tpu.memory_space<hbm>>
      %dma_start3A_194 = tpu.memref_squeeze %dma_start3A_193 : memref<1x80x128xf32, #tpu.memory_space<hbm>> -> memref<80x128xf32, #tpu.memory_space<hbm>>
      %dma_start3A_195 = arith.constant 0 : i32
      %dma_start3A_196 = tpu.memref_slice %arg6[%arg0, %add3A_81, %dma_start3A_195] : memref<2x10240x128xf32, #tpu.memory_space<hbm>> -> memref<1x80x128xf32, #tpu.memory_space<hbm>>
      %dma_start3A_197 = tpu.memref_squeeze %dma_start3A_196 : memref<1x80x128xf32, #tpu.memory_space<hbm>> -> memref<80x128xf32, #tpu.memory_space<hbm>>
      tpu.enqueue_dma source(%arg12 : memref<80x128xf32, #tpu.memory_space<vmem>>) target(%dma_start3A_197 : memref<80x128xf32, #tpu.memory_space<hbm>>) target_semaphore(%run_scoped3A : memref<!tpu.dma_semaphore, #tpu.memory_space<semaphore_mem>>)
      %dma_wait3A_198 = arith.constant 0 : i32
      %dma_wait3A_199 = tpu.memref_slice %arg6[%arg0, %add3A_81, %dma_wait3A_198] : memref<2x10240x128xf32, #tpu.memory_space<hbm>> -> memref<1x80x128xf32, #tpu.memory_space<hbm>>
      %dma_wait3A_200 = tpu.memref_squeeze %dma_wait3A_199 : memref<1x80x128xf32, #tpu.memory_space<hbm>> -> memref<80x128xf32, #tpu.memory_space<hbm>>
      %dma_wait3A_201 = arith.constant 0 : i32
      %dma_wait3A_202 = tpu.memref_slice %arg6[%arg0, %add3A_81, %dma_wait3A_201] : memref<2x10240x128xf32, #tpu.memory_space<hbm>> -> memref<1x80x128xf32, #tpu.memory_space<hbm>>
      %dma_wait3A_203 = tpu.memref_squeeze %dma_wait3A_202 : memref<1x80x128xf32, #tpu.memory_space<hbm>> -> memref<80x128xf32, #tpu.memory_space<hbm>>
      tpu.wait_dma2 semaphore(%run_scoped3A : memref<!tpu.dma_semaphore, #tpu.memory_space<semaphore_mem>>) src(%arg12 : memref<80x128xf32, #tpu.memory_space<vmem>>) dst(%dma_wait3A_203 : memref<80x128xf32, #tpu.memory_space<hbm>>)
      tpu.yield
    }) : () -> ()
    %mul3A_82 = arith.constant 640 : i32
    %mul3A_83 = arith.muli %arg1, %mul3A_82 : i32
    %add3A_84 = arith.constant 160 : i32
    %add3A_85 = arith.addi %mul3A_83, %add3A_84 : i32
    "tpu.region"() ({
      %run_scoped3A = tpu.sem_alloc : memref<!tpu.dma_semaphore, #tpu.memory_space<semaphore_mem>>
      %dma_start3A_192 = arith.constant 0 : i32
      %dma_start3A_193 = tpu.memref_slice %arg17[%add3A_85, %dma_start3A_192] : memref<10240x128xf32, #tpu.memory_space<vmem_shared>> -> memref<80x128xf32, #tpu.memory_space<vmem_shared>>
      %dma_start3A_194 = arith.constant 0 : i32
      %dma_start3A_195 = tpu.memref_slice %arg17[%add3A_85, %dma_start3A_194] : memref<10240x128xf32, #tpu.memory_space<vmem_shared>> -> memref<80x128xf32, #tpu.memory_space<vmem_shared>>
      tpu.enqueue_dma source(%dma_start3A_195 : memref<80x128xf32, #tpu.memory_space<vmem_shared>>) target(%arg12 : memref<80x128xf32, #tpu.memory_space<vmem>>) target_semaphore(%run_scoped3A : memref<!tpu.dma_semaphore, #tpu.memory_space<semaphore_mem>>)
      %dma_wait3A_196 = arith.constant 0 : i32
      %dma_wait3A_197 = tpu.memref_slice %arg17[%add3A_85, %dma_wait3A_196] : memref<10240x128xf32, #tpu.memory_space<vmem_shared>> -> memref<80x128xf32, #tpu.memory_space<vmem_shared>>
      %dma_wait3A_198 = arith.constant 0 : i32
      %dma_wait3A_199 = tpu.memref_slice %arg17[%add3A_85, %dma_wait3A_198] : memref<10240x128xf32, #tpu.memory_space<vmem_shared>> -> memref<80x128xf32, #tpu.memory_space<vmem_shared>>
      tpu.wait_dma2 semaphore(%run_scoped3A : memref<!tpu.dma_semaphore, #tpu.memory_space<semaphore_mem>>) src(%dma_wait3A_199 : memref<80x128xf32, #tpu.memory_space<vmem_shared>>) dst(%arg12 : memref<80x128xf32, #tpu.memory_space<vmem>>)
      tpu.yield
    }) : () -> ()
    "tpu.region"() ({
      %run_scoped3A = tpu.sem_alloc : memref<!tpu.dma_semaphore, #tpu.memory_space<semaphore_mem>>
      %dma_start3A_192 = arith.constant 0 : i32
      %dma_start3A_193 = tpu.memref_slice %arg6[%arg0, %add3A_85, %dma_start3A_192] : memref<2x10240x128xf32, #tpu.memory_space<hbm>> -> memref<1x80x128xf32, #tpu.memory_space<hbm>>
      %dma_start3A_194 = tpu.memref_squeeze %dma_start3A_193 : memref<1x80x128xf32, #tpu.memory_space<hbm>> -> memref<80x128xf32, #tpu.memory_space<hbm>>
      %dma_start3A_195 = arith.constant 0 : i32
      %dma_start3A_196 = tpu.memref_slice %arg6[%arg0, %add3A_85, %dma_start3A_195] : memref<2x10240x128xf32, #tpu.memory_space<hbm>> -> memref<1x80x128xf32, #tpu.memory_space<hbm>>
      %dma_start3A_197 = tpu.memref_squeeze %dma_start3A_196 : memref<1x80x128xf32, #tpu.memory_space<hbm>> -> memref<80x128xf32, #tpu.memory_space<hbm>>
      tpu.enqueue_dma source(%arg12 : memref<80x128xf32, #tpu.memory_space<vmem>>) target(%dma_start3A_197 : memref<80x128xf32, #tpu.memory_space<hbm>>) target_semaphore(%run_scoped3A : memref<!tpu.dma_semaphore, #tpu.memory_space<semaphore_mem>>)
      %dma_wait3A_198 = arith.constant 0 : i32
      %dma_wait3A_199 = tpu.memref_slice %arg6[%arg0, %add3A_85, %dma_wait3A_198] : memref<2x10240x128xf32, #tpu.memory_space<hbm>> -> memref<1x80x128xf32, #tpu.memory_space<hbm>>
      %dma_wait3A_200 = tpu.memref_squeeze %dma_wait3A_199 : memref<1x80x128xf32, #tpu.memory_space<hbm>> -> memref<80x128xf32, #tpu.memory_space<hbm>>
      %dma_wait3A_201 = arith.constant 0 : i32
      %dma_wait3A_202 = tpu.memref_slice %arg6[%arg0, %add3A_85, %dma_wait3A_201] : memref<2x10240x128xf32, #tpu.memory_space<hbm>> -> memref<1x80x128xf32, #tpu.memory_space<hbm>>
      %dma_wait3A_203 = tpu.memref_squeeze %dma_wait3A_202 : memref<1x80x128xf32, #tpu.memory_space<hbm>> -> memref<80x128xf32, #tpu.memory_space<hbm>>
      tpu.wait_dma2 semaphore(%run_scoped3A : memref<!tpu.dma_semaphore, #tpu.memory_space<semaphore_mem>>) src(%arg12 : memref<80x128xf32, #tpu.memory_space<vmem>>) dst(%dma_wait3A_203 : memref<80x128xf32, #tpu.memory_space<hbm>>)
      tpu.yield
    }) : () -> ()
    %mul3A_86 = arith.constant 640 : i32
    %mul3A_87 = arith.muli %arg1, %mul3A_86 : i32
    %add3A_88 = arith.constant 240 : i32
    %add3A_89 = arith.addi %mul3A_87, %add3A_88 : i32
    "tpu.region"() ({
      %run_scoped3A = tpu.sem_alloc : memref<!tpu.dma_semaphore, #tpu.memory_space<semaphore_mem>>
      %dma_start3A_192 = arith.constant 0 : i32
      %dma_start3A_193 = tpu.memref_slice %arg17[%add3A_89, %dma_start3A_192] : memref<10240x128xf32, #tpu.memory_space<vmem_shared>> -> memref<80x128xf32, #tpu.memory_space<vmem_shared>>
      %dma_start3A_194 = arith.constant 0 : i32
      %dma_start3A_195 = tpu.memref_slice %arg17[%add3A_89, %dma_start3A_194] : memref<10240x128xf32, #tpu.memory_space<vmem_shared>> -> memref<80x128xf32, #tpu.memory_space<vmem_shared>>
      tpu.enqueue_dma source(%dma_start3A_195 : memref<80x128xf32, #tpu.memory_space<vmem_shared>>) target(%arg12 : memref<80x128xf32, #tpu.memory_space<vmem>>) target_semaphore(%run_scoped3A : memref<!tpu.dma_semaphore, #tpu.memory_space<semaphore_mem>>)
      %dma_wait3A_196 = arith.constant 0 : i32
      %dma_wait3A_197 = tpu.memref_slice %arg17[%add3A_89, %dma_wait3A_196] : memref<10240x128xf32, #tpu.memory_space<vmem_shared>> -> memref<80x128xf32, #tpu.memory_space<vmem_shared>>
      %dma_wait3A_198 = arith.constant 0 : i32
      %dma_wait3A_199 = tpu.memref_slice %arg17[%add3A_89, %dma_wait3A_198] : memref<10240x128xf32, #tpu.memory_space<vmem_shared>> -> memref<80x128xf32, #tpu.memory_space<vmem_shared>>
      tpu.wait_dma2 semaphore(%run_scoped3A : memref<!tpu.dma_semaphore, #tpu.memory_space<semaphore_mem>>) src(%dma_wait3A_199 : memref<80x128xf32, #tpu.memory_space<vmem_shared>>) dst(%arg12 : memref<80x128xf32, #tpu.memory_space<vmem>>)
      tpu.yield
    }) : () -> ()
    "tpu.region"() ({
      %run_scoped3A = tpu.sem_alloc : memref<!tpu.dma_semaphore, #tpu.memory_space<semaphore_mem>>
      %dma_start3A_192 = arith.constant 0 : i32
      %dma_start3A_193 = tpu.memref_slice %arg6[%arg0, %add3A_89, %dma_start3A_192] : memref<2x10240x128xf32, #tpu.memory_space<hbm>> -> memref<1x80x128xf32, #tpu.memory_space<hbm>>
      %dma_start3A_194 = tpu.memref_squeeze %dma_start3A_193 : memref<1x80x128xf32, #tpu.memory_space<hbm>> -> memref<80x128xf32, #tpu.memory_space<hbm>>
      %dma_start3A_195 = arith.constant 0 : i32
      %dma_start3A_196 = tpu.memref_slice %arg6[%arg0, %add3A_89, %dma_start3A_195] : memref<2x10240x128xf32, #tpu.memory_space<hbm>> -> memref<1x80x128xf32, #tpu.memory_space<hbm>>
      %dma_start3A_197 = tpu.memref_squeeze %dma_start3A_196 : memref<1x80x128xf32, #tpu.memory_space<hbm>> -> memref<80x128xf32, #tpu.memory_space<hbm>>
      tpu.enqueue_dma source(%arg12 : memref<80x128xf32, #tpu.memory_space<vmem>>) target(%dma_start3A_197 : memref<80x128xf32, #tpu.memory_space<hbm>>) target_semaphore(%run_scoped3A : memref<!tpu.dma_semaphore, #tpu.memory_space<semaphore_mem>>)
      %dma_wait3A_198 = arith.constant 0 : i32
      %dma_wait3A_199 = tpu.memref_slice %arg6[%arg0, %add3A_89, %dma_wait3A_198] : memref<2x10240x128xf32, #tpu.memory_space<hbm>> -> memref<1x80x128xf32, #tpu.memory_space<hbm>>
      %dma_wait3A_200 = tpu.memref_squeeze %dma_wait3A_199 : memref<1x80x128xf32, #tpu.memory_space<hbm>> -> memref<80x128xf32, #tpu.memory_space<hbm>>
      %dma_wait3A_201 = arith.constant 0 : i32
      %dma_wait3A_202 = tpu.memref_slice %arg6[%arg0, %add3A_89, %dma_wait3A_201] : memref<2x10240x128xf32, #tpu.memory_space<hbm>> -> memref<1x80x128xf32, #tpu.memory_space<hbm>>
      %dma_wait3A_203 = tpu.memref_squeeze %dma_wait3A_202 : memref<1x80x128xf32, #tpu.memory_space<hbm>> -> memref<80x128xf32, #tpu.memory_space<hbm>>
      tpu.wait_dma2 semaphore(%run_scoped3A : memref<!tpu.dma_semaphore, #tpu.memory_space<semaphore_mem>>) src(%arg12 : memref<80x128xf32, #tpu.memory_space<vmem>>) dst(%dma_wait3A_203 : memref<80x128xf32, #tpu.memory_space<hbm>>)
      tpu.yield
    }) : () -> ()
    %mul3A_90 = arith.constant 640 : i32
    %mul3A_91 = arith.muli %arg1, %mul3A_90 : i32
    %add3A_92 = arith.constant 320 : i32
    %add3A_93 = arith.addi %mul3A_91, %add3A_92 : i32
    "tpu.region"() ({
      %run_scoped3A = tpu.sem_alloc : memref<!tpu.dma_semaphore, #tpu.memory_space<semaphore_mem>>
      %dma_start3A_192 = arith.constant 0 : i32
      %dma_start3A_193 = tpu.memref_slice %arg17[%add3A_93, %dma_start3A_192] : memref<10240x128xf32, #tpu.memory_space<vmem_shared>> -> memref<80x128xf32, #tpu.memory_space<vmem_shared>>
      %dma_start3A_194 = arith.constant 0 : i32
      %dma_start3A_195 = tpu.memref_slice %arg17[%add3A_93, %dma_start3A_194] : memref<10240x128xf32, #tpu.memory_space<vmem_shared>> -> memref<80x128xf32, #tpu.memory_space<vmem_shared>>
      tpu.enqueue_dma source(%dma_start3A_195 : memref<80x128xf32, #tpu.memory_space<vmem_shared>>) target(%arg12 : memref<80x128xf32, #tpu.memory_space<vmem>>) target_semaphore(%run_scoped3A : memref<!tpu.dma_semaphore, #tpu.memory_space<semaphore_mem>>)
      %dma_wait3A_196 = arith.constant 0 : i32
      %dma_wait3A_197 = tpu.memref_slice %arg17[%add3A_93, %dma_wait3A_196] : memref<10240x128xf32, #tpu.memory_space<vmem_shared>> -> memref<80x128xf32, #tpu.memory_space<vmem_shared>>
      %dma_wait3A_198 = arith.constant 0 : i32
      %dma_wait3A_199 = tpu.memref_slice %arg17[%add3A_93, %dma_wait3A_198] : memref<10240x128xf32, #tpu.memory_space<vmem_shared>> -> memref<80x128xf32, #tpu.memory_space<vmem_shared>>
      tpu.wait_dma2 semaphore(%run_scoped3A : memref<!tpu.dma_semaphore, #tpu.memory_space<semaphore_mem>>) src(%dma_wait3A_199 : memref<80x128xf32, #tpu.memory_space<vmem_shared>>) dst(%arg12 : memref<80x128xf32, #tpu.memory_space<vmem>>)
      tpu.yield
    }) : () -> ()
    "tpu.region"() ({
      %run_scoped3A = tpu.sem_alloc : memref<!tpu.dma_semaphore, #tpu.memory_space<semaphore_mem>>
      %dma_start3A_192 = arith.constant 0 : i32
      %dma_start3A_193 = tpu.memref_slice %arg6[%arg0, %add3A_93, %dma_start3A_192] : memref<2x10240x128xf32, #tpu.memory_space<hbm>> -> memref<1x80x128xf32, #tpu.memory_space<hbm>>
      %dma_start3A_194 = tpu.memref_squeeze %dma_start3A_193 : memref<1x80x128xf32, #tpu.memory_space<hbm>> -> memref<80x128xf32, #tpu.memory_space<hbm>>
      %dma_start3A_195 = arith.constant 0 : i32
      %dma_start3A_196 = tpu.memref_slice %arg6[%arg0, %add3A_93, %dma_start3A_195] : memref<2x10240x128xf32, #tpu.memory_space<hbm>> -> memref<1x80x128xf32, #tpu.memory_space<hbm>>
      %dma_start3A_197 = tpu.memref_squeeze %dma_start3A_196 : memref<1x80x128xf32, #tpu.memory_space<hbm>> -> memref<80x128xf32, #tpu.memory_space<hbm>>
      tpu.enqueue_dma source(%arg12 : memref<80x128xf32, #tpu.memory_space<vmem>>) target(%dma_start3A_197 : memref<80x128xf32, #tpu.memory_space<hbm>>) target_semaphore(%run_scoped3A : memref<!tpu.dma_semaphore, #tpu.memory_space<semaphore_mem>>)
      %dma_wait3A_198 = arith.constant 0 : i32
      %dma_wait3A_199 = tpu.memref_slice %arg6[%arg0, %add3A_93, %dma_wait3A_198] : memref<2x10240x128xf32, #tpu.memory_space<hbm>> -> memref<1x80x128xf32, #tpu.memory_space<hbm>>
      %dma_wait3A_200 = tpu.memref_squeeze %dma_wait3A_199 : memref<1x80x128xf32, #tpu.memory_space<hbm>> -> memref<80x128xf32, #tpu.memory_space<hbm>>
      %dma_wait3A_201 = arith.constant 0 : i32
      %dma_wait3A_202 = tpu.memref_slice %arg6[%arg0, %add3A_93, %dma_wait3A_201] : memref<2x10240x128xf32, #tpu.memory_space<hbm>> -> memref<1x80x128xf32, #tpu.memory_space<hbm>>
      %dma_wait3A_203 = tpu.memref_squeeze %dma_wait3A_202 : memref<1x80x128xf32, #tpu.memory_space<hbm>> -> memref<80x128xf32, #tpu.memory_space<hbm>>
      tpu.wait_dma2 semaphore(%run_scoped3A : memref<!tpu.dma_semaphore, #tpu.memory_space<semaphore_mem>>) src(%arg12 : memref<80x128xf32, #tpu.memory_space<vmem>>) dst(%dma_wait3A_203 : memref<80x128xf32, #tpu.memory_space<hbm>>)
      tpu.yield
    }) : () -> ()
    %mul3A_94 = arith.constant 640 : i32
    %mul3A_95 = arith.muli %arg1, %mul3A_94 : i32
    %add3A_96 = arith.constant 400 : i32
    %add3A_97 = arith.addi %mul3A_95, %add3A_96 : i32
    "tpu.region"() ({
      %run_scoped3A = tpu.sem_alloc : memref<!tpu.dma_semaphore, #tpu.memory_space<semaphore_mem>>
      %dma_start3A_192 = arith.constant 0 : i32
      %dma_start3A_193 = tpu.memref_slice %arg17[%add3A_97, %dma_start3A_192] : memref<10240x128xf32, #tpu.memory_space<vmem_shared>> -> memref<80x128xf32, #tpu.memory_space<vmem_shared>>
      %dma_start3A_194 = arith.constant 0 : i32
      %dma_start3A_195 = tpu.memref_slice %arg17[%add3A_97, %dma_start3A_194] : memref<10240x128xf32, #tpu.memory_space<vmem_shared>> -> memref<80x128xf32, #tpu.memory_space<vmem_shared>>
      tpu.enqueue_dma source(%dma_start3A_195 : memref<80x128xf32, #tpu.memory_space<vmem_shared>>) target(%arg12 : memref<80x128xf32, #tpu.memory_space<vmem>>) target_semaphore(%run_scoped3A : memref<!tpu.dma_semaphore, #tpu.memory_space<semaphore_mem>>)
      %dma_wait3A_196 = arith.constant 0 : i32
      %dma_wait3A_197 = tpu.memref_slice %arg17[%add3A_97, %dma_wait3A_196] : memref<10240x128xf32, #tpu.memory_space<vmem_shared>> -> memref<80x128xf32, #tpu.memory_space<vmem_shared>>
      %dma_wait3A_198 = arith.constant 0 : i32
      %dma_wait3A_199 = tpu.memref_slice %arg17[%add3A_97, %dma_wait3A_198] : memref<10240x128xf32, #tpu.memory_space<vmem_shared>> -> memref<80x128xf32, #tpu.memory_space<vmem_shared>>
      tpu.wait_dma2 semaphore(%run_scoped3A : memref<!tpu.dma_semaphore, #tpu.memory_space<semaphore_mem>>) src(%dma_wait3A_199 : memref<80x128xf32, #tpu.memory_space<vmem_shared>>) dst(%arg12 : memref<80x128xf32, #tpu.memory_space<vmem>>)
      tpu.yield
    }) : () -> ()
    "tpu.region"() ({
      %run_scoped3A = tpu.sem_alloc : memref<!tpu.dma_semaphore, #tpu.memory_space<semaphore_mem>>
      %dma_start3A_192 = arith.constant 0 : i32
      %dma_start3A_193 = tpu.memref_slice %arg6[%arg0, %add3A_97, %dma_start3A_192] : memref<2x10240x128xf32, #tpu.memory_space<hbm>> -> memref<1x80x128xf32, #tpu.memory_space<hbm>>
      %dma_start3A_194 = tpu.memref_squeeze %dma_start3A_193 : memref<1x80x128xf32, #tpu.memory_space<hbm>> -> memref<80x128xf32, #tpu.memory_space<hbm>>
      %dma_start3A_195 = arith.constant 0 : i32
      %dma_start3A_196 = tpu.memref_slice %arg6[%arg0, %add3A_97, %dma_start3A_195] : memref<2x10240x128xf32, #tpu.memory_space<hbm>> -> memref<1x80x128xf32, #tpu.memory_space<hbm>>
      %dma_start3A_197 = tpu.memref_squeeze %dma_start3A_196 : memref<1x80x128xf32, #tpu.memory_space<hbm>> -> memref<80x128xf32, #tpu.memory_space<hbm>>
      tpu.enqueue_dma source(%arg12 : memref<80x128xf32, #tpu.memory_space<vmem>>) target(%dma_start3A_197 : memref<80x128xf32, #tpu.memory_space<hbm>>) target_semaphore(%run_scoped3A : memref<!tpu.dma_semaphore, #tpu.memory_space<semaphore_mem>>)
      %dma_wait3A_198 = arith.constant 0 : i32
      %dma_wait3A_199 = tpu.memref_slice %arg6[%arg0, %add3A_97, %dma_wait3A_198] : memref<2x10240x128xf32, #tpu.memory_space<hbm>> -> memref<1x80x128xf32, #tpu.memory_space<hbm>>
      %dma_wait3A_200 = tpu.memref_squeeze %dma_wait3A_199 : memref<1x80x128xf32, #tpu.memory_space<hbm>> -> memref<80x128xf32, #tpu.memory_space<hbm>>
      %dma_wait3A_201 = arith.constant 0 : i32
      %dma_wait3A_202 = tpu.memref_slice %arg6[%arg0, %add3A_97, %dma_wait3A_201] : memref<2x10240x128xf32, #tpu.memory_space<hbm>> -> memref<1x80x128xf32, #tpu.memory_space<hbm>>
      %dma_wait3A_203 = tpu.memref_squeeze %dma_wait3A_202 : memref<1x80x128xf32, #tpu.memory_space<hbm>> -> memref<80x128xf32, #tpu.memory_space<hbm>>
      tpu.wait_dma2 semaphore(%run_scoped3A : memref<!tpu.dma_semaphore, #tpu.memory_space<semaphore_mem>>) src(%arg12 : memref<80x128xf32, #tpu.memory_space<vmem>>) dst(%dma_wait3A_203 : memref<80x128xf32, #tpu.memory_space<hbm>>)
      tpu.yield
    }) : () -> ()
    %mul3A_98 = arith.constant 640 : i32
    %mul3A_99 = arith.muli %arg1, %mul3A_98 : i32
    %add3A_100 = arith.constant 480 : i32
    %add3A_101 = arith.addi %mul3A_99, %add3A_100 : i32
    "tpu.region"() ({
      %run_scoped3A = tpu.sem_alloc : memref<!tpu.dma_semaphore, #tpu.memory_space<semaphore_mem>>
      %dma_start3A_192 = arith.constant 0 : i32
      %dma_start3A_193 = tpu.memref_slice %arg17[%add3A_101, %dma_start3A_192] : memref<10240x128xf32, #tpu.memory_space<vmem_shared>> -> memref<80x128xf32, #tpu.memory_space<vmem_shared>>
      %dma_start3A_194 = arith.constant 0 : i32
      %dma_start3A_195 = tpu.memref_slice %arg17[%add3A_101, %dma_start3A_194] : memref<10240x128xf32, #tpu.memory_space<vmem_shared>> -> memref<80x128xf32, #tpu.memory_space<vmem_shared>>
      tpu.enqueue_dma source(%dma_start3A_195 : memref<80x128xf32, #tpu.memory_space<vmem_shared>>) target(%arg12 : memref<80x128xf32, #tpu.memory_space<vmem>>) target_semaphore(%run_scoped3A : memref<!tpu.dma_semaphore, #tpu.memory_space<semaphore_mem>>)
      %dma_wait3A_196 = arith.constant 0 : i32
      %dma_wait3A_197 = tpu.memref_slice %arg17[%add3A_101, %dma_wait3A_196] : memref<10240x128xf32, #tpu.memory_space<vmem_shared>> -> memref<80x128xf32, #tpu.memory_space<vmem_shared>>
      %dma_wait3A_198 = arith.constant 0 : i32
      %dma_wait3A_199 = tpu.memref_slice %arg17[%add3A_101, %dma_wait3A_198] : memref<10240x128xf32, #tpu.memory_space<vmem_shared>> -> memref<80x128xf32, #tpu.memory_space<vmem_shared>>
      tpu.wait_dma2 semaphore(%run_scoped3A : memref<!tpu.dma_semaphore, #tpu.memory_space<semaphore_mem>>) src(%dma_wait3A_199 : memref<80x128xf32, #tpu.memory_space<vmem_shared>>) dst(%arg12 : memref<80x128xf32, #tpu.memory_space<vmem>>)
      tpu.yield
    }) : () -> ()
    "tpu.region"() ({
      %run_scoped3A = tpu.sem_alloc : memref<!tpu.dma_semaphore, #tpu.memory_space<semaphore_mem>>
      %dma_start3A_192 = arith.constant 0 : i32
      %dma_start3A_193 = tpu.memref_slice %arg6[%arg0, %add3A_101, %dma_start3A_192] : memref<2x10240x128xf32, #tpu.memory_space<hbm>> -> memref<1x80x128xf32, #tpu.memory_space<hbm>>
      %dma_start3A_194 = tpu.memref_squeeze %dma_start3A_193 : memref<1x80x128xf32, #tpu.memory_space<hbm>> -> memref<80x128xf32, #tpu.memory_space<hbm>>
      %dma_start3A_195 = arith.constant 0 : i32
      %dma_start3A_196 = tpu.memref_slice %arg6[%arg0, %add3A_101, %dma_start3A_195] : memref<2x10240x128xf32, #tpu.memory_space<hbm>> -> memref<1x80x128xf32, #tpu.memory_space<hbm>>
      %dma_start3A_197 = tpu.memref_squeeze %dma_start3A_196 : memref<1x80x128xf32, #tpu.memory_space<hbm>> -> memref<80x128xf32, #tpu.memory_space<hbm>>
      tpu.enqueue_dma source(%arg12 : memref<80x128xf32, #tpu.memory_space<vmem>>) target(%dma_start3A_197 : memref<80x128xf32, #tpu.memory_space<hbm>>) target_semaphore(%run_scoped3A : memref<!tpu.dma_semaphore, #tpu.memory_space<semaphore_mem>>)
      %dma_wait3A_198 = arith.constant 0 : i32
      %dma_wait3A_199 = tpu.memref_slice %arg6[%arg0, %add3A_101, %dma_wait3A_198] : memref<2x10240x128xf32, #tpu.memory_space<hbm>> -> memref<1x80x128xf32, #tpu.memory_space<hbm>>
      %dma_wait3A_200 = tpu.memref_squeeze %dma_wait3A_199 : memref<1x80x128xf32, #tpu.memory_space<hbm>> -> memref<80x128xf32, #tpu.memory_space<hbm>>
      %dma_wait3A_201 = arith.constant 0 : i32
      %dma_wait3A_202 = tpu.memref_slice %arg6[%arg0, %add3A_101, %dma_wait3A_201] : memref<2x10240x128xf32, #tpu.memory_space<hbm>> -> memref<1x80x128xf32, #tpu.memory_space<hbm>>
      %dma_wait3A_203 = tpu.memref_squeeze %dma_wait3A_202 : memref<1x80x128xf32, #tpu.memory_space<hbm>> -> memref<80x128xf32, #tpu.memory_space<hbm>>
      tpu.wait_dma2 semaphore(%run_scoped3A : memref<!tpu.dma_semaphore, #tpu.memory_space<semaphore_mem>>) src(%arg12 : memref<80x128xf32, #tpu.memory_space<vmem>>) dst(%dma_wait3A_203 : memref<80x128xf32, #tpu.memory_space<hbm>>)
      tpu.yield
    }) : () -> ()
    %mul3A_102 = arith.constant 640 : i32
    %mul3A_103 = arith.muli %arg1, %mul3A_102 : i32
    %add3A_104 = arith.constant 560 : i32
    %add3A_105 = arith.addi %mul3A_103, %add3A_104 : i32
    "tpu.region"() ({
      %run_scoped3A = tpu.sem_alloc : memref<!tpu.dma_semaphore, #tpu.memory_space<semaphore_mem>>
      %dma_start3A_192 = arith.constant 0 : i32
      %dma_start3A_193 = tpu.memref_slice %arg17[%add3A_105, %dma_start3A_192] : memref<10240x128xf32, #tpu.memory_space<vmem_shared>> -> memref<80x128xf32, #tpu.memory_space<vmem_shared>>
      %dma_start3A_194 = arith.constant 0 : i32
      %dma_start3A_195 = tpu.memref_slice %arg17[%add3A_105, %dma_start3A_194] : memref<10240x128xf32, #tpu.memory_space<vmem_shared>> -> memref<80x128xf32, #tpu.memory_space<vmem_shared>>
      tpu.enqueue_dma source(%dma_start3A_195 : memref<80x128xf32, #tpu.memory_space<vmem_shared>>) target(%arg12 : memref<80x128xf32, #tpu.memory_space<vmem>>) target_semaphore(%run_scoped3A : memref<!tpu.dma_semaphore, #tpu.memory_space<semaphore_mem>>)
      %dma_wait3A_196 = arith.constant 0 : i32
      %dma_wait3A_197 = tpu.memref_slice %arg17[%add3A_105, %dma_wait3A_196] : memref<10240x128xf32, #tpu.memory_space<vmem_shared>> -> memref<80x128xf32, #tpu.memory_space<vmem_shared>>
      %dma_wait3A_198 = arith.constant 0 : i32
      %dma_wait3A_199 = tpu.memref_slice %arg17[%add3A_105, %dma_wait3A_198] : memref<10240x128xf32, #tpu.memory_space<vmem_shared>> -> memref<80x128xf32, #tpu.memory_space<vmem_shared>>
      tpu.wait_dma2 semaphore(%run_scoped3A : memref<!tpu.dma_semaphore, #tpu.memory_space<semaphore_mem>>) src(%dma_wait3A_199 : memref<80x128xf32, #tpu.memory_space<vmem_shared>>) dst(%arg12 : memref<80x128xf32, #tpu.memory_space<vmem>>)
      tpu.yield
    }) : () -> ()
    "tpu.region"() ({
      %run_scoped3A = tpu.sem_alloc : memref<!tpu.dma_semaphore, #tpu.memory_space<semaphore_mem>>
      %dma_start3A_192 = arith.constant 0 : i32
      %dma_start3A_193 = tpu.memref_slice %arg6[%arg0, %add3A_105, %dma_start3A_192] : memref<2x10240x128xf32, #tpu.memory_space<hbm>> -> memref<1x80x128xf32, #tpu.memory_space<hbm>>
      %dma_start3A_194 = tpu.memref_squeeze %dma_start3A_193 : memref<1x80x128xf32, #tpu.memory_space<hbm>> -> memref<80x128xf32, #tpu.memory_space<hbm>>
      %dma_start3A_195 = arith.constant 0 : i32
      %dma_start3A_196 = tpu.memref_slice %arg6[%arg0, %add3A_105, %dma_start3A_195] : memref<2x10240x128xf32, #tpu.memory_space<hbm>> -> memref<1x80x128xf32, #tpu.memory_space<hbm>>
      %dma_start3A_197 = tpu.memref_squeeze %dma_start3A_196 : memref<1x80x128xf32, #tpu.memory_space<hbm>> -> memref<80x128xf32, #tpu.memory_space<hbm>>
      tpu.enqueue_dma source(%arg12 : memref<80x128xf32, #tpu.memory_space<vmem>>) target(%dma_start3A_197 : memref<80x128xf32, #tpu.memory_space<hbm>>) target_semaphore(%run_scoped3A : memref<!tpu.dma_semaphore, #tpu.memory_space<semaphore_mem>>)
      %dma_wait3A_198 = arith.constant 0 : i32
      %dma_wait3A_199 = tpu.memref_slice %arg6[%arg0, %add3A_105, %dma_wait3A_198] : memref<2x10240x128xf32, #tpu.memory_space<hbm>> -> memref<1x80x128xf32, #tpu.memory_space<hbm>>
      %dma_wait3A_200 = tpu.memref_squeeze %dma_wait3A_199 : memref<1x80x128xf32, #tpu.memory_space<hbm>> -> memref<80x128xf32, #tpu.memory_space<hbm>>
      %dma_wait3A_201 = arith.constant 0 : i32
      %dma_wait3A_202 = tpu.memref_slice %arg6[%arg0, %add3A_105, %dma_wait3A_201] : memref<2x10240x128xf32, #tpu.memory_space<hbm>> -> memref<1x80x128xf32, #tpu.memory_space<hbm>>
      %dma_wait3A_203 = tpu.memref_squeeze %dma_wait3A_202 : memref<1x80x128xf32, #tpu.memory_space<hbm>> -> memref<80x128xf32, #tpu.memory_space<hbm>>
      tpu.wait_dma2 semaphore(%run_scoped3A : memref<!tpu.dma_semaphore, #tpu.memory_space<semaphore_mem>>) src(%arg12 : memref<80x128xf32, #tpu.memory_space<vmem>>) dst(%dma_wait3A_203 : memref<80x128xf32, #tpu.memory_space<hbm>>)
      tpu.yield
    }) : () -> ()
    %barrier3A_106 = arith.constant 0 : index
    tpu.barrier barrier_id(%barrier3A_106)
    %broadcast_in_dim3A_107 = arith.constant 0.000000e+00 : f32
    %broadcast_in_dim3A_108 = vector.broadcast %broadcast_in_dim3A_107 : f32 to vector<16xf32>
    %scan3A_109 = arith.constant 0 : i32
    %scan3A_110 = arith.constant 80 : i32
    %scan3A_111 = arith.addi %scan3A_109, %scan3A_110 : i32
    %scan3A_112 = arith.constant 1 : i32
    scf.for %scan3A_192 = %scan3A_109 to %scan3A_111 step %scan3A_112  : i32 {
      %swap3A = arith.index_cast %scan3A_192 : i32 to index
      %swap3A_193 = arith.constant 0 : index
      %swap3A_194 = tpu.vector_load %arg12[%swap3A, %swap3A_193] {strides = array<i32>} : memref<80x128xf32, #tpu.memory_space<vmem>>, vector<1x16xf32>,
      %swap3A_195 = vector.shape_cast %swap3A_194 : vector<1x16xf32> to vector<16xf32>
      %swap3A_196 = vector.shape_cast %broadcast_in_dim3A_108 : vector<16xf32> to vector<1x16xf32>
      tpu.vector_store %arg12[%swap3A, %swap3A_193], %swap3A_196 {strides = array<i32>} : memref<80x128xf32, #tpu.memory_space<vmem>>, vector<1x16xf32>,
      %swap3A_197 = arith.index_cast %scan3A_192 : i32 to index
      %swap3A_198 = arith.constant 16 : index
      %swap3A_199 = tpu.vector_load %arg12[%swap3A_197, %swap3A_198] {strides = array<i32>} : memref<80x128xf32, #tpu.memory_space<vmem>>, vector<1x16xf32>,
      %swap3A_200 = vector.shape_cast %swap3A_199 : vector<1x16xf32> to vector<16xf32>
      %swap3A_201 = vector.shape_cast %broadcast_in_dim3A_108 : vector<16xf32> to vector<1x16xf32>
      tpu.vector_store %arg12[%swap3A_197, %swap3A_198], %swap3A_201 {strides = array<i32>} : memref<80x128xf32, #tpu.memory_space<vmem>>, vector<1x16xf32>,
      %swap3A_202 = arith.index_cast %scan3A_192 : i32 to index
      %swap3A_203 = arith.constant 32 : index
      %swap3A_204 = tpu.vector_load %arg12[%swap3A_202, %swap3A_203] {strides = array<i32>} : memref<80x128xf32, #tpu.memory_space<vmem>>, vector<1x16xf32>,
      %swap3A_205 = vector.shape_cast %swap3A_204 : vector<1x16xf32> to vector<16xf32>
      %swap3A_206 = vector.shape_cast %broadcast_in_dim3A_108 : vector<16xf32> to vector<1x16xf32>
      tpu.vector_store %arg12[%swap3A_202, %swap3A_203], %swap3A_206 {strides = array<i32>} : memref<80x128xf32, #tpu.memory_space<vmem>>, vector<1x16xf32>,
      %swap3A_207 = arith.index_cast %scan3A_192 : i32 to index
      %swap3A_208 = arith.constant 48 : index
      %swap3A_209 = tpu.vector_load %arg12[%swap3A_207, %swap3A_208] {strides = array<i32>} : memref<80x128xf32, #tpu.memory_space<vmem>>, vector<1x16xf32>,
      %swap3A_210 = vector.shape_cast %swap3A_209 : vector<1x16xf32> to vector<16xf32>
      %swap3A_211 = vector.shape_cast %broadcast_in_dim3A_108 : vector<16xf32> to vector<1x16xf32>
      tpu.vector_store %arg12[%swap3A_207, %swap3A_208], %swap3A_211 {strides = array<i32>} : memref<80x128xf32, #tpu.memory_space<vmem>>, vector<1x16xf32>,
      %swap3A_212 = arith.index_cast %scan3A_192 : i32 to index
      %swap3A_213 = arith.constant 64 : index
      %swap3A_214 = tpu.vector_load %arg12[%swap3A_212, %swap3A_213] {strides = array<i32>} : memref<80x128xf32, #tpu.memory_space<vmem>>, vector<1x16xf32>,
      %swap3A_215 = vector.shape_cast %swap3A_214 : vector<1x16xf32> to vector<16xf32>
      %swap3A_216 = vector.shape_cast %broadcast_in_dim3A_108 : vector<16xf32> to vector<1x16xf32>
      tpu.vector_store %arg12[%swap3A_212, %swap3A_213], %swap3A_216 {strides = array<i32>} : memref<80x128xf32, #tpu.memory_space<vmem>>, vector<1x16xf32>,
      %swap3A_217 = arith.index_cast %scan3A_192 : i32 to index
      %swap3A_218 = arith.constant 80 : index
      %swap3A_219 = tpu.vector_load %arg12[%swap3A_217, %swap3A_218] {strides = array<i32>} : memref<80x128xf32, #tpu.memory_space<vmem>>, vector<1x16xf32>,
      %swap3A_220 = vector.shape_cast %swap3A_219 : vector<1x16xf32> to vector<16xf32>
      %swap3A_221 = vector.shape_cast %broadcast_in_dim3A_108 : vector<16xf32> to vector<1x16xf32>
      tpu.vector_store %arg12[%swap3A_217, %swap3A_218], %swap3A_221 {strides = array<i32>} : memref<80x128xf32, #tpu.memory_space<vmem>>, vector<1x16xf32>,
      %swap3A_222 = arith.index_cast %scan3A_192 : i32 to index
      %swap3A_223 = arith.constant 96 : index
      %swap3A_224 = tpu.vector_load %arg12[%swap3A_222, %swap3A_223] {strides = array<i32>} : memref<80x128xf32, #tpu.memory_space<vmem>>, vector<1x16xf32>,
      %swap3A_225 = vector.shape_cast %swap3A_224 : vector<1x16xf32> to vector<16xf32>
      %swap3A_226 = vector.shape_cast %broadcast_in_dim3A_108 : vector<16xf32> to vector<1x16xf32>
      tpu.vector_store %arg12[%swap3A_222, %swap3A_223], %swap3A_226 {strides = array<i32>} : memref<80x128xf32, #tpu.memory_space<vmem>>, vector<1x16xf32>,
      %swap3A_227 = arith.index_cast %scan3A_192 : i32 to index
      %swap3A_228 = arith.constant 112 : index
      %swap3A_229 = tpu.vector_load %arg12[%swap3A_227, %swap3A_228] {strides = array<i32>} : memref<80x128xf32, #tpu.memory_space<vmem>>, vector<1x16xf32>,
      %swap3A_230 = vector.shape_cast %swap3A_229 : vector<1x16xf32> to vector<16xf32>
      %swap3A_231 = vector.shape_cast %broadcast_in_dim3A_108 : vector<16xf32> to vector<1x16xf32>
      tpu.vector_store %arg12[%swap3A_227, %swap3A_228], %swap3A_231 {strides = array<i32>} : memref<80x128xf32, #tpu.memory_space<vmem>>, vector<1x16xf32>,
    }
    %scan3A_113 = arith.constant 80 : i32
    %mul3A_114 = arith.constant 640 : i32
    %mul3A_115 = arith.muli %arg1, %mul3A_114 : i32
    %add3A_116 = arith.constant 0 : i32
    %add3A_117 = arith.addi %mul3A_115, %add3A_116 : i32
    "tpu.region"() ({
      %run_scoped3A = tpu.sem_alloc : memref<!tpu.dma_semaphore, #tpu.memory_space<semaphore_mem>>
      %dma_start3A_192 = arith.constant 0 : i32
      %dma_start3A_193 = tpu.memref_slice %arg17[%add3A_117, %dma_start3A_192] : memref<10240x128xf32, #tpu.memory_space<vmem_shared>> -> memref<80x128xf32, #tpu.memory_space<vmem_shared>>
      %dma_start3A_194 = arith.constant 0 : i32
      %dma_start3A_195 = tpu.memref_slice %arg17[%add3A_117, %dma_start3A_194] : memref<10240x128xf32, #tpu.memory_space<vmem_shared>> -> memref<80x128xf32, #tpu.memory_space<vmem_shared>>
      tpu.enqueue_dma source(%arg12 : memref<80x128xf32, #tpu.memory_space<vmem>>) target(%dma_start3A_195 : memref<80x128xf32, #tpu.memory_space<vmem_shared>>) target_semaphore(%run_scoped3A : memref<!tpu.dma_semaphore, #tpu.memory_space<semaphore_mem>>)
      %dma_wait3A_196 = arith.constant 0 : i32
      %dma_wait3A_197 = tpu.memref_slice %arg17[%add3A_117, %dma_wait3A_196] : memref<10240x128xf32, #tpu.memory_space<vmem_shared>> -> memref<80x128xf32, #tpu.memory_space<vmem_shared>>
      %dma_wait3A_198 = arith.constant 0 : i32
      %dma_wait3A_199 = tpu.memref_slice %arg17[%add3A_117, %dma_wait3A_198] : memref<10240x128xf32, #tpu.memory_space<vmem_shared>> -> memref<80x128xf32, #tpu.memory_space<vmem_shared>>
      tpu.wait_dma2 semaphore(%run_scoped3A : memref<!tpu.dma_semaphore, #tpu.memory_space<semaphore_mem>>) src(%arg12 : memref<80x128xf32, #tpu.memory_space<vmem>>) dst(%dma_wait3A_199 : memref<80x128xf32, #tpu.memory_space<vmem_shared>>)
      tpu.yield
    }) : () -> ()
    %mul3A_118 = arith.constant 640 : i32
    %mul3A_119 = arith.muli %arg1, %mul3A_118 : i32
    %add3A_120 = arith.constant 80 : i32
    %add3A_121 = arith.addi %mul3A_119, %add3A_120 : i32
    "tpu.region"() ({
      %run_scoped3A = tpu.sem_alloc : memref<!tpu.dma_semaphore, #tpu.memory_space<semaphore_mem>>
      %dma_start3A_192 = arith.constant 0 : i32
      %dma_start3A_193 = tpu.memref_slice %arg17[%add3A_121, %dma_start3A_192] : memref<10240x128xf32, #tpu.memory_space<vmem_shared>> -> memref<80x128xf32, #tpu.memory_space<vmem_shared>>
      %dma_start3A_194 = arith.constant 0 : i32
      %dma_start3A_195 = tpu.memref_slice %arg17[%add3A_121, %dma_start3A_194] : memref<10240x128xf32, #tpu.memory_space<vmem_shared>> -> memref<80x128xf32, #tpu.memory_space<vmem_shared>>
      tpu.enqueue_dma source(%arg12 : memref<80x128xf32, #tpu.memory_space<vmem>>) target(%dma_start3A_195 : memref<80x128xf32, #tpu.memory_space<vmem_shared>>) target_semaphore(%run_scoped3A : memref<!tpu.dma_semaphore, #tpu.memory_space<semaphore_mem>>)
      %dma_wait3A_196 = arith.constant 0 : i32
      %dma_wait3A_197 = tpu.memref_slice %arg17[%add3A_121, %dma_wait3A_196] : memref<10240x128xf32, #tpu.memory_space<vmem_shared>> -> memref<80x128xf32, #tpu.memory_space<vmem_shared>>
      %dma_wait3A_198 = arith.constant 0 : i32
      %dma_wait3A_199 = tpu.memref_slice %arg17[%add3A_121, %dma_wait3A_198] : memref<10240x128xf32, #tpu.memory_space<vmem_shared>> -> memref<80x128xf32, #tpu.memory_space<vmem_shared>>
      tpu.wait_dma2 semaphore(%run_scoped3A : memref<!tpu.dma_semaphore, #tpu.memory_space<semaphore_mem>>) src(%arg12 : memref<80x128xf32, #tpu.memory_space<vmem>>) dst(%dma_wait3A_199 : memref<80x128xf32, #tpu.memory_space<vmem_shared>>)
      tpu.yield
    }) : () -> ()
    %mul3A_122 = arith.constant 640 : i32
    %mul3A_123 = arith.muli %arg1, %mul3A_122 : i32
    %add3A_124 = arith.constant 160 : i32
    %add3A_125 = arith.addi %mul3A_123, %add3A_124 : i32
    "tpu.region"() ({
      %run_scoped3A = tpu.sem_alloc : memref<!tpu.dma_semaphore, #tpu.memory_space<semaphore_mem>>
      %dma_start3A_192 = arith.constant 0 : i32
      %dma_start3A_193 = tpu.memref_slice %arg17[%add3A_125, %dma_start3A_192] : memref<10240x128xf32, #tpu.memory_space<vmem_shared>> -> memref<80x128xf32, #tpu.memory_space<vmem_shared>>
      %dma_start3A_194 = arith.constant 0 : i32
      %dma_start3A_195 = tpu.memref_slice %arg17[%add3A_125, %dma_start3A_194] : memref<10240x128xf32, #tpu.memory_space<vmem_shared>> -> memref<80x128xf32, #tpu.memory_space<vmem_shared>>
      tpu.enqueue_dma source(%arg12 : memref<80x128xf32, #tpu.memory_space<vmem>>) target(%dma_start3A_195 : memref<80x128xf32, #tpu.memory_space<vmem_shared>>) target_semaphore(%run_scoped3A : memref<!tpu.dma_semaphore, #tpu.memory_space<semaphore_mem>>)
      %dma_wait3A_196 = arith.constant 0 : i32
      %dma_wait3A_197 = tpu.memref_slice %arg17[%add3A_125, %dma_wait3A_196] : memref<10240x128xf32, #tpu.memory_space<vmem_shared>> -> memref<80x128xf32, #tpu.memory_space<vmem_shared>>
      %dma_wait3A_198 = arith.constant 0 : i32
      %dma_wait3A_199 = tpu.memref_slice %arg17[%add3A_125, %dma_wait3A_198] : memref<10240x128xf32, #tpu.memory_space<vmem_shared>> -> memref<80x128xf32, #tpu.memory_space<vmem_shared>>
      tpu.wait_dma2 semaphore(%run_scoped3A : memref<!tpu.dma_semaphore, #tpu.memory_space<semaphore_mem>>) src(%arg12 : memref<80x128xf32, #tpu.memory_space<vmem>>) dst(%dma_wait3A_199 : memref<80x128xf32, #tpu.memory_space<vmem_shared>>)
      tpu.yield
    }) : () -> ()
    %mul3A_126 = arith.constant 640 : i32
    %mul3A_127 = arith.muli %arg1, %mul3A_126 : i32
    %add3A_128 = arith.constant 240 : i32
    %add3A_129 = arith.addi %mul3A_127, %add3A_128 : i32
    "tpu.region"() ({
      %run_scoped3A = tpu.sem_alloc : memref<!tpu.dma_semaphore, #tpu.memory_space<semaphore_mem>>
      %dma_start3A_192 = arith.constant 0 : i32
      %dma_start3A_193 = tpu.memref_slice %arg17[%add3A_129, %dma_start3A_192] : memref<10240x128xf32, #tpu.memory_space<vmem_shared>> -> memref<80x128xf32, #tpu.memory_space<vmem_shared>>
      %dma_start3A_194 = arith.constant 0 : i32
      %dma_start3A_195 = tpu.memref_slice %arg17[%add3A_129, %dma_start3A_194] : memref<10240x128xf32, #tpu.memory_space<vmem_shared>> -> memref<80x128xf32, #tpu.memory_space<vmem_shared>>
      tpu.enqueue_dma source(%arg12 : memref<80x128xf32, #tpu.memory_space<vmem>>) target(%dma_start3A_195 : memref<80x128xf32, #tpu.memory_space<vmem_shared>>) target_semaphore(%run_scoped3A : memref<!tpu.dma_semaphore, #tpu.memory_space<semaphore_mem>>)
      %dma_wait3A_196 = arith.constant 0 : i32
      %dma_wait3A_197 = tpu.memref_slice %arg17[%add3A_129, %dma_wait3A_196] : memref<10240x128xf32, #tpu.memory_space<vmem_shared>> -> memref<80x128xf32, #tpu.memory_space<vmem_shared>>
      %dma_wait3A_198 = arith.constant 0 : i32
      %dma_wait3A_199 = tpu.memref_slice %arg17[%add3A_129, %dma_wait3A_198] : memref<10240x128xf32, #tpu.memory_space<vmem_shared>> -> memref<80x128xf32, #tpu.memory_space<vmem_shared>>
      tpu.wait_dma2 semaphore(%run_scoped3A : memref<!tpu.dma_semaphore, #tpu.memory_space<semaphore_mem>>) src(%arg12 : memref<80x128xf32, #tpu.memory_space<vmem>>) dst(%dma_wait3A_199 : memref<80x128xf32, #tpu.memory_space<vmem_shared>>)
      tpu.yield
    }) : () -> ()
    %mul3A_130 = arith.constant 640 : i32
    %mul3A_131 = arith.muli %arg1, %mul3A_130 : i32
    %add3A_132 = arith.constant 320 : i32
    %add3A_133 = arith.addi %mul3A_131, %add3A_132 : i32
    "tpu.region"() ({
      %run_scoped3A = tpu.sem_alloc : memref<!tpu.dma_semaphore, #tpu.memory_space<semaphore_mem>>
      %dma_start3A_192 = arith.constant 0 : i32
      %dma_start3A_193 = tpu.memref_slice %arg17[%add3A_133, %dma_start3A_192] : memref<10240x128xf32, #tpu.memory_space<vmem_shared>> -> memref<80x128xf32, #tpu.memory_space<vmem_shared>>
      %dma_start3A_194 = arith.constant 0 : i32
      %dma_start3A_195 = tpu.memref_slice %arg17[%add3A_133, %dma_start3A_194] : memref<10240x128xf32, #tpu.memory_space<vmem_shared>> -> memref<80x128xf32, #tpu.memory_space<vmem_shared>>
      tpu.enqueue_dma source(%arg12 : memref<80x128xf32, #tpu.memory_space<vmem>>) target(%dma_start3A_195 : memref<80x128xf32, #tpu.memory_space<vmem_shared>>) target_semaphore(%run_scoped3A : memref<!tpu.dma_semaphore, #tpu.memory_space<semaphore_mem>>)
      %dma_wait3A_196 = arith.constant 0 : i32
      %dma_wait3A_197 = tpu.memref_slice %arg17[%add3A_133, %dma_wait3A_196] : memref<10240x128xf32, #tpu.memory_space<vmem_shared>> -> memref<80x128xf32, #tpu.memory_space<vmem_shared>>
      %dma_wait3A_198 = arith.constant 0 : i32
      %dma_wait3A_199 = tpu.memref_slice %arg17[%add3A_133, %dma_wait3A_198] : memref<10240x128xf32, #tpu.memory_space<vmem_shared>> -> memref<80x128xf32, #tpu.memory_space<vmem_shared>>
      tpu.wait_dma2 semaphore(%run_scoped3A : memref<!tpu.dma_semaphore, #tpu.memory_space<semaphore_mem>>) src(%arg12 : memref<80x128xf32, #tpu.memory_space<vmem>>) dst(%dma_wait3A_199 : memref<80x128xf32, #tpu.memory_space<vmem_shared>>)
      tpu.yield
    }) : () -> ()
    %mul3A_134 = arith.constant 640 : i32
    %mul3A_135 = arith.muli %arg1, %mul3A_134 : i32
    %add3A_136 = arith.constant 400 : i32
    %add3A_137 = arith.addi %mul3A_135, %add3A_136 : i32
    "tpu.region"() ({
      %run_scoped3A = tpu.sem_alloc : memref<!tpu.dma_semaphore, #tpu.memory_space<semaphore_mem>>
      %dma_start3A_192 = arith.constant 0 : i32
      %dma_start3A_193 = tpu.memref_slice %arg17[%add3A_137, %dma_start3A_192] : memref<10240x128xf32, #tpu.memory_space<vmem_shared>> -> memref<80x128xf32, #tpu.memory_space<vmem_shared>>
      %dma_start3A_194 = arith.constant 0 : i32
      %dma_start3A_195 = tpu.memref_slice %arg17[%add3A_137, %dma_start3A_194] : memref<10240x128xf32, #tpu.memory_space<vmem_shared>> -> memref<80x128xf32, #tpu.memory_space<vmem_shared>>
      tpu.enqueue_dma source(%arg12 : memref<80x128xf32, #tpu.memory_space<vmem>>) target(%dma_start3A_195 : memref<80x128xf32, #tpu.memory_space<vmem_shared>>) target_semaphore(%run_scoped3A : memref<!tpu.dma_semaphore, #tpu.memory_space<semaphore_mem>>)
      %dma_wait3A_196 = arith.constant 0 : i32
      %dma_wait3A_197 = tpu.memref_slice %arg17[%add3A_137, %dma_wait3A_196] : memref<10240x128xf32, #tpu.memory_space<vmem_shared>> -> memref<80x128xf32, #tpu.memory_space<vmem_shared>>
      %dma_wait3A_198 = arith.constant 0 : i32
      %dma_wait3A_199 = tpu.memref_slice %arg17[%add3A_137, %dma_wait3A_198] : memref<10240x128xf32, #tpu.memory_space<vmem_shared>> -> memref<80x128xf32, #tpu.memory_space<vmem_shared>>
      tpu.wait_dma2 semaphore(%run_scoped3A : memref<!tpu.dma_semaphore, #tpu.memory_space<semaphore_mem>>) src(%arg12 : memref<80x128xf32, #tpu.memory_space<vmem>>) dst(%dma_wait3A_199 : memref<80x128xf32, #tpu.memory_space<vmem_shared>>)
      tpu.yield
    }) : () -> ()
    %mul3A_138 = arith.constant 640 : i32
    %mul3A_139 = arith.muli %arg1, %mul3A_138 : i32
    %add3A_140 = arith.constant 480 : i32
    %add3A_141 = arith.addi %mul3A_139, %add3A_140 : i32
    "tpu.region"() ({
      %run_scoped3A = tpu.sem_alloc : memref<!tpu.dma_semaphore, #tpu.memory_space<semaphore_mem>>
      %dma_start3A_192 = arith.constant 0 : i32
      %dma_start3A_193 = tpu.memref_slice %arg17[%add3A_141, %dma_start3A_192] : memref<10240x128xf32, #tpu.memory_space<vmem_shared>> -> memref<80x128xf32, #tpu.memory_space<vmem_shared>>
      %dma_start3A_194 = arith.constant 0 : i32
      %dma_start3A_195 = tpu.memref_slice %arg17[%add3A_141, %dma_start3A_194] : memref<10240x128xf32, #tpu.memory_space<vmem_shared>> -> memref<80x128xf32, #tpu.memory_space<vmem_shared>>
      tpu.enqueue_dma source(%arg12 : memref<80x128xf32, #tpu.memory_space<vmem>>) target(%dma_start3A_195 : memref<80x128xf32, #tpu.memory_space<vmem_shared>>) target_semaphore(%run_scoped3A : memref<!tpu.dma_semaphore, #tpu.memory_space<semaphore_mem>>)
      %dma_wait3A_196 = arith.constant 0 : i32
      %dma_wait3A_197 = tpu.memref_slice %arg17[%add3A_141, %dma_wait3A_196] : memref<10240x128xf32, #tpu.memory_space<vmem_shared>> -> memref<80x128xf32, #tpu.memory_space<vmem_shared>>
      %dma_wait3A_198 = arith.constant 0 : i32
      %dma_wait3A_199 = tpu.memref_slice %arg17[%add3A_141, %dma_wait3A_198] : memref<10240x128xf32, #tpu.memory_space<vmem_shared>> -> memref<80x128xf32, #tpu.memory_space<vmem_shared>>
      tpu.wait_dma2 semaphore(%run_scoped3A : memref<!tpu.dma_semaphore, #tpu.memory_space<semaphore_mem>>) src(%arg12 : memref<80x128xf32, #tpu.memory_space<vmem>>) dst(%dma_wait3A_199 : memref<80x128xf32, #tpu.memory_space<vmem_shared>>)
      tpu.yield
    }) : () -> ()
    %mul3A_142 = arith.constant 640 : i32
    %mul3A_143 = arith.muli %arg1, %mul3A_142 : i32
    %add3A_144 = arith.constant 560 : i32
    %add3A_145 = arith.addi %mul3A_143, %add3A_144 : i32
    "tpu.region"() ({
      %run_scoped3A = tpu.sem_alloc : memref<!tpu.dma_semaphore, #tpu.memory_space<semaphore_mem>>
      %dma_start3A_192 = arith.constant 0 : i32
      %dma_start3A_193 = tpu.memref_slice %arg17[%add3A_145, %dma_start3A_192] : memref<10240x128xf32, #tpu.memory_space<vmem_shared>> -> memref<80x128xf32, #tpu.memory_space<vmem_shared>>
      %dma_start3A_194 = arith.constant 0 : i32
      %dma_start3A_195 = tpu.memref_slice %arg17[%add3A_145, %dma_start3A_194] : memref<10240x128xf32, #tpu.memory_space<vmem_shared>> -> memref<80x128xf32, #tpu.memory_space<vmem_shared>>
      tpu.enqueue_dma source(%arg12 : memref<80x128xf32, #tpu.memory_space<vmem>>) target(%dma_start3A_195 : memref<80x128xf32, #tpu.memory_space<vmem_shared>>) target_semaphore(%run_scoped3A : memref<!tpu.dma_semaphore, #tpu.memory_space<semaphore_mem>>)
      %dma_wait3A_196 = arith.constant 0 : i32
      %dma_wait3A_197 = tpu.memref_slice %arg17[%add3A_145, %dma_wait3A_196] : memref<10240x128xf32, #tpu.memory_space<vmem_shared>> -> memref<80x128xf32, #tpu.memory_space<vmem_shared>>
      %dma_wait3A_198 = arith.constant 0 : i32
      %dma_wait3A_199 = tpu.memref_slice %arg17[%add3A_145, %dma_wait3A_198] : memref<10240x128xf32, #tpu.memory_space<vmem_shared>> -> memref<80x128xf32, #tpu.memory_space<vmem_shared>>
      tpu.wait_dma2 semaphore(%run_scoped3A : memref<!tpu.dma_semaphore, #tpu.memory_space<semaphore_mem>>) src(%arg12 : memref<80x128xf32, #tpu.memory_space<vmem>>) dst(%dma_wait3A_199 : memref<80x128xf32, #tpu.memory_space<vmem_shared>>)
      tpu.yield
    }) : () -> ()
    %broadcast_in_dim3A_146 = arith.constant 0.000000e+00 : f32
    %broadcast_in_dim3A_147 = vector.broadcast %broadcast_in_dim3A_146 : f32 to vector<16xf32>
    %scan3A_148 = arith.constant 0 : i32
    %scan3A_149 = arith.constant 80 : i32
    %scan3A_150 = arith.addi %scan3A_148, %scan3A_149 : i32
    %scan3A_151 = arith.constant 1 : i32
    scf.for %scan3A_192 = %scan3A_148 to %scan3A_150 step %scan3A_151  : i32 {
      %swap3A = arith.index_cast %scan3A_192 : i32 to index
      %swap3A_193 = arith.constant 0 : index
      %swap3A_194 = tpu.vector_load %arg13[%swap3A, %swap3A_193] {strides = array<i32>} : memref<80x128xf32, #tpu.memory_space<vmem>>, vector<1x16xf32>,
      %swap3A_195 = vector.shape_cast %swap3A_194 : vector<1x16xf32> to vector<16xf32>
      %swap3A_196 = vector.shape_cast %broadcast_in_dim3A_147 : vector<16xf32> to vector<1x16xf32>
      tpu.vector_store %arg13[%swap3A, %swap3A_193], %swap3A_196 {strides = array<i32>} : memref<80x128xf32, #tpu.memory_space<vmem>>, vector<1x16xf32>,
      %swap3A_197 = arith.index_cast %scan3A_192 : i32 to index
      %swap3A_198 = arith.constant 16 : index
      %swap3A_199 = tpu.vector_load %arg13[%swap3A_197, %swap3A_198] {strides = array<i32>} : memref<80x128xf32, #tpu.memory_space<vmem>>, vector<1x16xf32>,
      %swap3A_200 = vector.shape_cast %swap3A_199 : vector<1x16xf32> to vector<16xf32>
      %swap3A_201 = vector.shape_cast %broadcast_in_dim3A_147 : vector<16xf32> to vector<1x16xf32>
      tpu.vector_store %arg13[%swap3A_197, %swap3A_198], %swap3A_201 {strides = array<i32>} : memref<80x128xf32, #tpu.memory_space<vmem>>, vector<1x16xf32>,
      %swap3A_202 = arith.index_cast %scan3A_192 : i32 to index
      %swap3A_203 = arith.constant 32 : index
      %swap3A_204 = tpu.vector_load %arg13[%swap3A_202, %swap3A_203] {strides = array<i32>} : memref<80x128xf32, #tpu.memory_space<vmem>>, vector<1x16xf32>,
      %swap3A_205 = vector.shape_cast %swap3A_204 : vector<1x16xf32> to vector<16xf32>
      %swap3A_206 = vector.shape_cast %broadcast_in_dim3A_147 : vector<16xf32> to vector<1x16xf32>
      tpu.vector_store %arg13[%swap3A_202, %swap3A_203], %swap3A_206 {strides = array<i32>} : memref<80x128xf32, #tpu.memory_space<vmem>>, vector<1x16xf32>,
      %swap3A_207 = arith.index_cast %scan3A_192 : i32 to index
      %swap3A_208 = arith.constant 48 : index
      %swap3A_209 = tpu.vector_load %arg13[%swap3A_207, %swap3A_208] {strides = array<i32>} : memref<80x128xf32, #tpu.memory_space<vmem>>, vector<1x16xf32>,
      %swap3A_210 = vector.shape_cast %swap3A_209 : vector<1x16xf32> to vector<16xf32>
      %swap3A_211 = vector.shape_cast %broadcast_in_dim3A_147 : vector<16xf32> to vector<1x16xf32>
      tpu.vector_store %arg13[%swap3A_207, %swap3A_208], %swap3A_211 {strides = array<i32>} : memref<80x128xf32, #tpu.memory_space<vmem>>, vector<1x16xf32>,
      %swap3A_212 = arith.index_cast %scan3A_192 : i32 to index
      %swap3A_213 = arith.constant 64 : index
      %swap3A_214 = tpu.vector_load %arg13[%swap3A_212, %swap3A_213] {strides = array<i32>} : memref<80x128xf32, #tpu.memory_space<vmem>>, vector<1x16xf32>,
      %swap3A_215 = vector.shape_cast %swap3A_214 : vector<1x16xf32> to vector<16xf32>
      %swap3A_216 = vector.shape_cast %broadcast_in_dim3A_147 : vector<16xf32> to vector<1x16xf32>
      tpu.vector_store %arg13[%swap3A_212, %swap3A_213], %swap3A_216 {strides = array<i32>} : memref<80x128xf32, #tpu.memory_space<vmem>>, vector<1x16xf32>,
      %swap3A_217 = arith.index_cast %scan3A_192 : i32 to index
      %swap3A_218 = arith.constant 80 : index
      %swap3A_219 = tpu.vector_load %arg13[%swap3A_217, %swap3A_218] {strides = array<i32>} : memref<80x128xf32, #tpu.memory_space<vmem>>, vector<1x16xf32>,
      %swap3A_220 = vector.shape_cast %swap3A_219 : vector<1x16xf32> to vector<16xf32>
      %swap3A_221 = vector.shape_cast %broadcast_in_dim3A_147 : vector<16xf32> to vector<1x16xf32>
      tpu.vector_store %arg13[%swap3A_217, %swap3A_218], %swap3A_221 {strides = array<i32>} : memref<80x128xf32, #tpu.memory_space<vmem>>, vector<1x16xf32>,
      %swap3A_222 = arith.index_cast %scan3A_192 : i32 to index
      %swap3A_223 = arith.constant 96 : index
      %swap3A_224 = tpu.vector_load %arg13[%swap3A_222, %swap3A_223] {strides = array<i32>} : memref<80x128xf32, #tpu.memory_space<vmem>>, vector<1x16xf32>,
      %swap3A_225 = vector.shape_cast %swap3A_224 : vector<1x16xf32> to vector<16xf32>
      %swap3A_226 = vector.shape_cast %broadcast_in_dim3A_147 : vector<16xf32> to vector<1x16xf32>
      tpu.vector_store %arg13[%swap3A_222, %swap3A_223], %swap3A_226 {strides = array<i32>} : memref<80x128xf32, #tpu.memory_space<vmem>>, vector<1x16xf32>,
      %swap3A_227 = arith.index_cast %scan3A_192 : i32 to index
      %swap3A_228 = arith.constant 112 : index
      %swap3A_229 = tpu.vector_load %arg13[%swap3A_227, %swap3A_228] {strides = array<i32>} : memref<80x128xf32, #tpu.memory_space<vmem>>, vector<1x16xf32>,
      %swap3A_230 = vector.shape_cast %swap3A_229 : vector<1x16xf32> to vector<16xf32>
      %swap3A_231 = vector.shape_cast %broadcast_in_dim3A_147 : vector<16xf32> to vector<1x16xf32>
      tpu.vector_store %arg13[%swap3A_227, %swap3A_228], %swap3A_231 {strides = array<i32>} : memref<80x128xf32, #tpu.memory_space<vmem>>, vector<1x16xf32>,
    }
    %scan3A_152 = arith.constant 80 : i32
    %barrier3A_153 = arith.constant 0 : index
    tpu.barrier barrier_id(%barrier3A_153)
    %scan3A_154 = arith.constant 0 : i32
    %scan3A_155 = arith.constant 125 : i32
    %scan3A_156 = arith.addi %scan3A_154, %scan3A_155 : i32
    %scan3A_157 = arith.constant 1 : i32
    scf.for %scan3A_192 = %scan3A_154 to %scan3A_156 step %scan3A_157  : i32 {
      %mul3A_193 = arith.constant 80 : i32
      %mul3A_194 = arith.muli %scan3A_192, %mul3A_193 : i32
      %add3A_195 = arith.addi %mul3A_39, %mul3A_194 : i32
      "tpu.region"() ({
        %run_scoped3A = tpu.sem_alloc : memref<!tpu.dma_semaphore, #tpu.memory_space<semaphore_mem>>
        %dma_start3A_204 = tpu.memref_slice %arg4[%add3A_195] : memref<320000xi32, #tpu.memory_space<hbm>> -> memref<80xi32, #tpu.memory_space<hbm>>
        %dma_start3A_205 = tpu.memref_slice %arg4[%add3A_195] : memref<320000xi32, #tpu.memory_space<hbm>> -> memref<80xi32, #tpu.memory_space<hbm>>
        tpu.enqueue_dma source(%dma_start3A_205 : memref<80xi32, #tpu.memory_space<hbm>>) target(%arg9 : memref<80xi32, #tpu.memory_space<vmem>>) target_semaphore(%run_scoped3A : memref<!tpu.dma_semaphore, #tpu.memory_space<semaphore_mem>>)
        %dma_wait3A_206 = tpu.memref_slice %arg4[%add3A_195] : memref<320000xi32, #tpu.memory_space<hbm>> -> memref<80xi32, #tpu.memory_space<hbm>>
        %dma_wait3A_207 = tpu.memref_slice %arg4[%add3A_195] : memref<320000xi32, #tpu.memory_space<hbm>> -> memref<80xi32, #tpu.memory_space<hbm>>
        tpu.wait_dma2 semaphore(%run_scoped3A : memref<!tpu.dma_semaphore, #tpu.memory_space<semaphore_mem>>) src(%dma_wait3A_207 : memref<80xi32, #tpu.memory_space<hbm>>) dst(%arg9 : memref<80xi32, #tpu.memory_space<vmem>>)
        tpu.yield
      }) : () -> ()
      %mul3A_196 = arith.constant 80 : i32
      %mul3A_197 = arith.muli %scan3A_192, %mul3A_196 : i32
      %add3A_198 = arith.addi %mul3A_39, %mul3A_197 : i32
      "tpu.region"() ({
        %run_scoped3A = tpu.sem_alloc : memref<!tpu.dma_semaphore, #tpu.memory_space<semaphore_mem>>
        %dma_start3A_204 = arith.constant 0 : i32
        %dma_start3A_205 = tpu.memref_slice %arg5[%add3A_198, %dma_start3A_204] : memref<320000x16xf32, #tpu.memory_space<hbm>> -> memref<80x16xf32, #tpu.memory_space<hbm>>
        %dma_start3A_206 = arith.constant 0 : i32
        %dma_start3A_207 = tpu.memref_slice %arg5[%add3A_198, %dma_start3A_206] : memref<320000x16xf32, #tpu.memory_space<hbm>> -> memref<80x16xf32, #tpu.memory_space<hbm>>
        tpu.enqueue_dma source(%dma_start3A_207 : memref<80x16xf32, #tpu.memory_space<hbm>>) target(%arg14 : memref<80x16xf32, #tpu.memory_space<vmem>>) target_semaphore(%run_scoped3A : memref<!tpu.dma_semaphore, #tpu.memory_space<semaphore_mem>>)
        %dma_wait3A_208 = arith.constant 0 : i32
        %dma_wait3A_209 = tpu.memref_slice %arg5[%add3A_198, %dma_wait3A_208] : memref<320000x16xf32, #tpu.memory_space<hbm>> -> memref<80x16xf32, #tpu.memory_space<hbm>>
        %dma_wait3A_210 = arith.constant 0 : i32
        %dma_wait3A_211 = tpu.memref_slice %arg5[%add3A_198, %dma_wait3A_210] : memref<320000x16xf32, #tpu.memory_space<hbm>> -> memref<80x16xf32, #tpu.memory_space<hbm>>
        tpu.wait_dma2 semaphore(%run_scoped3A : memref<!tpu.dma_semaphore, #tpu.memory_space<semaphore_mem>>) src(%dma_wait3A_211 : memref<80x16xf32, #tpu.memory_space<hbm>>) dst(%arg14 : memref<80x16xf32, #tpu.memory_space<vmem>>)
        tpu.yield
      }) : () -> ()
      %scan3A_199 = arith.constant 0 : i32
      %scan3A_200 = arith.constant 80 : i32
      %scan3A_201 = arith.addi %scan3A_199, %scan3A_200 : i32
      %scan3A_202 = arith.constant 1 : i32
      scf.for %scan3A_204 = %scan3A_199 to %scan3A_201 step %scan3A_202  : i32 {
        %get3A = arith.index_cast %scan3A_204 : i32 to index
        %get3A_205 = arith.constant 0 : index
        %get3A_206 = tpu.vector_load %arg14[%get3A, %get3A_205] {strides = array<i32>} : memref<80x16xf32, #tpu.memory_space<vmem>>, vector<1x16xf32>,
        %get3A_207 = vector.shape_cast %get3A_206 : vector<1x16xf32> to vector<16xf32>
        %swap3A = arith.index_cast %scan3A_204 : i32 to index
        %swap3A_208 = arith.constant 0 : index
        %swap3A_209 = tpu.vector_load %arg13[%swap3A, %swap3A_208] {strides = array<i32>} : memref<80x128xf32, #tpu.memory_space<vmem>>, vector<1x16xf32>,
        %swap3A_210 = vector.shape_cast %swap3A_209 : vector<1x16xf32> to vector<16xf32>
        %swap3A_211 = vector.shape_cast %get3A_207 : vector<16xf32> to vector<1x16xf32>
        tpu.vector_store %arg13[%swap3A, %swap3A_208], %swap3A_211 {strides = array<i32>} : memref<80x128xf32, #tpu.memory_space<vmem>>, vector<1x16xf32>,
      }
      %scan3A_203 = arith.constant 80 : i32
      "tpu.region"() ({
        %run_scoped3A = tpu.sem_alloc : memref<!tpu.dma_semaphore, #tpu.memory_space<semaphore_mem>>
        %dma_start3A_204 = arith.constant 0 : i32
        %dma_start3A_205 = arith.constant 0 : i32
        %dma_start3A_206 = tpu.memref_slice %arg17[%dma_start3A_204, %dma_start3A_205] : memref<10240x128xf32, #tpu.memory_space<vmem_shared>> -> memref<10240x128xf32, #tpu.memory_space<vmem_shared>>
        tpu.enqueue_indirect_dma source(%arg13 : memref<80x128xf32, #tpu.memory_space<vmem>>) target(%dma_start3A_206 : memref<10240x128xf32, #tpu.memory_space<vmem_shared>>) offsets(%arg9 : memref<80xi32, #tpu.memory_space<vmem>>) semaphore(%run_scoped3A : memref<!tpu.dma_semaphore, #tpu.memory_space<semaphore_mem>>) {add = true}
        %dma_wait3A_207 = arith.constant 0 : i32
        %dma_wait3A_208 = arith.constant 0 : i32
        %dma_wait3A_209 = tpu.memref_slice %arg17[%dma_wait3A_207, %dma_wait3A_208] : memref<10240x128xf32, #tpu.memory_space<vmem_shared>> -> memref<10240x128xf32, #tpu.memory_space<vmem_shared>>
        tpu.wait_indirect_dma semaphore(%run_scoped3A : memref<!tpu.dma_semaphore, #tpu.memory_space<semaphore_mem>>) src(%arg13 : memref<80x128xf32, #tpu.memory_space<vmem>>) dst(%dma_wait3A_209 : memref<10240x128xf32, #tpu.memory_space<vmem_shared>>)
        tpu.yield
      }) : () -> ()
    }
    %scan3A_158 = arith.constant 125 : i32
    %barrier3A_159 = arith.constant 0 : index
    tpu.barrier barrier_id(%barrier3A_159)
    %mul3A_160 = arith.constant 640 : i32
    %mul3A_161 = arith.muli %arg1, %mul3A_160 : i32
    %add3A_162 = arith.constant 0 : i32
    %add3A_163 = arith.addi %mul3A_161, %add3A_162 : i32
    "tpu.region"() ({
      %run_scoped3A = tpu.sem_alloc : memref<!tpu.dma_semaphore, #tpu.memory_space<semaphore_mem>>
      %dma_start3A_192 = arith.constant 0 : i32
      %dma_start3A_193 = tpu.memref_slice %arg17[%add3A_163, %dma_start3A_192] : memref<10240x128xf32, #tpu.memory_space<vmem_shared>> -> memref<80x128xf32, #tpu.memory_space<vmem_shared>>
      %dma_start3A_194 = arith.constant 0 : i32
      %dma_start3A_195 = tpu.memref_slice %arg17[%add3A_163, %dma_start3A_194] : memref<10240x128xf32, #tpu.memory_space<vmem_shared>> -> memref<80x128xf32, #tpu.memory_space<vmem_shared>>
      tpu.enqueue_dma source(%dma_start3A_195 : memref<80x128xf32, #tpu.memory_space<vmem_shared>>) target(%arg12 : memref<80x128xf32, #tpu.memory_space<vmem>>) target_semaphore(%run_scoped3A : memref<!tpu.dma_semaphore, #tpu.memory_space<semaphore_mem>>)
      %dma_wait3A_196 = arith.constant 0 : i32
      %dma_wait3A_197 = tpu.memref_slice %arg17[%add3A_163, %dma_wait3A_196] : memref<10240x128xf32, #tpu.memory_space<vmem_shared>> -> memref<80x128xf32, #tpu.memory_space<vmem_shared>>
      %dma_wait3A_198 = arith.constant 0 : i32
      %dma_wait3A_199 = tpu.memref_slice %arg17[%add3A_163, %dma_wait3A_198] : memref<10240x128xf32, #tpu.memory_space<vmem_shared>> -> memref<80x128xf32, #tpu.memory_space<vmem_shared>>
      tpu.wait_dma2 semaphore(%run_scoped3A : memref<!tpu.dma_semaphore, #tpu.memory_space<semaphore_mem>>) src(%dma_wait3A_199 : memref<80x128xf32, #tpu.memory_space<vmem_shared>>) dst(%arg12 : memref<80x128xf32, #tpu.memory_space<vmem>>)
      tpu.yield
    }) : () -> ()
    "tpu.region"() ({
      %run_scoped3A = tpu.sem_alloc : memref<!tpu.dma_semaphore, #tpu.memory_space<semaphore_mem>>
      %dma_start3A_192 = arith.constant 0 : i32
      %dma_start3A_193 = tpu.memref_slice %arg7[%arg0, %add3A_163, %dma_start3A_192] : memref<2x10240x128xf32, #tpu.memory_space<hbm>> -> memref<1x80x128xf32, #tpu.memory_space<hbm>>
      %dma_start3A_194 = tpu.memref_squeeze %dma_start3A_193 : memref<1x80x128xf32, #tpu.memory_space<hbm>> -> memref<80x128xf32, #tpu.memory_space<hbm>>
      %dma_start3A_195 = arith.constant 0 : i32
      %dma_start3A_196 = tpu.memref_slice %arg7[%arg0, %add3A_163, %dma_start3A_195] : memref<2x10240x128xf32, #tpu.memory_space<hbm>> -> memref<1x80x128xf32, #tpu.memory_space<hbm>>
      %dma_start3A_197 = tpu.memref_squeeze %dma_start3A_196 : memref<1x80x128xf32, #tpu.memory_space<hbm>> -> memref<80x128xf32, #tpu.memory_space<hbm>>
      tpu.enqueue_dma source(%arg12 : memref<80x128xf32, #tpu.memory_space<vmem>>) target(%dma_start3A_197 : memref<80x128xf32, #tpu.memory_space<hbm>>) target_semaphore(%run_scoped3A : memref<!tpu.dma_semaphore, #tpu.memory_space<semaphore_mem>>)
      %dma_wait3A_198 = arith.constant 0 : i32
      %dma_wait3A_199 = tpu.memref_slice %arg7[%arg0, %add3A_163, %dma_wait3A_198] : memref<2x10240x128xf32, #tpu.memory_space<hbm>> -> memref<1x80x128xf32, #tpu.memory_space<hbm>>
      %dma_wait3A_200 = tpu.memref_squeeze %dma_wait3A_199 : memref<1x80x128xf32, #tpu.memory_space<hbm>> -> memref<80x128xf32, #tpu.memory_space<hbm>>
      %dma_wait3A_201 = arith.constant 0 : i32
      %dma_wait3A_202 = tpu.memref_slice %arg7[%arg0, %add3A_163, %dma_wait3A_201] : memref<2x10240x128xf32, #tpu.memory_space<hbm>> -> memref<1x80x128xf32, #tpu.memory_space<hbm>>
      %dma_wait3A_203 = tpu.memref_squeeze %dma_wait3A_202 : memref<1x80x128xf32, #tpu.memory_space<hbm>> -> memref<80x128xf32, #tpu.memory_space<hbm>>
      tpu.wait_dma2 semaphore(%run_scoped3A : memref<!tpu.dma_semaphore, #tpu.memory_space<semaphore_mem>>) src(%arg12 : memref<80x128xf32, #tpu.memory_space<vmem>>) dst(%dma_wait3A_203 : memref<80x128xf32, #tpu.memory_space<hbm>>)
      tpu.yield
    }) : () -> ()
    %mul3A_164 = arith.constant 640 : i32
    %mul3A_165 = arith.muli %arg1, %mul3A_164 : i32
    %add3A_166 = arith.constant 80 : i32
    %add3A_167 = arith.addi %mul3A_165, %add3A_166 : i32
    "tpu.region"() ({
      %run_scoped3A = tpu.sem_alloc : memref<!tpu.dma_semaphore, #tpu.memory_space<semaphore_mem>>
      %dma_start3A_192 = arith.constant 0 : i32
      %dma_start3A_193 = tpu.memref_slice %arg17[%add3A_167, %dma_start3A_192] : memref<10240x128xf32, #tpu.memory_space<vmem_shared>> -> memref<80x128xf32, #tpu.memory_space<vmem_shared>>
      %dma_start3A_194 = arith.constant 0 : i32
      %dma_start3A_195 = tpu.memref_slice %arg17[%add3A_167, %dma_start3A_194] : memref<10240x128xf32, #tpu.memory_space<vmem_shared>> -> memref<80x128xf32, #tpu.memory_space<vmem_shared>>
      tpu.enqueue_dma source(%dma_start3A_195 : memref<80x128xf32, #tpu.memory_space<vmem_shared>>) target(%arg12 : memref<80x128xf32, #tpu.memory_space<vmem>>) target_semaphore(%run_scoped3A : memref<!tpu.dma_semaphore, #tpu.memory_space<semaphore_mem>>)
      %dma_wait3A_196 = arith.constant 0 : i32
      %dma_wait3A_197 = tpu.memref_slice %arg17[%add3A_167, %dma_wait3A_196] : memref<10240x128xf32, #tpu.memory_space<vmem_shared>> -> memref<80x128xf32, #tpu.memory_space<vmem_shared>>
      %dma_wait3A_198 = arith.constant 0 : i32
      %dma_wait3A_199 = tpu.memref_slice %arg17[%add3A_167, %dma_wait3A_198] : memref<10240x128xf32, #tpu.memory_space<vmem_shared>> -> memref<80x128xf32, #tpu.memory_space<vmem_shared>>
      tpu.wait_dma2 semaphore(%run_scoped3A : memref<!tpu.dma_semaphore, #tpu.memory_space<semaphore_mem>>) src(%dma_wait3A_199 : memref<80x128xf32, #tpu.memory_space<vmem_shared>>) dst(%arg12 : memref<80x128xf32, #tpu.memory_space<vmem>>)
      tpu.yield
    }) : () -> ()
    "tpu.region"() ({
      %run_scoped3A = tpu.sem_alloc : memref<!tpu.dma_semaphore, #tpu.memory_space<semaphore_mem>>
      %dma_start3A_192 = arith.constant 0 : i32
      %dma_start3A_193 = tpu.memref_slice %arg7[%arg0, %add3A_167, %dma_start3A_192] : memref<2x10240x128xf32, #tpu.memory_space<hbm>> -> memref<1x80x128xf32, #tpu.memory_space<hbm>>
      %dma_start3A_194 = tpu.memref_squeeze %dma_start3A_193 : memref<1x80x128xf32, #tpu.memory_space<hbm>> -> memref<80x128xf32, #tpu.memory_space<hbm>>
      %dma_start3A_195 = arith.constant 0 : i32
      %dma_start3A_196 = tpu.memref_slice %arg7[%arg0, %add3A_167, %dma_start3A_195] : memref<2x10240x128xf32, #tpu.memory_space<hbm>> -> memref<1x80x128xf32, #tpu.memory_space<hbm>>
      %dma_start3A_197 = tpu.memref_squeeze %dma_start3A_196 : memref<1x80x128xf32, #tpu.memory_space<hbm>> -> memref<80x128xf32, #tpu.memory_space<hbm>>
      tpu.enqueue_dma source(%arg12 : memref<80x128xf32, #tpu.memory_space<vmem>>) target(%dma_start3A_197 : memref<80x128xf32, #tpu.memory_space<hbm>>) target_semaphore(%run_scoped3A : memref<!tpu.dma_semaphore, #tpu.memory_space<semaphore_mem>>)
      %dma_wait3A_198 = arith.constant 0 : i32
      %dma_wait3A_199 = tpu.memref_slice %arg7[%arg0, %add3A_167, %dma_wait3A_198] : memref<2x10240x128xf32, #tpu.memory_space<hbm>> -> memref<1x80x128xf32, #tpu.memory_space<hbm>>
      %dma_wait3A_200 = tpu.memref_squeeze %dma_wait3A_199 : memref<1x80x128xf32, #tpu.memory_space<hbm>> -> memref<80x128xf32, #tpu.memory_space<hbm>>
      %dma_wait3A_201 = arith.constant 0 : i32
      %dma_wait3A_202 = tpu.memref_slice %arg7[%arg0, %add3A_167, %dma_wait3A_201] : memref<2x10240x128xf32, #tpu.memory_space<hbm>> -> memref<1x80x128xf32, #tpu.memory_space<hbm>>
      %dma_wait3A_203 = tpu.memref_squeeze %dma_wait3A_202 : memref<1x80x128xf32, #tpu.memory_space<hbm>> -> memref<80x128xf32, #tpu.memory_space<hbm>>
      tpu.wait_dma2 semaphore(%run_scoped3A : memref<!tpu.dma_semaphore, #tpu.memory_space<semaphore_mem>>) src(%arg12 : memref<80x128xf32, #tpu.memory_space<vmem>>) dst(%dma_wait3A_203 : memref<80x128xf32, #tpu.memory_space<hbm>>)
      tpu.yield
    }) : () -> ()
    %mul3A_168 = arith.constant 640 : i32
    %mul3A_169 = arith.muli %arg1, %mul3A_168 : i32
    %add3A_170 = arith.constant 160 : i32
    %add3A_171 = arith.addi %mul3A_169, %add3A_170 : i32
    "tpu.region"() ({
      %run_scoped3A = tpu.sem_alloc : memref<!tpu.dma_semaphore, #tpu.memory_space<semaphore_mem>>
      %dma_start3A_192 = arith.constant 0 : i32
      %dma_start3A_193 = tpu.memref_slice %arg17[%add3A_171, %dma_start3A_192] : memref<10240x128xf32, #tpu.memory_space<vmem_shared>> -> memref<80x128xf32, #tpu.memory_space<vmem_shared>>
      %dma_start3A_194 = arith.constant 0 : i32
      %dma_start3A_195 = tpu.memref_slice %arg17[%add3A_171, %dma_start3A_194] : memref<10240x128xf32, #tpu.memory_space<vmem_shared>> -> memref<80x128xf32, #tpu.memory_space<vmem_shared>>
      tpu.enqueue_dma source(%dma_start3A_195 : memref<80x128xf32, #tpu.memory_space<vmem_shared>>) target(%arg12 : memref<80x128xf32, #tpu.memory_space<vmem>>) target_semaphore(%run_scoped3A : memref<!tpu.dma_semaphore, #tpu.memory_space<semaphore_mem>>)
      %dma_wait3A_196 = arith.constant 0 : i32
      %dma_wait3A_197 = tpu.memref_slice %arg17[%add3A_171, %dma_wait3A_196] : memref<10240x128xf32, #tpu.memory_space<vmem_shared>> -> memref<80x128xf32, #tpu.memory_space<vmem_shared>>
      %dma_wait3A_198 = arith.constant 0 : i32
      %dma_wait3A_199 = tpu.memref_slice %arg17[%add3A_171, %dma_wait3A_198] : memref<10240x128xf32, #tpu.memory_space<vmem_shared>> -> memref<80x128xf32, #tpu.memory_space<vmem_shared>>
      tpu.wait_dma2 semaphore(%run_scoped3A : memref<!tpu.dma_semaphore, #tpu.memory_space<semaphore_mem>>) src(%dma_wait3A_199 : memref<80x128xf32, #tpu.memory_space<vmem_shared>>) dst(%arg12 : memref<80x128xf32, #tpu.memory_space<vmem>>)
      tpu.yield
    }) : () -> ()
    "tpu.region"() ({
      %run_scoped3A = tpu.sem_alloc : memref<!tpu.dma_semaphore, #tpu.memory_space<semaphore_mem>>
      %dma_start3A_192 = arith.constant 0 : i32
      %dma_start3A_193 = tpu.memref_slice %arg7[%arg0, %add3A_171, %dma_start3A_192] : memref<2x10240x128xf32, #tpu.memory_space<hbm>> -> memref<1x80x128xf32, #tpu.memory_space<hbm>>
      %dma_start3A_194 = tpu.memref_squeeze %dma_start3A_193 : memref<1x80x128xf32, #tpu.memory_space<hbm>> -> memref<80x128xf32, #tpu.memory_space<hbm>>
      %dma_start3A_195 = arith.constant 0 : i32
      %dma_start3A_196 = tpu.memref_slice %arg7[%arg0, %add3A_171, %dma_start3A_195] : memref<2x10240x128xf32, #tpu.memory_space<hbm>> -> memref<1x80x128xf32, #tpu.memory_space<hbm>>
      %dma_start3A_197 = tpu.memref_squeeze %dma_start3A_196 : memref<1x80x128xf32, #tpu.memory_space<hbm>> -> memref<80x128xf32, #tpu.memory_space<hbm>>
      tpu.enqueue_dma source(%arg12 : memref<80x128xf32, #tpu.memory_space<vmem>>) target(%dma_start3A_197 : memref<80x128xf32, #tpu.memory_space<hbm>>) target_semaphore(%run_scoped3A : memref<!tpu.dma_semaphore, #tpu.memory_space<semaphore_mem>>)
      %dma_wait3A_198 = arith.constant 0 : i32
      %dma_wait3A_199 = tpu.memref_slice %arg7[%arg0, %add3A_171, %dma_wait3A_198] : memref<2x10240x128xf32, #tpu.memory_space<hbm>> -> memref<1x80x128xf32, #tpu.memory_space<hbm>>
      %dma_wait3A_200 = tpu.memref_squeeze %dma_wait3A_199 : memref<1x80x128xf32, #tpu.memory_space<hbm>> -> memref<80x128xf32, #tpu.memory_space<hbm>>
      %dma_wait3A_201 = arith.constant 0 : i32
      %dma_wait3A_202 = tpu.memref_slice %arg7[%arg0, %add3A_171, %dma_wait3A_201] : memref<2x10240x128xf32, #tpu.memory_space<hbm>> -> memref<1x80x128xf32, #tpu.memory_space<hbm>>
      %dma_wait3A_203 = tpu.memref_squeeze %dma_wait3A_202 : memref<1x80x128xf32, #tpu.memory_space<hbm>> -> memref<80x128xf32, #tpu.memory_space<hbm>>
      tpu.wait_dma2 semaphore(%run_scoped3A : memref<!tpu.dma_semaphore, #tpu.memory_space<semaphore_mem>>) src(%arg12 : memref<80x128xf32, #tpu.memory_space<vmem>>) dst(%dma_wait3A_203 : memref<80x128xf32, #tpu.memory_space<hbm>>)
      tpu.yield
    }) : () -> ()
    %mul3A_172 = arith.constant 640 : i32
    %mul3A_173 = arith.muli %arg1, %mul3A_172 : i32
    %add3A_174 = arith.constant 240 : i32
    %add3A_175 = arith.addi %mul3A_173, %add3A_174 : i32
    "tpu.region"() ({
      %run_scoped3A = tpu.sem_alloc : memref<!tpu.dma_semaphore, #tpu.memory_space<semaphore_mem>>
      %dma_start3A_192 = arith.constant 0 : i32
      %dma_start3A_193 = tpu.memref_slice %arg17[%add3A_175, %dma_start3A_192] : memref<10240x128xf32, #tpu.memory_space<vmem_shared>> -> memref<80x128xf32, #tpu.memory_space<vmem_shared>>
      %dma_start3A_194 = arith.constant 0 : i32
      %dma_start3A_195 = tpu.memref_slice %arg17[%add3A_175, %dma_start3A_194] : memref<10240x128xf32, #tpu.memory_space<vmem_shared>> -> memref<80x128xf32, #tpu.memory_space<vmem_shared>>
      tpu.enqueue_dma source(%dma_start3A_195 : memref<80x128xf32, #tpu.memory_space<vmem_shared>>) target(%arg12 : memref<80x128xf32, #tpu.memory_space<vmem>>) target_semaphore(%run_scoped3A : memref<!tpu.dma_semaphore, #tpu.memory_space<semaphore_mem>>)
      %dma_wait3A_196 = arith.constant 0 : i32
      %dma_wait3A_197 = tpu.memref_slice %arg17[%add3A_175, %dma_wait3A_196] : memref<10240x128xf32, #tpu.memory_space<vmem_shared>> -> memref<80x128xf32, #tpu.memory_space<vmem_shared>>
      %dma_wait3A_198 = arith.constant 0 : i32
      %dma_wait3A_199 = tpu.memref_slice %arg17[%add3A_175, %dma_wait3A_198] : memref<10240x128xf32, #tpu.memory_space<vmem_shared>> -> memref<80x128xf32, #tpu.memory_space<vmem_shared>>
      tpu.wait_dma2 semaphore(%run_scoped3A : memref<!tpu.dma_semaphore, #tpu.memory_space<semaphore_mem>>) src(%dma_wait3A_199 : memref<80x128xf32, #tpu.memory_space<vmem_shared>>) dst(%arg12 : memref<80x128xf32, #tpu.memory_space<vmem>>)
      tpu.yield
    }) : () -> ()
    "tpu.region"() ({
      %run_scoped3A = tpu.sem_alloc : memref<!tpu.dma_semaphore, #tpu.memory_space<semaphore_mem>>
      %dma_start3A_192 = arith.constant 0 : i32
      %dma_start3A_193 = tpu.memref_slice %arg7[%arg0, %add3A_175, %dma_start3A_192] : memref<2x10240x128xf32, #tpu.memory_space<hbm>> -> memref<1x80x128xf32, #tpu.memory_space<hbm>>
      %dma_start3A_194 = tpu.memref_squeeze %dma_start3A_193 : memref<1x80x128xf32, #tpu.memory_space<hbm>> -> memref<80x128xf32, #tpu.memory_space<hbm>>
      %dma_start3A_195 = arith.constant 0 : i32
      %dma_start3A_196 = tpu.memref_slice %arg7[%arg0, %add3A_175, %dma_start3A_195] : memref<2x10240x128xf32, #tpu.memory_space<hbm>> -> memref<1x80x128xf32, #tpu.memory_space<hbm>>
      %dma_start3A_197 = tpu.memref_squeeze %dma_start3A_196 : memref<1x80x128xf32, #tpu.memory_space<hbm>> -> memref<80x128xf32, #tpu.memory_space<hbm>>
      tpu.enqueue_dma source(%arg12 : memref<80x128xf32, #tpu.memory_space<vmem>>) target(%dma_start3A_197 : memref<80x128xf32, #tpu.memory_space<hbm>>) target_semaphore(%run_scoped3A : memref<!tpu.dma_semaphore, #tpu.memory_space<semaphore_mem>>)
      %dma_wait3A_198 = arith.constant 0 : i32
      %dma_wait3A_199 = tpu.memref_slice %arg7[%arg0, %add3A_175, %dma_wait3A_198] : memref<2x10240x128xf32, #tpu.memory_space<hbm>> -> memref<1x80x128xf32, #tpu.memory_space<hbm>>
      %dma_wait3A_200 = tpu.memref_squeeze %dma_wait3A_199 : memref<1x80x128xf32, #tpu.memory_space<hbm>> -> memref<80x128xf32, #tpu.memory_space<hbm>>
      %dma_wait3A_201 = arith.constant 0 : i32
      %dma_wait3A_202 = tpu.memref_slice %arg7[%arg0, %add3A_175, %dma_wait3A_201] : memref<2x10240x128xf32, #tpu.memory_space<hbm>> -> memref<1x80x128xf32, #tpu.memory_space<hbm>>
      %dma_wait3A_203 = tpu.memref_squeeze %dma_wait3A_202 : memref<1x80x128xf32, #tpu.memory_space<hbm>> -> memref<80x128xf32, #tpu.memory_space<hbm>>
      tpu.wait_dma2 semaphore(%run_scoped3A : memref<!tpu.dma_semaphore, #tpu.memory_space<semaphore_mem>>) src(%arg12 : memref<80x128xf32, #tpu.memory_space<vmem>>) dst(%dma_wait3A_203 : memref<80x128xf32, #tpu.memory_space<hbm>>)
      tpu.yield
    }) : () -> ()
    %mul3A_176 = arith.constant 640 : i32
    %mul3A_177 = arith.muli %arg1, %mul3A_176 : i32
    %add3A_178 = arith.constant 320 : i32
    %add3A_179 = arith.addi %mul3A_177, %add3A_178 : i32
    "tpu.region"() ({
      %run_scoped3A = tpu.sem_alloc : memref<!tpu.dma_semaphore, #tpu.memory_space<semaphore_mem>>
      %dma_start3A_192 = arith.constant 0 : i32
      %dma_start3A_193 = tpu.memref_slice %arg17[%add3A_179, %dma_start3A_192] : memref<10240x128xf32, #tpu.memory_space<vmem_shared>> -> memref<80x128xf32, #tpu.memory_space<vmem_shared>>
      %dma_start3A_194 = arith.constant 0 : i32
      %dma_start3A_195 = tpu.memref_slice %arg17[%add3A_179, %dma_start3A_194] : memref<10240x128xf32, #tpu.memory_space<vmem_shared>> -> memref<80x128xf32, #tpu.memory_space<vmem_shared>>
      tpu.enqueue_dma source(%dma_start3A_195 : memref<80x128xf32, #tpu.memory_space<vmem_shared>>) target(%arg12 : memref<80x128xf32, #tpu.memory_space<vmem>>) target_semaphore(%run_scoped3A : memref<!tpu.dma_semaphore, #tpu.memory_space<semaphore_mem>>)
      %dma_wait3A_196 = arith.constant 0 : i32
      %dma_wait3A_197 = tpu.memref_slice %arg17[%add3A_179, %dma_wait3A_196] : memref<10240x128xf32, #tpu.memory_space<vmem_shared>> -> memref<80x128xf32, #tpu.memory_space<vmem_shared>>
      %dma_wait3A_198 = arith.constant 0 : i32
      %dma_wait3A_199 = tpu.memref_slice %arg17[%add3A_179, %dma_wait3A_198] : memref<10240x128xf32, #tpu.memory_space<vmem_shared>> -> memref<80x128xf32, #tpu.memory_space<vmem_shared>>
      tpu.wait_dma2 semaphore(%run_scoped3A : memref<!tpu.dma_semaphore, #tpu.memory_space<semaphore_mem>>) src(%dma_wait3A_199 : memref<80x128xf32, #tpu.memory_space<vmem_shared>>) dst(%arg12 : memref<80x128xf32, #tpu.memory_space<vmem>>)
      tpu.yield
    }) : () -> ()
    "tpu.region"() ({
      %run_scoped3A = tpu.sem_alloc : memref<!tpu.dma_semaphore, #tpu.memory_space<semaphore_mem>>
      %dma_start3A_192 = arith.constant 0 : i32
      %dma_start3A_193 = tpu.memref_slice %arg7[%arg0, %add3A_179, %dma_start3A_192] : memref<2x10240x128xf32, #tpu.memory_space<hbm>> -> memref<1x80x128xf32, #tpu.memory_space<hbm>>
      %dma_start3A_194 = tpu.memref_squeeze %dma_start3A_193 : memref<1x80x128xf32, #tpu.memory_space<hbm>> -> memref<80x128xf32, #tpu.memory_space<hbm>>
      %dma_start3A_195 = arith.constant 0 : i32
      %dma_start3A_196 = tpu.memref_slice %arg7[%arg0, %add3A_179, %dma_start3A_195] : memref<2x10240x128xf32, #tpu.memory_space<hbm>> -> memref<1x80x128xf32, #tpu.memory_space<hbm>>
      %dma_start3A_197 = tpu.memref_squeeze %dma_start3A_196 : memref<1x80x128xf32, #tpu.memory_space<hbm>> -> memref<80x128xf32, #tpu.memory_space<hbm>>
      tpu.enqueue_dma source(%arg12 : memref<80x128xf32, #tpu.memory_space<vmem>>) target(%dma_start3A_197 : memref<80x128xf32, #tpu.memory_space<hbm>>) target_semaphore(%run_scoped3A : memref<!tpu.dma_semaphore, #tpu.memory_space<semaphore_mem>>)
      %dma_wait3A_198 = arith.constant 0 : i32
      %dma_wait3A_199 = tpu.memref_slice %arg7[%arg0, %add3A_179, %dma_wait3A_198] : memref<2x10240x128xf32, #tpu.memory_space<hbm>> -> memref<1x80x128xf32, #tpu.memory_space<hbm>>
      %dma_wait3A_200 = tpu.memref_squeeze %dma_wait3A_199 : memref<1x80x128xf32, #tpu.memory_space<hbm>> -> memref<80x128xf32, #tpu.memory_space<hbm>>
      %dma_wait3A_201 = arith.constant 0 : i32
      %dma_wait3A_202 = tpu.memref_slice %arg7[%arg0, %add3A_179, %dma_wait3A_201] : memref<2x10240x128xf32, #tpu.memory_space<hbm>> -> memref<1x80x128xf32, #tpu.memory_space<hbm>>
      %dma_wait3A_203 = tpu.memref_squeeze %dma_wait3A_202 : memref<1x80x128xf32, #tpu.memory_space<hbm>> -> memref<80x128xf32, #tpu.memory_space<hbm>>
      tpu.wait_dma2 semaphore(%run_scoped3A : memref<!tpu.dma_semaphore, #tpu.memory_space<semaphore_mem>>) src(%arg12 : memref<80x128xf32, #tpu.memory_space<vmem>>) dst(%dma_wait3A_203 : memref<80x128xf32, #tpu.memory_space<hbm>>)
      tpu.yield
    }) : () -> ()
    %mul3A_180 = arith.constant 640 : i32
    %mul3A_181 = arith.muli %arg1, %mul3A_180 : i32
    %add3A_182 = arith.constant 400 : i32
    %add3A_183 = arith.addi %mul3A_181, %add3A_182 : i32
    "tpu.region"() ({
      %run_scoped3A = tpu.sem_alloc : memref<!tpu.dma_semaphore, #tpu.memory_space<semaphore_mem>>
      %dma_start3A_192 = arith.constant 0 : i32
      %dma_start3A_193 = tpu.memref_slice %arg17[%add3A_183, %dma_start3A_192] : memref<10240x128xf32, #tpu.memory_space<vmem_shared>> -> memref<80x128xf32, #tpu.memory_space<vmem_shared>>
      %dma_start3A_194 = arith.constant 0 : i32
      %dma_start3A_195 = tpu.memref_slice %arg17[%add3A_183, %dma_start3A_194] : memref<10240x128xf32, #tpu.memory_space<vmem_shared>> -> memref<80x128xf32, #tpu.memory_space<vmem_shared>>
      tpu.enqueue_dma source(%dma_start3A_195 : memref<80x128xf32, #tpu.memory_space<vmem_shared>>) target(%arg12 : memref<80x128xf32, #tpu.memory_space<vmem>>) target_semaphore(%run_scoped3A : memref<!tpu.dma_semaphore, #tpu.memory_space<semaphore_mem>>)
      %dma_wait3A_196 = arith.constant 0 : i32
      %dma_wait3A_197 = tpu.memref_slice %arg17[%add3A_183, %dma_wait3A_196] : memref<10240x128xf32, #tpu.memory_space<vmem_shared>> -> memref<80x128xf32, #tpu.memory_space<vmem_shared>>
      %dma_wait3A_198 = arith.constant 0 : i32
      %dma_wait3A_199 = tpu.memref_slice %arg17[%add3A_183, %dma_wait3A_198] : memref<10240x128xf32, #tpu.memory_space<vmem_shared>> -> memref<80x128xf32, #tpu.memory_space<vmem_shared>>
      tpu.wait_dma2 semaphore(%run_scoped3A : memref<!tpu.dma_semaphore, #tpu.memory_space<semaphore_mem>>) src(%dma_wait3A_199 : memref<80x128xf32, #tpu.memory_space<vmem_shared>>) dst(%arg12 : memref<80x128xf32, #tpu.memory_space<vmem>>)
      tpu.yield
    }) : () -> ()
    "tpu.region"() ({
      %run_scoped3A = tpu.sem_alloc : memref<!tpu.dma_semaphore, #tpu.memory_space<semaphore_mem>>
      %dma_start3A_192 = arith.constant 0 : i32
      %dma_start3A_193 = tpu.memref_slice %arg7[%arg0, %add3A_183, %dma_start3A_192] : memref<2x10240x128xf32, #tpu.memory_space<hbm>> -> memref<1x80x128xf32, #tpu.memory_space<hbm>>
      %dma_start3A_194 = tpu.memref_squeeze %dma_start3A_193 : memref<1x80x128xf32, #tpu.memory_space<hbm>> -> memref<80x128xf32, #tpu.memory_space<hbm>>
      %dma_start3A_195 = arith.constant 0 : i32
      %dma_start3A_196 = tpu.memref_slice %arg7[%arg0, %add3A_183, %dma_start3A_195] : memref<2x10240x128xf32, #tpu.memory_space<hbm>> -> memref<1x80x128xf32, #tpu.memory_space<hbm>>
      %dma_start3A_197 = tpu.memref_squeeze %dma_start3A_196 : memref<1x80x128xf32, #tpu.memory_space<hbm>> -> memref<80x128xf32, #tpu.memory_space<hbm>>
      tpu.enqueue_dma source(%arg12 : memref<80x128xf32, #tpu.memory_space<vmem>>) target(%dma_start3A_197 : memref<80x128xf32, #tpu.memory_space<hbm>>) target_semaphore(%run_scoped3A : memref<!tpu.dma_semaphore, #tpu.memory_space<semaphore_mem>>)
      %dma_wait3A_198 = arith.constant 0 : i32
      %dma_wait3A_199 = tpu.memref_slice %arg7[%arg0, %add3A_183, %dma_wait3A_198] : memref<2x10240x128xf32, #tpu.memory_space<hbm>> -> memref<1x80x128xf32, #tpu.memory_space<hbm>>
      %dma_wait3A_200 = tpu.memref_squeeze %dma_wait3A_199 : memref<1x80x128xf32, #tpu.memory_space<hbm>> -> memref<80x128xf32, #tpu.memory_space<hbm>>
      %dma_wait3A_201 = arith.constant 0 : i32
      %dma_wait3A_202 = tpu.memref_slice %arg7[%arg0, %add3A_183, %dma_wait3A_201] : memref<2x10240x128xf32, #tpu.memory_space<hbm>> -> memref<1x80x128xf32, #tpu.memory_space<hbm>>
      %dma_wait3A_203 = tpu.memref_squeeze %dma_wait3A_202 : memref<1x80x128xf32, #tpu.memory_space<hbm>> -> memref<80x128xf32, #tpu.memory_space<hbm>>
      tpu.wait_dma2 semaphore(%run_scoped3A : memref<!tpu.dma_semaphore, #tpu.memory_space<semaphore_mem>>) src(%arg12 : memref<80x128xf32, #tpu.memory_space<vmem>>) dst(%dma_wait3A_203 : memref<80x128xf32, #tpu.memory_space<hbm>>)
      tpu.yield
    }) : () -> ()
    %mul3A_184 = arith.constant 640 : i32
    %mul3A_185 = arith.muli %arg1, %mul3A_184 : i32
    %add3A_186 = arith.constant 480 : i32
    %add3A_187 = arith.addi %mul3A_185, %add3A_186 : i32
    "tpu.region"() ({
      %run_scoped3A = tpu.sem_alloc : memref<!tpu.dma_semaphore, #tpu.memory_space<semaphore_mem>>
      %dma_start3A_192 = arith.constant 0 : i32
      %dma_start3A_193 = tpu.memref_slice %arg17[%add3A_187, %dma_start3A_192] : memref<10240x128xf32, #tpu.memory_space<vmem_shared>> -> memref<80x128xf32, #tpu.memory_space<vmem_shared>>
      %dma_start3A_194 = arith.constant 0 : i32
      %dma_start3A_195 = tpu.memref_slice %arg17[%add3A_187, %dma_start3A_194] : memref<10240x128xf32, #tpu.memory_space<vmem_shared>> -> memref<80x128xf32, #tpu.memory_space<vmem_shared>>
      tpu.enqueue_dma source(%dma_start3A_195 : memref<80x128xf32, #tpu.memory_space<vmem_shared>>) target(%arg12 : memref<80x128xf32, #tpu.memory_space<vmem>>) target_semaphore(%run_scoped3A : memref<!tpu.dma_semaphore, #tpu.memory_space<semaphore_mem>>)
      %dma_wait3A_196 = arith.constant 0 : i32
      %dma_wait3A_197 = tpu.memref_slice %arg17[%add3A_187, %dma_wait3A_196] : memref<10240x128xf32, #tpu.memory_space<vmem_shared>> -> memref<80x128xf32, #tpu.memory_space<vmem_shared>>
      %dma_wait3A_198 = arith.constant 0 : i32
      %dma_wait3A_199 = tpu.memref_slice %arg17[%add3A_187, %dma_wait3A_198] : memref<10240x128xf32, #tpu.memory_space<vmem_shared>> -> memref<80x128xf32, #tpu.memory_space<vmem_shared>>
      tpu.wait_dma2 semaphore(%run_scoped3A : memref<!tpu.dma_semaphore, #tpu.memory_space<semaphore_mem>>) src(%dma_wait3A_199 : memref<80x128xf32, #tpu.memory_space<vmem_shared>>) dst(%arg12 : memref<80x128xf32, #tpu.memory_space<vmem>>)
      tpu.yield
    }) : () -> ()
    "tpu.region"() ({
      %run_scoped3A = tpu.sem_alloc : memref<!tpu.dma_semaphore, #tpu.memory_space<semaphore_mem>>
      %dma_start3A_192 = arith.constant 0 : i32
      %dma_start3A_193 = tpu.memref_slice %arg7[%arg0, %add3A_187, %dma_start3A_192] : memref<2x10240x128xf32, #tpu.memory_space<hbm>> -> memref<1x80x128xf32, #tpu.memory_space<hbm>>
      %dma_start3A_194 = tpu.memref_squeeze %dma_start3A_193 : memref<1x80x128xf32, #tpu.memory_space<hbm>> -> memref<80x128xf32, #tpu.memory_space<hbm>>
      %dma_start3A_195 = arith.constant 0 : i32
      %dma_start3A_196 = tpu.memref_slice %arg7[%arg0, %add3A_187, %dma_start3A_195] : memref<2x10240x128xf32, #tpu.memory_space<hbm>> -> memref<1x80x128xf32, #tpu.memory_space<hbm>>
      %dma_start3A_197 = tpu.memref_squeeze %dma_start3A_196 : memref<1x80x128xf32, #tpu.memory_space<hbm>> -> memref<80x128xf32, #tpu.memory_space<hbm>>
      tpu.enqueue_dma source(%arg12 : memref<80x128xf32, #tpu.memory_space<vmem>>) target(%dma_start3A_197 : memref<80x128xf32, #tpu.memory_space<hbm>>) target_semaphore(%run_scoped3A : memref<!tpu.dma_semaphore, #tpu.memory_space<semaphore_mem>>)
      %dma_wait3A_198 = arith.constant 0 : i32
      %dma_wait3A_199 = tpu.memref_slice %arg7[%arg0, %add3A_187, %dma_wait3A_198] : memref<2x10240x128xf32, #tpu.memory_space<hbm>> -> memref<1x80x128xf32, #tpu.memory_space<hbm>>
      %dma_wait3A_200 = tpu.memref_squeeze %dma_wait3A_199 : memref<1x80x128xf32, #tpu.memory_space<hbm>> -> memref<80x128xf32, #tpu.memory_space<hbm>>
      %dma_wait3A_201 = arith.constant 0 : i32
      %dma_wait3A_202 = tpu.memref_slice %arg7[%arg0, %add3A_187, %dma_wait3A_201] : memref<2x10240x128xf32, #tpu.memory_space<hbm>> -> memref<1x80x128xf32, #tpu.memory_space<hbm>>
      %dma_wait3A_203 = tpu.memref_squeeze %dma_wait3A_202 : memref<1x80x128xf32, #tpu.memory_space<hbm>> -> memref<80x128xf32, #tpu.memory_space<hbm>>
      tpu.wait_dma2 semaphore(%run_scoped3A : memref<!tpu.dma_semaphore, #tpu.memory_space<semaphore_mem>>) src(%arg12 : memref<80x128xf32, #tpu.memory_space<vmem>>) dst(%dma_wait3A_203 : memref<80x128xf32, #tpu.memory_space<hbm>>)
      tpu.yield
    }) : () -> ()
    %mul3A_188 = arith.constant 640 : i32
    %mul3A_189 = arith.muli %arg1, %mul3A_188 : i32
    %add3A_190 = arith.constant 560 : i32
    %add3A_191 = arith.addi %mul3A_189, %add3A_190 : i32
    "tpu.region"() ({
      %run_scoped3A = tpu.sem_alloc : memref<!tpu.dma_semaphore, #tpu.memory_space<semaphore_mem>>
      %dma_start3A_192 = arith.constant 0 : i32
      %dma_start3A_193 = tpu.memref_slice %arg17[%add3A_191, %dma_start3A_192] : memref<10240x128xf32, #tpu.memory_space<vmem_shared>> -> memref<80x128xf32, #tpu.memory_space<vmem_shared>>
      %dma_start3A_194 = arith.constant 0 : i32
      %dma_start3A_195 = tpu.memref_slice %arg17[%add3A_191, %dma_start3A_194] : memref<10240x128xf32, #tpu.memory_space<vmem_shared>> -> memref<80x128xf32, #tpu.memory_space<vmem_shared>>
      tpu.enqueue_dma source(%dma_start3A_195 : memref<80x128xf32, #tpu.memory_space<vmem_shared>>) target(%arg12 : memref<80x128xf32, #tpu.memory_space<vmem>>) target_semaphore(%run_scoped3A : memref<!tpu.dma_semaphore, #tpu.memory_space<semaphore_mem>>)
      %dma_wait3A_196 = arith.constant 0 : i32
      %dma_wait3A_197 = tpu.memref_slice %arg17[%add3A_191, %dma_wait3A_196] : memref<10240x128xf32, #tpu.memory_space<vmem_shared>> -> memref<80x128xf32, #tpu.memory_space<vmem_shared>>
      %dma_wait3A_198 = arith.constant 0 : i32
      %dma_wait3A_199 = tpu.memref_slice %arg17[%add3A_191, %dma_wait3A_198] : memref<10240x128xf32, #tpu.memory_space<vmem_shared>> -> memref<80x128xf32, #tpu.memory_space<vmem_shared>>
      tpu.wait_dma2 semaphore(%run_scoped3A : memref<!tpu.dma_semaphore, #tpu.memory_space<semaphore_mem>>) src(%dma_wait3A_199 : memref<80x128xf32, #tpu.memory_space<vmem_shared>>) dst(%arg12 : memref<80x128xf32, #tpu.memory_space<vmem>>)
      tpu.yield
    }) : () -> ()
    "tpu.region"() ({
      %run_scoped3A = tpu.sem_alloc : memref<!tpu.dma_semaphore, #tpu.memory_space<semaphore_mem>>
      %dma_start3A_192 = arith.constant 0 : i32
      %dma_start3A_193 = tpu.memref_slice %arg7[%arg0, %add3A_191, %dma_start3A_192] : memref<2x10240x128xf32, #tpu.memory_space<hbm>> -> memref<1x80x128xf32, #tpu.memory_space<hbm>>
      %dma_start3A_194 = tpu.memref_squeeze %dma_start3A_193 : memref<1x80x128xf32, #tpu.memory_space<hbm>> -> memref<80x128xf32, #tpu.memory_space<hbm>>
      %dma_start3A_195 = arith.constant 0 : i32
      %dma_start3A_196 = tpu.memref_slice %arg7[%arg0, %add3A_191, %dma_start3A_195] : memref<2x10240x128xf32, #tpu.memory_space<hbm>> -> memref<1x80x128xf32, #tpu.memory_space<hbm>>
      %dma_start3A_197 = tpu.memref_squeeze %dma_start3A_196 : memref<1x80x128xf32, #tpu.memory_space<hbm>> -> memref<80x128xf32, #tpu.memory_space<hbm>>
      tpu.enqueue_dma source(%arg12 : memref<80x128xf32, #tpu.memory_space<vmem>>) target(%dma_start3A_197 : memref<80x128xf32, #tpu.memory_space<hbm>>) target_semaphore(%run_scoped3A : memref<!tpu.dma_semaphore, #tpu.memory_space<semaphore_mem>>)
      %dma_wait3A_198 = arith.constant 0 : i32
      %dma_wait3A_199 = tpu.memref_slice %arg7[%arg0, %add3A_191, %dma_wait3A_198] : memref<2x10240x128xf32, #tpu.memory_space<hbm>> -> memref<1x80x128xf32, #tpu.memory_space<hbm>>
      %dma_wait3A_200 = tpu.memref_squeeze %dma_wait3A_199 : memref<1x80x128xf32, #tpu.memory_space<hbm>> -> memref<80x128xf32, #tpu.memory_space<hbm>>
      %dma_wait3A_201 = arith.constant 0 : i32
      %dma_wait3A_202 = tpu.memref_slice %arg7[%arg0, %add3A_191, %dma_wait3A_201] : memref<2x10240x128xf32, #tpu.memory_space<hbm>> -> memref<1x80x128xf32, #tpu.memory_space<hbm>>
      %dma_wait3A_203 = tpu.memref_squeeze %dma_wait3A_202 : memref<1x80x128xf32, #tpu.memory_space<hbm>> -> memref<80x128xf32, #tpu.memory_space<hbm>>
      tpu.wait_dma2 semaphore(%run_scoped3A : memref<!tpu.dma_semaphore, #tpu.memory_space<semaphore_mem>>) src(%arg12 : memref<80x128xf32, #tpu.memory_space<vmem>>) dst(%dma_wait3A_203 : memref<80x128xf32, #tpu.memory_space<hbm>>)
      tpu.yield
    }) : () -> ()
    return
  }
}

#map = affine_map<(d0, d1) -> (0, 0)>
#map1 = affine_map<(d0, d1) -> (0)>
#map2 = affine_map<(d0, d1) -> (0, 0, 0)>
module attributes {stable_mosaic.version = 14 : i64} {
  func.func @_seg_body(%arg0: i32, %arg1: i32, %arg2: memref<10000x128xf32, #tpu.memory_space<hbm>>, %arg3: memref<320000xi32, #tpu.memory_space<hbm>>, %arg4: memref<320000xi32, #tpu.memory_space<hbm>>, %arg5: memref<2x10240x128xf32, #tpu.memory_space<hbm>>, %arg6: memref<80xi32, #tpu.memory_space<vmem>>, %arg7: memref<80xi32, #tpu.memory_space<vmem>>, %arg8: memref<80xi32, #tpu.memory_space<vmem>>, %arg9: memref<80xi32, #tpu.memory_space<vmem>>, %arg10: memref<80x128xf32, #tpu.memory_space<vmem>>, %arg11: memref<80x128xf32, #tpu.memory_space<vmem>>, %arg12: memref<!tpu.dma_semaphore, #tpu.memory_space<semaphore_mem>>, %arg13: memref<!tpu.dma_semaphore, #tpu.memory_space<semaphore_mem>>, %arg14: memref<10240x128xf32, #tpu.memory_space<vmem_shared>>) attributes {dimension_semantics = [#tpu.dimension_semantics<core_parallel>, #tpu.dimension_semantics<subcore_parallel>], iteration_bounds = array<i64: 2, 16>, scalar_prefetch = 0 : i64, scratch_operands = 9 : i64, tpu.core_type = #tpu.core_type<sc_vector_subcore>, window_params = [{transform_indices = #map}, {transform_indices = #map1}, {transform_indices = #map1}, {transform_indices = #map2}]} {
    %mul3A = arith.constant 16 : i32
    %mul3A_0 = arith.muli %arg0, %mul3A : i32
    %add3A = arith.addi %mul3A_0, %arg1 : i32
    %broadcast_in_dim3A = arith.constant 0.000000e+00 : f32
    %broadcast_in_dim3A_1 = vector.broadcast %broadcast_in_dim3A : f32 to vector<16xf32>
    %scan3A = arith.constant 0 : i32
    %scan3A_2 = arith.constant 80 : i32
    %scan3A_3 = arith.addi %scan3A, %scan3A_2 : i32
    %scan3A_4 = arith.constant 1 : i32
    scf.for %scan3A_106 = %scan3A to %scan3A_3 step %scan3A_4  : i32 {
      %swap3A = arith.index_cast %scan3A_106 : i32 to index
      %swap3A_107 = arith.constant 0 : index
      %swap3A_108 = tpu.vector_load %arg10[%swap3A, %swap3A_107] {strides = array<i32>} : memref<80x128xf32, #tpu.memory_space<vmem>>, vector<1x16xf32>,
      %swap3A_109 = vector.shape_cast %swap3A_108 : vector<1x16xf32> to vector<16xf32>
      %swap3A_110 = vector.shape_cast %broadcast_in_dim3A_1 : vector<16xf32> to vector<1x16xf32>
      tpu.vector_store %arg10[%swap3A, %swap3A_107], %swap3A_110 {strides = array<i32>} : memref<80x128xf32, #tpu.memory_space<vmem>>, vector<1x16xf32>,
      %swap3A_111 = arith.index_cast %scan3A_106 : i32 to index
      %swap3A_112 = arith.constant 16 : index
      %swap3A_113 = tpu.vector_load %arg10[%swap3A_111, %swap3A_112] {strides = array<i32>} : memref<80x128xf32, #tpu.memory_space<vmem>>, vector<1x16xf32>,
      %swap3A_114 = vector.shape_cast %swap3A_113 : vector<1x16xf32> to vector<16xf32>
      %swap3A_115 = vector.shape_cast %broadcast_in_dim3A_1 : vector<16xf32> to vector<1x16xf32>
      tpu.vector_store %arg10[%swap3A_111, %swap3A_112], %swap3A_115 {strides = array<i32>} : memref<80x128xf32, #tpu.memory_space<vmem>>, vector<1x16xf32>,
      %swap3A_116 = arith.index_cast %scan3A_106 : i32 to index
      %swap3A_117 = arith.constant 32 : index
      %swap3A_118 = tpu.vector_load %arg10[%swap3A_116, %swap3A_117] {strides = array<i32>} : memref<80x128xf32, #tpu.memory_space<vmem>>, vector<1x16xf32>,
      %swap3A_119 = vector.shape_cast %swap3A_118 : vector<1x16xf32> to vector<16xf32>
      %swap3A_120 = vector.shape_cast %broadcast_in_dim3A_1 : vector<16xf32> to vector<1x16xf32>
      tpu.vector_store %arg10[%swap3A_116, %swap3A_117], %swap3A_120 {strides = array<i32>} : memref<80x128xf32, #tpu.memory_space<vmem>>, vector<1x16xf32>,
      %swap3A_121 = arith.index_cast %scan3A_106 : i32 to index
      %swap3A_122 = arith.constant 48 : index
      %swap3A_123 = tpu.vector_load %arg10[%swap3A_121, %swap3A_122] {strides = array<i32>} : memref<80x128xf32, #tpu.memory_space<vmem>>, vector<1x16xf32>,
      %swap3A_124 = vector.shape_cast %swap3A_123 : vector<1x16xf32> to vector<16xf32>
      %swap3A_125 = vector.shape_cast %broadcast_in_dim3A_1 : vector<16xf32> to vector<1x16xf32>
      tpu.vector_store %arg10[%swap3A_121, %swap3A_122], %swap3A_125 {strides = array<i32>} : memref<80x128xf32, #tpu.memory_space<vmem>>, vector<1x16xf32>,
      %swap3A_126 = arith.index_cast %scan3A_106 : i32 to index
      %swap3A_127 = arith.constant 64 : index
      %swap3A_128 = tpu.vector_load %arg10[%swap3A_126, %swap3A_127] {strides = array<i32>} : memref<80x128xf32, #tpu.memory_space<vmem>>, vector<1x16xf32>,
      %swap3A_129 = vector.shape_cast %swap3A_128 : vector<1x16xf32> to vector<16xf32>
      %swap3A_130 = vector.shape_cast %broadcast_in_dim3A_1 : vector<16xf32> to vector<1x16xf32>
      tpu.vector_store %arg10[%swap3A_126, %swap3A_127], %swap3A_130 {strides = array<i32>} : memref<80x128xf32, #tpu.memory_space<vmem>>, vector<1x16xf32>,
      %swap3A_131 = arith.index_cast %scan3A_106 : i32 to index
      %swap3A_132 = arith.constant 80 : index
      %swap3A_133 = tpu.vector_load %arg10[%swap3A_131, %swap3A_132] {strides = array<i32>} : memref<80x128xf32, #tpu.memory_space<vmem>>, vector<1x16xf32>,
      %swap3A_134 = vector.shape_cast %swap3A_133 : vector<1x16xf32> to vector<16xf32>
      %swap3A_135 = vector.shape_cast %broadcast_in_dim3A_1 : vector<16xf32> to vector<1x16xf32>
      tpu.vector_store %arg10[%swap3A_131, %swap3A_132], %swap3A_135 {strides = array<i32>} : memref<80x128xf32, #tpu.memory_space<vmem>>, vector<1x16xf32>,
      %swap3A_136 = arith.index_cast %scan3A_106 : i32 to index
      %swap3A_137 = arith.constant 96 : index
      %swap3A_138 = tpu.vector_load %arg10[%swap3A_136, %swap3A_137] {strides = array<i32>} : memref<80x128xf32, #tpu.memory_space<vmem>>, vector<1x16xf32>,
      %swap3A_139 = vector.shape_cast %swap3A_138 : vector<1x16xf32> to vector<16xf32>
      %swap3A_140 = vector.shape_cast %broadcast_in_dim3A_1 : vector<16xf32> to vector<1x16xf32>
      tpu.vector_store %arg10[%swap3A_136, %swap3A_137], %swap3A_140 {strides = array<i32>} : memref<80x128xf32, #tpu.memory_space<vmem>>, vector<1x16xf32>,
      %swap3A_141 = arith.index_cast %scan3A_106 : i32 to index
      %swap3A_142 = arith.constant 112 : index
      %swap3A_143 = tpu.vector_load %arg10[%swap3A_141, %swap3A_142] {strides = array<i32>} : memref<80x128xf32, #tpu.memory_space<vmem>>, vector<1x16xf32>,
      %swap3A_144 = vector.shape_cast %swap3A_143 : vector<1x16xf32> to vector<16xf32>
      %swap3A_145 = vector.shape_cast %broadcast_in_dim3A_1 : vector<16xf32> to vector<1x16xf32>
      tpu.vector_store %arg10[%swap3A_141, %swap3A_142], %swap3A_145 {strides = array<i32>} : memref<80x128xf32, #tpu.memory_space<vmem>>, vector<1x16xf32>,
    }
    %scan3A_5 = arith.constant 80 : i32
    %mul3A_6 = arith.constant 640 : i32
    %mul3A_7 = arith.muli %arg1, %mul3A_6 : i32
    %add3A_8 = arith.constant 0 : i32
    %add3A_9 = arith.addi %mul3A_7, %add3A_8 : i32
    "tpu.region"() ({
      %run_scoped3A = tpu.sem_alloc : memref<!tpu.dma_semaphore, #tpu.memory_space<semaphore_mem>>
      %dma_start3A_106 = arith.constant 0 : i32
      %dma_start3A_107 = tpu.memref_slice %arg14[%add3A_9, %dma_start3A_106] : memref<10240x128xf32, #tpu.memory_space<vmem_shared>> -> memref<80x128xf32, #tpu.memory_space<vmem_shared>>
      %dma_start3A_108 = arith.constant 0 : i32
      %dma_start3A_109 = tpu.memref_slice %arg14[%add3A_9, %dma_start3A_108] : memref<10240x128xf32, #tpu.memory_space<vmem_shared>> -> memref<80x128xf32, #tpu.memory_space<vmem_shared>>
      tpu.enqueue_dma source(%arg10 : memref<80x128xf32, #tpu.memory_space<vmem>>) target(%dma_start3A_109 : memref<80x128xf32, #tpu.memory_space<vmem_shared>>) target_semaphore(%run_scoped3A : memref<!tpu.dma_semaphore, #tpu.memory_space<semaphore_mem>>)
      %dma_wait3A_110 = arith.constant 0 : i32
      %dma_wait3A_111 = tpu.memref_slice %arg14[%add3A_9, %dma_wait3A_110] : memref<10240x128xf32, #tpu.memory_space<vmem_shared>> -> memref<80x128xf32, #tpu.memory_space<vmem_shared>>
      %dma_wait3A_112 = arith.constant 0 : i32
      %dma_wait3A_113 = tpu.memref_slice %arg14[%add3A_9, %dma_wait3A_112] : memref<10240x128xf32, #tpu.memory_space<vmem_shared>> -> memref<80x128xf32, #tpu.memory_space<vmem_shared>>
      tpu.wait_dma2 semaphore(%run_scoped3A : memref<!tpu.dma_semaphore, #tpu.memory_space<semaphore_mem>>) src(%arg10 : memref<80x128xf32, #tpu.memory_space<vmem>>) dst(%dma_wait3A_113 : memref<80x128xf32, #tpu.memory_space<vmem_shared>>)
      tpu.yield
    }) : () -> ()
    %mul3A_10 = arith.constant 640 : i32
    %mul3A_11 = arith.muli %arg1, %mul3A_10 : i32
    %add3A_12 = arith.constant 80 : i32
    %add3A_13 = arith.addi %mul3A_11, %add3A_12 : i32
    "tpu.region"() ({
      %run_scoped3A = tpu.sem_alloc : memref<!tpu.dma_semaphore, #tpu.memory_space<semaphore_mem>>
      %dma_start3A_106 = arith.constant 0 : i32
      %dma_start3A_107 = tpu.memref_slice %arg14[%add3A_13, %dma_start3A_106] : memref<10240x128xf32, #tpu.memory_space<vmem_shared>> -> memref<80x128xf32, #tpu.memory_space<vmem_shared>>
      %dma_start3A_108 = arith.constant 0 : i32
      %dma_start3A_109 = tpu.memref_slice %arg14[%add3A_13, %dma_start3A_108] : memref<10240x128xf32, #tpu.memory_space<vmem_shared>> -> memref<80x128xf32, #tpu.memory_space<vmem_shared>>
      tpu.enqueue_dma source(%arg10 : memref<80x128xf32, #tpu.memory_space<vmem>>) target(%dma_start3A_109 : memref<80x128xf32, #tpu.memory_space<vmem_shared>>) target_semaphore(%run_scoped3A : memref<!tpu.dma_semaphore, #tpu.memory_space<semaphore_mem>>)
      %dma_wait3A_110 = arith.constant 0 : i32
      %dma_wait3A_111 = tpu.memref_slice %arg14[%add3A_13, %dma_wait3A_110] : memref<10240x128xf32, #tpu.memory_space<vmem_shared>> -> memref<80x128xf32, #tpu.memory_space<vmem_shared>>
      %dma_wait3A_112 = arith.constant 0 : i32
      %dma_wait3A_113 = tpu.memref_slice %arg14[%add3A_13, %dma_wait3A_112] : memref<10240x128xf32, #tpu.memory_space<vmem_shared>> -> memref<80x128xf32, #tpu.memory_space<vmem_shared>>
      tpu.wait_dma2 semaphore(%run_scoped3A : memref<!tpu.dma_semaphore, #tpu.memory_space<semaphore_mem>>) src(%arg10 : memref<80x128xf32, #tpu.memory_space<vmem>>) dst(%dma_wait3A_113 : memref<80x128xf32, #tpu.memory_space<vmem_shared>>)
      tpu.yield
    }) : () -> ()
    %mul3A_14 = arith.constant 640 : i32
    %mul3A_15 = arith.muli %arg1, %mul3A_14 : i32
    %add3A_16 = arith.constant 160 : i32
    %add3A_17 = arith.addi %mul3A_15, %add3A_16 : i32
    "tpu.region"() ({
      %run_scoped3A = tpu.sem_alloc : memref<!tpu.dma_semaphore, #tpu.memory_space<semaphore_mem>>
      %dma_start3A_106 = arith.constant 0 : i32
      %dma_start3A_107 = tpu.memref_slice %arg14[%add3A_17, %dma_start3A_106] : memref<10240x128xf32, #tpu.memory_space<vmem_shared>> -> memref<80x128xf32, #tpu.memory_space<vmem_shared>>
      %dma_start3A_108 = arith.constant 0 : i32
      %dma_start3A_109 = tpu.memref_slice %arg14[%add3A_17, %dma_start3A_108] : memref<10240x128xf32, #tpu.memory_space<vmem_shared>> -> memref<80x128xf32, #tpu.memory_space<vmem_shared>>
      tpu.enqueue_dma source(%arg10 : memref<80x128xf32, #tpu.memory_space<vmem>>) target(%dma_start3A_109 : memref<80x128xf32, #tpu.memory_space<vmem_shared>>) target_semaphore(%run_scoped3A : memref<!tpu.dma_semaphore, #tpu.memory_space<semaphore_mem>>)
      %dma_wait3A_110 = arith.constant 0 : i32
      %dma_wait3A_111 = tpu.memref_slice %arg14[%add3A_17, %dma_wait3A_110] : memref<10240x128xf32, #tpu.memory_space<vmem_shared>> -> memref<80x128xf32, #tpu.memory_space<vmem_shared>>
      %dma_wait3A_112 = arith.constant 0 : i32
      %dma_wait3A_113 = tpu.memref_slice %arg14[%add3A_17, %dma_wait3A_112] : memref<10240x128xf32, #tpu.memory_space<vmem_shared>> -> memref<80x128xf32, #tpu.memory_space<vmem_shared>>
      tpu.wait_dma2 semaphore(%run_scoped3A : memref<!tpu.dma_semaphore, #tpu.memory_space<semaphore_mem>>) src(%arg10 : memref<80x128xf32, #tpu.memory_space<vmem>>) dst(%dma_wait3A_113 : memref<80x128xf32, #tpu.memory_space<vmem_shared>>)
      tpu.yield
    }) : () -> ()
    %mul3A_18 = arith.constant 640 : i32
    %mul3A_19 = arith.muli %arg1, %mul3A_18 : i32
    %add3A_20 = arith.constant 240 : i32
    %add3A_21 = arith.addi %mul3A_19, %add3A_20 : i32
    "tpu.region"() ({
      %run_scoped3A = tpu.sem_alloc : memref<!tpu.dma_semaphore, #tpu.memory_space<semaphore_mem>>
      %dma_start3A_106 = arith.constant 0 : i32
      %dma_start3A_107 = tpu.memref_slice %arg14[%add3A_21, %dma_start3A_106] : memref<10240x128xf32, #tpu.memory_space<vmem_shared>> -> memref<80x128xf32, #tpu.memory_space<vmem_shared>>
      %dma_start3A_108 = arith.constant 0 : i32
      %dma_start3A_109 = tpu.memref_slice %arg14[%add3A_21, %dma_start3A_108] : memref<10240x128xf32, #tpu.memory_space<vmem_shared>> -> memref<80x128xf32, #tpu.memory_space<vmem_shared>>
      tpu.enqueue_dma source(%arg10 : memref<80x128xf32, #tpu.memory_space<vmem>>) target(%dma_start3A_109 : memref<80x128xf32, #tpu.memory_space<vmem_shared>>) target_semaphore(%run_scoped3A : memref<!tpu.dma_semaphore, #tpu.memory_space<semaphore_mem>>)
      %dma_wait3A_110 = arith.constant 0 : i32
      %dma_wait3A_111 = tpu.memref_slice %arg14[%add3A_21, %dma_wait3A_110] : memref<10240x128xf32, #tpu.memory_space<vmem_shared>> -> memref<80x128xf32, #tpu.memory_space<vmem_shared>>
      %dma_wait3A_112 = arith.constant 0 : i32
      %dma_wait3A_113 = tpu.memref_slice %arg14[%add3A_21, %dma_wait3A_112] : memref<10240x128xf32, #tpu.memory_space<vmem_shared>> -> memref<80x128xf32, #tpu.memory_space<vmem_shared>>
      tpu.wait_dma2 semaphore(%run_scoped3A : memref<!tpu.dma_semaphore, #tpu.memory_space<semaphore_mem>>) src(%arg10 : memref<80x128xf32, #tpu.memory_space<vmem>>) dst(%dma_wait3A_113 : memref<80x128xf32, #tpu.memory_space<vmem_shared>>)
      tpu.yield
    }) : () -> ()
    %mul3A_22 = arith.constant 640 : i32
    %mul3A_23 = arith.muli %arg1, %mul3A_22 : i32
    %add3A_24 = arith.constant 320 : i32
    %add3A_25 = arith.addi %mul3A_23, %add3A_24 : i32
    "tpu.region"() ({
      %run_scoped3A = tpu.sem_alloc : memref<!tpu.dma_semaphore, #tpu.memory_space<semaphore_mem>>
      %dma_start3A_106 = arith.constant 0 : i32
      %dma_start3A_107 = tpu.memref_slice %arg14[%add3A_25, %dma_start3A_106] : memref<10240x128xf32, #tpu.memory_space<vmem_shared>> -> memref<80x128xf32, #tpu.memory_space<vmem_shared>>
      %dma_start3A_108 = arith.constant 0 : i32
      %dma_start3A_109 = tpu.memref_slice %arg14[%add3A_25, %dma_start3A_108] : memref<10240x128xf32, #tpu.memory_space<vmem_shared>> -> memref<80x128xf32, #tpu.memory_space<vmem_shared>>
      tpu.enqueue_dma source(%arg10 : memref<80x128xf32, #tpu.memory_space<vmem>>) target(%dma_start3A_109 : memref<80x128xf32, #tpu.memory_space<vmem_shared>>) target_semaphore(%run_scoped3A : memref<!tpu.dma_semaphore, #tpu.memory_space<semaphore_mem>>)
      %dma_wait3A_110 = arith.constant 0 : i32
      %dma_wait3A_111 = tpu.memref_slice %arg14[%add3A_25, %dma_wait3A_110] : memref<10240x128xf32, #tpu.memory_space<vmem_shared>> -> memref<80x128xf32, #tpu.memory_space<vmem_shared>>
      %dma_wait3A_112 = arith.constant 0 : i32
      %dma_wait3A_113 = tpu.memref_slice %arg14[%add3A_25, %dma_wait3A_112] : memref<10240x128xf32, #tpu.memory_space<vmem_shared>> -> memref<80x128xf32, #tpu.memory_space<vmem_shared>>
      tpu.wait_dma2 semaphore(%run_scoped3A : memref<!tpu.dma_semaphore, #tpu.memory_space<semaphore_mem>>) src(%arg10 : memref<80x128xf32, #tpu.memory_space<vmem>>) dst(%dma_wait3A_113 : memref<80x128xf32, #tpu.memory_space<vmem_shared>>)
      tpu.yield
    }) : () -> ()
    %mul3A_26 = arith.constant 640 : i32
    %mul3A_27 = arith.muli %arg1, %mul3A_26 : i32
    %add3A_28 = arith.constant 400 : i32
    %add3A_29 = arith.addi %mul3A_27, %add3A_28 : i32
    "tpu.region"() ({
      %run_scoped3A = tpu.sem_alloc : memref<!tpu.dma_semaphore, #tpu.memory_space<semaphore_mem>>
      %dma_start3A_106 = arith.constant 0 : i32
      %dma_start3A_107 = tpu.memref_slice %arg14[%add3A_29, %dma_start3A_106] : memref<10240x128xf32, #tpu.memory_space<vmem_shared>> -> memref<80x128xf32, #tpu.memory_space<vmem_shared>>
      %dma_start3A_108 = arith.constant 0 : i32
      %dma_start3A_109 = tpu.memref_slice %arg14[%add3A_29, %dma_start3A_108] : memref<10240x128xf32, #tpu.memory_space<vmem_shared>> -> memref<80x128xf32, #tpu.memory_space<vmem_shared>>
      tpu.enqueue_dma source(%arg10 : memref<80x128xf32, #tpu.memory_space<vmem>>) target(%dma_start3A_109 : memref<80x128xf32, #tpu.memory_space<vmem_shared>>) target_semaphore(%run_scoped3A : memref<!tpu.dma_semaphore, #tpu.memory_space<semaphore_mem>>)
      %dma_wait3A_110 = arith.constant 0 : i32
      %dma_wait3A_111 = tpu.memref_slice %arg14[%add3A_29, %dma_wait3A_110] : memref<10240x128xf32, #tpu.memory_space<vmem_shared>> -> memref<80x128xf32, #tpu.memory_space<vmem_shared>>
      %dma_wait3A_112 = arith.constant 0 : i32
      %dma_wait3A_113 = tpu.memref_slice %arg14[%add3A_29, %dma_wait3A_112] : memref<10240x128xf32, #tpu.memory_space<vmem_shared>> -> memref<80x128xf32, #tpu.memory_space<vmem_shared>>
      tpu.wait_dma2 semaphore(%run_scoped3A : memref<!tpu.dma_semaphore, #tpu.memory_space<semaphore_mem>>) src(%arg10 : memref<80x128xf32, #tpu.memory_space<vmem>>) dst(%dma_wait3A_113 : memref<80x128xf32, #tpu.memory_space<vmem_shared>>)
      tpu.yield
    }) : () -> ()
    %mul3A_30 = arith.constant 640 : i32
    %mul3A_31 = arith.muli %arg1, %mul3A_30 : i32
    %add3A_32 = arith.constant 480 : i32
    %add3A_33 = arith.addi %mul3A_31, %add3A_32 : i32
    "tpu.region"() ({
      %run_scoped3A = tpu.sem_alloc : memref<!tpu.dma_semaphore, #tpu.memory_space<semaphore_mem>>
      %dma_start3A_106 = arith.constant 0 : i32
      %dma_start3A_107 = tpu.memref_slice %arg14[%add3A_33, %dma_start3A_106] : memref<10240x128xf32, #tpu.memory_space<vmem_shared>> -> memref<80x128xf32, #tpu.memory_space<vmem_shared>>
      %dma_start3A_108 = arith.constant 0 : i32
      %dma_start3A_109 = tpu.memref_slice %arg14[%add3A_33, %dma_start3A_108] : memref<10240x128xf32, #tpu.memory_space<vmem_shared>> -> memref<80x128xf32, #tpu.memory_space<vmem_shared>>
      tpu.enqueue_dma source(%arg10 : memref<80x128xf32, #tpu.memory_space<vmem>>) target(%dma_start3A_109 : memref<80x128xf32, #tpu.memory_space<vmem_shared>>) target_semaphore(%run_scoped3A : memref<!tpu.dma_semaphore, #tpu.memory_space<semaphore_mem>>)
      %dma_wait3A_110 = arith.constant 0 : i32
      %dma_wait3A_111 = tpu.memref_slice %arg14[%add3A_33, %dma_wait3A_110] : memref<10240x128xf32, #tpu.memory_space<vmem_shared>> -> memref<80x128xf32, #tpu.memory_space<vmem_shared>>
      %dma_wait3A_112 = arith.constant 0 : i32
      %dma_wait3A_113 = tpu.memref_slice %arg14[%add3A_33, %dma_wait3A_112] : memref<10240x128xf32, #tpu.memory_space<vmem_shared>> -> memref<80x128xf32, #tpu.memory_space<vmem_shared>>
      tpu.wait_dma2 semaphore(%run_scoped3A : memref<!tpu.dma_semaphore, #tpu.memory_space<semaphore_mem>>) src(%arg10 : memref<80x128xf32, #tpu.memory_space<vmem>>) dst(%dma_wait3A_113 : memref<80x128xf32, #tpu.memory_space<vmem_shared>>)
      tpu.yield
    }) : () -> ()
    %mul3A_34 = arith.constant 640 : i32
    %mul3A_35 = arith.muli %arg1, %mul3A_34 : i32
    %add3A_36 = arith.constant 560 : i32
    %add3A_37 = arith.addi %mul3A_35, %add3A_36 : i32
    "tpu.region"() ({
      %run_scoped3A = tpu.sem_alloc : memref<!tpu.dma_semaphore, #tpu.memory_space<semaphore_mem>>
      %dma_start3A_106 = arith.constant 0 : i32
      %dma_start3A_107 = tpu.memref_slice %arg14[%add3A_37, %dma_start3A_106] : memref<10240x128xf32, #tpu.memory_space<vmem_shared>> -> memref<80x128xf32, #tpu.memory_space<vmem_shared>>
      %dma_start3A_108 = arith.constant 0 : i32
      %dma_start3A_109 = tpu.memref_slice %arg14[%add3A_37, %dma_start3A_108] : memref<10240x128xf32, #tpu.memory_space<vmem_shared>> -> memref<80x128xf32, #tpu.memory_space<vmem_shared>>
      tpu.enqueue_dma source(%arg10 : memref<80x128xf32, #tpu.memory_space<vmem>>) target(%dma_start3A_109 : memref<80x128xf32, #tpu.memory_space<vmem_shared>>) target_semaphore(%run_scoped3A : memref<!tpu.dma_semaphore, #tpu.memory_space<semaphore_mem>>)
      %dma_wait3A_110 = arith.constant 0 : i32
      %dma_wait3A_111 = tpu.memref_slice %arg14[%add3A_37, %dma_wait3A_110] : memref<10240x128xf32, #tpu.memory_space<vmem_shared>> -> memref<80x128xf32, #tpu.memory_space<vmem_shared>>
      %dma_wait3A_112 = arith.constant 0 : i32
      %dma_wait3A_113 = tpu.memref_slice %arg14[%add3A_37, %dma_wait3A_112] : memref<10240x128xf32, #tpu.memory_space<vmem_shared>> -> memref<80x128xf32, #tpu.memory_space<vmem_shared>>
      tpu.wait_dma2 semaphore(%run_scoped3A : memref<!tpu.dma_semaphore, #tpu.memory_space<semaphore_mem>>) src(%arg10 : memref<80x128xf32, #tpu.memory_space<vmem>>) dst(%dma_wait3A_113 : memref<80x128xf32, #tpu.memory_space<vmem_shared>>)
      tpu.yield
    }) : () -> ()
    %barrier3A = arith.constant 0 : index
    tpu.barrier barrier_id(%barrier3A)
    %mul3A_38 = arith.constant 10000 : i32
    %mul3A_39 = arith.muli %add3A, %mul3A_38 : i32
    %add3A_40 = arith.constant 0 : i32
    %add3A_41 = arith.addi %mul3A_39, %add3A_40 : i32
    "tpu.region"() ({
      %run_scoped3A = tpu.sem_alloc : memref<!tpu.dma_semaphore, #tpu.memory_space<semaphore_mem>>
      %dma_start3A_106 = tpu.memref_slice %arg3[%add3A_41] : memref<320000xi32, #tpu.memory_space<hbm>> -> memref<80xi32, #tpu.memory_space<hbm>>
      %dma_start3A_107 = tpu.memref_slice %arg3[%add3A_41] : memref<320000xi32, #tpu.memory_space<hbm>> -> memref<80xi32, #tpu.memory_space<hbm>>
      tpu.enqueue_dma source(%dma_start3A_107 : memref<80xi32, #tpu.memory_space<hbm>>) target(%arg6 : memref<80xi32, #tpu.memory_space<vmem>>) target_semaphore(%run_scoped3A : memref<!tpu.dma_semaphore, #tpu.memory_space<semaphore_mem>>)
      %dma_wait3A_108 = tpu.memref_slice %arg3[%add3A_41] : memref<320000xi32, #tpu.memory_space<hbm>> -> memref<80xi32, #tpu.memory_space<hbm>>
      %dma_wait3A_109 = tpu.memref_slice %arg3[%add3A_41] : memref<320000xi32, #tpu.memory_space<hbm>> -> memref<80xi32, #tpu.memory_space<hbm>>
      tpu.wait_dma2 semaphore(%run_scoped3A : memref<!tpu.dma_semaphore, #tpu.memory_space<semaphore_mem>>) src(%dma_wait3A_109 : memref<80xi32, #tpu.memory_space<hbm>>) dst(%arg6 : memref<80xi32, #tpu.memory_space<vmem>>)
      tpu.yield
    }) : () -> ()
    %add3A_42 = arith.constant 0 : i32
    %add3A_43 = arith.addi %mul3A_39, %add3A_42 : i32
    "tpu.region"() ({
      %run_scoped3A = tpu.sem_alloc : memref<!tpu.dma_semaphore, #tpu.memory_space<semaphore_mem>>
      %dma_start3A_106 = tpu.memref_slice %arg4[%add3A_43] : memref<320000xi32, #tpu.memory_space<hbm>> -> memref<80xi32, #tpu.memory_space<hbm>>
      %dma_start3A_107 = tpu.memref_slice %arg4[%add3A_43] : memref<320000xi32, #tpu.memory_space<hbm>> -> memref<80xi32, #tpu.memory_space<hbm>>
      tpu.enqueue_dma source(%dma_start3A_107 : memref<80xi32, #tpu.memory_space<hbm>>) target(%arg7 : memref<80xi32, #tpu.memory_space<vmem>>) target_semaphore(%run_scoped3A : memref<!tpu.dma_semaphore, #tpu.memory_space<semaphore_mem>>)
      %dma_wait3A_108 = tpu.memref_slice %arg4[%add3A_43] : memref<320000xi32, #tpu.memory_space<hbm>> -> memref<80xi32, #tpu.memory_space<hbm>>
      %dma_wait3A_109 = tpu.memref_slice %arg4[%add3A_43] : memref<320000xi32, #tpu.memory_space<hbm>> -> memref<80xi32, #tpu.memory_space<hbm>>
      tpu.wait_dma2 semaphore(%run_scoped3A : memref<!tpu.dma_semaphore, #tpu.memory_space<semaphore_mem>>) src(%dma_wait3A_109 : memref<80xi32, #tpu.memory_space<hbm>>) dst(%arg7 : memref<80xi32, #tpu.memory_space<vmem>>)
      tpu.yield
    }) : () -> ()
    %dma_start3A = arith.constant 0 : i32
    %dma_start3A_44 = arith.constant 0 : i32
    %dma_start3A_45 = tpu.memref_slice %arg2[%dma_start3A, %dma_start3A_44] : memref<10000x128xf32, #tpu.memory_space<hbm>> -> memref<10000x128xf32, #tpu.memory_space<hbm>>
    tpu.enqueue_indirect_dma source(%dma_start3A_45 : memref<10000x128xf32, #tpu.memory_space<hbm>>) target(%arg10 : memref<80x128xf32, #tpu.memory_space<vmem>>) offsets(%arg6 : memref<80xi32, #tpu.memory_space<vmem>>) semaphore(%arg12 : memref<!tpu.dma_semaphore, #tpu.memory_space<semaphore_mem>>)
    %add3A_46 = arith.constant 80 : i32
    %add3A_47 = arith.addi %mul3A_39, %add3A_46 : i32
    "tpu.region"() ({
      %run_scoped3A = tpu.sem_alloc : memref<!tpu.dma_semaphore, #tpu.memory_space<semaphore_mem>>
      %dma_start3A_106 = tpu.memref_slice %arg3[%add3A_47] : memref<320000xi32, #tpu.memory_space<hbm>> -> memref<80xi32, #tpu.memory_space<hbm>>
      %dma_start3A_107 = tpu.memref_slice %arg3[%add3A_47] : memref<320000xi32, #tpu.memory_space<hbm>> -> memref<80xi32, #tpu.memory_space<hbm>>
      tpu.enqueue_dma source(%dma_start3A_107 : memref<80xi32, #tpu.memory_space<hbm>>) target(%arg8 : memref<80xi32, #tpu.memory_space<vmem>>) target_semaphore(%run_scoped3A : memref<!tpu.dma_semaphore, #tpu.memory_space<semaphore_mem>>)
      %dma_wait3A_108 = tpu.memref_slice %arg3[%add3A_47] : memref<320000xi32, #tpu.memory_space<hbm>> -> memref<80xi32, #tpu.memory_space<hbm>>
      %dma_wait3A_109 = tpu.memref_slice %arg3[%add3A_47] : memref<320000xi32, #tpu.memory_space<hbm>> -> memref<80xi32, #tpu.memory_space<hbm>>
      tpu.wait_dma2 semaphore(%run_scoped3A : memref<!tpu.dma_semaphore, #tpu.memory_space<semaphore_mem>>) src(%dma_wait3A_109 : memref<80xi32, #tpu.memory_space<hbm>>) dst(%arg8 : memref<80xi32, #tpu.memory_space<vmem>>)
      tpu.yield
    }) : () -> ()
    %add3A_48 = arith.constant 80 : i32
    %add3A_49 = arith.addi %mul3A_39, %add3A_48 : i32
    "tpu.region"() ({
      %run_scoped3A = tpu.sem_alloc : memref<!tpu.dma_semaphore, #tpu.memory_space<semaphore_mem>>
      %dma_start3A_106 = tpu.memref_slice %arg4[%add3A_49] : memref<320000xi32, #tpu.memory_space<hbm>> -> memref<80xi32, #tpu.memory_space<hbm>>
      %dma_start3A_107 = tpu.memref_slice %arg4[%add3A_49] : memref<320000xi32, #tpu.memory_space<hbm>> -> memref<80xi32, #tpu.memory_space<hbm>>
      tpu.enqueue_dma source(%dma_start3A_107 : memref<80xi32, #tpu.memory_space<hbm>>) target(%arg9 : memref<80xi32, #tpu.memory_space<vmem>>) target_semaphore(%run_scoped3A : memref<!tpu.dma_semaphore, #tpu.memory_space<semaphore_mem>>)
      %dma_wait3A_108 = tpu.memref_slice %arg4[%add3A_49] : memref<320000xi32, #tpu.memory_space<hbm>> -> memref<80xi32, #tpu.memory_space<hbm>>
      %dma_wait3A_109 = tpu.memref_slice %arg4[%add3A_49] : memref<320000xi32, #tpu.memory_space<hbm>> -> memref<80xi32, #tpu.memory_space<hbm>>
      tpu.wait_dma2 semaphore(%run_scoped3A : memref<!tpu.dma_semaphore, #tpu.memory_space<semaphore_mem>>) src(%dma_wait3A_109 : memref<80xi32, #tpu.memory_space<hbm>>) dst(%arg9 : memref<80xi32, #tpu.memory_space<vmem>>)
      tpu.yield
    }) : () -> ()
    %dma_start3A_50 = arith.constant 0 : i32
    %dma_start3A_51 = arith.constant 0 : i32
    %dma_start3A_52 = tpu.memref_slice %arg2[%dma_start3A_50, %dma_start3A_51] : memref<10000x128xf32, #tpu.memory_space<hbm>> -> memref<10000x128xf32, #tpu.memory_space<hbm>>
    tpu.enqueue_indirect_dma source(%dma_start3A_52 : memref<10000x128xf32, #tpu.memory_space<hbm>>) target(%arg11 : memref<80x128xf32, #tpu.memory_space<vmem>>) offsets(%arg8 : memref<80xi32, #tpu.memory_space<vmem>>) semaphore(%arg13 : memref<!tpu.dma_semaphore, #tpu.memory_space<semaphore_mem>>)
    %scan3A_53 = arith.constant 0 : i32
    %scan3A_54 = arith.constant 61 : i32
    %scan3A_55 = arith.addi %scan3A_53, %scan3A_54 : i32
    %scan3A_56 = arith.constant 1 : i32
    scf.for %scan3A_106 = %scan3A_53 to %scan3A_55 step %scan3A_56  : i32 {
      %mul3A_107 = arith.constant 2 : i32
      %mul3A_108 = arith.muli %mul3A_107, %scan3A_106 : i32
      %dma_wait3A_109 = arith.constant 0 : i32
      %dma_wait3A_110 = arith.constant 0 : i32
      %dma_wait3A_111 = tpu.memref_slice %arg2[%dma_wait3A_109, %dma_wait3A_110] : memref<10000x128xf32, #tpu.memory_space<hbm>> -> memref<10000x128xf32, #tpu.memory_space<hbm>>
      tpu.wait_indirect_dma semaphore(%arg12 : memref<!tpu.dma_semaphore, #tpu.memory_space<semaphore_mem>>) src(%dma_wait3A_111 : memref<10000x128xf32, #tpu.memory_space<hbm>>) dst(%arg10 : memref<80x128xf32, #tpu.memory_space<vmem>>)
      "tpu.region"() ({
        %run_scoped3A = tpu.sem_alloc : memref<!tpu.dma_semaphore, #tpu.memory_space<semaphore_mem>>
        %dma_start3A_139 = arith.constant 0 : i32
        %dma_start3A_140 = arith.constant 0 : i32
        %dma_start3A_141 = tpu.memref_slice %arg14[%dma_start3A_139, %dma_start3A_140] : memref<10240x128xf32, #tpu.memory_space<vmem_shared>> -> memref<10240x128xf32, #tpu.memory_space<vmem_shared>>
        tpu.enqueue_indirect_dma source(%arg10 : memref<80x128xf32, #tpu.memory_space<vmem>>) target(%dma_start3A_141 : memref<10240x128xf32, #tpu.memory_space<vmem_shared>>) offsets(%arg7 : memref<80xi32, #tpu.memory_space<vmem>>) semaphore(%run_scoped3A : memref<!tpu.dma_semaphore, #tpu.memory_space<semaphore_mem>>) {add = true}
        %dma_wait3A_142 = arith.constant 0 : i32
        %dma_wait3A_143 = arith.constant 0 : i32
        %dma_wait3A_144 = tpu.memref_slice %arg14[%dma_wait3A_142, %dma_wait3A_143] : memref<10240x128xf32, #tpu.memory_space<vmem_shared>> -> memref<10240x128xf32, #tpu.memory_space<vmem_shared>>
        tpu.wait_indirect_dma semaphore(%run_scoped3A : memref<!tpu.dma_semaphore, #tpu.memory_space<semaphore_mem>>) src(%arg10 : memref<80x128xf32, #tpu.memory_space<vmem>>) dst(%dma_wait3A_144 : memref<10240x128xf32, #tpu.memory_space<vmem_shared>>)
        tpu.yield
      }) : () -> ()
      %add3A_112 = arith.constant 2 : i32
      %add3A_113 = arith.addi %mul3A_108, %add3A_112 : i32
      %mul3A_114 = arith.constant 80 : i32
      %mul3A_115 = arith.muli %add3A_113, %mul3A_114 : i32
      %add3A_116 = arith.addi %mul3A_39, %mul3A_115 : i32
      "tpu.region"() ({
        %run_scoped3A = tpu.sem_alloc : memref<!tpu.dma_semaphore, #tpu.memory_space<semaphore_mem>>
        %dma_start3A_139 = tpu.memref_slice %arg3[%add3A_116] : memref<320000xi32, #tpu.memory_space<hbm>> -> memref<80xi32, #tpu.memory_space<hbm>>
        %dma_start3A_140 = tpu.memref_slice %arg3[%add3A_116] : memref<320000xi32, #tpu.memory_space<hbm>> -> memref<80xi32, #tpu.memory_space<hbm>>
        tpu.enqueue_dma source(%dma_start3A_140 : memref<80xi32, #tpu.memory_space<hbm>>) target(%arg6 : memref<80xi32, #tpu.memory_space<vmem>>) target_semaphore(%run_scoped3A : memref<!tpu.dma_semaphore, #tpu.memory_space<semaphore_mem>>)
        %dma_wait3A_141 = tpu.memref_slice %arg3[%add3A_116] : memref<320000xi32, #tpu.memory_space<hbm>> -> memref<80xi32, #tpu.memory_space<hbm>>
        %dma_wait3A_142 = tpu.memref_slice %arg3[%add3A_116] : memref<320000xi32, #tpu.memory_space<hbm>> -> memref<80xi32, #tpu.memory_space<hbm>>
        tpu.wait_dma2 semaphore(%run_scoped3A : memref<!tpu.dma_semaphore, #tpu.memory_space<semaphore_mem>>) src(%dma_wait3A_142 : memref<80xi32, #tpu.memory_space<hbm>>) dst(%arg6 : memref<80xi32, #tpu.memory_space<vmem>>)
        tpu.yield
      }) : () -> ()
      %mul3A_117 = arith.constant 80 : i32
      %mul3A_118 = arith.muli %add3A_113, %mul3A_117 : i32
      %add3A_119 = arith.addi %mul3A_39, %mul3A_118 : i32
      "tpu.region"() ({
        %run_scoped3A = tpu.sem_alloc : memref<!tpu.dma_semaphore, #tpu.memory_space<semaphore_mem>>
        %dma_start3A_139 = tpu.memref_slice %arg4[%add3A_119] : memref<320000xi32, #tpu.memory_space<hbm>> -> memref<80xi32, #tpu.memory_space<hbm>>
        %dma_start3A_140 = tpu.memref_slice %arg4[%add3A_119] : memref<320000xi32, #tpu.memory_space<hbm>> -> memref<80xi32, #tpu.memory_space<hbm>>
        tpu.enqueue_dma source(%dma_start3A_140 : memref<80xi32, #tpu.memory_space<hbm>>) target(%arg7 : memref<80xi32, #tpu.memory_space<vmem>>) target_semaphore(%run_scoped3A : memref<!tpu.dma_semaphore, #tpu.memory_space<semaphore_mem>>)
        %dma_wait3A_141 = tpu.memref_slice %arg4[%add3A_119] : memref<320000xi32, #tpu.memory_space<hbm>> -> memref<80xi32, #tpu.memory_space<hbm>>
        %dma_wait3A_142 = tpu.memref_slice %arg4[%add3A_119] : memref<320000xi32, #tpu.memory_space<hbm>> -> memref<80xi32, #tpu.memory_space<hbm>>
        tpu.wait_dma2 semaphore(%run_scoped3A : memref<!tpu.dma_semaphore, #tpu.memory_space<semaphore_mem>>) src(%dma_wait3A_142 : memref<80xi32, #tpu.memory_space<hbm>>) dst(%arg7 : memref<80xi32, #tpu.memory_space<vmem>>)
        tpu.yield
      }) : () -> ()
      %dma_start3A_120 = arith.constant 0 : i32
      %dma_start3A_121 = arith.constant 0 : i32
      %dma_start3A_122 = tpu.memref_slice %arg2[%dma_start3A_120, %dma_start3A_121] : memref<10000x128xf32, #tpu.memory_space<hbm>> -> memref<10000x128xf32, #tpu.memory_space<hbm>>
      tpu.enqueue_indirect_dma source(%dma_start3A_122 : memref<10000x128xf32, #tpu.memory_space<hbm>>) target(%arg10 : memref<80x128xf32, #tpu.memory_space<vmem>>) offsets(%arg6 : memref<80xi32, #tpu.memory_space<vmem>>) semaphore(%arg12 : memref<!tpu.dma_semaphore, #tpu.memory_space<semaphore_mem>>)
      %add3A_123 = arith.constant 1 : i32
      %add3A_124 = arith.addi %mul3A_108, %add3A_123 : i32
      %dma_wait3A_125 = arith.constant 0 : i32
      %dma_wait3A_126 = arith.constant 0 : i32
      %dma_wait3A_127 = tpu.memref_slice %arg2[%dma_wait3A_125, %dma_wait3A_126] : memref<10000x128xf32, #tpu.memory_space<hbm>> -> memref<10000x128xf32, #tpu.memory_space<hbm>>
      tpu.wait_indirect_dma semaphore(%arg13 : memref<!tpu.dma_semaphore, #tpu.memory_space<semaphore_mem>>) src(%dma_wait3A_127 : memref<10000x128xf32, #tpu.memory_space<hbm>>) dst(%arg11 : memref<80x128xf32, #tpu.memory_space<vmem>>)
      "tpu.region"() ({
        %run_scoped3A = tpu.sem_alloc : memref<!tpu.dma_semaphore, #tpu.memory_space<semaphore_mem>>
        %dma_start3A_139 = arith.constant 0 : i32
        %dma_start3A_140 = arith.constant 0 : i32
        %dma_start3A_141 = tpu.memref_slice %arg14[%dma_start3A_139, %dma_start3A_140] : memref<10240x128xf32, #tpu.memory_space<vmem_shared>> -> memref<10240x128xf32, #tpu.memory_space<vmem_shared>>
        tpu.enqueue_indirect_dma source(%arg11 : memref<80x128xf32, #tpu.memory_space<vmem>>) target(%dma_start3A_141 : memref<10240x128xf32, #tpu.memory_space<vmem_shared>>) offsets(%arg9 : memref<80xi32, #tpu.memory_space<vmem>>) semaphore(%run_scoped3A : memref<!tpu.dma_semaphore, #tpu.memory_space<semaphore_mem>>) {add = true}
        %dma_wait3A_142 = arith.constant 0 : i32
        %dma_wait3A_143 = arith.constant 0 : i32
        %dma_wait3A_144 = tpu.memref_slice %arg14[%dma_wait3A_142, %dma_wait3A_143] : memref<10240x128xf32, #tpu.memory_space<vmem_shared>> -> memref<10240x128xf32, #tpu.memory_space<vmem_shared>>
        tpu.wait_indirect_dma semaphore(%run_scoped3A : memref<!tpu.dma_semaphore, #tpu.memory_space<semaphore_mem>>) src(%arg11 : memref<80x128xf32, #tpu.memory_space<vmem>>) dst(%dma_wait3A_144 : memref<10240x128xf32, #tpu.memory_space<vmem_shared>>)
        tpu.yield
      }) : () -> ()
      %add3A_128 = arith.constant 2 : i32
      %add3A_129 = arith.addi %add3A_124, %add3A_128 : i32
      %mul3A_130 = arith.constant 80 : i32
      %mul3A_131 = arith.muli %add3A_129, %mul3A_130 : i32
      %add3A_132 = arith.addi %mul3A_39, %mul3A_131 : i32
      "tpu.region"() ({
        %run_scoped3A = tpu.sem_alloc : memref<!tpu.dma_semaphore, #tpu.memory_space<semaphore_mem>>
        %dma_start3A_139 = tpu.memref_slice %arg3[%add3A_132] : memref<320000xi32, #tpu.memory_space<hbm>> -> memref<80xi32, #tpu.memory_space<hbm>>
        %dma_start3A_140 = tpu.memref_slice %arg3[%add3A_132] : memref<320000xi32, #tpu.memory_space<hbm>> -> memref<80xi32, #tpu.memory_space<hbm>>
        tpu.enqueue_dma source(%dma_start3A_140 : memref<80xi32, #tpu.memory_space<hbm>>) target(%arg8 : memref<80xi32, #tpu.memory_space<vmem>>) target_semaphore(%run_scoped3A : memref<!tpu.dma_semaphore, #tpu.memory_space<semaphore_mem>>)
        %dma_wait3A_141 = tpu.memref_slice %arg3[%add3A_132] : memref<320000xi32, #tpu.memory_space<hbm>> -> memref<80xi32, #tpu.memory_space<hbm>>
        %dma_wait3A_142 = tpu.memref_slice %arg3[%add3A_132] : memref<320000xi32, #tpu.memory_space<hbm>> -> memref<80xi32, #tpu.memory_space<hbm>>
        tpu.wait_dma2 semaphore(%run_scoped3A : memref<!tpu.dma_semaphore, #tpu.memory_space<semaphore_mem>>) src(%dma_wait3A_142 : memref<80xi32, #tpu.memory_space<hbm>>) dst(%arg8 : memref<80xi32, #tpu.memory_space<vmem>>)
        tpu.yield
      }) : () -> ()
      %mul3A_133 = arith.constant 80 : i32
      %mul3A_134 = arith.muli %add3A_129, %mul3A_133 : i32
      %add3A_135 = arith.addi %mul3A_39, %mul3A_134 : i32
      "tpu.region"() ({
        %run_scoped3A = tpu.sem_alloc : memref<!tpu.dma_semaphore, #tpu.memory_space<semaphore_mem>>
        %dma_start3A_139 = tpu.memref_slice %arg4[%add3A_135] : memref<320000xi32, #tpu.memory_space<hbm>> -> memref<80xi32, #tpu.memory_space<hbm>>
        %dma_start3A_140 = tpu.memref_slice %arg4[%add3A_135] : memref<320000xi32, #tpu.memory_space<hbm>> -> memref<80xi32, #tpu.memory_space<hbm>>
        tpu.enqueue_dma source(%dma_start3A_140 : memref<80xi32, #tpu.memory_space<hbm>>) target(%arg9 : memref<80xi32, #tpu.memory_space<vmem>>) target_semaphore(%run_scoped3A : memref<!tpu.dma_semaphore, #tpu.memory_space<semaphore_mem>>)
        %dma_wait3A_141 = tpu.memref_slice %arg4[%add3A_135] : memref<320000xi32, #tpu.memory_space<hbm>> -> memref<80xi32, #tpu.memory_space<hbm>>
        %dma_wait3A_142 = tpu.memref_slice %arg4[%add3A_135] : memref<320000xi32, #tpu.memory_space<hbm>> -> memref<80xi32, #tpu.memory_space<hbm>>
        tpu.wait_dma2 semaphore(%run_scoped3A : memref<!tpu.dma_semaphore, #tpu.memory_space<semaphore_mem>>) src(%dma_wait3A_142 : memref<80xi32, #tpu.memory_space<hbm>>) dst(%arg9 : memref<80xi32, #tpu.memory_space<vmem>>)
        tpu.yield
      }) : () -> ()
      %dma_start3A_136 = arith.constant 0 : i32
      %dma_start3A_137 = arith.constant 0 : i32
      %dma_start3A_138 = tpu.memref_slice %arg2[%dma_start3A_136, %dma_start3A_137] : memref<10000x128xf32, #tpu.memory_space<hbm>> -> memref<10000x128xf32, #tpu.memory_space<hbm>>
      tpu.enqueue_indirect_dma source(%dma_start3A_138 : memref<10000x128xf32, #tpu.memory_space<hbm>>) target(%arg11 : memref<80x128xf32, #tpu.memory_space<vmem>>) offsets(%arg8 : memref<80xi32, #tpu.memory_space<vmem>>) semaphore(%arg13 : memref<!tpu.dma_semaphore, #tpu.memory_space<semaphore_mem>>)
    }
    %scan3A_57 = arith.constant 61 : i32
    %dma_wait3A = arith.constant 0 : i32
    %dma_wait3A_58 = arith.constant 0 : i32
    %dma_wait3A_59 = tpu.memref_slice %arg2[%dma_wait3A, %dma_wait3A_58] : memref<10000x128xf32, #tpu.memory_space<hbm>> -> memref<10000x128xf32, #tpu.memory_space<hbm>>
    tpu.wait_indirect_dma semaphore(%arg12 : memref<!tpu.dma_semaphore, #tpu.memory_space<semaphore_mem>>) src(%dma_wait3A_59 : memref<10000x128xf32, #tpu.memory_space<hbm>>) dst(%arg10 : memref<80x128xf32, #tpu.memory_space<vmem>>)
    "tpu.region"() ({
      %run_scoped3A = tpu.sem_alloc : memref<!tpu.dma_semaphore, #tpu.memory_space<semaphore_mem>>
      %dma_start3A_106 = arith.constant 0 : i32
      %dma_start3A_107 = arith.constant 0 : i32
      %dma_start3A_108 = tpu.memref_slice %arg14[%dma_start3A_106, %dma_start3A_107] : memref<10240x128xf32, #tpu.memory_space<vmem_shared>> -> memref<10240x128xf32, #tpu.memory_space<vmem_shared>>
      tpu.enqueue_indirect_dma source(%arg10 : memref<80x128xf32, #tpu.memory_space<vmem>>) target(%dma_start3A_108 : memref<10240x128xf32, #tpu.memory_space<vmem_shared>>) offsets(%arg7 : memref<80xi32, #tpu.memory_space<vmem>>) semaphore(%run_scoped3A : memref<!tpu.dma_semaphore, #tpu.memory_space<semaphore_mem>>) {add = true}
      %dma_wait3A_109 = arith.constant 0 : i32
      %dma_wait3A_110 = arith.constant 0 : i32
      %dma_wait3A_111 = tpu.memref_slice %arg14[%dma_wait3A_109, %dma_wait3A_110] : memref<10240x128xf32, #tpu.memory_space<vmem_shared>> -> memref<10240x128xf32, #tpu.memory_space<vmem_shared>>
      tpu.wait_indirect_dma semaphore(%run_scoped3A : memref<!tpu.dma_semaphore, #tpu.memory_space<semaphore_mem>>) src(%arg10 : memref<80x128xf32, #tpu.memory_space<vmem>>) dst(%dma_wait3A_111 : memref<10240x128xf32, #tpu.memory_space<vmem_shared>>)
      tpu.yield
    }) : () -> ()
    %add3A_60 = arith.constant 9920 : i32
    %add3A_61 = arith.addi %mul3A_39, %add3A_60 : i32
    "tpu.region"() ({
      %run_scoped3A = tpu.sem_alloc : memref<!tpu.dma_semaphore, #tpu.memory_space<semaphore_mem>>
      %dma_start3A_106 = tpu.memref_slice %arg3[%add3A_61] : memref<320000xi32, #tpu.memory_space<hbm>> -> memref<80xi32, #tpu.memory_space<hbm>>
      %dma_start3A_107 = tpu.memref_slice %arg3[%add3A_61] : memref<320000xi32, #tpu.memory_space<hbm>> -> memref<80xi32, #tpu.memory_space<hbm>>
      tpu.enqueue_dma source(%dma_start3A_107 : memref<80xi32, #tpu.memory_space<hbm>>) target(%arg6 : memref<80xi32, #tpu.memory_space<vmem>>) target_semaphore(%run_scoped3A : memref<!tpu.dma_semaphore, #tpu.memory_space<semaphore_mem>>)
      %dma_wait3A_108 = tpu.memref_slice %arg3[%add3A_61] : memref<320000xi32, #tpu.memory_space<hbm>> -> memref<80xi32, #tpu.memory_space<hbm>>
      %dma_wait3A_109 = tpu.memref_slice %arg3[%add3A_61] : memref<320000xi32, #tpu.memory_space<hbm>> -> memref<80xi32, #tpu.memory_space<hbm>>
      tpu.wait_dma2 semaphore(%run_scoped3A : memref<!tpu.dma_semaphore, #tpu.memory_space<semaphore_mem>>) src(%dma_wait3A_109 : memref<80xi32, #tpu.memory_space<hbm>>) dst(%arg6 : memref<80xi32, #tpu.memory_space<vmem>>)
      tpu.yield
    }) : () -> ()
    %add3A_62 = arith.constant 9920 : i32
    %add3A_63 = arith.addi %mul3A_39, %add3A_62 : i32
    "tpu.region"() ({
      %run_scoped3A = tpu.sem_alloc : memref<!tpu.dma_semaphore, #tpu.memory_space<semaphore_mem>>
      %dma_start3A_106 = tpu.memref_slice %arg4[%add3A_63] : memref<320000xi32, #tpu.memory_space<hbm>> -> memref<80xi32, #tpu.memory_space<hbm>>
      %dma_start3A_107 = tpu.memref_slice %arg4[%add3A_63] : memref<320000xi32, #tpu.memory_space<hbm>> -> memref<80xi32, #tpu.memory_space<hbm>>
      tpu.enqueue_dma source(%dma_start3A_107 : memref<80xi32, #tpu.memory_space<hbm>>) target(%arg7 : memref<80xi32, #tpu.memory_space<vmem>>) target_semaphore(%run_scoped3A : memref<!tpu.dma_semaphore, #tpu.memory_space<semaphore_mem>>)
      %dma_wait3A_108 = tpu.memref_slice %arg4[%add3A_63] : memref<320000xi32, #tpu.memory_space<hbm>> -> memref<80xi32, #tpu.memory_space<hbm>>
      %dma_wait3A_109 = tpu.memref_slice %arg4[%add3A_63] : memref<320000xi32, #tpu.memory_space<hbm>> -> memref<80xi32, #tpu.memory_space<hbm>>
      tpu.wait_dma2 semaphore(%run_scoped3A : memref<!tpu.dma_semaphore, #tpu.memory_space<semaphore_mem>>) src(%dma_wait3A_109 : memref<80xi32, #tpu.memory_space<hbm>>) dst(%arg7 : memref<80xi32, #tpu.memory_space<vmem>>)
      tpu.yield
    }) : () -> ()
    %dma_start3A_64 = arith.constant 0 : i32
    %dma_start3A_65 = arith.constant 0 : i32
    %dma_start3A_66 = tpu.memref_slice %arg2[%dma_start3A_64, %dma_start3A_65] : memref<10000x128xf32, #tpu.memory_space<hbm>> -> memref<10000x128xf32, #tpu.memory_space<hbm>>
    tpu.enqueue_indirect_dma source(%dma_start3A_66 : memref<10000x128xf32, #tpu.memory_space<hbm>>) target(%arg10 : memref<80x128xf32, #tpu.memory_space<vmem>>) offsets(%arg6 : memref<80xi32, #tpu.memory_space<vmem>>) semaphore(%arg12 : memref<!tpu.dma_semaphore, #tpu.memory_space<semaphore_mem>>)
    %dma_wait3A_67 = arith.constant 0 : i32
    %dma_wait3A_68 = arith.constant 0 : i32
    %dma_wait3A_69 = tpu.memref_slice %arg2[%dma_wait3A_67, %dma_wait3A_68] : memref<10000x128xf32, #tpu.memory_space<hbm>> -> memref<10000x128xf32, #tpu.memory_space<hbm>>
    tpu.wait_indirect_dma semaphore(%arg13 : memref<!tpu.dma_semaphore, #tpu.memory_space<semaphore_mem>>) src(%dma_wait3A_69 : memref<10000x128xf32, #tpu.memory_space<hbm>>) dst(%arg11 : memref<80x128xf32, #tpu.memory_space<vmem>>)
    "tpu.region"() ({
      %run_scoped3A = tpu.sem_alloc : memref<!tpu.dma_semaphore, #tpu.memory_space<semaphore_mem>>
      %dma_start3A_106 = arith.constant 0 : i32
      %dma_start3A_107 = arith.constant 0 : i32
      %dma_start3A_108 = tpu.memref_slice %arg14[%dma_start3A_106, %dma_start3A_107] : memref<10240x128xf32, #tpu.memory_space<vmem_shared>> -> memref<10240x128xf32, #tpu.memory_space<vmem_shared>>
      tpu.enqueue_indirect_dma source(%arg11 : memref<80x128xf32, #tpu.memory_space<vmem>>) target(%dma_start3A_108 : memref<10240x128xf32, #tpu.memory_space<vmem_shared>>) offsets(%arg9 : memref<80xi32, #tpu.memory_space<vmem>>) semaphore(%run_scoped3A : memref<!tpu.dma_semaphore, #tpu.memory_space<semaphore_mem>>) {add = true}
      %dma_wait3A_109 = arith.constant 0 : i32
      %dma_wait3A_110 = arith.constant 0 : i32
      %dma_wait3A_111 = tpu.memref_slice %arg14[%dma_wait3A_109, %dma_wait3A_110] : memref<10240x128xf32, #tpu.memory_space<vmem_shared>> -> memref<10240x128xf32, #tpu.memory_space<vmem_shared>>
      tpu.wait_indirect_dma semaphore(%run_scoped3A : memref<!tpu.dma_semaphore, #tpu.memory_space<semaphore_mem>>) src(%arg11 : memref<80x128xf32, #tpu.memory_space<vmem>>) dst(%dma_wait3A_111 : memref<10240x128xf32, #tpu.memory_space<vmem_shared>>)
      tpu.yield
    }) : () -> ()
    %dma_wait3A_70 = arith.constant 0 : i32
    %dma_wait3A_71 = arith.constant 0 : i32
    %dma_wait3A_72 = tpu.memref_slice %arg2[%dma_wait3A_70, %dma_wait3A_71] : memref<10000x128xf32, #tpu.memory_space<hbm>> -> memref<10000x128xf32, #tpu.memory_space<hbm>>
    tpu.wait_indirect_dma semaphore(%arg12 : memref<!tpu.dma_semaphore, #tpu.memory_space<semaphore_mem>>) src(%dma_wait3A_72 : memref<10000x128xf32, #tpu.memory_space<hbm>>) dst(%arg10 : memref<80x128xf32, #tpu.memory_space<vmem>>)
    "tpu.region"() ({
      %run_scoped3A = tpu.sem_alloc : memref<!tpu.dma_semaphore, #tpu.memory_space<semaphore_mem>>
      %dma_start3A_106 = arith.constant 0 : i32
      %dma_start3A_107 = arith.constant 0 : i32
      %dma_start3A_108 = tpu.memref_slice %arg14[%dma_start3A_106, %dma_start3A_107] : memref<10240x128xf32, #tpu.memory_space<vmem_shared>> -> memref<10240x128xf32, #tpu.memory_space<vmem_shared>>
      tpu.enqueue_indirect_dma source(%arg10 : memref<80x128xf32, #tpu.memory_space<vmem>>) target(%dma_start3A_108 : memref<10240x128xf32, #tpu.memory_space<vmem_shared>>) offsets(%arg7 : memref<80xi32, #tpu.memory_space<vmem>>) semaphore(%run_scoped3A : memref<!tpu.dma_semaphore, #tpu.memory_space<semaphore_mem>>) {add = true}
      %dma_wait3A_109 = arith.constant 0 : i32
      %dma_wait3A_110 = arith.constant 0 : i32
      %dma_wait3A_111 = tpu.memref_slice %arg14[%dma_wait3A_109, %dma_wait3A_110] : memref<10240x128xf32, #tpu.memory_space<vmem_shared>> -> memref<10240x128xf32, #tpu.memory_space<vmem_shared>>
      tpu.wait_indirect_dma semaphore(%run_scoped3A : memref<!tpu.dma_semaphore, #tpu.memory_space<semaphore_mem>>) src(%arg10 : memref<80x128xf32, #tpu.memory_space<vmem>>) dst(%dma_wait3A_111 : memref<10240x128xf32, #tpu.memory_space<vmem_shared>>)
      tpu.yield
    }) : () -> ()
    %barrier3A_73 = arith.constant 0 : index
    tpu.barrier barrier_id(%barrier3A_73)
    %mul3A_74 = arith.constant 640 : i32
    %mul3A_75 = arith.muli %arg1, %mul3A_74 : i32
    %add3A_76 = arith.constant 0 : i32
    %add3A_77 = arith.addi %mul3A_75, %add3A_76 : i32
    "tpu.region"() ({
      %run_scoped3A = tpu.sem_alloc : memref<!tpu.dma_semaphore, #tpu.memory_space<semaphore_mem>>
      %dma_start3A_106 = arith.constant 0 : i32
      %dma_start3A_107 = tpu.memref_slice %arg14[%add3A_77, %dma_start3A_106] : memref<10240x128xf32, #tpu.memory_space<vmem_shared>> -> memref<80x128xf32, #tpu.memory_space<vmem_shared>>
      %dma_start3A_108 = arith.constant 0 : i32
      %dma_start3A_109 = tpu.memref_slice %arg14[%add3A_77, %dma_start3A_108] : memref<10240x128xf32, #tpu.memory_space<vmem_shared>> -> memref<80x128xf32, #tpu.memory_space<vmem_shared>>
      tpu.enqueue_dma source(%dma_start3A_109 : memref<80x128xf32, #tpu.memory_space<vmem_shared>>) target(%arg10 : memref<80x128xf32, #tpu.memory_space<vmem>>) target_semaphore(%run_scoped3A : memref<!tpu.dma_semaphore, #tpu.memory_space<semaphore_mem>>)
      %dma_wait3A_110 = arith.constant 0 : i32
      %dma_wait3A_111 = tpu.memref_slice %arg14[%add3A_77, %dma_wait3A_110] : memref<10240x128xf32, #tpu.memory_space<vmem_shared>> -> memref<80x128xf32, #tpu.memory_space<vmem_shared>>
      %dma_wait3A_112 = arith.constant 0 : i32
      %dma_wait3A_113 = tpu.memref_slice %arg14[%add3A_77, %dma_wait3A_112] : memref<10240x128xf32, #tpu.memory_space<vmem_shared>> -> memref<80x128xf32, #tpu.memory_space<vmem_shared>>
      tpu.wait_dma2 semaphore(%run_scoped3A : memref<!tpu.dma_semaphore, #tpu.memory_space<semaphore_mem>>) src(%dma_wait3A_113 : memref<80x128xf32, #tpu.memory_space<vmem_shared>>) dst(%arg10 : memref<80x128xf32, #tpu.memory_space<vmem>>)
      tpu.yield
    }) : () -> ()
    "tpu.region"() ({
      %run_scoped3A = tpu.sem_alloc : memref<!tpu.dma_semaphore, #tpu.memory_space<semaphore_mem>>
      %dma_start3A_106 = arith.constant 0 : i32
      %dma_start3A_107 = tpu.memref_slice %arg5[%arg0, %add3A_77, %dma_start3A_106] : memref<2x10240x128xf32, #tpu.memory_space<hbm>> -> memref<1x80x128xf32, #tpu.memory_space<hbm>>
      %dma_start3A_108 = tpu.memref_squeeze %dma_start3A_107 : memref<1x80x128xf32, #tpu.memory_space<hbm>> -> memref<80x128xf32, #tpu.memory_space<hbm>>
      %dma_start3A_109 = arith.constant 0 : i32
      %dma_start3A_110 = tpu.memref_slice %arg5[%arg0, %add3A_77, %dma_start3A_109] : memref<2x10240x128xf32, #tpu.memory_space<hbm>> -> memref<1x80x128xf32, #tpu.memory_space<hbm>>
      %dma_start3A_111 = tpu.memref_squeeze %dma_start3A_110 : memref<1x80x128xf32, #tpu.memory_space<hbm>> -> memref<80x128xf32, #tpu.memory_space<hbm>>
      tpu.enqueue_dma source(%arg10 : memref<80x128xf32, #tpu.memory_space<vmem>>) target(%dma_start3A_111 : memref<80x128xf32, #tpu.memory_space<hbm>>) target_semaphore(%run_scoped3A : memref<!tpu.dma_semaphore, #tpu.memory_space<semaphore_mem>>)
      %dma_wait3A_112 = arith.constant 0 : i32
      %dma_wait3A_113 = tpu.memref_slice %arg5[%arg0, %add3A_77, %dma_wait3A_112] : memref<2x10240x128xf32, #tpu.memory_space<hbm>> -> memref<1x80x128xf32, #tpu.memory_space<hbm>>
      %dma_wait3A_114 = tpu.memref_squeeze %dma_wait3A_113 : memref<1x80x128xf32, #tpu.memory_space<hbm>> -> memref<80x128xf32, #tpu.memory_space<hbm>>
      %dma_wait3A_115 = arith.constant 0 : i32
      %dma_wait3A_116 = tpu.memref_slice %arg5[%arg0, %add3A_77, %dma_wait3A_115] : memref<2x10240x128xf32, #tpu.memory_space<hbm>> -> memref<1x80x128xf32, #tpu.memory_space<hbm>>
      %dma_wait3A_117 = tpu.memref_squeeze %dma_wait3A_116 : memref<1x80x128xf32, #tpu.memory_space<hbm>> -> memref<80x128xf32, #tpu.memory_space<hbm>>
      tpu.wait_dma2 semaphore(%run_scoped3A : memref<!tpu.dma_semaphore, #tpu.memory_space<semaphore_mem>>) src(%arg10 : memref<80x128xf32, #tpu.memory_space<vmem>>) dst(%dma_wait3A_117 : memref<80x128xf32, #tpu.memory_space<hbm>>)
      tpu.yield
    }) : () -> ()
    %mul3A_78 = arith.constant 640 : i32
    %mul3A_79 = arith.muli %arg1, %mul3A_78 : i32
    %add3A_80 = arith.constant 80 : i32
    %add3A_81 = arith.addi %mul3A_79, %add3A_80 : i32
    "tpu.region"() ({
      %run_scoped3A = tpu.sem_alloc : memref<!tpu.dma_semaphore, #tpu.memory_space<semaphore_mem>>
      %dma_start3A_106 = arith.constant 0 : i32
      %dma_start3A_107 = tpu.memref_slice %arg14[%add3A_81, %dma_start3A_106] : memref<10240x128xf32, #tpu.memory_space<vmem_shared>> -> memref<80x128xf32, #tpu.memory_space<vmem_shared>>
      %dma_start3A_108 = arith.constant 0 : i32
      %dma_start3A_109 = tpu.memref_slice %arg14[%add3A_81, %dma_start3A_108] : memref<10240x128xf32, #tpu.memory_space<vmem_shared>> -> memref<80x128xf32, #tpu.memory_space<vmem_shared>>
      tpu.enqueue_dma source(%dma_start3A_109 : memref<80x128xf32, #tpu.memory_space<vmem_shared>>) target(%arg10 : memref<80x128xf32, #tpu.memory_space<vmem>>) target_semaphore(%run_scoped3A : memref<!tpu.dma_semaphore, #tpu.memory_space<semaphore_mem>>)
      %dma_wait3A_110 = arith.constant 0 : i32
      %dma_wait3A_111 = tpu.memref_slice %arg14[%add3A_81, %dma_wait3A_110] : memref<10240x128xf32, #tpu.memory_space<vmem_shared>> -> memref<80x128xf32, #tpu.memory_space<vmem_shared>>
      %dma_wait3A_112 = arith.constant 0 : i32
      %dma_wait3A_113 = tpu.memref_slice %arg14[%add3A_81, %dma_wait3A_112] : memref<10240x128xf32, #tpu.memory_space<vmem_shared>> -> memref<80x128xf32, #tpu.memory_space<vmem_shared>>
      tpu.wait_dma2 semaphore(%run_scoped3A : memref<!tpu.dma_semaphore, #tpu.memory_space<semaphore_mem>>) src(%dma_wait3A_113 : memref<80x128xf32, #tpu.memory_space<vmem_shared>>) dst(%arg10 : memref<80x128xf32, #tpu.memory_space<vmem>>)
      tpu.yield
    }) : () -> ()
    "tpu.region"() ({
      %run_scoped3A = tpu.sem_alloc : memref<!tpu.dma_semaphore, #tpu.memory_space<semaphore_mem>>
      %dma_start3A_106 = arith.constant 0 : i32
      %dma_start3A_107 = tpu.memref_slice %arg5[%arg0, %add3A_81, %dma_start3A_106] : memref<2x10240x128xf32, #tpu.memory_space<hbm>> -> memref<1x80x128xf32, #tpu.memory_space<hbm>>
      %dma_start3A_108 = tpu.memref_squeeze %dma_start3A_107 : memref<1x80x128xf32, #tpu.memory_space<hbm>> -> memref<80x128xf32, #tpu.memory_space<hbm>>
      %dma_start3A_109 = arith.constant 0 : i32
      %dma_start3A_110 = tpu.memref_slice %arg5[%arg0, %add3A_81, %dma_start3A_109] : memref<2x10240x128xf32, #tpu.memory_space<hbm>> -> memref<1x80x128xf32, #tpu.memory_space<hbm>>
      %dma_start3A_111 = tpu.memref_squeeze %dma_start3A_110 : memref<1x80x128xf32, #tpu.memory_space<hbm>> -> memref<80x128xf32, #tpu.memory_space<hbm>>
      tpu.enqueue_dma source(%arg10 : memref<80x128xf32, #tpu.memory_space<vmem>>) target(%dma_start3A_111 : memref<80x128xf32, #tpu.memory_space<hbm>>) target_semaphore(%run_scoped3A : memref<!tpu.dma_semaphore, #tpu.memory_space<semaphore_mem>>)
      %dma_wait3A_112 = arith.constant 0 : i32
      %dma_wait3A_113 = tpu.memref_slice %arg5[%arg0, %add3A_81, %dma_wait3A_112] : memref<2x10240x128xf32, #tpu.memory_space<hbm>> -> memref<1x80x128xf32, #tpu.memory_space<hbm>>
      %dma_wait3A_114 = tpu.memref_squeeze %dma_wait3A_113 : memref<1x80x128xf32, #tpu.memory_space<hbm>> -> memref<80x128xf32, #tpu.memory_space<hbm>>
      %dma_wait3A_115 = arith.constant 0 : i32
      %dma_wait3A_116 = tpu.memref_slice %arg5[%arg0, %add3A_81, %dma_wait3A_115] : memref<2x10240x128xf32, #tpu.memory_space<hbm>> -> memref<1x80x128xf32, #tpu.memory_space<hbm>>
      %dma_wait3A_117 = tpu.memref_squeeze %dma_wait3A_116 : memref<1x80x128xf32, #tpu.memory_space<hbm>> -> memref<80x128xf32, #tpu.memory_space<hbm>>
      tpu.wait_dma2 semaphore(%run_scoped3A : memref<!tpu.dma_semaphore, #tpu.memory_space<semaphore_mem>>) src(%arg10 : memref<80x128xf32, #tpu.memory_space<vmem>>) dst(%dma_wait3A_117 : memref<80x128xf32, #tpu.memory_space<hbm>>)
      tpu.yield
    }) : () -> ()
    %mul3A_82 = arith.constant 640 : i32
    %mul3A_83 = arith.muli %arg1, %mul3A_82 : i32
    %add3A_84 = arith.constant 160 : i32
    %add3A_85 = arith.addi %mul3A_83, %add3A_84 : i32
    "tpu.region"() ({
      %run_scoped3A = tpu.sem_alloc : memref<!tpu.dma_semaphore, #tpu.memory_space<semaphore_mem>>
      %dma_start3A_106 = arith.constant 0 : i32
      %dma_start3A_107 = tpu.memref_slice %arg14[%add3A_85, %dma_start3A_106] : memref<10240x128xf32, #tpu.memory_space<vmem_shared>> -> memref<80x128xf32, #tpu.memory_space<vmem_shared>>
      %dma_start3A_108 = arith.constant 0 : i32
      %dma_start3A_109 = tpu.memref_slice %arg14[%add3A_85, %dma_start3A_108] : memref<10240x128xf32, #tpu.memory_space<vmem_shared>> -> memref<80x128xf32, #tpu.memory_space<vmem_shared>>
      tpu.enqueue_dma source(%dma_start3A_109 : memref<80x128xf32, #tpu.memory_space<vmem_shared>>) target(%arg10 : memref<80x128xf32, #tpu.memory_space<vmem>>) target_semaphore(%run_scoped3A : memref<!tpu.dma_semaphore, #tpu.memory_space<semaphore_mem>>)
      %dma_wait3A_110 = arith.constant 0 : i32
      %dma_wait3A_111 = tpu.memref_slice %arg14[%add3A_85, %dma_wait3A_110] : memref<10240x128xf32, #tpu.memory_space<vmem_shared>> -> memref<80x128xf32, #tpu.memory_space<vmem_shared>>
      %dma_wait3A_112 = arith.constant 0 : i32
      %dma_wait3A_113 = tpu.memref_slice %arg14[%add3A_85, %dma_wait3A_112] : memref<10240x128xf32, #tpu.memory_space<vmem_shared>> -> memref<80x128xf32, #tpu.memory_space<vmem_shared>>
      tpu.wait_dma2 semaphore(%run_scoped3A : memref<!tpu.dma_semaphore, #tpu.memory_space<semaphore_mem>>) src(%dma_wait3A_113 : memref<80x128xf32, #tpu.memory_space<vmem_shared>>) dst(%arg10 : memref<80x128xf32, #tpu.memory_space<vmem>>)
      tpu.yield
    }) : () -> ()
    "tpu.region"() ({
      %run_scoped3A = tpu.sem_alloc : memref<!tpu.dma_semaphore, #tpu.memory_space<semaphore_mem>>
      %dma_start3A_106 = arith.constant 0 : i32
      %dma_start3A_107 = tpu.memref_slice %arg5[%arg0, %add3A_85, %dma_start3A_106] : memref<2x10240x128xf32, #tpu.memory_space<hbm>> -> memref<1x80x128xf32, #tpu.memory_space<hbm>>
      %dma_start3A_108 = tpu.memref_squeeze %dma_start3A_107 : memref<1x80x128xf32, #tpu.memory_space<hbm>> -> memref<80x128xf32, #tpu.memory_space<hbm>>
      %dma_start3A_109 = arith.constant 0 : i32
      %dma_start3A_110 = tpu.memref_slice %arg5[%arg0, %add3A_85, %dma_start3A_109] : memref<2x10240x128xf32, #tpu.memory_space<hbm>> -> memref<1x80x128xf32, #tpu.memory_space<hbm>>
      %dma_start3A_111 = tpu.memref_squeeze %dma_start3A_110 : memref<1x80x128xf32, #tpu.memory_space<hbm>> -> memref<80x128xf32, #tpu.memory_space<hbm>>
      tpu.enqueue_dma source(%arg10 : memref<80x128xf32, #tpu.memory_space<vmem>>) target(%dma_start3A_111 : memref<80x128xf32, #tpu.memory_space<hbm>>) target_semaphore(%run_scoped3A : memref<!tpu.dma_semaphore, #tpu.memory_space<semaphore_mem>>)
      %dma_wait3A_112 = arith.constant 0 : i32
      %dma_wait3A_113 = tpu.memref_slice %arg5[%arg0, %add3A_85, %dma_wait3A_112] : memref<2x10240x128xf32, #tpu.memory_space<hbm>> -> memref<1x80x128xf32, #tpu.memory_space<hbm>>
      %dma_wait3A_114 = tpu.memref_squeeze %dma_wait3A_113 : memref<1x80x128xf32, #tpu.memory_space<hbm>> -> memref<80x128xf32, #tpu.memory_space<hbm>>
      %dma_wait3A_115 = arith.constant 0 : i32
      %dma_wait3A_116 = tpu.memref_slice %arg5[%arg0, %add3A_85, %dma_wait3A_115] : memref<2x10240x128xf32, #tpu.memory_space<hbm>> -> memref<1x80x128xf32, #tpu.memory_space<hbm>>
      %dma_wait3A_117 = tpu.memref_squeeze %dma_wait3A_116 : memref<1x80x128xf32, #tpu.memory_space<hbm>> -> memref<80x128xf32, #tpu.memory_space<hbm>>
      tpu.wait_dma2 semaphore(%run_scoped3A : memref<!tpu.dma_semaphore, #tpu.memory_space<semaphore_mem>>) src(%arg10 : memref<80x128xf32, #tpu.memory_space<vmem>>) dst(%dma_wait3A_117 : memref<80x128xf32, #tpu.memory_space<hbm>>)
      tpu.yield
    }) : () -> ()
    %mul3A_86 = arith.constant 640 : i32
    %mul3A_87 = arith.muli %arg1, %mul3A_86 : i32
    %add3A_88 = arith.constant 240 : i32
    %add3A_89 = arith.addi %mul3A_87, %add3A_88 : i32
    "tpu.region"() ({
      %run_scoped3A = tpu.sem_alloc : memref<!tpu.dma_semaphore, #tpu.memory_space<semaphore_mem>>
      %dma_start3A_106 = arith.constant 0 : i32
      %dma_start3A_107 = tpu.memref_slice %arg14[%add3A_89, %dma_start3A_106] : memref<10240x128xf32, #tpu.memory_space<vmem_shared>> -> memref<80x128xf32, #tpu.memory_space<vmem_shared>>
      %dma_start3A_108 = arith.constant 0 : i32
      %dma_start3A_109 = tpu.memref_slice %arg14[%add3A_89, %dma_start3A_108] : memref<10240x128xf32, #tpu.memory_space<vmem_shared>> -> memref<80x128xf32, #tpu.memory_space<vmem_shared>>
      tpu.enqueue_dma source(%dma_start3A_109 : memref<80x128xf32, #tpu.memory_space<vmem_shared>>) target(%arg10 : memref<80x128xf32, #tpu.memory_space<vmem>>) target_semaphore(%run_scoped3A : memref<!tpu.dma_semaphore, #tpu.memory_space<semaphore_mem>>)
      %dma_wait3A_110 = arith.constant 0 : i32
      %dma_wait3A_111 = tpu.memref_slice %arg14[%add3A_89, %dma_wait3A_110] : memref<10240x128xf32, #tpu.memory_space<vmem_shared>> -> memref<80x128xf32, #tpu.memory_space<vmem_shared>>
      %dma_wait3A_112 = arith.constant 0 : i32
      %dma_wait3A_113 = tpu.memref_slice %arg14[%add3A_89, %dma_wait3A_112] : memref<10240x128xf32, #tpu.memory_space<vmem_shared>> -> memref<80x128xf32, #tpu.memory_space<vmem_shared>>
      tpu.wait_dma2 semaphore(%run_scoped3A : memref<!tpu.dma_semaphore, #tpu.memory_space<semaphore_mem>>) src(%dma_wait3A_113 : memref<80x128xf32, #tpu.memory_space<vmem_shared>>) dst(%arg10 : memref<80x128xf32, #tpu.memory_space<vmem>>)
      tpu.yield
    }) : () -> ()
    "tpu.region"() ({
      %run_scoped3A = tpu.sem_alloc : memref<!tpu.dma_semaphore, #tpu.memory_space<semaphore_mem>>
      %dma_start3A_106 = arith.constant 0 : i32
      %dma_start3A_107 = tpu.memref_slice %arg5[%arg0, %add3A_89, %dma_start3A_106] : memref<2x10240x128xf32, #tpu.memory_space<hbm>> -> memref<1x80x128xf32, #tpu.memory_space<hbm>>
      %dma_start3A_108 = tpu.memref_squeeze %dma_start3A_107 : memref<1x80x128xf32, #tpu.memory_space<hbm>> -> memref<80x128xf32, #tpu.memory_space<hbm>>
      %dma_start3A_109 = arith.constant 0 : i32
      %dma_start3A_110 = tpu.memref_slice %arg5[%arg0, %add3A_89, %dma_start3A_109] : memref<2x10240x128xf32, #tpu.memory_space<hbm>> -> memref<1x80x128xf32, #tpu.memory_space<hbm>>
      %dma_start3A_111 = tpu.memref_squeeze %dma_start3A_110 : memref<1x80x128xf32, #tpu.memory_space<hbm>> -> memref<80x128xf32, #tpu.memory_space<hbm>>
      tpu.enqueue_dma source(%arg10 : memref<80x128xf32, #tpu.memory_space<vmem>>) target(%dma_start3A_111 : memref<80x128xf32, #tpu.memory_space<hbm>>) target_semaphore(%run_scoped3A : memref<!tpu.dma_semaphore, #tpu.memory_space<semaphore_mem>>)
      %dma_wait3A_112 = arith.constant 0 : i32
      %dma_wait3A_113 = tpu.memref_slice %arg5[%arg0, %add3A_89, %dma_wait3A_112] : memref<2x10240x128xf32, #tpu.memory_space<hbm>> -> memref<1x80x128xf32, #tpu.memory_space<hbm>>
      %dma_wait3A_114 = tpu.memref_squeeze %dma_wait3A_113 : memref<1x80x128xf32, #tpu.memory_space<hbm>> -> memref<80x128xf32, #tpu.memory_space<hbm>>
      %dma_wait3A_115 = arith.constant 0 : i32
      %dma_wait3A_116 = tpu.memref_slice %arg5[%arg0, %add3A_89, %dma_wait3A_115] : memref<2x10240x128xf32, #tpu.memory_space<hbm>> -> memref<1x80x128xf32, #tpu.memory_space<hbm>>
      %dma_wait3A_117 = tpu.memref_squeeze %dma_wait3A_116 : memref<1x80x128xf32, #tpu.memory_space<hbm>> -> memref<80x128xf32, #tpu.memory_space<hbm>>
      tpu.wait_dma2 semaphore(%run_scoped3A : memref<!tpu.dma_semaphore, #tpu.memory_space<semaphore_mem>>) src(%arg10 : memref<80x128xf32, #tpu.memory_space<vmem>>) dst(%dma_wait3A_117 : memref<80x128xf32, #tpu.memory_space<hbm>>)
      tpu.yield
    }) : () -> ()
    %mul3A_90 = arith.constant 640 : i32
    %mul3A_91 = arith.muli %arg1, %mul3A_90 : i32
    %add3A_92 = arith.constant 320 : i32
    %add3A_93 = arith.addi %mul3A_91, %add3A_92 : i32
    "tpu.region"() ({
      %run_scoped3A = tpu.sem_alloc : memref<!tpu.dma_semaphore, #tpu.memory_space<semaphore_mem>>
      %dma_start3A_106 = arith.constant 0 : i32
      %dma_start3A_107 = tpu.memref_slice %arg14[%add3A_93, %dma_start3A_106] : memref<10240x128xf32, #tpu.memory_space<vmem_shared>> -> memref<80x128xf32, #tpu.memory_space<vmem_shared>>
      %dma_start3A_108 = arith.constant 0 : i32
      %dma_start3A_109 = tpu.memref_slice %arg14[%add3A_93, %dma_start3A_108] : memref<10240x128xf32, #tpu.memory_space<vmem_shared>> -> memref<80x128xf32, #tpu.memory_space<vmem_shared>>
      tpu.enqueue_dma source(%dma_start3A_109 : memref<80x128xf32, #tpu.memory_space<vmem_shared>>) target(%arg10 : memref<80x128xf32, #tpu.memory_space<vmem>>) target_semaphore(%run_scoped3A : memref<!tpu.dma_semaphore, #tpu.memory_space<semaphore_mem>>)
      %dma_wait3A_110 = arith.constant 0 : i32
      %dma_wait3A_111 = tpu.memref_slice %arg14[%add3A_93, %dma_wait3A_110] : memref<10240x128xf32, #tpu.memory_space<vmem_shared>> -> memref<80x128xf32, #tpu.memory_space<vmem_shared>>
      %dma_wait3A_112 = arith.constant 0 : i32
      %dma_wait3A_113 = tpu.memref_slice %arg14[%add3A_93, %dma_wait3A_112] : memref<10240x128xf32, #tpu.memory_space<vmem_shared>> -> memref<80x128xf32, #tpu.memory_space<vmem_shared>>
      tpu.wait_dma2 semaphore(%run_scoped3A : memref<!tpu.dma_semaphore, #tpu.memory_space<semaphore_mem>>) src(%dma_wait3A_113 : memref<80x128xf32, #tpu.memory_space<vmem_shared>>) dst(%arg10 : memref<80x128xf32, #tpu.memory_space<vmem>>)
      tpu.yield
    }) : () -> ()
    "tpu.region"() ({
      %run_scoped3A = tpu.sem_alloc : memref<!tpu.dma_semaphore, #tpu.memory_space<semaphore_mem>>
      %dma_start3A_106 = arith.constant 0 : i32
      %dma_start3A_107 = tpu.memref_slice %arg5[%arg0, %add3A_93, %dma_start3A_106] : memref<2x10240x128xf32, #tpu.memory_space<hbm>> -> memref<1x80x128xf32, #tpu.memory_space<hbm>>
      %dma_start3A_108 = tpu.memref_squeeze %dma_start3A_107 : memref<1x80x128xf32, #tpu.memory_space<hbm>> -> memref<80x128xf32, #tpu.memory_space<hbm>>
      %dma_start3A_109 = arith.constant 0 : i32
      %dma_start3A_110 = tpu.memref_slice %arg5[%arg0, %add3A_93, %dma_start3A_109] : memref<2x10240x128xf32, #tpu.memory_space<hbm>> -> memref<1x80x128xf32, #tpu.memory_space<hbm>>
      %dma_start3A_111 = tpu.memref_squeeze %dma_start3A_110 : memref<1x80x128xf32, #tpu.memory_space<hbm>> -> memref<80x128xf32, #tpu.memory_space<hbm>>
      tpu.enqueue_dma source(%arg10 : memref<80x128xf32, #tpu.memory_space<vmem>>) target(%dma_start3A_111 : memref<80x128xf32, #tpu.memory_space<hbm>>) target_semaphore(%run_scoped3A : memref<!tpu.dma_semaphore, #tpu.memory_space<semaphore_mem>>)
      %dma_wait3A_112 = arith.constant 0 : i32
      %dma_wait3A_113 = tpu.memref_slice %arg5[%arg0, %add3A_93, %dma_wait3A_112] : memref<2x10240x128xf32, #tpu.memory_space<hbm>> -> memref<1x80x128xf32, #tpu.memory_space<hbm>>
      %dma_wait3A_114 = tpu.memref_squeeze %dma_wait3A_113 : memref<1x80x128xf32, #tpu.memory_space<hbm>> -> memref<80x128xf32, #tpu.memory_space<hbm>>
      %dma_wait3A_115 = arith.constant 0 : i32
      %dma_wait3A_116 = tpu.memref_slice %arg5[%arg0, %add3A_93, %dma_wait3A_115] : memref<2x10240x128xf32, #tpu.memory_space<hbm>> -> memref<1x80x128xf32, #tpu.memory_space<hbm>>
      %dma_wait3A_117 = tpu.memref_squeeze %dma_wait3A_116 : memref<1x80x128xf32, #tpu.memory_space<hbm>> -> memref<80x128xf32, #tpu.memory_space<hbm>>
      tpu.wait_dma2 semaphore(%run_scoped3A : memref<!tpu.dma_semaphore, #tpu.memory_space<semaphore_mem>>) src(%arg10 : memref<80x128xf32, #tpu.memory_space<vmem>>) dst(%dma_wait3A_117 : memref<80x128xf32, #tpu.memory_space<hbm>>)
      tpu.yield
    }) : () -> ()
    %mul3A_94 = arith.constant 640 : i32
    %mul3A_95 = arith.muli %arg1, %mul3A_94 : i32
    %add3A_96 = arith.constant 400 : i32
    %add3A_97 = arith.addi %mul3A_95, %add3A_96 : i32
    "tpu.region"() ({
      %run_scoped3A = tpu.sem_alloc : memref<!tpu.dma_semaphore, #tpu.memory_space<semaphore_mem>>
      %dma_start3A_106 = arith.constant 0 : i32
      %dma_start3A_107 = tpu.memref_slice %arg14[%add3A_97, %dma_start3A_106] : memref<10240x128xf32, #tpu.memory_space<vmem_shared>> -> memref<80x128xf32, #tpu.memory_space<vmem_shared>>
      %dma_start3A_108 = arith.constant 0 : i32
      %dma_start3A_109 = tpu.memref_slice %arg14[%add3A_97, %dma_start3A_108] : memref<10240x128xf32, #tpu.memory_space<vmem_shared>> -> memref<80x128xf32, #tpu.memory_space<vmem_shared>>
      tpu.enqueue_dma source(%dma_start3A_109 : memref<80x128xf32, #tpu.memory_space<vmem_shared>>) target(%arg10 : memref<80x128xf32, #tpu.memory_space<vmem>>) target_semaphore(%run_scoped3A : memref<!tpu.dma_semaphore, #tpu.memory_space<semaphore_mem>>)
      %dma_wait3A_110 = arith.constant 0 : i32
      %dma_wait3A_111 = tpu.memref_slice %arg14[%add3A_97, %dma_wait3A_110] : memref<10240x128xf32, #tpu.memory_space<vmem_shared>> -> memref<80x128xf32, #tpu.memory_space<vmem_shared>>
      %dma_wait3A_112 = arith.constant 0 : i32
      %dma_wait3A_113 = tpu.memref_slice %arg14[%add3A_97, %dma_wait3A_112] : memref<10240x128xf32, #tpu.memory_space<vmem_shared>> -> memref<80x128xf32, #tpu.memory_space<vmem_shared>>
      tpu.wait_dma2 semaphore(%run_scoped3A : memref<!tpu.dma_semaphore, #tpu.memory_space<semaphore_mem>>) src(%dma_wait3A_113 : memref<80x128xf32, #tpu.memory_space<vmem_shared>>) dst(%arg10 : memref<80x128xf32, #tpu.memory_space<vmem>>)
      tpu.yield
    }) : () -> ()
    "tpu.region"() ({
      %run_scoped3A = tpu.sem_alloc : memref<!tpu.dma_semaphore, #tpu.memory_space<semaphore_mem>>
      %dma_start3A_106 = arith.constant 0 : i32
      %dma_start3A_107 = tpu.memref_slice %arg5[%arg0, %add3A_97, %dma_start3A_106] : memref<2x10240x128xf32, #tpu.memory_space<hbm>> -> memref<1x80x128xf32, #tpu.memory_space<hbm>>
      %dma_start3A_108 = tpu.memref_squeeze %dma_start3A_107 : memref<1x80x128xf32, #tpu.memory_space<hbm>> -> memref<80x128xf32, #tpu.memory_space<hbm>>
      %dma_start3A_109 = arith.constant 0 : i32
      %dma_start3A_110 = tpu.memref_slice %arg5[%arg0, %add3A_97, %dma_start3A_109] : memref<2x10240x128xf32, #tpu.memory_space<hbm>> -> memref<1x80x128xf32, #tpu.memory_space<hbm>>
      %dma_start3A_111 = tpu.memref_squeeze %dma_start3A_110 : memref<1x80x128xf32, #tpu.memory_space<hbm>> -> memref<80x128xf32, #tpu.memory_space<hbm>>
      tpu.enqueue_dma source(%arg10 : memref<80x128xf32, #tpu.memory_space<vmem>>) target(%dma_start3A_111 : memref<80x128xf32, #tpu.memory_space<hbm>>) target_semaphore(%run_scoped3A : memref<!tpu.dma_semaphore, #tpu.memory_space<semaphore_mem>>)
      %dma_wait3A_112 = arith.constant 0 : i32
      %dma_wait3A_113 = tpu.memref_slice %arg5[%arg0, %add3A_97, %dma_wait3A_112] : memref<2x10240x128xf32, #tpu.memory_space<hbm>> -> memref<1x80x128xf32, #tpu.memory_space<hbm>>
      %dma_wait3A_114 = tpu.memref_squeeze %dma_wait3A_113 : memref<1x80x128xf32, #tpu.memory_space<hbm>> -> memref<80x128xf32, #tpu.memory_space<hbm>>
      %dma_wait3A_115 = arith.constant 0 : i32
      %dma_wait3A_116 = tpu.memref_slice %arg5[%arg0, %add3A_97, %dma_wait3A_115] : memref<2x10240x128xf32, #tpu.memory_space<hbm>> -> memref<1x80x128xf32, #tpu.memory_space<hbm>>
      %dma_wait3A_117 = tpu.memref_squeeze %dma_wait3A_116 : memref<1x80x128xf32, #tpu.memory_space<hbm>> -> memref<80x128xf32, #tpu.memory_space<hbm>>
      tpu.wait_dma2 semaphore(%run_scoped3A : memref<!tpu.dma_semaphore, #tpu.memory_space<semaphore_mem>>) src(%arg10 : memref<80x128xf32, #tpu.memory_space<vmem>>) dst(%dma_wait3A_117 : memref<80x128xf32, #tpu.memory_space<hbm>>)
      tpu.yield
    }) : () -> ()
    %mul3A_98 = arith.constant 640 : i32
    %mul3A_99 = arith.muli %arg1, %mul3A_98 : i32
    %add3A_100 = arith.constant 480 : i32
    %add3A_101 = arith.addi %mul3A_99, %add3A_100 : i32
    "tpu.region"() ({
      %run_scoped3A = tpu.sem_alloc : memref<!tpu.dma_semaphore, #tpu.memory_space<semaphore_mem>>
      %dma_start3A_106 = arith.constant 0 : i32
      %dma_start3A_107 = tpu.memref_slice %arg14[%add3A_101, %dma_start3A_106] : memref<10240x128xf32, #tpu.memory_space<vmem_shared>> -> memref<80x128xf32, #tpu.memory_space<vmem_shared>>
      %dma_start3A_108 = arith.constant 0 : i32
      %dma_start3A_109 = tpu.memref_slice %arg14[%add3A_101, %dma_start3A_108] : memref<10240x128xf32, #tpu.memory_space<vmem_shared>> -> memref<80x128xf32, #tpu.memory_space<vmem_shared>>
      tpu.enqueue_dma source(%dma_start3A_109 : memref<80x128xf32, #tpu.memory_space<vmem_shared>>) target(%arg10 : memref<80x128xf32, #tpu.memory_space<vmem>>) target_semaphore(%run_scoped3A : memref<!tpu.dma_semaphore, #tpu.memory_space<semaphore_mem>>)
      %dma_wait3A_110 = arith.constant 0 : i32
      %dma_wait3A_111 = tpu.memref_slice %arg14[%add3A_101, %dma_wait3A_110] : memref<10240x128xf32, #tpu.memory_space<vmem_shared>> -> memref<80x128xf32, #tpu.memory_space<vmem_shared>>
      %dma_wait3A_112 = arith.constant 0 : i32
      %dma_wait3A_113 = tpu.memref_slice %arg14[%add3A_101, %dma_wait3A_112] : memref<10240x128xf32, #tpu.memory_space<vmem_shared>> -> memref<80x128xf32, #tpu.memory_space<vmem_shared>>
      tpu.wait_dma2 semaphore(%run_scoped3A : memref<!tpu.dma_semaphore, #tpu.memory_space<semaphore_mem>>) src(%dma_wait3A_113 : memref<80x128xf32, #tpu.memory_space<vmem_shared>>) dst(%arg10 : memref<80x128xf32, #tpu.memory_space<vmem>>)
      tpu.yield
    }) : () -> ()
    "tpu.region"() ({
      %run_scoped3A = tpu.sem_alloc : memref<!tpu.dma_semaphore, #tpu.memory_space<semaphore_mem>>
      %dma_start3A_106 = arith.constant 0 : i32
      %dma_start3A_107 = tpu.memref_slice %arg5[%arg0, %add3A_101, %dma_start3A_106] : memref<2x10240x128xf32, #tpu.memory_space<hbm>> -> memref<1x80x128xf32, #tpu.memory_space<hbm>>
      %dma_start3A_108 = tpu.memref_squeeze %dma_start3A_107 : memref<1x80x128xf32, #tpu.memory_space<hbm>> -> memref<80x128xf32, #tpu.memory_space<hbm>>
      %dma_start3A_109 = arith.constant 0 : i32
      %dma_start3A_110 = tpu.memref_slice %arg5[%arg0, %add3A_101, %dma_start3A_109] : memref<2x10240x128xf32, #tpu.memory_space<hbm>> -> memref<1x80x128xf32, #tpu.memory_space<hbm>>
      %dma_start3A_111 = tpu.memref_squeeze %dma_start3A_110 : memref<1x80x128xf32, #tpu.memory_space<hbm>> -> memref<80x128xf32, #tpu.memory_space<hbm>>
      tpu.enqueue_dma source(%arg10 : memref<80x128xf32, #tpu.memory_space<vmem>>) target(%dma_start3A_111 : memref<80x128xf32, #tpu.memory_space<hbm>>) target_semaphore(%run_scoped3A : memref<!tpu.dma_semaphore, #tpu.memory_space<semaphore_mem>>)
      %dma_wait3A_112 = arith.constant 0 : i32
      %dma_wait3A_113 = tpu.memref_slice %arg5[%arg0, %add3A_101, %dma_wait3A_112] : memref<2x10240x128xf32, #tpu.memory_space<hbm>> -> memref<1x80x128xf32, #tpu.memory_space<hbm>>
      %dma_wait3A_114 = tpu.memref_squeeze %dma_wait3A_113 : memref<1x80x128xf32, #tpu.memory_space<hbm>> -> memref<80x128xf32, #tpu.memory_space<hbm>>
      %dma_wait3A_115 = arith.constant 0 : i32
      %dma_wait3A_116 = tpu.memref_slice %arg5[%arg0, %add3A_101, %dma_wait3A_115] : memref<2x10240x128xf32, #tpu.memory_space<hbm>> -> memref<1x80x128xf32, #tpu.memory_space<hbm>>
      %dma_wait3A_117 = tpu.memref_squeeze %dma_wait3A_116 : memref<1x80x128xf32, #tpu.memory_space<hbm>> -> memref<80x128xf32, #tpu.memory_space<hbm>>
      tpu.wait_dma2 semaphore(%run_scoped3A : memref<!tpu.dma_semaphore, #tpu.memory_space<semaphore_mem>>) src(%arg10 : memref<80x128xf32, #tpu.memory_space<vmem>>) dst(%dma_wait3A_117 : memref<80x128xf32, #tpu.memory_space<hbm>>)
      tpu.yield
    }) : () -> ()
    %mul3A_102 = arith.constant 640 : i32
    %mul3A_103 = arith.muli %arg1, %mul3A_102 : i32
    %add3A_104 = arith.constant 560 : i32
    %add3A_105 = arith.addi %mul3A_103, %add3A_104 : i32
    "tpu.region"() ({
      %run_scoped3A = tpu.sem_alloc : memref<!tpu.dma_semaphore, #tpu.memory_space<semaphore_mem>>
      %dma_start3A_106 = arith.constant 0 : i32
      %dma_start3A_107 = tpu.memref_slice %arg14[%add3A_105, %dma_start3A_106] : memref<10240x128xf32, #tpu.memory_space<vmem_shared>> -> memref<80x128xf32, #tpu.memory_space<vmem_shared>>
      %dma_start3A_108 = arith.constant 0 : i32
      %dma_start3A_109 = tpu.memref_slice %arg14[%add3A_105, %dma_start3A_108] : memref<10240x128xf32, #tpu.memory_space<vmem_shared>> -> memref<80x128xf32, #tpu.memory_space<vmem_shared>>
      tpu.enqueue_dma source(%dma_start3A_109 : memref<80x128xf32, #tpu.memory_space<vmem_shared>>) target(%arg10 : memref<80x128xf32, #tpu.memory_space<vmem>>) target_semaphore(%run_scoped3A : memref<!tpu.dma_semaphore, #tpu.memory_space<semaphore_mem>>)
      %dma_wait3A_110 = arith.constant 0 : i32
      %dma_wait3A_111 = tpu.memref_slice %arg14[%add3A_105, %dma_wait3A_110] : memref<10240x128xf32, #tpu.memory_space<vmem_shared>> -> memref<80x128xf32, #tpu.memory_space<vmem_shared>>
      %dma_wait3A_112 = arith.constant 0 : i32
      %dma_wait3A_113 = tpu.memref_slice %arg14[%add3A_105, %dma_wait3A_112] : memref<10240x128xf32, #tpu.memory_space<vmem_shared>> -> memref<80x128xf32, #tpu.memory_space<vmem_shared>>
      tpu.wait_dma2 semaphore(%run_scoped3A : memref<!tpu.dma_semaphore, #tpu.memory_space<semaphore_mem>>) src(%dma_wait3A_113 : memref<80x128xf32, #tpu.memory_space<vmem_shared>>) dst(%arg10 : memref<80x128xf32, #tpu.memory_space<vmem>>)
      tpu.yield
    }) : () -> ()
    "tpu.region"() ({
      %run_scoped3A = tpu.sem_alloc : memref<!tpu.dma_semaphore, #tpu.memory_space<semaphore_mem>>
      %dma_start3A_106 = arith.constant 0 : i32
      %dma_start3A_107 = tpu.memref_slice %arg5[%arg0, %add3A_105, %dma_start3A_106] : memref<2x10240x128xf32, #tpu.memory_space<hbm>> -> memref<1x80x128xf32, #tpu.memory_space<hbm>>
      %dma_start3A_108 = tpu.memref_squeeze %dma_start3A_107 : memref<1x80x128xf32, #tpu.memory_space<hbm>> -> memref<80x128xf32, #tpu.memory_space<hbm>>
      %dma_start3A_109 = arith.constant 0 : i32
      %dma_start3A_110 = tpu.memref_slice %arg5[%arg0, %add3A_105, %dma_start3A_109] : memref<2x10240x128xf32, #tpu.memory_space<hbm>> -> memref<1x80x128xf32, #tpu.memory_space<hbm>>
      %dma_start3A_111 = tpu.memref_squeeze %dma_start3A_110 : memref<1x80x128xf32, #tpu.memory_space<hbm>> -> memref<80x128xf32, #tpu.memory_space<hbm>>
      tpu.enqueue_dma source(%arg10 : memref<80x128xf32, #tpu.memory_space<vmem>>) target(%dma_start3A_111 : memref<80x128xf32, #tpu.memory_space<hbm>>) target_semaphore(%run_scoped3A : memref<!tpu.dma_semaphore, #tpu.memory_space<semaphore_mem>>)
      %dma_wait3A_112 = arith.constant 0 : i32
      %dma_wait3A_113 = tpu.memref_slice %arg5[%arg0, %add3A_105, %dma_wait3A_112] : memref<2x10240x128xf32, #tpu.memory_space<hbm>> -> memref<1x80x128xf32, #tpu.memory_space<hbm>>
      %dma_wait3A_114 = tpu.memref_squeeze %dma_wait3A_113 : memref<1x80x128xf32, #tpu.memory_space<hbm>> -> memref<80x128xf32, #tpu.memory_space<hbm>>
      %dma_wait3A_115 = arith.constant 0 : i32
      %dma_wait3A_116 = tpu.memref_slice %arg5[%arg0, %add3A_105, %dma_wait3A_115] : memref<2x10240x128xf32, #tpu.memory_space<hbm>> -> memref<1x80x128xf32, #tpu.memory_space<hbm>>
      %dma_wait3A_117 = tpu.memref_squeeze %dma_wait3A_116 : memref<1x80x128xf32, #tpu.memory_space<hbm>> -> memref<80x128xf32, #tpu.memory_space<hbm>>
      tpu.wait_dma2 semaphore(%run_scoped3A : memref<!tpu.dma_semaphore, #tpu.memory_space<semaphore_mem>>) src(%arg10 : memref<80x128xf32, #tpu.memory_space<vmem>>) dst(%dma_wait3A_117 : memref<80x128xf32, #tpu.memory_space<hbm>>)
      tpu.yield
    }) : () -> ()
    return
  }
}

module attributes {stable_mosaic.version = 14 : i64} {
  func.func @_layer_tc_body(%arg0: i32, %arg1: memref<1000x128xf32, #tpu.memory_space<vmem>>, %arg2: memref<1000x128xf32, #tpu.memory_space<vmem>>, %arg3: memref<1000x128xf32, #tpu.memory_space<vmem>>, %arg4: memref<1000x128xf32, #tpu.memory_space<vmem>>, %arg5: memref<1000x128xf32, #tpu.memory_space<vmem>>, %arg6: memref<128x128xf32, #tpu.memory_space<vmem>>, %arg7: memref<16x128xf32, #tpu.memory_space<vmem>>, %arg8: memref<128x128xf32, #tpu.memory_space<vmem>>, %arg9: memref<128x128xf32, #tpu.memory_space<vmem>>, %arg10: memref<1x128xf32, #tpu.memory_space<vmem>>, %arg11: memref<1000x128xf32, #tpu.memory_space<vmem>>) attributes {dimension_semantics = [#tpu.dimension_semantics<arbitrary>], iteration_bounds = array<i64: 10>, scalar_prefetch = 0 : i64, scratch_operands = 0 : i64, tpu.core_type = #tpu.core_type<tc>, window_params = [{transform_indices = @transform_0, window_bounds = array<i64: 1000, 128>}, {transform_indices = @transform_1, window_bounds = array<i64: 1000, 128>}, {transform_indices = @transform_2, window_bounds = array<i64: 1000, 128>}, {transform_indices = @transform_3, window_bounds = array<i64: 1000, 128>}, {transform_indices = @transform_4, window_bounds = array<i64: 1000, 128>}, {pipeline_mode = #tpu.pipeline_mode<synchronous>, transform_indices = @transform_5, window_bounds = array<i64: 128, 128>}, {pipeline_mode = #tpu.pipeline_mode<synchronous>, transform_indices = @transform_6, window_bounds = array<i64: 16, 128>}, {pipeline_mode = #tpu.pipeline_mode<synchronous>, transform_indices = @transform_7, window_bounds = array<i64: 128, 128>}, {pipeline_mode = #tpu.pipeline_mode<synchronous>, transform_indices = @transform_8, window_bounds = array<i64: 128, 128>}, {pipeline_mode = #tpu.pipeline_mode<synchronous>, transform_indices = @transform_9, window_bounds = array<i64: 1, 128>}, {transform_indices = @transform_10, window_bounds = array<i64: 1000, 128>}]} {
    %get3A = arith.constant 0 : index
    %get3A_0 = arith.constant 0 : index
    %get3A_1 = vector.load %arg2[%get3A, %get3A_0] : memref<1000x128xf32, #tpu.memory_space<vmem>>, vector<1000x128xf32>
    %get3A_2 = arith.constant 0 : index
    %get3A_3 = arith.constant 0 : index
    %get3A_4 = vector.load %arg3[%get3A_2, %get3A_3] : memref<1000x128xf32, #tpu.memory_space<vmem>>, vector<1000x128xf32>
    %add3A = arith.addf %get3A_1, %get3A_4 : vector<1000x128xf32>
    %get3A_5 = arith.constant 0 : index
    %get3A_6 = arith.constant 0 : index
    %get3A_7 = vector.load %arg4[%get3A_5, %get3A_6] : memref<1000x128xf32, #tpu.memory_space<vmem>>, vector<1000x16xf32>
    %get3A_8 = arith.constant 0 : index
    %get3A_9 = arith.constant 0 : index
    %get3A_10 = vector.load %arg5[%get3A_8, %get3A_9] : memref<1000x128xf32, #tpu.memory_space<vmem>>, vector<1000x16xf32>
    %add3A_11 = arith.addf %get3A_7, %get3A_10 : vector<1000x16xf32>
    %get3A_12 = arith.constant 0 : index
    %get3A_13 = arith.constant 0 : index
    %get3A_14 = vector.load %arg6[%get3A_12, %get3A_13] : memref<128x128xf32, #tpu.memory_space<vmem>>, vector<128x128xf32>
    %dot_general3A = arith.constant dense<0.000000e+00> : vector<1000x128xf32>
    %dot_general3A_15 = tpu.matmul %add3A, %get3A_14, %dot_general3A {dimension_numbers = #tpu.dot_dimension_numbers<[1], [0], [0], [1], [0, 0, 1, 1], [], []>, precision = #tpu.contract_precision<fp32>, transpose_lhs_hint = false} : vector<1000x128xf32>, vector<128x128xf32>, vector<1000x128xf32> -> vector<1000x128xf32>
    %get3A_16 = arith.constant 0 : index
    %get3A_17 = arith.constant 0 : index
    %get3A_18 = vector.load %arg7[%get3A_16, %get3A_17] : memref<16x128xf32, #tpu.memory_space<vmem>>, vector<16x128xf32>
    %dot_general3A_19 = arith.constant dense<0.000000e+00> : vector<1000x128xf32>
    %dot_general3A_20 = tpu.matmul %add3A_11, %get3A_18, %dot_general3A_19 {dimension_numbers = #tpu.dot_dimension_numbers<[1], [0], [0], [1], [0, 0, 1, 1], [], []>, precision = #tpu.contract_precision<fp32>, transpose_lhs_hint = false} : vector<1000x16xf32>, vector<16x128xf32>, vector<1000x128xf32> -> vector<1000x128xf32>
    %add3A_21 = arith.addf %dot_general3A_15, %dot_general3A_20 : vector<1000x128xf32>
    %get3A_22 = arith.constant 0 : index
    %get3A_23 = arith.constant 0 : index
    %get3A_24 = vector.load %arg1[%get3A_22, %get3A_23] : memref<1000x128xf32, #tpu.memory_space<vmem>>, vector<1000x128xf32>
    %get3A_25 = arith.constant 0 : index
    %get3A_26 = arith.constant 0 : index
    %get3A_27 = vector.load %arg8[%get3A_25, %get3A_26] : memref<128x128xf32, #tpu.memory_space<vmem>>, vector<128x128xf32>
    %dot_general3A_28 = arith.constant dense<0.000000e+00> : vector<1000x128xf32>
    %dot_general3A_29 = tpu.matmul %get3A_24, %get3A_27, %dot_general3A_28 {dimension_numbers = #tpu.dot_dimension_numbers<[1], [0], [0], [1], [0, 0, 1, 1], [], []>, precision = #tpu.contract_precision<fp32>, transpose_lhs_hint = false} : vector<1000x128xf32>, vector<128x128xf32>, vector<1000x128xf32> -> vector<1000x128xf32>
    %convert_element_type3A = arith.truncf %add3A_21 : vector<1000x128xf32> to vector<1000x128xbf16>
    %convert_element_type3A_30 = arith.extf %convert_element_type3A : vector<1000x128xbf16> to vector<1000x128xf32>
    %get3A_31 = arith.constant 0 : index
    %get3A_32 = arith.constant 0 : index
    %get3A_33 = vector.load %arg9[%get3A_31, %get3A_32] : memref<128x128xf32, #tpu.memory_space<vmem>>, vector<128x128xf32>
    %dot_general3A_34 = arith.constant dense<0.000000e+00> : vector<1000x128xf32>
    %dot_general3A_35 = tpu.matmul %convert_element_type3A_30, %get3A_33, %dot_general3A_34 {dimension_numbers = #tpu.dot_dimension_numbers<[1], [0], [0], [1], [0, 0, 1, 1], [], []>, precision = #tpu.contract_precision<fp32>, transpose_lhs_hint = false} : vector<1000x128xf32>, vector<128x128xf32>, vector<1000x128xf32> -> vector<1000x128xf32>
    %add3A_36 = arith.addf %dot_general3A_29, %dot_general3A_35 : vector<1000x128xf32>
    %get3A_37 = arith.constant 0 : index
    %get3A_38 = arith.constant 0 : index
    %get3A_39 = vector.load %arg10[%get3A_37, %get3A_38] : memref<1x128xf32, #tpu.memory_space<vmem>>, vector<1x128xf32>
    %add3A_40 = vector.broadcast %get3A_39 : vector<1x128xf32> to vector<1000x128xf32>
    %add3A_41 = arith.addf %add3A_36, %add3A_40 : vector<1000x128xf32>
    %ge3A = arith.constant 0.000000e+00 : f32
    %ge3A_42 = vector.broadcast %ge3A : f32 to vector<1000x128xf32>
    %ge3A_43 = arith.cmpf oge, %add3A_41, %ge3A_42 : vector<1000x128xf32>
    %mul3A = arith.constant 0.00999999977 : f32
    %mul3A_44 = vector.broadcast %mul3A : f32 to vector<1000x128xf32>
    %mul3A_45 = arith.mulf %mul3A_44, %add3A_41 : vector<1000x128xf32>
    %select_n3A = arith.select %ge3A_43, %add3A_41, %mul3A_45 : vector<1000x128xi1>, vector<1000x128xf32>
    %convert_element_type3A_46 = arith.truncf %select_n3A : vector<1000x128xf32> to vector<1000x128xbf16>
    %convert_element_type3A_47 = arith.extf %convert_element_type3A_46 : vector<1000x128xbf16> to vector<1000x128xf32>
    %swap3A = arith.constant 0 : index
    %swap3A_48 = arith.constant 0 : index
    %swap3A_49 = vector.load %arg11[%swap3A, %swap3A_48] : memref<1000x128xf32, #tpu.memory_space<vmem>>, vector<1000x128xf32>
    tpu.vector_store %arg11[%swap3A, %swap3A_48], %convert_element_type3A_47 {strides = array<i32>} : memref<1000x128xf32, #tpu.memory_space<vmem>>, vector<1000x128xf32>,
    return
  }
  func.func @transform_0(%arg0: i32) -> (i32, i32) {
    %c0_i32 = arith.constant 0 : i32
    %c0_i32_0 = arith.constant 0 : i32
    return %arg0, %c0_i32 : i32, i32
  }
  func.func @transform_1(%arg0: i32) -> (i32, i32) {
    %c0_i32 = arith.constant 0 : i32
    %c0_i32_0 = arith.constant 0 : i32
    return %arg0, %c0_i32 : i32, i32
  }
  func.func @transform_2(%arg0: i32) -> (i32, i32) {
    %c0_i32 = arith.constant 0 : i32
    %c0_i32_0 = arith.constant 0 : i32
    return %arg0, %c0_i32 : i32, i32
  }
  func.func @transform_3(%arg0: i32) -> (i32, i32) {
    %c0_i32 = arith.constant 0 : i32
    %c0_i32_0 = arith.constant 0 : i32
    return %arg0, %c0_i32 : i32, i32
  }
  func.func @transform_4(%arg0: i32) -> (i32, i32) {
    %c0_i32 = arith.constant 0 : i32
    %c0_i32_0 = arith.constant 0 : i32
    return %arg0, %c0_i32 : i32, i32
  }
  func.func @transform_5(%arg0: i32) -> (i32, i32) {
    %c0_i32 = arith.constant 0 : i32
    %c0_i32_0 = arith.constant 0 : i32
    %c0_i32_1 = arith.constant 0 : i32
    return %c0_i32, %c0_i32_0 : i32, i32
  }
  func.func @transform_6(%arg0: i32) -> (i32, i32) {
    %c0_i32 = arith.constant 0 : i32
    %c0_i32_0 = arith.constant 0 : i32
    %c0_i32_1 = arith.constant 0 : i32
    return %c0_i32, %c0_i32_0 : i32, i32
  }
  func.func @transform_7(%arg0: i32) -> (i32, i32) {
    %c0_i32 = arith.constant 0 : i32
    %c0_i32_0 = arith.constant 0 : i32
    %c0_i32_1 = arith.constant 0 : i32
    return %c0_i32, %c0_i32_0 : i32, i32
  }
  func.func @transform_8(%arg0: i32) -> (i32, i32) {
    %c0_i32 = arith.constant 0 : i32
    %c0_i32_0 = arith.constant 0 : i32
    %c0_i32_1 = arith.constant 0 : i32
    return %c0_i32, %c0_i32_0 : i32, i32
  }
  func.func @transform_9(%arg0: i32) -> (i32, i32) {
    %c0_i32 = arith.constant 0 : i32
    %c0_i32_0 = arith.constant 0 : i32
    %c0_i32_1 = arith.constant 0 : i32
    return %c0_i32, %c0_i32_0 : i32, i32
  }
  func.func @transform_10(%arg0: i32) -> (i32, i32) {
    %c0_i32 = arith.constant 0 : i32
    %c0_i32_0 = arith.constant 0 : i32
    return %arg0, %c0_i32 : i32, i32
  }
}

module attributes {stable_mosaic.version = 14 : i64} {
  func.func @_layer2_proj_body(%arg0: i32, %arg1: memref<1000x128xf32, #tpu.memory_space<vmem>>, %arg2: memref<1000x128xf32, #tpu.memory_space<vmem>>, %arg3: memref<1000x128xf32, #tpu.memory_space<vmem>>, %arg4: memref<1000x128xf32, #tpu.memory_space<vmem>>, %arg5: memref<1000x128xf32, #tpu.memory_space<vmem>>, %arg6: memref<128x128xf32, #tpu.memory_space<vmem>>, %arg7: memref<16x128xf32, #tpu.memory_space<vmem>>, %arg8: memref<128x128xf32, #tpu.memory_space<vmem>>, %arg9: memref<128x128xf32, #tpu.memory_space<vmem>>, %arg10: memref<1x128xf32, #tpu.memory_space<vmem>>, %arg11: memref<128x128xf32, #tpu.memory_space<vmem>>, %arg12: memref<128x128xf32, #tpu.memory_space<vmem>>, %arg13: memref<1x128xf32, #tpu.memory_space<vmem>>, %arg14: memref<1000x128xf32, #tpu.memory_space<vmem>>, %arg15: memref<1000x128xf32, #tpu.memory_space<vmem>>) attributes {dimension_semantics = [#tpu.dimension_semantics<arbitrary>], iteration_bounds = array<i64: 10>, scalar_prefetch = 0 : i64, scratch_operands = 0 : i64, tpu.core_type = #tpu.core_type<tc>, window_params = [{transform_indices = @transform_0, window_bounds = array<i64: 1000, 128>}, {transform_indices = @transform_1, window_bounds = array<i64: 1000, 128>}, {transform_indices = @transform_2, window_bounds = array<i64: 1000, 128>}, {transform_indices = @transform_3, window_bounds = array<i64: 1000, 128>}, {transform_indices = @transform_4, window_bounds = array<i64: 1000, 128>}, {pipeline_mode = #tpu.pipeline_mode<synchronous>, transform_indices = @transform_5, window_bounds = array<i64: 128, 128>}, {pipeline_mode = #tpu.pipeline_mode<synchronous>, transform_indices = @transform_6, window_bounds = array<i64: 16, 128>}, {pipeline_mode = #tpu.pipeline_mode<synchronous>, transform_indices = @transform_7, window_bounds = array<i64: 128, 128>}, {pipeline_mode = #tpu.pipeline_mode<synchronous>, transform_indices = @transform_8, window_bounds = array<i64: 128, 128>}, {pipeline_mode = #tpu.pipeline_mode<synchronous>, transform_indices = @transform_9, window_bounds = array<i64: 1, 128>}, {pipeline_mode = #tpu.pipeline_mode<synchronous>, transform_indices = @transform_10, window_bounds = array<i64: 128, 128>}, {pipeline_mode = #tpu.pipeline_mode<synchronous>, transform_indices = @transform_11, window_bounds = array<i64: 128, 128>}, {pipeline_mode = #tpu.pipeline_mode<synchronous>, transform_indices = @transform_12, window_bounds = array<i64: 1, 128>}, {transform_indices = @transform_13, window_bounds = array<i64: 1000, 128>}, {transform_indices = @transform_14, window_bounds = array<i64: 1000, 128>}]} {
    %get3A = arith.constant 0 : index
    %get3A_0 = arith.constant 0 : index
    %get3A_1 = vector.load %arg2[%get3A, %get3A_0] : memref<1000x128xf32, #tpu.memory_space<vmem>>, vector<1000x128xf32>
    %get3A_2 = arith.constant 0 : index
    %get3A_3 = arith.constant 0 : index
    %get3A_4 = vector.load %arg3[%get3A_2, %get3A_3] : memref<1000x128xf32, #tpu.memory_space<vmem>>, vector<1000x128xf32>
    %add3A = arith.addf %get3A_1, %get3A_4 : vector<1000x128xf32>
    %get3A_5 = arith.constant 0 : index
    %get3A_6 = arith.constant 0 : index
    %get3A_7 = vector.load %arg4[%get3A_5, %get3A_6] : memref<1000x128xf32, #tpu.memory_space<vmem>>, vector<1000x16xf32>
    %get3A_8 = arith.constant 0 : index
    %get3A_9 = arith.constant 0 : index
    %get3A_10 = vector.load %arg5[%get3A_8, %get3A_9] : memref<1000x128xf32, #tpu.memory_space<vmem>>, vector<1000x16xf32>
    %add3A_11 = arith.addf %get3A_7, %get3A_10 : vector<1000x16xf32>
    %get3A_12 = arith.constant 0 : index
    %get3A_13 = arith.constant 0 : index
    %get3A_14 = vector.load %arg6[%get3A_12, %get3A_13] : memref<128x128xf32, #tpu.memory_space<vmem>>, vector<128x128xf32>
    %dot_general3A = arith.constant dense<0.000000e+00> : vector<1000x128xf32>
    %dot_general3A_15 = tpu.matmul %add3A, %get3A_14, %dot_general3A {dimension_numbers = #tpu.dot_dimension_numbers<[1], [0], [0], [1], [0, 0, 1, 1], [], []>, precision = #tpu.contract_precision<fp32>, transpose_lhs_hint = false} : vector<1000x128xf32>, vector<128x128xf32>, vector<1000x128xf32> -> vector<1000x128xf32>
    %get3A_16 = arith.constant 0 : index
    %get3A_17 = arith.constant 0 : index
    %get3A_18 = vector.load %arg7[%get3A_16, %get3A_17] : memref<16x128xf32, #tpu.memory_space<vmem>>, vector<16x128xf32>
    %dot_general3A_19 = arith.constant dense<0.000000e+00> : vector<1000x128xf32>
    %dot_general3A_20 = tpu.matmul %add3A_11, %get3A_18, %dot_general3A_19 {dimension_numbers = #tpu.dot_dimension_numbers<[1], [0], [0], [1], [0, 0, 1, 1], [], []>, precision = #tpu.contract_precision<fp32>, transpose_lhs_hint = false} : vector<1000x16xf32>, vector<16x128xf32>, vector<1000x128xf32> -> vector<1000x128xf32>
    %add3A_21 = arith.addf %dot_general3A_15, %dot_general3A_20 : vector<1000x128xf32>
    %get3A_22 = arith.constant 0 : index
    %get3A_23 = arith.constant 0 : index
    %get3A_24 = vector.load %arg1[%get3A_22, %get3A_23] : memref<1000x128xf32, #tpu.memory_space<vmem>>, vector<1000x128xf32>
    %get3A_25 = arith.constant 0 : index
    %get3A_26 = arith.constant 0 : index
    %get3A_27 = vector.load %arg8[%get3A_25, %get3A_26] : memref<128x128xf32, #tpu.memory_space<vmem>>, vector<128x128xf32>
    %dot_general3A_28 = arith.constant dense<0.000000e+00> : vector<1000x128xf32>
    %dot_general3A_29 = tpu.matmul %get3A_24, %get3A_27, %dot_general3A_28 {dimension_numbers = #tpu.dot_dimension_numbers<[1], [0], [0], [1], [0, 0, 1, 1], [], []>, precision = #tpu.contract_precision<fp32>, transpose_lhs_hint = false} : vector<1000x128xf32>, vector<128x128xf32>, vector<1000x128xf32> -> vector<1000x128xf32>
    %convert_element_type3A = arith.truncf %add3A_21 : vector<1000x128xf32> to vector<1000x128xbf16>
    %convert_element_type3A_30 = arith.extf %convert_element_type3A : vector<1000x128xbf16> to vector<1000x128xf32>
    %get3A_31 = arith.constant 0 : index
    %get3A_32 = arith.constant 0 : index
    %get3A_33 = vector.load %arg9[%get3A_31, %get3A_32] : memref<128x128xf32, #tpu.memory_space<vmem>>, vector<128x128xf32>
    %dot_general3A_34 = arith.constant dense<0.000000e+00> : vector<1000x128xf32>
    %dot_general3A_35 = tpu.matmul %convert_element_type3A_30, %get3A_33, %dot_general3A_34 {dimension_numbers = #tpu.dot_dimension_numbers<[1], [0], [0], [1], [0, 0, 1, 1], [], []>, precision = #tpu.contract_precision<fp32>, transpose_lhs_hint = false} : vector<1000x128xf32>, vector<128x128xf32>, vector<1000x128xf32> -> vector<1000x128xf32>
    %add3A_36 = arith.addf %dot_general3A_29, %dot_general3A_35 : vector<1000x128xf32>
    %get3A_37 = arith.constant 0 : index
    %get3A_38 = arith.constant 0 : index
    %get3A_39 = vector.load %arg10[%get3A_37, %get3A_38] : memref<1x128xf32, #tpu.memory_space<vmem>>, vector<1x128xf32>
    %add3A_40 = vector.broadcast %get3A_39 : vector<1x128xf32> to vector<1000x128xf32>
    %add3A_41 = arith.addf %add3A_36, %add3A_40 : vector<1000x128xf32>
    %ge3A = arith.constant 0.000000e+00 : f32
    %ge3A_42 = vector.broadcast %ge3A : f32 to vector<1000x128xf32>
    %ge3A_43 = arith.cmpf oge, %add3A_41, %ge3A_42 : vector<1000x128xf32>
    %mul3A = arith.constant 0.00999999977 : f32
    %mul3A_44 = vector.broadcast %mul3A : f32 to vector<1000x128xf32>
    %mul3A_45 = arith.mulf %mul3A_44, %add3A_41 : vector<1000x128xf32>
    %select_n3A = arith.select %ge3A_43, %add3A_41, %mul3A_45 : vector<1000x128xi1>, vector<1000x128xf32>
    %convert_element_type3A_46 = arith.truncf %select_n3A : vector<1000x128xf32> to vector<1000x128xbf16>
    %convert_element_type3A_47 = arith.extf %convert_element_type3A_46 : vector<1000x128xbf16> to vector<1000x128xf32>
    %get3A_48 = arith.constant 0 : index
    %get3A_49 = arith.constant 0 : index
    %get3A_50 = vector.load %arg11[%get3A_48, %get3A_49] : memref<128x128xf32, #tpu.memory_space<vmem>>, vector<128x128xf32>
    %dot_general3A_51 = arith.constant dense<0.000000e+00> : vector<1000x128xf32>
    %dot_general3A_52 = tpu.matmul %convert_element_type3A_47, %get3A_50, %dot_general3A_51 {dimension_numbers = #tpu.dot_dimension_numbers<[1], [0], [0], [1], [0, 0, 1, 1], [], []>, precision = #tpu.contract_precision<fp32>, transpose_lhs_hint = false} : vector<1000x128xf32>, vector<128x128xf32>, vector<1000x128xf32> -> vector<1000x128xf32>
    %swap3A = arith.constant 0 : index
    %swap3A_53 = arith.constant 0 : index
    %swap3A_54 = vector.load %arg14[%swap3A, %swap3A_53] : memref<1000x128xf32, #tpu.memory_space<vmem>>, vector<1000x128xf32>
    tpu.vector_store %arg14[%swap3A, %swap3A_53], %dot_general3A_52 {strides = array<i32>} : memref<1000x128xf32, #tpu.memory_space<vmem>>, vector<1000x128xf32>,
    %get3A_55 = arith.constant 0 : index
    %get3A_56 = arith.constant 0 : index
    %get3A_57 = vector.load %arg12[%get3A_55, %get3A_56] : memref<128x128xf32, #tpu.memory_space<vmem>>, vector<128x128xf32>
    %dot_general3A_58 = arith.constant dense<0.000000e+00> : vector<1000x128xf32>
    %dot_general3A_59 = tpu.matmul %convert_element_type3A_47, %get3A_57, %dot_general3A_58 {dimension_numbers = #tpu.dot_dimension_numbers<[1], [0], [0], [1], [0, 0, 1, 1], [], []>, precision = #tpu.contract_precision<fp32>, transpose_lhs_hint = false} : vector<1000x128xf32>, vector<128x128xf32>, vector<1000x128xf32> -> vector<1000x128xf32>
    %get3A_60 = arith.constant 0 : index
    %get3A_61 = arith.constant 0 : index
    %get3A_62 = vector.load %arg13[%get3A_60, %get3A_61] : memref<1x128xf32, #tpu.memory_space<vmem>>, vector<1x128xf32>
    %add3A_63 = vector.broadcast %get3A_62 : vector<1x128xf32> to vector<1000x128xf32>
    %add3A_64 = arith.addf %dot_general3A_59, %add3A_63 : vector<1000x128xf32>
    %swap3A_65 = arith.constant 0 : index
    %swap3A_66 = arith.constant 0 : index
    %swap3A_67 = vector.load %arg15[%swap3A_65, %swap3A_66] : memref<1000x128xf32, #tpu.memory_space<vmem>>, vector<1000x128xf32>
    tpu.vector_store %arg15[%swap3A_65, %swap3A_66], %add3A_64 {strides = array<i32>} : memref<1000x128xf32, #tpu.memory_space<vmem>>, vector<1000x128xf32>,
    return
  }
  func.func @transform_0(%arg0: i32) -> (i32, i32) {
    %c0_i32 = arith.constant 0 : i32
    %c0_i32_0 = arith.constant 0 : i32
    return %arg0, %c0_i32 : i32, i32
  }
  func.func @transform_1(%arg0: i32) -> (i32, i32) {
    %c0_i32 = arith.constant 0 : i32
    %c0_i32_0 = arith.constant 0 : i32
    return %arg0, %c0_i32 : i32, i32
  }
  func.func @transform_2(%arg0: i32) -> (i32, i32) {
    %c0_i32 = arith.constant 0 : i32
    %c0_i32_0 = arith.constant 0 : i32
    return %arg0, %c0_i32 : i32, i32
  }
  func.func @transform_3(%arg0: i32) -> (i32, i32) {
    %c0_i32 = arith.constant 0 : i32
    %c0_i32_0 = arith.constant 0 : i32
    return %arg0, %c0_i32 : i32, i32
  }
  func.func @transform_4(%arg0: i32) -> (i32, i32) {
    %c0_i32 = arith.constant 0 : i32
    %c0_i32_0 = arith.constant 0 : i32
    return %arg0, %c0_i32 : i32, i32
  }
  func.func @transform_5(%arg0: i32) -> (i32, i32) {
    %c0_i32 = arith.constant 0 : i32
    %c0_i32_0 = arith.constant 0 : i32
    %c0_i32_1 = arith.constant 0 : i32
    return %c0_i32, %c0_i32_0 : i32, i32
  }
  func.func @transform_6(%arg0: i32) -> (i32, i32) {
    %c0_i32 = arith.constant 0 : i32
    %c0_i32_0 = arith.constant 0 : i32
    %c0_i32_1 = arith.constant 0 : i32
    return %c0_i32, %c0_i32_0 : i32, i32
  }
  func.func @transform_7(%arg0: i32) -> (i32, i32) {
    %c0_i32 = arith.constant 0 : i32
    %c0_i32_0 = arith.constant 0 : i32
    %c0_i32_1 = arith.constant 0 : i32
    return %c0_i32, %c0_i32_0 : i32, i32
  }
  func.func @transform_8(%arg0: i32) -> (i32, i32) {
    %c0_i32 = arith.constant 0 : i32
    %c0_i32_0 = arith.constant 0 : i32
    %c0_i32_1 = arith.constant 0 : i32
    return %c0_i32, %c0_i32_0 : i32, i32
  }
  func.func @transform_9(%arg0: i32) -> (i32, i32) {
    %c0_i32 = arith.constant 0 : i32
    %c0_i32_0 = arith.constant 0 : i32
    %c0_i32_1 = arith.constant 0 : i32
    return %c0_i32, %c0_i32_0 : i32, i32
  }
  func.func @transform_10(%arg0: i32) -> (i32, i32) {
    %c0_i32 = arith.constant 0 : i32
    %c0_i32_0 = arith.constant 0 : i32
    %c0_i32_1 = arith.constant 0 : i32
    return %c0_i32, %c0_i32_0 : i32, i32
  }
  func.func @transform_11(%arg0: i32) -> (i32, i32) {
    %c0_i32 = arith.constant 0 : i32
    %c0_i32_0 = arith.constant 0 : i32
    %c0_i32_1 = arith.constant 0 : i32
    return %c0_i32, %c0_i32_0 : i32, i32
  }
  func.func @transform_12(%arg0: i32) -> (i32, i32) {
    %c0_i32 = arith.constant 0 : i32
    %c0_i32_0 = arith.constant 0 : i32
    %c0_i32_1 = arith.constant 0 : i32
    return %c0_i32, %c0_i32_0 : i32, i32
  }
  func.func @transform_13(%arg0: i32) -> (i32, i32) {
    %c0_i32 = arith.constant 0 : i32
    %c0_i32_0 = arith.constant 0 : i32
    return %arg0, %c0_i32 : i32, i32
  }
  func.func @transform_14(%arg0: i32) -> (i32, i32) {
    %c0_i32 = arith.constant 0 : i32
    %c0_i32_0 = arith.constant 0 : i32
    return %arg0, %c0_i32 : i32, i32
  }
}

module attributes {stable_mosaic.version = 14 : i64} {
  func.func @_head_tc_body(%arg0: i32, %arg1: memref<4000x128xf32, #tpu.memory_space<vmem>>, %arg2: memref<32x2xf32, #tpu.memory_space<vmem>>, %arg3: memref<1x2xf32, #tpu.memory_space<vmem>>, %arg4: memref<64x10xf32, #tpu.memory_space<vmem>>, %arg5: memref<1x10xf32, #tpu.memory_space<vmem>>, %arg6: memref<4000x2xf32, #tpu.memory_space<vmem>>, %arg7: memref<4000x10xf32, #tpu.memory_space<vmem>>) attributes {dimension_semantics = [#tpu.dimension_semantics<arbitrary>], iteration_bounds = array<i64: 80>, scalar_prefetch = 0 : i64, scratch_operands = 0 : i64, tpu.core_type = #tpu.core_type<tc>, window_params = [{transform_indices = @transform_0, window_bounds = array<i64: 4000, 128>}, {pipeline_mode = #tpu.pipeline_mode<synchronous>, transform_indices = @transform_1, window_bounds = array<i64: 32, 2>}, {pipeline_mode = #tpu.pipeline_mode<synchronous>, transform_indices = @transform_2, window_bounds = array<i64: 1, 2>}, {pipeline_mode = #tpu.pipeline_mode<synchronous>, transform_indices = @transform_3, window_bounds = array<i64: 64, 10>}, {pipeline_mode = #tpu.pipeline_mode<synchronous>, transform_indices = @transform_4, window_bounds = array<i64: 1, 10>}, {transform_indices = @transform_5, window_bounds = array<i64: 4000, 2>}, {transform_indices = @transform_6, window_bounds = array<i64: 4000, 10>}]} {
    %get3A = arith.constant 0 : index
    %get3A_0 = arith.constant 0 : index
    %get3A_1 = vector.load %arg1[%get3A, %get3A_0] : memref<4000x128xf32, #tpu.memory_space<vmem>>, vector<4000x128xf32>
    %convert_element_type3A = arith.truncf %get3A_1 : vector<4000x128xf32> to vector<4000x128xbf16>
    %convert_element_type3A_2 = arith.extf %convert_element_type3A : vector<4000x128xbf16> to vector<4000x128xf32>
    %slice3A = vector.extract_strided_slice %convert_element_type3A_2 {offsets = [0, 0], sizes = [4000, 32], strides = [1, 1]} : vector<4000x128xf32> to vector<4000x32xf32>
    %get3A_3 = arith.constant 0 : index
    %get3A_4 = arith.constant 0 : index
    %get3A_5 = vector.load %arg2[%get3A_3, %get3A_4] : memref<32x2xf32, #tpu.memory_space<vmem>>, vector<32x2xf32>
    %dot_general3A = arith.constant dense<0.000000e+00> : vector<4000x2xf32>
    %dot_general3A_6 = tpu.matmul %slice3A, %get3A_5, %dot_general3A {dimension_numbers = #tpu.dot_dimension_numbers<[1], [0], [0], [1], [0, 0, 1, 1], [], []>, precision = #tpu.contract_precision<fp32>, transpose_lhs_hint = false} : vector<4000x32xf32>, vector<32x2xf32>, vector<4000x2xf32> -> vector<4000x2xf32>
    %get3A_7 = arith.constant 0 : index
    %get3A_8 = arith.constant 0 : index
    %get3A_9 = vector.load %arg3[%get3A_7, %get3A_8] : memref<1x2xf32, #tpu.memory_space<vmem>>, vector<1x2xf32>
    %add3A = vector.broadcast %get3A_9 : vector<1x2xf32> to vector<4000x2xf32>
    %add3A_10 = arith.addf %dot_general3A_6, %add3A : vector<4000x2xf32>
    %swap3A = arith.constant 0 : index
    %swap3A_11 = arith.constant 0 : index
    %swap3A_12 = vector.load %arg6[%swap3A, %swap3A_11] : memref<4000x2xf32, #tpu.memory_space<vmem>>, vector<4000x2xf32>
    tpu.vector_store %arg6[%swap3A, %swap3A_11], %add3A_10 {strides = array<i32>} : memref<4000x2xf32, #tpu.memory_space<vmem>>, vector<4000x2xf32>,
    %slice3A_13 = vector.extract_strided_slice %convert_element_type3A_2 {offsets = [0, 32], sizes = [4000, 64], strides = [1, 1]} : vector<4000x128xf32> to vector<4000x64xf32>
    %get3A_14 = arith.constant 0 : index
    %get3A_15 = arith.constant 0 : index
    %get3A_16 = vector.load %arg4[%get3A_14, %get3A_15] : memref<64x10xf32, #tpu.memory_space<vmem>>, vector<64x10xf32>
    %dot_general3A_17 = arith.constant dense<0.000000e+00> : vector<4000x10xf32>
    %dot_general3A_18 = tpu.matmul %slice3A_13, %get3A_16, %dot_general3A_17 {dimension_numbers = #tpu.dot_dimension_numbers<[1], [0], [0], [1], [0, 0, 1, 1], [], []>, precision = #tpu.contract_precision<fp32>, transpose_lhs_hint = false} : vector<4000x64xf32>, vector<64x10xf32>, vector<4000x10xf32> -> vector<4000x10xf32>
    %get3A_19 = arith.constant 0 : index
    %get3A_20 = arith.constant 0 : index
    %get3A_21 = vector.load %arg5[%get3A_19, %get3A_20] : memref<1x10xf32, #tpu.memory_space<vmem>>, vector<1x10xf32>
    %add3A_22 = vector.broadcast %get3A_21 : vector<1x10xf32> to vector<4000x10xf32>
    %add3A_23 = arith.addf %dot_general3A_18, %add3A_22 : vector<4000x10xf32>
    %swap3A_24 = arith.constant 0 : index
    %swap3A_25 = arith.constant 0 : index
    %swap3A_26 = vector.load %arg7[%swap3A_24, %swap3A_25] : memref<4000x10xf32, #tpu.memory_space<vmem>>, vector<4000x10xf32>
    tpu.vector_store %arg7[%swap3A_24, %swap3A_25], %add3A_23 {strides = array<i32>} : memref<4000x10xf32, #tpu.memory_space<vmem>>, vector<4000x10xf32>,
    return
  }
  func.func @transform_0(%arg0: i32) -> (i32, i32) {
    %c0_i32 = arith.constant 0 : i32
    %c0_i32_0 = arith.constant 0 : i32
    return %arg0, %c0_i32 : i32, i32
  }
  func.func @transform_1(%arg0: i32) -> (i32, i32) {
    %c0_i32 = arith.constant 0 : i32
    %c0_i32_0 = arith.constant 0 : i32
    %c0_i32_1 = arith.constant 0 : i32
    return %c0_i32, %c0_i32_0 : i32, i32
  }
  func.func @transform_2(%arg0: i32) -> (i32, i32) {
    %c0_i32 = arith.constant 0 : i32
    %c0_i32_0 = arith.constant 0 : i32
    %c0_i32_1 = arith.constant 0 : i32
    return %c0_i32, %c0_i32_0 : i32, i32
  }
  func.func @transform_3(%arg0: i32) -> (i32, i32) {
    %c0_i32 = arith.constant 0 : i32
    %c0_i32_0 = arith.constant 0 : i32
    %c0_i32_1 = arith.constant 0 : i32
    return %c0_i32, %c0_i32_0 : i32, i32
  }
  func.func @transform_4(%arg0: i32) -> (i32, i32) {
    %c0_i32 = arith.constant 0 : i32
    %c0_i32_0 = arith.constant 0 : i32
    %c0_i32_1 = arith.constant 0 : i32
    return %c0_i32, %c0_i32_0 : i32, i32
  }
  func.func @transform_5(%arg0: i32) -> (i32, i32) {
    %c0_i32 = arith.constant 0 : i32
    %c0_i32_0 = arith.constant 0 : i32
    return %arg0, %c0_i32 : i32, i32
  }
  func.func @transform_6(%arg0: i32) -> (i32, i32) {
    %c0_i32 = arith.constant 0 : i32
    %c0_i32_0 = arith.constant 0 : i32
    return %arg0, %c0_i32 : i32, i32
  }
}

</mosaic_0001>

<sc_bundles>
// kernel: kernel.11.cloned.1.call-start
scs
__scs_entry_jumppad:
0x0: {  	(pc) =	sbr.rel $0x88, $3  }
0x1: {  	(tag) =	ssettag $0x0;
	lr =	simm.s32 $0x1  }
0x2: {  	[smem:$0x3F8E] =	sst lr;
	_ =	strace $0xD0000000  }
0x3: {  	_ = 	snop  }
0x4: {  	_ = 	snop  }
0x5: {  	_ = 	snop  }
0x6: {  	_ = 	snop  }
0x7: {  	_ = 	snop  }
__scs_overlays_trampoline_lowered:
0x8: {  	[smem:$0x3F9D] =	sst s0  }
0x9: {  	[smem:$0x3F9E] =	sst s1  }
0xa: {  	[smem:$0x3F9F] =	sst s2  }
0xb: {  	[smem:$0x3FA0] =	sst s3  }
0xc: {  	[smem:$0x3FA1] =	sst s4  }
0xd: {  	[smem:$0x3FA2] =	sst s5  }
0xe: {  	[smem:$0x3FA3] =	sst s6  }
0xf: {  	[smem:$0x3FA4] =	sst s7  }
0x10: {  	[smem:$0x3FA5] =	sst s8  }
0x11: {  	[smem:$0x3FA6] =	sst s9;
	s0 =	simm.s32 @!p0 $0x0  }
0x12: {  	s1 =	sld [smem:$0x3F8C];
	s0 =	simm.s32 @p0 $0x1  }
0x13: {  	[smem:$0x3FA7] =	sst s0;
	s0 =	simm.s32 @!p1 $0x0  }
0x14: {  	s2 =	sld [smem:$0x3F8B];
	s0 =	simm.s32 @p1 $0x1  }
0x15: {  	[smem:$0x3FA8] =	sst s0;
	s0 =	simm.s32 @!p2 $0x0  }
0x16: {  	s3 =	sld [smem:$0x3FDB];
	s0 =	simm.s32 @p2 $0x1  }
0x17: {  	s4 =	simm.s32 $0x1BF5;
	[smem:$0x3FAA] =	sst s0  }
0x18: {  	s0 =	sld [smem:$0x3F8D];
	_ =	swait.ge [sflag:s4], $0x0  }
0x19: {  	s7 =	sld [smem:$0x3F8E]  }
0x1a: {  	s8 =	sadd.s32 $0xFFFFE003, lr  }
0x1b: {  	s9 =	sadd.s32 $0xFFFFFEF7, lr;
	s5 =	simm.s32 $0xFFFFFFFF;
	p2 =	slt.u32 s8, $0xFFFFF086  }
0x1c: {  	p1 =	slt.u32 s9, $0xF7A;
	s5 =	simm.s32 @!p2 $0x0  }
0x1d: {  	s5 =	simm.s32 @p1 $0x1;
	p0 =	seq.s32 s7, s2  }
0x1e: {  	s7 =	smul.u32 @!p0 $0xF7A, s2;
	p2 =	seq.s32 @!p0 s5, $0x0  }
0x1f: {  	s9 =	smul.u32 $0xF7A, s1;
	s8 =	simm.s32 @!p0 $0x1BF5;
	p2 =	por !p2, p0  }
0x20: {  	[sflag:s8] =	ssyncset.s32 @!p0 $0xFFFFF086;
	s6 =	sadd.s32 @!p0 s3, s7;
	s7 =	simm.s32 @!p0 $0x108  }
0x21: {  	s3 =	sadd.s32 s3, s9;
	s6 =	sadd.s32 @!p0 $0x88, s6;
	s7 =	simm.s32 @p2 $0x1082  }
0x22: {  	[simem:s7], [sflag:s8] =	dma.local @!p0 [hbm:s6], $0xF7A  }
0x23: {  	s9 =	sor.u32 $0xD0000000, s2;
	s6 =	simm.s32 $0x108;
	_ =	swait.ge @!p0 [sflag:s8], $0x0  }
0x24: {  	s3 =	sadd.s32 $0x88, s3;
	s6 =	simm.s32 @!p1 $0x1082;
	[sflag:s4] =	ssyncset.s32 $0xFFFFF086  }
0x25: {  	[simem:s6], [sflag:s4] =	dma.local [hbm:s3], $0xF7A  }
0x26: {  	[smem:$0x3F8E] =	sst s1;
	(tag) =	ssettag s2;
	_ =	strace s9  }
0x27: {  	s1 =	sld [smem:$0x3F9E]  }
0x28: {  	s2 =	sld [smem:$0x3F9F]  }
0x29: {  	s4 =	sld [smem:$0x3FA1]  }
0x2a: {  	p0 =	seq.s32 s5, $0x0;
	s5 =	sld [smem:$0x3FA2]  }
0x2b: {  	s6 =	sld [smem:$0x3FA3]  }
0x2c: {  	s7 =	sld [smem:$0x3FA4]  }
0x2d: {  	s3 =	simm.s32 $0x108;
	s8 =	sld [smem:$0x3FA5]  }
0x2e: {  	s3 =	simm.s32 @!p0 $0x1082;
	s9 =	sld [smem:$0x3FA6]  }
0x2f: {  	lr =	sadd.s32 s0, s3;
	s0 =	sld [smem:$0x3F9D]  }
0x30: {  	s3 =	sld [smem:$0x3FA0]  }
0x31: {  	[smem:$0x3FA9] =	sst s10  }
0x32: {  	s10 =	sld [smem:$0x3FA7];
	_ =	sdelay $0x3  }
0x33: {  	p0 =	seq.s32 s10, $0x1;
	s10 =	sld [smem:$0x3FA9];
	_ =	sdelay $0x3  }
0x34: {  	[smem:$0x3FA9] =	sst s10  }
0x35: {  	s10 =	sld [smem:$0x3FA8];
	_ =	sdelay $0x3  }
0x36: {  	p1 =	seq.s32 s10, $0x1;
	s10 =	sld [smem:$0x3FA9];
	_ =	sdelay $0x3  }
0x37: {  	[smem:$0x3FA9] =	sst s10  }
0x38: {  	s10 =	sld [smem:$0x3FAA]  }
0x39: {  	_ = 	snop;
	(pc) =	sbr.ind lr, $3  }
0x3a: {  	_ = 	snop  }
0x3b: {  	_ = 	snop  }
0x3c: {  	p2 =	seq.s32 s10, $0x1;
	s10 =	sld [smem:$0x3FA9]  }
0x3d: {  	_ =	shalt  }
0x3e: {  	_ =	shalt  }
0x3f: {  	_ =	shalt  }
0x40: {  	_ =	shalt  }
0x41: {  	_ =	shalt  }
0x42: {  	_ =	shalt  }
0x43: {  	_ =	shalt  }
0x44: {  	_ =	shalt  }
0x45: {  	_ =	shalt  }
0x46: {  	_ =	shalt  }
0x47: {  	_ =	shalt  }
0x48: {  	_ =	shalt  }
0x49: {  	_ =	shalt  }
0x4a: {  	_ =	shalt  }
0x4b: {  	_ =	shalt  }
0x4c: {  	_ =	shalt  }
0x4d: {  	_ =	shalt  }
0x4e: {  	_ =	shalt  }
0x4f: {  	_ =	shalt  }
0x50: {  	_ =	shalt  }
0x51: {  	_ =	shalt  }
0x52: {  	_ =	shalt  }
0x53: {  	_ =	shalt  }
0x54: {  	_ =	shalt  }
0x55: {  	_ =	shalt  }
0x56: {  	_ =	shalt  }
0x57: {  	_ =	shalt  }
0x58: {  	_ =	shalt  }
0x59: {  	_ =	shalt  }
0x5a: {  	_ =	shalt  }
0x5b: {  	_ =	shalt  }
0x5c: {  	_ =	shalt  }
0x5d: {  	_ =	shalt  }
0x5e: {  	_ =	shalt  }
0x5f: {  	_ =	shalt  }
0x60: {  	_ =	shalt  }
0x61: {  	_ =	shalt  }
0x62: {  	_ =	shalt  }
0x63: {  	_ =	shalt  }
0x64: {  	_ =	shalt  }
0x65: {  	_ =	shalt  }
0x66: {  	_ =	shalt  }
0x67: {  	_ =	shalt  }
0x68: {  	_ =	shalt  }
0x69: {  	_ =	shalt  }
0x6a: {  	_ =	shalt  }
0x6b: {  	_ =	shalt  }
0x6c: {  	_ =	shalt  }
0x6d: {  	_ =	shalt  }
0x6e: {  	_ =	shalt  }
0x6f: {  	_ =	shalt  }
0x70: {  	_ =	shalt  }
0x71: {  	_ =	shalt  }
0x72: {  	_ =	shalt  }
0x73: {  	_ =	shalt  }
0x74: {  	_ =	shalt  }
0x75: {  	_ =	shalt  }
0x76: {  	_ =	shalt  }
0x77: {  	_ =	shalt  }
0x78: {  	_ =	shalt  }
0x79: {  	_ =	shalt  }
0x7a: {  	_ =	shalt  }
0x7b: {  	_ =	shalt  }
0x7c: {  	_ =	shalt  }
0x7d: {  	_ =	shalt  }
0x7e: {  	_ =	shalt  }
0x7f: {  	_ =	shalt  }
0x80: {  	_ =	shalt  }
0x81: {  	_ =	shalt  }
0x82: {  	_ =	shalt  }
0x83: {  	_ =	shalt  }
0x84: {  	_ =	shalt  }
0x85: {  	_ =	shalt  }
0x86: {  	_ =	shalt  }
0x87: {  	_ =	shalt  }
.Lfunc_end0:
.L_simem_size_0:
called_computation.1_lowered:
.L_overlay_start_0:
0x88: {  	s2 =	sld [smem:$0x3FD9]  }
0x89: {  	s3 =	sld [smem:$0x3FFE];
	_ =	sdelay $0x1  }
0x8a: {  	s1 =	srdreg.scid  }
0x8b: {  	s0 =	sand.u32 $0x1, s1  }
0x8c: {  	s14 =	sshll.u32 s0, $0xA;
	s2 =	sadd.s32 s3, s2  }
0x8d: {  	s2 =	sadd.s32 s2, s14  }
0x8e: {  	[smem:$0x3FB5] =	sst s2  }
0x8f: {  	_ = 	snop  }
0x90: {  	s2 =	sld [smem:$0x3FD0];
	_ =	sdelay $0x2  }
0x91: {  	s15 =	simm.s32 $0xA;
	s4 =	simm.s32 $0x10  }
0x92: {  	[smem:s4], [sflag:s15] =	dma.local [hbm:s2], $0x1  }
0x93: {  	_ =	swait.eq [sflag:s15], $0x1  }
0x94: {  	[sflag:s15] =	ssyncset.done $0x0  }
0x95: {  	s16 =	sld [smem:$0x10];
	[sflag:s15] =	ssyncadd.s32 $0xFFFFFFFF  }
0x96: {  	s17 =	sld [smem:$0x11];
	(tm) =	ssettm $0x1  }
0x97: {  	s18 =	sld [smem:$0x3FFB];
	_ =	sdelay $0x3  }
0x98: {  	_ =	strace s18  }
0x99: {  	s4 =	sld [smem:$0x3FFC];
	_ =	sdelay $0x3  }
0x9a: {  	_ =	strace s4  }
0x9b: {  	s4 =	sld [smem:$0x3FFD];
	_ =	sdelay $0x3  }
0x9c: {  	_ =	strace s4  }
0x9d: {  	_ =	strace $0x8FFFFFFF  }
0x9e: {  	s19 =	sld [smem:$0x3FDB];
	_ =	sdelay $0x1  }
0x9f: {  	s5 =	simm.s32 $_scs_section_size  }
0xa0: {  	s6 =	simm.s32 $_size__tile_overlayer_lowered;
	s7 =	simm.s32 $_tile_overlayer_lowered  }
0xa1: {  	s22 =	simm.s32 $0x1BFF;
	s21 =	sshll.u32 s7, $0x1;
	s4 =	sadd.s32 s5, s19  }
0xa2: {  	s8 =	simm.s32 $0x0;
	s20 =	sshll.u32 s6, $0x1;
	s6 =	sadd.s32 s21, s4  }
0xa3: {  	[timem:s8], [sflag:s22] =	dma.local [hbm:s6], s20  }
0xa4: {  	_ =	swait.ge [sflag:s22], s20  }
0xa5: {  	s5 =	ssub.s32 $0x0, s20;
	[sflag:s22] =	ssyncset.done $0x0  }
0xa6: {  	[sflag:s22] =	ssyncadd.s32 s5;
	_ =	sdelay $0x1  }
0xa7: {  	s23 =	simm.s32 $0x1B8B  }
0xa8: {  	_ =	swait.ge [sflag:s23], $0x1  }
0xa9: {  	[sflag:s23] =	ssyncset.done $0x0  }
0xaa: {  	s25 =	simm.s32 $0x1B8E;
	s24 =	sld [smem:$0x3FFE];
	[sflag:s23] =	ssyncadd.s32 $0xFFFFFFFF  }
0xab: {  	s26 =	simm.s32 $execute0_lowered;
	[smem:$0x3FD2] =	sst s25  }
0xac: {  	s6 =	sshll.u32 s26, $0x1;
	_ =	strace $0x80000049;
	[dreg:$0x1] =	wrdreg $0xFFFFFFFF  }
0xad: {  	s28 =	simm.s32 $_size_execute0_lowered;
	s4 =	sadd.s32 s4, s6;
	[dreg:$0x0] =	wrdreg $0x0  }
0xae: {  	s6 =	sshll.u32 s28, $0x1;
	[dreg:$0x2] =	wrdreg s4  }
0xaf: {  	[dreg:$0x3] =	wrdreg s6  }
0xb0: {  	[dreg:$0x4] =	wrdreg $0xC0  }
0xb1: {  	_ =	task [dreg:s8], $0x5FFFF  }
0xb2: {  	[dreg:$0x1] =	wrdreg $0xFFFFFFFF  }
0xb3: {  	[dreg:$0x0] =	wrdreg $0x60  }
0xb4: {  	[dreg:$0x2] =	wrdreg s24  }
0xb5: {  	[dreg:$0x3] =	wrdreg s16  }
0xb6: {  	[dreg:$0x4] =	wrdreg s17  }
0xb7: {  	[dreg:$0x5] =	wrdreg $0x52000  }
0xb8: {  	[dreg:$0x6] =	wrdreg $0x9  }
0xb9: {  	_ =	task.clear_ibuf [dreg:s8], $0x7FFFF;
	_ =	strace $0x90000049  }
0xba: {  	s29 =	simm.s32 $0x9;
	_ =	strace $0x8000004B  }
0xbb: {  	_ =	swait.ge [sflag:s29], $0x1  }
0xbc: {  	[sflag:s29] =	ssyncadd.s32 $0xFFFFFFFF  }
0xbd: {  	_ =	strace $0x9000004B  }
0xbe: {  	_ =	sfence  }
0xbf: {  	s30 =	sld [smem:$0x0];
	_ =	sdelay $0x2  }
0xc0: {  	s31 =	sshll.u32 s1, $0xD;
	s1 =	sshrl.u32 s1, $0x2  }
0xc1: {  	s3 =	sand.u32 $0x4000, s31;
	s1 =	sadd.s32 s1, s30  }
0xc2: {  	s0 =	sor.u32 s3, s0;
	s1 =	sshll.u32 s1, $0x11  }
0xc3: {  	s0 =	sor.u32 s1, s0  }
0xc4: {  	s0 =	sadd.s32 $0x8F2B, s0  }
0xc5: {  	[sflag:s0] =	ssyncadd.remote.s32 $0x1  }
0xc6: {  	_ =	sfence.sel $0xFFFF  }
0xc7: {  	[dreg:$0x0] =	wrdreg $0xFFFFFFFF;
	(pc) =	sbr.abs _section_cstart, $3  }
0xc8: {  	[dreg:$0x1] =	wrdreg $0xFFFFFFFF  }
0xc9: {  	_ =	task.clear_ibuf [dreg:s8], $0x2FFFF;
	_ =	strace $0x9FFFFFFF  }
0xca: {  	(tm) =	ssettm $0x7FFFFFFF  }
0xcb: {  	_ =	shalt  }
tec
execute0_lowered:
.L_overlay_start_1:
0x0: {  	(tag) =	ssettag $0x1  }
0x1: {  	s2 =	rddreg [dreg:$0x0]  }
0x2: {  	s1 =	rddreg [dreg:$0x1];
	s15 =	stileid.u32  }
0x3: {  	s0 =	srdreg.scid;
	s7 =	smul.u32 $0x14000, s15  }
0x4: {  	s5 =	rddreg [dreg:$0x2];
	s6 =	sand.u32 $0x1, s0;
	s30 =	smul.u32 $0x2710, s15  }
0x5: {  	s3 =	rddreg [dreg:$0x3];
	s4 =	simm.s32 $0x0;
	s11 =	smul.u32 $0x140000, s6  }
0x6: {  	[smem:$0x7FF] =	sst s4;
	s0 =	ssub.s32 $0x2, s6;
	s29 =	smul.u32 $0x27100, s6  }
0x7: {  	s6 =	sshll.u32 s6, $0x4;
	s8 =	sshrl.u32 s0, $0x1;
	s9 =	sadd.s32 $0x5000, s7  }
0x8: {  	s10 =	sadd.s32 $0x7800, s7;
	s12 =	sadd.s32 $0xA000, s7;
	s20 =	sadd.s32 $0xC800, s7  }
0x9: {  	s21 =	sadd.s32 $0xF000, s7;
	s22 =	sadd.s32 $0x11800, s7;
	s0 =	ssub.s32 s0, s8  }
0xa: {  	s8 =	sor.u32 $0x2800, s7;
	s7 =	sadd.s32 s7, s11;
	s14 =	sadd.s32 s11, s9  }
0xb: {  	s19 =	sadd.s32 s11, s10;
	s23 =	sadd.s32 s11, s12;
	s24 =	sadd.s32 s11, s20  }
0xc: {  	s28 =	sadd.s32 s11, s21;
	s20 =	sadd.s32 s20, s3;
	s21 =	sadd.s32 s21, s3  }
0xd: {  	s13 =	sadd.s32 s11, s8;
	s7 =	sshrl.u32 s7, $0x3;
	s18 =	sshrl.u32 s14, $0x3  }
0xe: {  	s26 =	sshrl.u32 s24, $0x3;
	s11 =	sadd.s32 s11, s22;
	s14 =	sadd.s32 $0x5600, s2  }
0xf: {  	s22 =	sadd.s32 s22, s3;
	s13 =	sshrl.u32 s13, $0x3;
	s7 =	sadd.s32 s5, s7  }
0x10: {  	s0 =	smax.u32 s0, $0x1;
	[dreg:$0x5] =	wrdreg s7;
	s17 =	sadd.s32 s5, s13  }
0x11: {  	s16 =	sshrl.u32 s11, $0x3;
	s7 =	sadd.s32 s5, s18;
	[dreg:$0x6] =	wrdreg s17  }
0x12: {  	s11 =	simm.s32 $0x2A00;
	s13 =	sshrl.u32 s23, $0x3;
	[dreg:$0x7] =	wrdreg s7  }
0x13: {  	s7 =	sshrl.u32 s19, $0x3;
	s25 =	sadd.s32 s5, s13;
	s17 =	smul.u32 $0x50000, s15  }
0x14: {  	s13 =	sadd.s32 $0xF400, s2;
	s19 =	sor.u32 s15, s6;
	s7 =	sadd.s32 s5, s7  }
0x15: {  	[dreg:$0x9] =	wrdreg s25;
	s2 =	smul.u32 $0x2710, s19;
	s19 =	sadd.s32 s12, s3  }
0x16: {  	s12 =	simm.s32 $0x1;
	[dreg:$0x8] =	wrdreg s7;
	s7 =	sadd.s32 s5, s26  }
0x17: {  	s18 =	sshrl.u32 s17, $0x2;
	s17 =	sadd.s32 s9, s3;
	s9 =	simm.s32 $0x100  }
0x18: {  	[dreg:$0xa] =	wrdreg s7;
	s7 =	sshrl.u32 s28, $0x3;
	s15 =	sadd.s32 s18, s3  }
0x19: {  	s18 =	sadd.s32 s10, s3;
	s2 =	sshrl.u32 s2, $0x3;
	s7 =	sadd.s32 s5, s7  }
0x1a: {  	s10 =	simm.s32 $0x180;
	s5 =	sadd.s32 s5, s16;
	[dreg:$0xb] =	wrdreg s7  }
0x1b: {  	s23 =	sadd.s32 s14, s2;
	s24 =	sadd.s32 s1, s2;
	[dreg:$0xc] =	wrdreg s5  }
0x1c: {  	s25 =	sadd.s32 $0xA, s2;
	_ =	strace $0x8000004A;
	[dreg:$0xd] =	wrdreg s23  }
0x1d: {  	s16 =	sadd.s32 s8, s3;
	s26 =	sadd.s32 s14, s25;
	[dreg:$0xe] =	wrdreg s24  }
0x1e: {  	s2 =	sadd.s32 $0x4D8, s2;
	s6 =	sadd.s32 s1, s25;
	[dreg:$0xf] =	wrdreg s26  }
0x1f: {  	s5 =	sadd.s32 s30, s29;
	s30 =	sadd.s32 s14, s2;
	[dreg:$0x10] =	wrdreg s6  }
0x20: {  	s8 =	simm.s32 $0x50;
	s2 =	sadd.s32 s1, s2;
	[dreg:$0x11] =	wrdreg s30  }
0x21: {  	s7 =	simm.s32 $0x80;
	s28 =	sadd.s32 $0xF0, s5;
	[dreg:$0x12] =	wrdreg s2  }
0x22: {  	[dreg:$0x13] =	wrdreg s0;
	s0 =	sadd.s32 $0xA0, s5;
	s5 =	simm.s32 $0x200  }
0x23: {  	s6 =	simm.s32 $0x3;
	s23 =	simm.s32 $0x2;
	s29 =	sshrl.u32 s28, $0x3  }
0x24: {  	v0 =	vimm.f32 $0.0e+00;
	s24 =	simm.s32 $0x0;
	s31 =	sadd.s32 s29, s1;
	s2 =	sadd.s32 s29, s14  }
.LBB2_1:
0x25: {  	s25 =	simm.s32 $0x0;
	s26 =	simm.s32 $0x200  }
.LBB2_2:
0x26: {  	p0 =	sne.s32 s26, $0x9E00;
	[tilespmem:s25+$0x270] =	vst v0  }
0x27: {  	[tilespmem:s25+$0x200] =	vst v0  }
0x28: {  	[tilespmem:s25+$0x210] =	vst v0  }
.Ltmp0:
0x29: {  	[tilespmem:s25+$0x220] =	vst v0;
	(pc) =	sbr.rel @p0 .LBB2_2-.Ltmp0, $4  }
0x2a: {  	[tilespmem:s25+$0x230] =	vst v0  }
0x2b: {  	[tilespmem:s25+$0x240] =	vst v0  }
0x2c: {  	[tilespmem:s25+$0x250] =	vst v0  }
0x2d: {  	[tilespmem:s25+$0x260] =	vst v0;
	s25 =	sshra.s32 s26, $0x2;
	s26 =	sadd.s32 $0x200, s26  }
0x2e: {  	[tilespmem:s25+$0x270] =	vst v0  }
0x2f: {  	[tilespmem:s25+$0x200] =	vst v0  }
0x30: {  	[tilespmem:s25+$0x210] =	vst v0  }
0x31: {  	[tilespmem:s25+$0x220] =	vst v0  }
0x32: {  	[tilespmem:s25+$0x230] =	vst v0  }
0x33: {  	[tilespmem:s25+$0x240] =	vst v0  }
0x34: {  	[tilespmem:s25+$0x250] =	vst v0  }
0x35: {  	[tilespmem:s25+$0x260] =	vst v0  }
0x36: {  	[spmem:s15] =	stream.linear.scatter [tilespmem:s5], [sflag:$0x3], $0x2800, $0x38;
	[tilespmem:$0x19200] =	vst v63  }
0x37: {  	_ =	swait.ge [sflag:s6], $0x2800  }
0x38: {  	[sflag:s6] =	ssyncset.done $0x0  }
0x39: {  	[sflag:s6] =	ssyncadd.s32 $0xFFFFD800  }
0x3a: {  	[spmem:s16] =	stream.linear.scatter [tilespmem:s5], [sflag:$0x3], $0x2800, $0x38;
	[tilespmem:$0x19200] =	vst v63  }
0x3b: {  	_ =	swait.ge [sflag:s6], $0x2800  }
0x3c: {  	[sflag:s6] =	ssyncset.done $0x0  }
0x3d: {  	[sflag:s6] =	ssyncadd.s32 $0xFFFFD800  }
0x3e: {  	[spmem:s17] =	stream.linear.scatter [tilespmem:s5], [sflag:$0x3], $0x2800, $0x38;
	[tilespmem:$0x19200] =	vst v63  }
0x3f: {  	_ =	swait.ge [sflag:s6], $0x2800  }
0x40: {  	[sflag:s6] =	ssyncset.done $0x0  }
0x41: {  	[sflag:s6] =	ssyncadd.s32 $0xFFFFD800  }
0x42: {  	[spmem:s18] =	stream.linear.scatter [tilespmem:s5], [sflag:$0x3], $0x2800, $0x38;
	[tilespmem:$0x19200] =	vst v63  }
0x43: {  	_ =	swait.ge [sflag:s6], $0x2800  }
0x44: {  	[sflag:s6] =	ssyncset.done $0x0  }
0x45: {  	[sflag:s6] =	ssyncadd.s32 $0xFFFFD800  }
0x46: {  	[spmem:s19] =	stream.linear.scatter [tilespmem:s5], [sflag:$0x3], $0x2800, $0x38;
	[tilespmem:$0x19200] =	vst v63  }
0x47: {  	_ =	swait.ge [sflag:s6], $0x2800  }
0x48: {  	[sflag:s6] =	ssyncset.done $0x0  }
0x49: {  	[sflag:s6] =	ssyncadd.s32 $0xFFFFD800  }
0x4a: {  	[spmem:s20] =	stream.linear.scatter [tilespmem:s5], [sflag:$0x3], $0x2800, $0x38;
	[tilespmem:$0x19200] =	vst v63  }
0x4b: {  	_ =	swait.ge [sflag:s6], $0x2800  }
0x4c: {  	[sflag:s6] =	ssyncset.done $0x0  }
0x4d: {  	[sflag:s6] =	ssyncadd.s32 $0xFFFFD800  }
0x4e: {  	[spmem:s21] =	stream.linear.scatter [tilespmem:s5], [sflag:$0x3], $0x2800, $0x38;
	[tilespmem:$0x19200] =	vst v63  }
0x4f: {  	_ =	swait.ge [sflag:s6], $0x2800  }
0x50: {  	[sflag:s6] =	ssyncset.done $0x0  }
0x51: {  	[sflag:s6] =	ssyncadd.s32 $0xFFFFD800  }
0x52: {  	[spmem:s22] =	stream.linear.scatter [tilespmem:s5], [sflag:$0x3], $0x2800, $0x38;
	[tilespmem:$0x19200] =	vst v63  }
0x53: {  	_ =	swait.ge [sflag:s6], $0x2800  }
0x54: {  	[sflag:s6] =	ssyncset.done $0x0  }
0x55: {  	[sflag:s6] =	ssyncadd.s32 $0xFFFFD800  }
0x56: {  	[bflag:$0x0] =	sbarrier.arrive $0xFFFF  }
0x57: {  	s25 =	simm.s32 $0x0;
	s26 =	rddreg [dreg:$0xd]  }
0x58: {  	[tilespmem:s25], [sflag:$0x3] =	stream.linear.gather [hbm4b:s26+s25], $0x50, $0x38;
	[tilespmem:$0x19200] =	vst v63  }
0x59: {  	_ =	swait.ge [sflag:s6], $0x50  }
0x5a: {  	[sflag:s6] =	ssyncset.done $0x0  }
0x5b: {  	s30 =	rddreg [dreg:$0xe];
	[sflag:s6] =	ssyncadd.s32 $0xFFFFFFB0  }
0x5c: {  	[tilespmem:s7], [sflag:$0x3] =	stream.linear.gather [hbm4b:s30+s25], $0x50, $0x38;
	[tilespmem:$0x19200] =	vst v63  }
0x5d: {  	_ =	swait.ge [sflag:s6], $0x50  }
0x5e: {  	[sflag:s6] =	ssyncset.done $0x0  }
0x5f: {  	[sflag:s6] =	ssyncadd.s32 $0xFFFFFFB0  }
0x60: {  	[tilespmem:s5], [sflag:$0x1] =	stream.indirect.gather [hbm4b:s13+s8], $0x80, s25, s8, $0xb8;
	[tilespmem:$0x19200] =	vst v63  }
0x61: {  	s28 =	rddreg [dreg:$0xf]  }
0x62: {  	[tilespmem:s9], [sflag:$0x3] =	stream.linear.gather [hbm4b:s28+s25], $0x50, $0x38;
	[tilespmem:$0x19200] =	vst v63  }
0x63: {  	_ =	swait.ge [sflag:s6], $0x50  }
0x64: {  	[sflag:s6] =	ssyncset.done $0x0  }
0x65: {  	s29 =	rddreg [dreg:$0x10];
	[sflag:s6] =	ssyncadd.s32 $0xFFFFFFB0  }
0x66: {  	[tilespmem:s10], [sflag:$0x3] =	stream.linear.gather [hbm4b:s29+s25], $0x50, $0x38;
	[tilespmem:$0x19200] =	vst v63  }
0x67: {  	_ =	swait.ge [sflag:s6], $0x50  }
0x68: {  	[sflag:s6] =	ssyncset.done $0x0  }
0x69: {  	[sflag:s6] =	ssyncadd.s32 $0xFFFFFFB0  }
0x6a: {  	[tilespmem:s11], [sflag:$0x2] =	stream.indirect.gather [hbm4b:s13+s8], $0x80, s9, s8, $0xb8;
	[tilespmem:$0x19200] =	vst v63  }
0x6b: {  	_ =	swait.ge [sflag:s12], $0x2800  }
0x6c: {  	[sflag:s12] =	ssyncset.done $0x0  }
0x6d: {  	[sflag:s12] =	ssyncadd.s32 $0xFFFFD800  }
0x6e: {  	[spmem:s3] =	stream.indirect.scatter.add.f32 [tilespmem:s5], [sflag:$0x3], $0x80, s7, s8, $0xb8;
	[tilespmem:$0x19200] =	vst v63  }
0x6f: {  	_ =	swait.ge [sflag:s6], $0x2800  }
0x70: {  	s30 =	sshrl.u32 s0, $0x3;
	[sflag:s6] =	ssyncset.done $0x0  }
0x71: {  	s28 =	sadd.s32 s14, s30;
	[sflag:s6] =	ssyncadd.s32 $0xFFFFD800  }
0x72: {  	[tilespmem:s4], [sflag:$0x3] =	stream.linear.gather [hbm4b:s28+s4], $0x50, $0x38;
	[tilespmem:$0x19200] =	vst v63  }
0x73: {  	_ =	swait.ge [sflag:s6], $0x50  }
0x74: {  	[sflag:s6] =	ssyncset.done $0x0  }
0x75: {  	s25 =	sadd.s32 s1, s30;
	[sflag:s6] =	ssyncadd.s32 $0xFFFFFFB0  }
0x76: {  	[tilespmem:s7], [sflag:$0x3] =	stream.linear.gather [hbm4b:s25+s4], $0x50, $0x38;
	[tilespmem:$0x19200] =	vst v63  }
0x77: {  	_ =	swait.ge [sflag:s6], $0x50  }
0x78: {  	[sflag:s6] =	ssyncset.done $0x0  }
0x79: {  	[sflag:s6] =	ssyncadd.s32 $0xFFFFFFB0  }
0x7a: {  	[tilespmem:s5], [sflag:$0x1] =	stream.indirect.gather [hbm4b:s13+s8], $0x80, s4, s8, $0xb8;
	[tilespmem:$0x19200] =	vst v63  }
0x7b: {  	_ =	swait.ge [sflag:s23], $0x2800  }
0x7c: {  	[sflag:s23] =	ssyncset.done $0x0  }
0x7d: {  	[sflag:s23] =	ssyncadd.s32 $0xFFFFD800  }
0x7e: {  	[spmem:s3] =	stream.indirect.scatter.add.f32 [tilespmem:s11], [sflag:$0x3], $0x80, s10, s8, $0xb8;
	[tilespmem:$0x19200] =	vst v63  }
0x7f: {  	_ =	swait.ge [sflag:s6], $0x2800  }
0x80: {  	[sflag:s6] =	ssyncset.done $0x0  }
0x81: {  	s29 =	sadd.s32 $0x0, s2;
	[sflag:s6] =	ssyncadd.s32 $0xFFFFD800  }
0x82: {  	[tilespmem:s9], [sflag:$0x3] =	stream.linear.gather [hbm4b:s29+s4], $0x50, $0x38;
	[tilespmem:$0x19200] =	vst v63  }
0x83: {  	_ =	swait.ge [sflag:s6], $0x50  }
0x84: {  	[sflag:s6] =	ssyncset.done $0x0  }
0x85: {  	s30 =	sadd.s32 $0x0, s31;
	[sflag:s6] =	ssyncadd.s32 $0xFFFFFFB0  }
0x86: {  	[tilespmem:s10], [sflag:$0x3] =	stream.linear.gather [hbm4b:s30+s4], $0x50, $0x38;
	[tilespmem:$0x19200] =	vst v63  }
0x87: {  	_ =	swait.ge [sflag:s6], $0x50  }
0x88: {  	[sflag:s6] =	ssyncset.done $0x0  }
0x89: {  	s26 =	sadd.s32 $0xA0, s0;
	s25 =	simm.s32 $0x14;
	[sflag:s6] =	ssyncadd.s32 $0xFFFFFFB0  }
.LBB2_4:
0x8a: {  	[tilespmem:s11], [sflag:$0x2] =	stream.indirect.gather [hbm4b:s13+s8], $0x80, s9, s8, $0xb8;
	[tilespmem:$0x19200] =	vst v63  }
0x8b: {  	s28 =	smov.u32 s25  }
0x8c: {  	p0 =	sne.s32 s25, $0x4B0;
	s25 =	sadd.s32 $0x14, s25;
	_ =	swait.ge [sflag:s12], $0x2800  }
0x8d: {  	[sflag:s12] =	ssyncset.done $0x0  }
0x8e: {  	[sflag:s12] =	ssyncadd.s32 $0xFFFFD800  }
0x8f: {  	[spmem:s3] =	stream.indirect.scatter.add.f32 [tilespmem:s5], [sflag:$0x3], $0x80, s7, s8, $0xb8;
	[tilespmem:$0x19200] =	vst v63  }
0x90: {  	_ =	swait.ge [sflag:s6], $0x2800  }
0x91: {  	s29 =	sshrl.u32 s26, $0x3;
	[sflag:s6] =	ssyncset.done $0x0  }
0x92: {  	s30 =	sadd.s32 s14, s29;
	[sflag:s6] =	ssyncadd.s32 $0xFFFFD800  }
0x93: {  	[tilespmem:s4], [sflag:$0x3] =	stream.linear.gather [hbm4b:s30+s4], $0x50, $0x38;
	[tilespmem:$0x19200] =	vst v63  }
0x94: {  	_ =	swait.ge [sflag:s6], $0x50  }
0x95: {  	[sflag:s6] =	ssyncset.done $0x0  }
0x96: {  	s29 =	sadd.s32 s1, s29;
	[sflag:s6] =	ssyncadd.s32 $0xFFFFFFB0  }
0x97: {  	[tilespmem:s7], [sflag:$0x3] =	stream.linear.gather [hbm4b:s29+s4], $0x50, $0x38;
	[tilespmem:$0x19200] =	vst v63  }
0x98: {  	_ =	swait.ge [sflag:s6], $0x50  }
0x99: {  	[sflag:s6] =	ssyncset.done $0x0  }
0x9a: {  	[sflag:s6] =	ssyncadd.s32 $0xFFFFFFB0  }
0x9b: {  	[tilespmem:s5], [sflag:$0x1] =	stream.indirect.gather [hbm4b:s13+s8], $0x80, s4, s8, $0xb8;
	[tilespmem:$0x19200] =	vst v63  }
0x9c: {  	_ =	swait.ge [sflag:s23], $0x2800  }
0x9d: {  	[sflag:s23] =	ssyncset.done $0x0  }
0x9e: {  	[sflag:s23] =	ssyncadd.s32 $0xFFFFD800  }
0x9f: {  	[spmem:s3] =	stream.indirect.scatter.add.f32 [tilespmem:s11], [sflag:$0x3], $0x80, s10, s8, $0xb8;
	[tilespmem:$0x19200] =	vst v63  }
0xa0: {  	_ =	swait.ge [sflag:s6], $0x2800  }
0xa1: {  	[sflag:s6] =	ssyncset.done $0x0  }
0xa2: {  	s29 =	sadd.s32 s28, s2;
	[sflag:s6] =	ssyncadd.s32 $0xFFFFD800  }
0xa3: {  	[tilespmem:s9], [sflag:$0x3] =	stream.linear.gather [hbm4b:s29+s4], $0x50, $0x38;
	[tilespmem:$0x19200] =	vst v63  }
0xa4: {  	_ =	swait.ge [sflag:s6], $0x50  }
0xa5: {  	[sflag:s6] =	ssyncset.done $0x0  }
.Ltmp1:
0xa6: {  	s28 =	sadd.s32 s28, s31;
	[sflag:s6] =	ssyncadd.s32 $0xFFFFFFB0;
	(pc) =	sbr.rel @p0 .LBB2_4-.Ltmp1, $4  }
0xa7: {  	[tilespmem:s10], [sflag:$0x3] =	stream.linear.gather [hbm4b:s28+s4], $0x50, $0x38;
	[tilespmem:$0x19200] =	vst v63  }
0xa8: {  	_ =	swait.ge [sflag:s6], $0x50  }
0xa9: {  	[sflag:s6] =	ssyncset.done $0x0  }
0xaa: {  	s26 =	sadd.s32 $0xA0, s26;
	[sflag:s6] =	ssyncadd.s32 $0xFFFFFFB0  }
0xab: {  	[tilespmem:s11], [sflag:$0x2] =	stream.indirect.gather [hbm4b:s13+s8], $0x80, s9, s8, $0xb8;
	[tilespmem:$0x19200] =	vst v63  }
0xac: {  	_ =	swait.ge [sflag:s12], $0x2800  }
0xad: {  	[sflag:s12] =	ssyncset.done $0x0  }
0xae: {  	[sflag:s12] =	ssyncadd.s32 $0xFFFFD800  }
0xaf: {  	[spmem:s3] =	stream.indirect.scatter.add.f32 [tilespmem:s5], [sflag:$0x3], $0x80, s7, s8, $0xb8;
	[tilespmem:$0x19200] =	vst v63  }
0xb0: {  	_ =	swait.ge [sflag:s6], $0x2800  }
0xb1: {  	[sflag:s6] =	ssyncset.done $0x0  }
0xb2: {  	s25 =	rddreg [dreg:$0x11];
	[sflag:s6] =	ssyncadd.s32 $0xFFFFD800  }
0xb3: {  	[tilespmem:s4], [sflag:$0x3] =	stream.linear.gather [hbm4b:s25+s4], $0x50, $0x38;
	[tilespmem:$0x19200] =	vst v63  }
0xb4: {  	_ =	swait.ge [sflag:s6], $0x50  }
0xb5: {  	[sflag:s6] =	ssyncset.done $0x0  }
0xb6: {  	s29 =	rddreg [dreg:$0x12];
	[sflag:s6] =	ssyncadd.s32 $0xFFFFFFB0  }
0xb7: {  	[tilespmem:s7], [sflag:$0x3] =	stream.linear.gather [hbm4b:s29+s4], $0x50, $0x38;
	[tilespmem:$0x19200] =	vst v63  }
0xb8: {  	_ =	swait.ge [sflag:s6], $0x50  }
0xb9: {  	[sflag:s6] =	ssyncset.done $0x0  }
0xba: {  	[sflag:s6] =	ssyncadd.s32 $0xFFFFFFB0  }
0xbb: {  	[tilespmem:s5], [sflag:$0x1] =	stream.indirect.gather [hbm4b:s13+s8], $0x80, s4, s8, $0xb8;
	[tilespmem:$0x19200] =	vst v63  }
0xbc: {  	_ =	swait.ge [sflag:s23], $0x2800  }
0xbd: {  	[sflag:s23] =	ssyncset.done $0x0  }
0xbe: {  	[sflag:s23] =	ssyncadd.s32 $0xFFFFD800  }
0xbf: {  	[spmem:s3] =	stream.indirect.scatter.add.f32 [tilespmem:s11], [sflag:$0x3], $0x80, s10, s8, $0xb8;
	[tilespmem:$0x19200] =	vst v63  }
0xc0: {  	_ =	swait.ge [sflag:s6], $0x2800  }
0xc1: {  	[sflag:s6] =	ssyncset.done $0x0  }
0xc2: {  	[sflag:s6] =	ssyncadd.s32 $0xFFFFD800  }
0xc3: {  	_ =	swait.ge [sflag:s12], $0x2800  }
0xc4: {  	[sflag:s12] =	ssyncset.done $0x0  }
0xc5: {  	[sflag:s12] =	ssyncadd.s32 $0xFFFFD800  }
0xc6: {  	[spmem:s3] =	stream.indirect.scatter.add.f32 [tilespmem:s5], [sflag:$0x3], $0x80, s7, s8, $0xb8;
	[tilespmem:$0x19200] =	vst v63  }
0xc7: {  	_ =	swait.ge [sflag:s6], $0x2800  }
0xc8: {  	[sflag:s6] =	ssyncset.done $0x0  }
0xc9: {  	[sflag:s6] =	ssyncadd.s32 $0xFFFFD800  }
0xca: {  	[bflag:$0x0] =	sbarrier.arrive $0xFFFF  }
0xcb: {  	[tilespmem:s5], [sflag:$0x3] =	stream.linear.gather [spmem:s15], $0x2800, $0x38;
	[tilespmem:$0x19200] =	vst v63  }
0xcc: {  	_ =	swait.ge [sflag:s6], $0x2800  }
0xcd: {  	[sflag:s6] =	ssyncset.done $0x0  }
0xce: {  	s30 =	rddreg [dreg:$0x5];
	[sflag:s6] =	ssyncadd.s32 $0xFFFFD800  }
0xcf: {  	[hbm4b:s30+s4] =	stream.linear.scatter [tilespmem:s5], [sflag:$0x3], $0x2800, $0x38;
	[tilespmem:$0x19200] =	vst v63  }
0xd0: {  	_ =	swait.ge [sflag:s6], $0x2800  }
0xd1: {  	[sflag:s6] =	ssyncset.done $0x0  }
0xd2: {  	[sflag:s6] =	ssyncadd.s32 $0xFFFFD800  }
0xd3: {  	[tilespmem:s5], [sflag:$0x3] =	stream.linear.gather [spmem:s16], $0x2800, $0x38;
	[tilespmem:$0x19200] =	vst v63  }
0xd4: {  	_ =	swait.ge [sflag:s6], $0x2800  }
0xd5: {  	[sflag:s6] =	ssyncset.done $0x0  }
0xd6: {  	s26 =	rddreg [dreg:$0x6];
	[sflag:s6] =	ssyncadd.s32 $0xFFFFD800  }
0xd7: {  	[hbm4b:s26+s4] =	stream.linear.scatter [tilespmem:s5], [sflag:$0x3], $0x2800, $0x38;
	[tilespmem:$0x19200] =	vst v63  }
0xd8: {  	_ =	swait.ge [sflag:s6], $0x2800  }
0xd9: {  	[sflag:s6] =	ssyncset.done $0x0  }
0xda: {  	[sflag:s6] =	ssyncadd.s32 $0xFFFFD800  }
0xdb: {  	[tilespmem:s5], [sflag:$0x3] =	stream.linear.gather [spmem:s17], $0x2800, $0x38;
	[tilespmem:$0x19200] =	vst v63  }
0xdc: {  	_ =	swait.ge [sflag:s6], $0x2800  }
0xdd: {  	[sflag:s6] =	ssyncset.done $0x0  }
0xde: {  	s28 =	rddreg [dreg:$0x7];
	[sflag:s6] =	ssyncadd.s32 $0xFFFFD800  }
0xdf: {  	[hbm4b:s28+s4] =	stream.linear.scatter [tilespmem:s5], [sflag:$0x3], $0x2800, $0x38;
	[tilespmem:$0x19200] =	vst v63  }
0xe0: {  	_ =	swait.ge [sflag:s6], $0x2800  }
0xe1: {  	[sflag:s6] =	ssyncset.done $0x0  }
0xe2: {  	[sflag:s6] =	ssyncadd.s32 $0xFFFFD800  }
0xe3: {  	[tilespmem:s5], [sflag:$0x3] =	stream.linear.gather [spmem:s18], $0x2800, $0x38;
	[tilespmem:$0x19200] =	vst v63  }
0xe4: {  	_ =	swait.ge [sflag:s6], $0x2800  }
0xe5: {  	[sflag:s6] =	ssyncset.done $0x0  }
0xe6: {  	s29 =	rddreg [dreg:$0x8];
	[sflag:s6] =	ssyncadd.s32 $0xFFFFD800  }
0xe7: {  	[hbm4b:s29+s4] =	stream.linear.scatter [tilespmem:s5], [sflag:$0x3], $0x2800, $0x38;
	[tilespmem:$0x19200] =	vst v63  }
0xe8: {  	_ =	swait.ge [sflag:s6], $0x2800  }
0xe9: {  	[sflag:s6] =	ssyncset.done $0x0  }
0xea: {  	[sflag:s6] =	ssyncadd.s32 $0xFFFFD800  }
0xeb: {  	[tilespmem:s5], [sflag:$0x3] =	stream.linear.gather [spmem:s19], $0x2800, $0x38;
	[tilespmem:$0x19200] =	vst v63  }
0xec: {  	_ =	swait.ge [sflag:s6], $0x2800  }
0xed: {  	[sflag:s6] =	ssyncset.done $0x0  }
0xee: {  	s30 =	rddreg [dreg:$0x9];
	[sflag:s6] =	ssyncadd.s32 $0xFFFFD800  }
0xef: {  	[hbm4b:s30+s4] =	stream.linear.scatter [tilespmem:s5], [sflag:$0x3], $0x2800, $0x38;
	[tilespmem:$0x19200] =	vst v63  }
0xf0: {  	_ =	swait.ge [sflag:s6], $0x2800  }
0xf1: {  	[sflag:s6] =	ssyncset.done $0x0  }
0xf2: {  	[sflag:s6] =	ssyncadd.s32 $0xFFFFD800  }
0xf3: {  	[tilespmem:s5], [sflag:$0x3] =	stream.linear.gather [spmem:s20], $0x2800, $0x38;
	[tilespmem:$0x19200] =	vst v63  }
0xf4: {  	_ =	swait.ge [sflag:s6], $0x2800  }
0xf5: {  	[sflag:s6] =	ssyncset.done $0x0  }
0xf6: {  	s26 =	rddreg [dreg:$0xa];
	[sflag:s6] =	ssyncadd.s32 $0xFFFFD800  }
0xf7: {  	[hbm4b:s26+s4] =	stream.linear.scatter [tilespmem:s5], [sflag:$0x3], $0x2800, $0x38;
	[tilespmem:$0x19200] =	vst v63  }
0xf8: {  	_ =	swait.ge [sflag:s6], $0x2800  }
0xf9: {  	[sflag:s6] =	ssyncset.done $0x0  }
0xfa: {  	[sflag:s6] =	ssyncadd.s32 $0xFFFFD800  }
0xfb: {  	[tilespmem:s5], [sflag:$0x3] =	stream.linear.gather [spmem:s21], $0x2800, $0x38;
	[tilespmem:$0x19200] =	vst v63  }
0xfc: {  	_ =	swait.ge [sflag:s6], $0x2800  }
0xfd: {  	[sflag:s6] =	ssyncset.done $0x0  }
0xfe: {  	s28 =	rddreg [dreg:$0xb];
	[sflag:s6] =	ssyncadd.s32 $0xFFFFD800  }
0xff: {  	[hbm4b:s28+s4] =	stream.linear.scatter [tilespmem:s5], [sflag:$0x3], $0x2800, $0x38;
	[tilespmem:$0x19200] =	vst v63  }
0x100: {  	_ =	swait.ge [sflag:s6], $0x2800  }
0x101: {  	[sflag:s6] =	ssyncset.done $0x0  }
0x102: {  	[sflag:s6] =	ssyncadd.s32 $0xFFFFD800  }
0x103: {  	[tilespmem:s5], [sflag:$0x3] =	stream.linear.gather [spmem:s22], $0x2800, $0x38;
	[tilespmem:$0x19200] =	vst v63  }
0x104: {  	_ =	swait.ge [sflag:s6], $0x2800  }
0x105: {  	[sflag:s6] =	ssyncset.done $0x0  }
0x106: {  	s29 =	rddreg [dreg:$0xc];
	[sflag:s6] =	ssyncadd.s32 $0xFFFFD800  }
0x107: {  	[hbm4b:s29+s4] =	stream.linear.scatter [tilespmem:s5], [sflag:$0x3], $0x2800, $0x38;
	[tilespmem:$0x19200] =	vst v63  }
0x108: {  	_ =	swait.ge [sflag:s6], $0x2800  }
0x109: {  	s24 =	sadd.s32 $0x1, s24;
	s30 =	rddreg [dreg:$0x13]  }
0x10a: {  	p0 =	sne.s32 s24, s30  }
.Ltmp2:
0x10b: {  	_ = 	snop;
	(pc) =	sbr.rel @p0 .LBB2_1-.Ltmp2, $3  }
0x10c: {  	_ =	sdelay $0x1  }
0x10d: {  	[sflag:s6] =	ssyncset.done $0x0  }
0x10e: {  	[sflag:s6] =	ssyncadd.s32 $0xFFFFD800  }
0x10f: {  	_ =	sfence.sel $0x180000  }
0x110: {  	[bflag:$0x0] =	sbarrier.arrive $0xFFFF  }
0x111: {  	_ =	strace $0x9000004A  }
0x112: {  	s0 =	stileid.u32;
	[bflag:$0x2] =	sbarrier.arrive $0xFFFF  }
0x113: {  	p0 =	sne.s32 s0, $0x0;
	s0 =	rddreg [dreg:$0x4]  }
0x114: {  	s0 =	sadd.s32 @!p0 $0x100000, s0  }
0x115: {  	[sflag:s0] =	ssyncadd.tile.s32 @!p0 $0x1;
	_ =	shalt  }
.Lfunc_end2:
_tile_overlayer_lowered:
.L_overlay_start_2:
0x116: {  	(tag) =	ssettag $0x2  }
0x117: {  	s0 =	rddreg [dreg:$0x0];
	s2 =	stileid.u32  }
0x118: {  	s1 =	rddreg [dreg:$0x1];
	p0 =	sne.s32 s2, $0x0  }
0x119: {  	s3 =	rddreg [dreg:$0x2];
	[bflag:$0x3] =	sbarrier.arrive $0xFFFF;
	s2 =	simm.s32 @!p0 $0x1C03  }
0x11a: {  	[timem:s3], [sflag:s2] =	dma.local @!p0 [hbm:s0], s1  }
0x11b: {  	s0 =	simm.s32 @!p0 $0x3  }
0x11c: {  	_ =	swait.ge @!p0 [sflag:s0], s1  }
0x11d: {  	s1 =	ssub.s32 @!p0 $0x0, s1;
	[sflag:s0] =	ssyncset.done @!p0 $0x0  }
0x11e: {  	[sflag:s0] =	ssyncadd.s32 @!p0 s1  }
0x11f: {  	[bflag:$0x3] =	sbarrier.arrive $0xFFFF  }
0x120: {  	_ =	shalt  }

// kernel: kernel.14.cloned.1.call-start
scs
__scs_entry_jumppad:
0x0: {  	(pc) =	sbr.rel $0x88, $3  }
0x1: {  	(tag) =	ssettag $0x0;
	lr =	simm.s32 $0x1  }
0x2: {  	[smem:$0x3F8E] =	sst lr;
	_ =	strace $0xD0000000  }
0x3: {  	_ = 	snop  }
0x4: {  	_ = 	snop  }
0x5: {  	_ = 	snop  }
0x6: {  	_ = 	snop  }
0x7: {  	_ = 	snop  }
__scs_overlays_trampoline_lowered:
0x8: {  	[smem:$0x3F9D] =	sst s0  }
0x9: {  	[smem:$0x3F9E] =	sst s1  }
0xa: {  	[smem:$0x3F9F] =	sst s2  }
0xb: {  	[smem:$0x3FA0] =	sst s3  }
0xc: {  	[smem:$0x3FA1] =	sst s4  }
0xd: {  	[smem:$0x3FA2] =	sst s5  }
0xe: {  	[smem:$0x3FA3] =	sst s6  }
0xf: {  	[smem:$0x3FA4] =	sst s7  }
0x10: {  	[smem:$0x3FA5] =	sst s8  }
0x11: {  	[smem:$0x3FA6] =	sst s9;
	s0 =	simm.s32 @!p0 $0x0  }
0x12: {  	s1 =	sld [smem:$0x3F8C];
	s0 =	simm.s32 @p0 $0x1  }
0x13: {  	[smem:$0x3FA7] =	sst s0;
	s0 =	simm.s32 @!p1 $0x0  }
0x14: {  	s2 =	sld [smem:$0x3F8B];
	s0 =	simm.s32 @p1 $0x1  }
0x15: {  	[smem:$0x3FA8] =	sst s0;
	s0 =	simm.s32 @!p2 $0x0  }
0x16: {  	s3 =	sld [smem:$0x3FDB];
	s0 =	simm.s32 @p2 $0x1  }
0x17: {  	s4 =	simm.s32 $0x1BF5;
	[smem:$0x3FAA] =	sst s0  }
0x18: {  	s0 =	sld [smem:$0x3F8D];
	_ =	swait.ge [sflag:s4], $0x0  }
0x19: {  	s7 =	sld [smem:$0x3F8E]  }
0x1a: {  	s8 =	sadd.s32 $0xFFFFE003, lr  }
0x1b: {  	s9 =	sadd.s32 $0xFFFFFEF7, lr;
	s5 =	simm.s32 $0xFFFFFFFF;
	p2 =	slt.u32 s8, $0xFFFFF086  }
0x1c: {  	p1 =	slt.u32 s9, $0xF7A;
	s5 =	simm.s32 @!p2 $0x0  }
0x1d: {  	s5 =	simm.s32 @p1 $0x1;
	p0 =	seq.s32 s7, s2  }
0x1e: {  	s7 =	smul.u32 @!p0 $0xF7A, s2;
	p2 =	seq.s32 @!p0 s5, $0x0  }
0x1f: {  	s9 =	smul.u32 $0xF7A, s1;
	s8 =	simm.s32 @!p0 $0x1BF5;
	p2 =	por !p2, p0  }
0x20: {  	[sflag:s8] =	ssyncset.s32 @!p0 $0xFFFFF086;
	s6 =	sadd.s32 @!p0 s3, s7;
	s7 =	simm.s32 @!p0 $0x108  }
0x21: {  	s3 =	sadd.s32 s3, s9;
	s6 =	sadd.s32 @!p0 $0x88, s6;
	s7 =	simm.s32 @p2 $0x1082  }
0x22: {  	[simem:s7], [sflag:s8] =	dma.local @!p0 [hbm:s6], $0xF7A  }
0x23: {  	s9 =	sor.u32 $0xD0000000, s2;
	s6 =	simm.s32 $0x108;
	_ =	swait.ge @!p0 [sflag:s8], $0x0  }
0x24: {  	s3 =	sadd.s32 $0x88, s3;
	s6 =	simm.s32 @!p1 $0x1082;
	[sflag:s4] =	ssyncset.s32 $0xFFFFF086  }
0x25: {  	[simem:s6], [sflag:s4] =	dma.local [hbm:s3], $0xF7A  }
0x26: {  	[smem:$0x3F8E] =	sst s1;
	(tag) =	ssettag s2;
	_ =	strace s9  }
0x27: {  	s1 =	sld [smem:$0x3F9E]  }
0x28: {  	s2 =	sld [smem:$0x3F9F]  }
0x29: {  	s4 =	sld [smem:$0x3FA1]  }
0x2a: {  	p0 =	seq.s32 s5, $0x0;
	s5 =	sld [smem:$0x3FA2]  }
0x2b: {  	s6 =	sld [smem:$0x3FA3]  }
0x2c: {  	s7 =	sld [smem:$0x3FA4]  }
0x2d: {  	s3 =	simm.s32 $0x108;
	s8 =	sld [smem:$0x3FA5]  }
0x2e: {  	s3 =	simm.s32 @!p0 $0x1082;
	s9 =	sld [smem:$0x3FA6]  }
0x2f: {  	lr =	sadd.s32 s0, s3;
	s0 =	sld [smem:$0x3F9D]  }
0x30: {  	s3 =	sld [smem:$0x3FA0]  }
0x31: {  	[smem:$0x3FA9] =	sst s10  }
0x32: {  	s10 =	sld [smem:$0x3FA7];
	_ =	sdelay $0x3  }
0x33: {  	p0 =	seq.s32 s10, $0x1;
	s10 =	sld [smem:$0x3FA9];
	_ =	sdelay $0x3  }
0x34: {  	[smem:$0x3FA9] =	sst s10  }
0x35: {  	s10 =	sld [smem:$0x3FA8];
	_ =	sdelay $0x3  }
0x36: {  	p1 =	seq.s32 s10, $0x1;
	s10 =	sld [smem:$0x3FA9];
	_ =	sdelay $0x3  }
0x37: {  	[smem:$0x3FA9] =	sst s10  }
0x38: {  	s10 =	sld [smem:$0x3FAA]  }
0x39: {  	_ = 	snop;
	(pc) =	sbr.ind lr, $3  }
0x3a: {  	_ = 	snop  }
0x3b: {  	_ = 	snop  }
0x3c: {  	p2 =	seq.s32 s10, $0x1;
	s10 =	sld [smem:$0x3FA9]  }
0x3d: {  	_ =	shalt  }
0x3e: {  	_ =	shalt  }
0x3f: {  	_ =	shalt  }
0x40: {  	_ =	shalt  }
0x41: {  	_ =	shalt  }
0x42: {  	_ =	shalt  }
0x43: {  	_ =	shalt  }
0x44: {  	_ =	shalt  }
0x45: {  	_ =	shalt  }
0x46: {  	_ =	shalt  }
0x47: {  	_ =	shalt  }
0x48: {  	_ =	shalt  }
0x49: {  	_ =	shalt  }
0x4a: {  	_ =	shalt  }
0x4b: {  	_ =	shalt  }
0x4c: {  	_ =	shalt  }
0x4d: {  	_ =	shalt  }
0x4e: {  	_ =	shalt  }
0x4f: {  	_ =	shalt  }
0x50: {  	_ =	shalt  }
0x51: {  	_ =	shalt  }
0x52: {  	_ =	shalt  }
0x53: {  	_ =	shalt  }
0x54: {  	_ =	shalt  }
0x55: {  	_ =	shalt  }
0x56: {  	_ =	shalt  }
0x57: {  	_ =	shalt  }
0x58: {  	_ =	shalt  }
0x59: {  	_ =	shalt  }
0x5a: {  	_ =	shalt  }
0x5b: {  	_ =	shalt  }
0x5c: {  	_ =	shalt  }
0x5d: {  	_ =	shalt  }
0x5e: {  	_ =	shalt  }
0x5f: {  	_ =	shalt  }
0x60: {  	_ =	shalt  }
0x61: {  	_ =	shalt  }
0x62: {  	_ =	shalt  }
0x63: {  	_ =	shalt  }
0x64: {  	_ =	shalt  }
0x65: {  	_ =	shalt  }
0x66: {  	_ =	shalt  }
0x67: {  	_ =	shalt  }
0x68: {  	_ =	shalt  }
0x69: {  	_ =	shalt  }
0x6a: {  	_ =	shalt  }
0x6b: {  	_ =	shalt  }
0x6c: {  	_ =	shalt  }
0x6d: {  	_ =	shalt  }
0x6e: {  	_ =	shalt  }
0x6f: {  	_ =	shalt  }
0x70: {  	_ =	shalt  }
0x71: {  	_ =	shalt  }
0x72: {  	_ =	shalt  }
0x73: {  	_ =	shalt  }
0x74: {  	_ =	shalt  }
0x75: {  	_ =	shalt  }
0x76: {  	_ =	shalt  }
0x77: {  	_ =	shalt  }
0x78: {  	_ =	shalt  }
0x79: {  	_ =	shalt  }
0x7a: {  	_ =	shalt  }
0x7b: {  	_ =	shalt  }
0x7c: {  	_ =	shalt  }
0x7d: {  	_ =	shalt  }
0x7e: {  	_ =	shalt  }
0x7f: {  	_ =	shalt  }
0x80: {  	_ =	shalt  }
0x81: {  	_ =	shalt  }
0x82: {  	_ =	shalt  }
0x83: {  	_ =	shalt  }
0x84: {  	_ =	shalt  }
0x85: {  	_ =	shalt  }
0x86: {  	_ =	shalt  }
0x87: {  	_ =	shalt  }
.Lfunc_end0:
.L_simem_size_0:
called_computation.2_lowered:
.L_overlay_start_0:
0x88: {  	s2 =	sld [smem:$0x3FD9]  }
0x89: {  	s3 =	sld [smem:$0x3FFE];
	_ =	sdelay $0x1  }
0x8a: {  	s1 =	srdreg.scid  }
0x8b: {  	s0 =	sand.u32 $0x1, s1  }
0x8c: {  	s14 =	sshll.u32 s0, $0xA;
	s2 =	sadd.s32 s3, s2  }
0x8d: {  	s2 =	sadd.s32 s2, s14  }
0x8e: {  	[smem:$0x3FB5] =	sst s2  }
0x8f: {  	_ = 	snop  }
0x90: {  	s2 =	sld [smem:$0x3FD0];
	_ =	sdelay $0x2  }
0x91: {  	s15 =	simm.s32 $0xA;
	s4 =	simm.s32 $0x10  }
0x92: {  	[smem:s4], [sflag:s15] =	dma.local [hbm:s2], $0x1  }
0x93: {  	_ =	swait.eq [sflag:s15], $0x1  }
0x94: {  	[sflag:s15] =	ssyncset.done $0x0  }
0x95: {  	s16 =	sld [smem:$0x10];
	[sflag:s15] =	ssyncadd.s32 $0xFFFFFFFF  }
0x96: {  	s17 =	sld [smem:$0x11];
	(tm) =	ssettm $0x1  }
0x97: {  	s18 =	sld [smem:$0x3FFB];
	_ =	sdelay $0x3  }
0x98: {  	_ =	strace s18  }
0x99: {  	s4 =	sld [smem:$0x3FFC];
	_ =	sdelay $0x3  }
0x9a: {  	_ =	strace s4  }
0x9b: {  	s4 =	sld [smem:$0x3FFD];
	_ =	sdelay $0x3  }
0x9c: {  	_ =	strace s4  }
0x9d: {  	_ =	strace $0x8FFFFFFF  }
0x9e: {  	s19 =	sld [smem:$0x3FDB];
	_ =	sdelay $0x1  }
0x9f: {  	s5 =	simm.s32 $_scs_section_size  }
0xa0: {  	s6 =	simm.s32 $_size__tile_overlayer_lowered;
	s7 =	simm.s32 $_tile_overlayer_lowered  }
0xa1: {  	s22 =	simm.s32 $0x1BFF;
	s21 =	sshll.u32 s7, $0x1;
	s4 =	sadd.s32 s5, s19  }
0xa2: {  	s8 =	simm.s32 $0x0;
	s20 =	sshll.u32 s6, $0x1;
	s6 =	sadd.s32 s21, s4  }
0xa3: {  	[timem:s8], [sflag:s22] =	dma.local [hbm:s6], s20  }
0xa4: {  	_ =	swait.ge [sflag:s22], s20  }
0xa5: {  	s5 =	ssub.s32 $0x0, s20;
	[sflag:s22] =	ssyncset.done $0x0  }
0xa6: {  	[sflag:s22] =	ssyncadd.s32 s5;
	_ =	sdelay $0x1  }
0xa7: {  	s23 =	simm.s32 $0x1B8B  }
0xa8: {  	_ =	swait.ge [sflag:s23], $0x1  }
0xa9: {  	[sflag:s23] =	ssyncset.done $0x0  }
0xaa: {  	s25 =	simm.s32 $0x1B8E;
	s24 =	sld [smem:$0x3FFE];
	[sflag:s23] =	ssyncadd.s32 $0xFFFFFFFF  }
0xab: {  	s26 =	simm.s32 $execute0_lowered;
	[smem:$0x3FD2] =	sst s25  }
0xac: {  	s6 =	sshll.u32 s26, $0x1;
	_ =	strace $0x8000004C;
	[dreg:$0x1] =	wrdreg $0xFFFFFFFF  }
0xad: {  	s28 =	simm.s32 $_size_execute0_lowered;
	s4 =	sadd.s32 s4, s6;
	[dreg:$0x0] =	wrdreg $0x0  }
0xae: {  	s6 =	sshll.u32 s28, $0x1;
	[dreg:$0x2] =	wrdreg s4  }
0xaf: {  	[dreg:$0x3] =	wrdreg s6  }
0xb0: {  	[dreg:$0x4] =	wrdreg $0xC0  }
0xb1: {  	_ =	task [dreg:s8], $0x5FFFF  }
0xb2: {  	[dreg:$0x1] =	wrdreg $0xFFFFFFFF  }
0xb3: {  	[dreg:$0x0] =	wrdreg $0x60  }
0xb4: {  	[dreg:$0x2] =	wrdreg s17  }
0xb5: {  	[dreg:$0x3] =	wrdreg s24  }
0xb6: {  	[dreg:$0x4] =	wrdreg s16  }
0xb7: {  	[dreg:$0x5] =	wrdreg $0x9  }
0xb8: {  	_ =	task.clear_ibuf [dreg:s8], $0x6FFFF;
	_ =	strace $0x9000004C  }
0xb9: {  	s29 =	simm.s32 $0x9;
	_ =	strace $0x8000004E  }
0xba: {  	_ =	swait.ge [sflag:s29], $0x1  }
0xbb: {  	[sflag:s29] =	ssyncadd.s32 $0xFFFFFFFF  }
0xbc: {  	_ =	strace $0x9000004E  }
0xbd: {  	_ =	sfence  }
0xbe: {  	s30 =	sld [smem:$0x0];
	_ =	sdelay $0x2  }
0xbf: {  	s31 =	sshll.u32 s1, $0xD;
	s1 =	sshrl.u32 s1, $0x2  }
0xc0: {  	s3 =	sand.u32 $0x4000, s31;
	s1 =	sadd.s32 s1, s30  }
0xc1: {  	s0 =	sor.u32 s3, s0;
	s1 =	sshll.u32 s1, $0x11  }
0xc2: {  	s0 =	sor.u32 s1, s0  }
0xc3: {  	s0 =	sadd.s32 $0x8F2B, s0  }
0xc4: {  	[sflag:s0] =	ssyncadd.remote.s32 $0x1  }
0xc5: {  	_ =	sfence.sel $0xFFFF  }
0xc6: {  	[dreg:$0x0] =	wrdreg $0xFFFFFFFF;
	(pc) =	sbr.abs _section_cstart, $3  }
0xc7: {  	[dreg:$0x1] =	wrdreg $0xFFFFFFFF  }
0xc8: {  	_ =	task.clear_ibuf [dreg:s8], $0x2FFFF;
	_ =	strace $0x9FFFFFFF  }
0xc9: {  	(tm) =	ssettm $0x7FFFFFFF  }
tec
execute0_lowered:
.L_overlay_start_1:
0x0: {  	(tag) =	ssettag $0x1  }
0x1: {  	s0 =	srdreg.scid;
	s1 =	rddreg [dreg:$0x0]  }
0x2: {  	s2 =	rddreg [dreg:$0x1];
	s4 =	stileid.u32  }
0x3: {  	s8 =	rddreg [dreg:$0x2];
	s14 =	simm.s32 $0x5;
	s15 =	simm.s32 $0x2780  }
0x4: {  	s16 =	simm.s32 $0x50;
	s17 =	simm.s32 $0x4F00;
	s18 =	simm.s32 $0x7700  }
0x5: {  	s19 =	simm.s32 $0x9F00;
	s21 =	simm.s32 $0xC700;
	s22 =	simm.s32 $0x1  }
0x6: {  	s23 =	simm.s32 $0x2;
	s24 =	simm.s32 $0x3;
	s0 =	sand.u32 $0x1, s0  }
0x7: {  	s25 =	simm.s32 $0x4;
	s26 =	simm.s32 $0x26C0;
	s3 =	sshll.u32 s0, $0x4  }
0x8: {  	s28 =	simm.s32 $0x4E40;
	s29 =	simm.s32 $0x0;
	s5 =	sor.u32 s4, s3  }
0x9: {  	s6 =	sadd.s32 $0x36600, s2;
	s0 =	ssub.s32 $0x2, s0;
	s4 =	smul.u32 $0x2710, s5  }
0xa: {  	s3 =	simm.s32 $0x0;
	s30 =	sshrl.u32 s0, $0x1;
	s7 =	smul.u32 $0x138800, s5  }
0xb: {  	[smem:$0x7FF] =	sst s3;
	s5 =	sadd.s32 $0xF400, s2;
	s0 =	ssub.s32 s0, s30  }
0xc: {  	_ =	strace $0x8000004D;
	s9 =	sshrl.u32 s4, $0x3;
	s11 =	sshrl.u32 s7, $0x3  }
0xd: {  	s13 =	smax.u32 s0, $0x1;
	s10 =	sadd.s32 s9, s2;
	s31 =	sadd.s32 s6, s11  }
0xe: {  	s8 =	sadd.s32 s8, s9;
	s9 =	sadd.s32 $0x50, s4;
	s7 =	sadd.s32 $0x5600, s10  }
0xf: {  	s10 =	sadd.s32 $0x26200, s31;
	s11 =	sadd.s32 $0x26700, s31;
	s12 =	sadd.s32 $0x26C00, s31  }
.LBB2_1:
0x10: {  	[tilespmem:s3], [sflag:$0x5] =	stream.linear.gather [hbm4b:s7+s3], $0x2710, $0x38;
	[tilespmem:$0xEF00] =	vst v63  }
0x11: {  	_ =	swait.ge [sflag:s14], $0x2710  }
0x12: {  	[sflag:s14] =	ssyncset.done $0x0  }
0x13: {  	[sflag:s14] =	ssyncadd.s32 $0xFFFFD8F0  }
0x14: {  	[tilespmem:s15], [sflag:$0x5] =	stream.linear.gather [hbm4b:s8+s3], $0x2710, $0x38;
	[tilespmem:$0xEF00] =	vst v63  }
0x15: {  	_ =	swait.ge [sflag:s14], $0x2710  }
0x16: {  	[sflag:s14] =	ssyncset.done $0x0  }
0x17: {  	[sflag:s14] =	ssyncadd.s32 $0xFFFFD8F0  }
0x18: {  	[tilespmem:s17], [sflag:$0x1] =	stream.indirect.gather [hbm4b:s1+s16], $0x80, s3, s16, $0xb8;
	[tilespmem:$0xEF00] =	vst v63  }
0x19: {  	_ = 	snop  }
0x1a: {  	[tilespmem:s18], [sflag:$0x2] =	stream.indirect.gather [hbm4b:s5+s16], $0x80, s15, s16, $0xb8;
	[tilespmem:$0xEF00] =	vst v63  }
0x1b: {  	_ = 	snop  }
0x1c: {  	[tilespmem:s19], [sflag:$0x3] =	stream.indirect.gather [hbm4b:s1+s16], $0x80, s16, s16, $0xb8;
	[tilespmem:$0xEF00] =	vst v63  }
0x1d: {  	s0 =	simm.s32 $0x27D0;
	s30 =	simm.s32 $0x0  }
0x1e: {  	[tilespmem:s21], [sflag:$0x4] =	stream.indirect.gather [hbm4b:s5+s16], $0x80, s0, s16, $0xb8;
	[tilespmem:$0xEF00] =	vst v63  }
.LBB2_2:
0x1f: {  	_ =	swait.ge [sflag:s22], $0x2800  }
0x20: {  	[sflag:s22] =	ssyncset.done $0x0  }
0x21: {  	[sflag:s22] =	ssyncadd.s32 $0xFFFFD800  }
0x22: {  	_ =	swait.ge [sflag:s23], $0x2800  }
0x23: {  	[sflag:s23] =	ssyncset.done $0x0  }
0x24: {  	s2 =	simm.s32 $0x0;
	[sflag:s23] =	ssyncadd.s32 $0xFFFFD800  }
0x25: {  	v6 =	vld [tilespmem:s2+$0x7700]  }
0x26: {  	v11 =	vld [tilespmem:s2+$0x7710]  }
0x27: {  	v5 =	vld [tilespmem:s2+$0x7720]  }
0x28: {  	v4 =	vld [tilespmem:s2+$0x7730]  }
0x29: {  	v3 =	vld [tilespmem:s2+$0x7740]  }
0x2a: {  	v2 =	vld [tilespmem:s2+$0x7750]  }
0x2b: {  	v1 =	vld [tilespmem:s2+$0x7760]  }
0x2c: {  	v0 =	vld [tilespmem:s2+$0x7770]  }
0x2d: {  	v12 =	vld [tilespmem:s2+$0x4F00]  }
0x2e: {  	v13 =	vld [tilespmem:s2+$0x4F10]  }
0x2f: {  	v10 =	vld [tilespmem:s2+$0x4F20]  }
0x30: {  	v9 =	vld [tilespmem:s2+$0x4F30]  }
0x31: {  	v8 =	vld [tilespmem:s2+$0x4F40]  }
0x32: {  	v7 =	vld [tilespmem:s2+$0x4F50];
	v12 =	vadd.f32 v6, v12  }
0x33: {  	s31 =	simm.s32 $0x200;
	v11 =	vadd.f32 v11, v13;
	v6 =	vld [tilespmem:s2+$0x4F60]  }
.LBB2_3:
0x34: {  	s0 =	sshra.s32 s31, $0x2;
	p0 =	sne.s32 s31, $0x9E00;
	v12 =	vmax.f32 v12, $0.0e+00;
	v5 =	vadd.f32 v5, v10;
	v10 =	vld [tilespmem:s2+$0x4F70]  }
0x35: {  	v13 =	vld [tilespmem:s0+$0x7700];
	[tilespmem:s2+$0x4F00] =	vst v12;
	v11 =	vmax.f32 v11, $0.0e+00;
	v4 =	vadd.f32 v4, v9  }
0x36: {  	v14 =	vld [tilespmem:s0+$0x7710];
	[tilespmem:s2+$0x4F10] =	vst v11;
	v9 =	vmax.f32 v5, $0.0e+00;
	v3 =	vadd.f32 v3, v8  }
0x37: {  	v5 =	vld [tilespmem:s0+$0x7720];
	[tilespmem:s2+$0x4F20] =	vst v9;
	v8 =	vmax.f32 v4, $0.0e+00;
	v2 =	vadd.f32 v2, v7  }
0x38: {  	v4 =	vld [tilespmem:s0+$0x7730];
	[tilespmem:s2+$0x4F30] =	vst v8;
	v7 =	vmax.f32 v3, $0.0e+00;
	v1 =	vadd.f32 v1, v6  }
0x39: {  	v3 =	vld [tilespmem:s0+$0x7740];
	[tilespmem:s2+$0x4F40] =	vst v7;
	v6 =	vmax.f32 v2, $0.0e+00;
	v0 =	vadd.f32 v0, v10  }
0x3a: {  	v2 =	vld [tilespmem:s0+$0x7750];
	[tilespmem:s2+$0x4F50] =	vst v6;
	v6 =	vmax.f32 v1, $0.0e+00  }
0x3b: {  	v1 =	vld [tilespmem:s0+$0x7760];
	[tilespmem:s2+$0x4F60] =	vst v6;
	v6 =	vmax.f32 v0, $0.0e+00  }
0x3c: {  	v0 =	vld [tilespmem:s0+$0x7770];
	[tilespmem:s2+$0x4F70] =	vst v6;
	s2 =	smov.u32 s0  }
0x3d: {  	v6 =	vld [tilespmem:s2+$0x4F00]  }
0x3e: {  	v11 =	vld [tilespmem:s2+$0x4F10]  }
.Ltmp0:
0x3f: {  	v10 =	vld [tilespmem:s2+$0x4F20];
	(pc) =	sbr.rel @p0 .LBB2_3-.Ltmp0, $4  }
0x40: {  	v9 =	vld [tilespmem:s2+$0x4F30]  }
0x41: {  	v8 =	vld [tilespmem:s2+$0x4F40]  }
0x42: {  	v12 =	vadd.f32 v13, v6;
	v7 =	vld [tilespmem:s2+$0x4F50]  }
0x43: {  	s31 =	sadd.s32 $0x200, s31;
	v11 =	vadd.f32 v14, v11;
	v6 =	vld [tilespmem:s2+$0x4F60]  }
0x44: {  	v12 =	vmax.f32 v12, $0.0e+00;
	v5 =	vadd.f32 v5, v10;
	v10 =	vld [tilespmem:s2+$0x4F70]  }
0x45: {  	[tilespmem:s2+$0x4F00] =	vst v12;
	v11 =	vmax.f32 v11, $0.0e+00;
	v4 =	vadd.f32 v4, v9  }
0x46: {  	[tilespmem:s2+$0x4F10] =	vst v11;
	v5 =	vmax.f32 v5, $0.0e+00;
	v3 =	vadd.f32 v3, v8  }
0x47: {  	[tilespmem:s2+$0x4F20] =	vst v5;
	v4 =	vmax.f32 v4, $0.0e+00;
	v2 =	vadd.f32 v2, v7  }
0x48: {  	s31 =	smul.u32 $0xA0, s30;
	[tilespmem:s2+$0x4F30] =	vst v4;
	v3 =	vmax.f32 v3, $0.0e+00;
	v1 =	vadd.f32 v1, v6  }
0x49: {  	[tilespmem:s2+$0x4F40] =	vst v3;
	v2 =	vmax.f32 v2, $0.0e+00;
	v0 =	vadd.f32 v0, v10  }
0x4a: {  	s0 =	sadd.s32 s4, s31;
	[tilespmem:s2+$0x4F50] =	vst v2;
	v1 =	vmax.f32 v1, $0.0e+00  }
0x4b: {  	s0 =	sshll.u32 s0, $0x4;
	[tilespmem:s2+$0x4F60] =	vst v1;
	v0 =	vmax.f32 v0, $0.0e+00  }
0x4c: {  	s20 =	simm.s32 $0x0;
	s0 =	sadd.s32 s6, s0;
	[tilespmem:s2+$0x4F70] =	vst v0  }
0x4d: {  	[hbm4b:s0+s20] =	stream.linear.scatter [tilespmem:s17], [sflag:$0x5], $0x2800, $0x38;
	[tilespmem:$0xEF00] =	vst v63  }
0x4e: {  	_ =	swait.ge [sflag:s14], $0x2800  }
0x4f: {  	[sflag:s14] =	ssyncset.done $0x0  }
0x50: {  	s2 =	sadd.s32 $0xA0, s31;
	[sflag:s14] =	ssyncadd.s32 $0xFFFFD800  }
0x51: {  	[tilespmem:s17], [sflag:$0x1] =	stream.indirect.gather [hbm4b:s1+s16], $0x80, s2, s16, $0xb8;
	[tilespmem:$0xEF00] =	vst v63  }
0x52: {  	s20 =	sadd.s32 $0x2820, s31  }
0x53: {  	[tilespmem:s18], [sflag:$0x2] =	stream.indirect.gather [hbm4b:s5+s16], $0x80, s20, s16, $0xb8;
	[tilespmem:$0xEF00] =	vst v63  }
0x54: {  	_ =	swait.ge [sflag:s24], $0x2800  }
0x55: {  	[sflag:s24] =	ssyncset.done $0x0  }
0x56: {  	[sflag:s24] =	ssyncadd.s32 $0xFFFFD800  }
0x57: {  	_ =	swait.ge [sflag:s25], $0x2800  }
0x58: {  	[sflag:s25] =	ssyncset.done $0x0  }
0x59: {  	s2 =	simm.s32 $0x0;
	[sflag:s25] =	ssyncadd.s32 $0xFFFFD800  }
0x5a: {  	v6 =	vld [tilespmem:s2+$0xC700]  }
0x5b: {  	v11 =	vld [tilespmem:s2+$0xC710]  }
0x5c: {  	v5 =	vld [tilespmem:s2+$0xC720]  }
0x5d: {  	v4 =	vld [tilespmem:s2+$0xC730]  }
0x5e: {  	v3 =	vld [tilespmem:s2+$0xC740]  }
0x5f: {  	v2 =	vld [tilespmem:s2+$0xC750]  }
0x60: {  	v1 =	vld [tilespmem:s2+$0xC760]  }
0x61: {  	v0 =	vld [tilespmem:s2+$0xC770]  }
0x62: {  	v12 =	vld [tilespmem:s2+$0x9F00]  }
0x63: {  	v13 =	vld [tilespmem:s2+$0x9F10]  }
0x64: {  	v10 =	vld [tilespmem:s2+$0x9F20]  }
0x65: {  	v9 =	vld [tilespmem:s2+$0x9F30]  }
0x66: {  	v8 =	vld [tilespmem:s2+$0x9F40]  }
0x67: {  	v7 =	vld [tilespmem:s2+$0x9F50];
	v12 =	vadd.f32 v6, v12  }
0x68: {  	s0 =	simm.s32 $0x200;
	v11 =	vadd.f32 v11, v13;
	v6 =	vld [tilespmem:s2+$0x9F60]  }
.LBB2_5:
0x69: {  	s20 =	sshra.s32 s0, $0x2;
	p0 =	sne.s32 s0, $0x9E00;
	v12 =	vmax.f32 v12, $0.0e+00;
	v5 =	vadd.f32 v5, v10;
	v10 =	vld [tilespmem:s2+$0x9F70]  }
0x6a: {  	v13 =	vld [tilespmem:s20+$0xC700];
	[tilespmem:s2+$0x9F00] =	vst v12;
	v11 =	vmax.f32 v11, $0.0e+00;
	v4 =	vadd.f32 v4, v9  }
0x6b: {  	v14 =	vld [tilespmem:s20+$0xC710];
	[tilespmem:s2+$0x9F10] =	vst v11;
	v9 =	vmax.f32 v5, $0.0e+00;
	v3 =	vadd.f32 v3, v8  }
0x6c: {  	v5 =	vld [tilespmem:s20+$0xC720];
	[tilespmem:s2+$0x9F20] =	vst v9;
	v8 =	vmax.f32 v4, $0.0e+00;
	v2 =	vadd.f32 v2, v7  }
0x6d: {  	v4 =	vld [tilespmem:s20+$0xC730];
	[tilespmem:s2+$0x9F30] =	vst v8;
	v7 =	vmax.f32 v3, $0.0e+00;
	v1 =	vadd.f32 v1, v6  }
0x6e: {  	v3 =	vld [tilespmem:s20+$0xC740];
	[tilespmem:s2+$0x9F40] =	vst v7;
	v6 =	vmax.f32 v2, $0.0e+00;
	v0 =	vadd.f32 v0, v10  }
0x6f: {  	v2 =	vld [tilespmem:s20+$0xC750];
	[tilespmem:s2+$0x9F50] =	vst v6;
	v6 =	vmax.f32 v1, $0.0e+00  }
0x70: {  	v1 =	vld [tilespmem:s20+$0xC760];
	[tilespmem:s2+$0x9F60] =	vst v6;
	v6 =	vmax.f32 v0, $0.0e+00  }
0x71: {  	v0 =	vld [tilespmem:s20+$0xC770];
	[tilespmem:s2+$0x9F70] =	vst v6;
	s2 =	smov.u32 s20  }
0x72: {  	v6 =	vld [tilespmem:s2+$0x9F00]  }
0x73: {  	v11 =	vld [tilespmem:s2+$0x9F10]  }
.Ltmp1:
0x74: {  	v10 =	vld [tilespmem:s2+$0x9F20];
	(pc) =	sbr.rel @p0 .LBB2_5-.Ltmp1, $4  }
0x75: {  	v9 =	vld [tilespmem:s2+$0x9F30]  }
0x76: {  	v8 =	vld [tilespmem:s2+$0x9F40]  }
0x77: {  	v12 =	vadd.f32 v13, v6;
	v7 =	vld [tilespmem:s2+$0x9F50]  }
0x78: {  	s0 =	sadd.s32 $0x200, s0;
	v11 =	vadd.f32 v14, v11;
	v6 =	vld [tilespmem:s2+$0x9F60]  }
0x79: {  	v12 =	vmax.f32 v12, $0.0e+00;
	v5 =	vadd.f32 v5, v10;
	v63 =	vld [tilespmem:s2+$0x9F70]  }
0x7a: {  	[tilespmem:s2+$0x9F00] =	vst v12;
	v11 =	vmax.f32 v11, $0.0e+00;
	v4 =	vadd.f32 v4, v9  }
0x7b: {  	[tilespmem:s2+$0x9F10] =	vst v11;
	v5 =	vmax.f32 v5, $0.0e+00;
	v3 =	vadd.f32 v3, v8  }
0x7c: {  	[tilespmem:s2+$0x9F20] =	vst v5;
	v4 =	vmax.f32 v4, $0.0e+00;
	v2 =	vadd.f32 v2, v7  }
0x7d: {  	[tilespmem:s2+$0x9F30] =	vst v4;
	v3 =	vmax.f32 v3, $0.0e+00;
	v1 =	vadd.f32 v1, v6  }
0x7e: {  	[tilespmem:s2+$0x9F40] =	vst v3;
	v2 =	vmax.f32 v2, $0.0e+00;
	v0 =	vadd.f32 v0, v63  }
0x7f: {  	s0 =	sadd.s32 s31, s9;
	[tilespmem:s2+$0x9F50] =	vst v2;
	v1 =	vmax.f32 v1, $0.0e+00  }
0x80: {  	s0 =	sshll.u32 s0, $0x4;
	[tilespmem:s2+$0x9F60] =	vst v1;
	v0 =	vmax.f32 v0, $0.0e+00  }
0x81: {  	s30 =	sadd.s32 $0x1, s30;
	s0 =	sadd.s32 s6, s0;
	[tilespmem:s2+$0x9F70] =	vst v0  }
0x82: {  	[hbm4b:s0+s3] =	stream.linear.scatter [tilespmem:s19], [sflag:$0x5], $0x2800, $0x38;
	[tilespmem:$0xEF00] =	vst v63  }
0x83: {  	p0 =	sne.s32 s30, $0x3D;
	_ =	swait.ge [sflag:s14], $0x2800  }
.Ltmp2:
0x84: {  	[sflag:s14] =	ssyncset.done $0x0;
	(pc) =	sbr.rel @p0 .LBB2_2-.Ltmp2, $4  }
0x85: {  	s20 =	sadd.s32 $0xF0, s31;
	[sflag:s14] =	ssyncadd.s32 $0xFFFFD800  }
0x86: {  	[tilespmem:s19], [sflag:$0x3] =	stream.indirect.gather [hbm4b:s1+s16], $0x80, s20, s16, $0xb8;
	[tilespmem:$0xEF00] =	vst v63  }
0x87: {  	s31 =	sadd.s32 $0x2870, s31  }
0x88: {  	[tilespmem:s21], [sflag:$0x4] =	stream.indirect.gather [hbm4b:s5+s16], $0x80, s31, s16, $0xb8;
	[tilespmem:$0xEF00] =	vst v63  }
0x89: {  	_ =	swait.ge [sflag:s22], $0x2800  }
0x8a: {  	[sflag:s22] =	ssyncset.done $0x0  }
0x8b: {  	[sflag:s22] =	ssyncadd.s32 $0xFFFFD800  }
0x8c: {  	_ =	swait.ge [sflag:s23], $0x2800  }
0x8d: {  	[sflag:s23] =	ssyncset.done $0x0  }
0x8e: {  	s2 =	simm.s32 $0x0;
	[sflag:s23] =	ssyncadd.s32 $0xFFFFD800  }
0x8f: {  	v6 =	vld [tilespmem:s2+$0x7700]  }
0x90: {  	v11 =	vld [tilespmem:s2+$0x7710]  }
0x91: {  	v5 =	vld [tilespmem:s2+$0x7720]  }
0x92: {  	v4 =	vld [tilespmem:s2+$0x7730]  }
0x93: {  	v3 =	vld [tilespmem:s2+$0x7740]  }
0x94: {  	v2 =	vld [tilespmem:s2+$0x7750]  }
0x95: {  	v1 =	vld [tilespmem:s2+$0x7760]  }
0x96: {  	v0 =	vld [tilespmem:s2+$0x7770]  }
0x97: {  	v12 =	vld [tilespmem:s2+$0x4F00]  }
0x98: {  	v13 =	vld [tilespmem:s2+$0x4F10]  }
0x99: {  	v10 =	vld [tilespmem:s2+$0x4F20]  }
0x9a: {  	v9 =	vld [tilespmem:s2+$0x4F30]  }
0x9b: {  	v8 =	vld [tilespmem:s2+$0x4F40]  }
0x9c: {  	v7 =	vld [tilespmem:s2+$0x4F50];
	v12 =	vadd.f32 v6, v12  }
0x9d: {  	s0 =	simm.s32 $0x200;
	v11 =	vadd.f32 v11, v13;
	v6 =	vld [tilespmem:s2+$0x4F60]  }
.LBB2_8:
0x9e: {  	s20 =	sshra.s32 s0, $0x2;
	p0 =	sne.s32 s0, $0x9E00;
	v12 =	vmax.f32 v12, $0.0e+00;
	v5 =	vadd.f32 v5, v10;
	v10 =	vld [tilespmem:s2+$0x4F70]  }
0x9f: {  	v13 =	vld [tilespmem:s20+$0x7700];
	[tilespmem:s2+$0x4F00] =	vst v12;
	v11 =	vmax.f32 v11, $0.0e+00;
	v4 =	vadd.f32 v4, v9  }
0xa0: {  	v14 =	vld [tilespmem:s20+$0x7710];
	[tilespmem:s2+$0x4F10] =	vst v11;
	v9 =	vmax.f32 v5, $0.0e+00;
	v3 =	vadd.f32 v3, v8  }
0xa1: {  	v5 =	vld [tilespmem:s20+$0x7720];
	[tilespmem:s2+$0x4F20] =	vst v9;
	v8 =	vmax.f32 v4, $0.0e+00;
	v2 =	vadd.f32 v2, v7  }
0xa2: {  	v4 =	vld [tilespmem:s20+$0x7730];
	[tilespmem:s2+$0x4F30] =	vst v8;
	v7 =	vmax.f32 v3, $0.0e+00;
	v1 =	vadd.f32 v1, v6  }
0xa3: {  	v3 =	vld [tilespmem:s20+$0x7740];
	[tilespmem:s2+$0x4F40] =	vst v7;
	v6 =	vmax.f32 v2, $0.0e+00;
	v0 =	vadd.f32 v0, v10  }
0xa4: {  	v2 =	vld [tilespmem:s20+$0x7750];
	[tilespmem:s2+$0x4F50] =	vst v6;
	v6 =	vmax.f32 v1, $0.0e+00  }
0xa5: {  	v1 =	vld [tilespmem:s20+$0x7760];
	[tilespmem:s2+$0x4F60] =	vst v6;
	v6 =	vmax.f32 v0, $0.0e+00  }
0xa6: {  	v0 =	vld [tilespmem:s20+$0x7770];
	[tilespmem:s2+$0x4F70] =	vst v6;
	s2 =	smov.u32 s20  }
0xa7: {  	v6 =	vld [tilespmem:s2+$0x4F00]  }
0xa8: {  	v11 =	vld [tilespmem:s2+$0x4F10]  }
.Ltmp3:
0xa9: {  	v10 =	vld [tilespmem:s2+$0x4F20];
	(pc) =	sbr.rel @p0 .LBB2_8-.Ltmp3, $4  }
0xaa: {  	v9 =	vld [tilespmem:s2+$0x4F30]  }
0xab: {  	v8 =	vld [tilespmem:s2+$0x4F40]  }
0xac: {  	v12 =	vadd.f32 v13, v6;
	v7 =	vld [tilespmem:s2+$0x4F50]  }
0xad: {  	s0 =	sadd.s32 $0x200, s0;
	v11 =	vadd.f32 v14, v11;
	v6 =	vld [tilespmem:s2+$0x4F60]  }
0xae: {  	v12 =	vmax.f32 v12, $0.0e+00;
	v5 =	vadd.f32 v5, v10;
	v10 =	vld [tilespmem:s2+$0x4F70]  }
0xaf: {  	[tilespmem:s2+$0x4F00] =	vst v12;
	v11 =	vmax.f32 v11, $0.0e+00;
	v4 =	vadd.f32 v4, v9  }
0xb0: {  	[tilespmem:s2+$0x4F10] =	vst v11;
	v5 =	vmax.f32 v5, $0.0e+00;
	v3 =	vadd.f32 v3, v8  }
0xb1: {  	[tilespmem:s2+$0x4F20] =	vst v5;
	v4 =	vmax.f32 v4, $0.0e+00;
	v2 =	vadd.f32 v2, v7  }
0xb2: {  	[tilespmem:s2+$0x4F30] =	vst v4;
	v3 =	vmax.f32 v3, $0.0e+00;
	v1 =	vadd.f32 v1, v6  }
0xb3: {  	[tilespmem:s2+$0x4F40] =	vst v3;
	v2 =	vmax.f32 v2, $0.0e+00;
	v0 =	vadd.f32 v0, v10  }
0xb4: {  	[tilespmem:s2+$0x4F50] =	vst v2;
	v1 =	vmax.f32 v1, $0.0e+00  }
0xb5: {  	[tilespmem:s2+$0x4F60] =	vst v1;
	v0 =	vmax.f32 v0, $0.0e+00  }
0xb6: {  	s0 =	simm.s32 $0x0;
	[tilespmem:s2+$0x4F70] =	vst v0  }
0xb7: {  	[hbm4b:s10+s0] =	stream.linear.scatter [tilespmem:s17], [sflag:$0x5], $0x2800, $0x38;
	[tilespmem:$0xEF00] =	vst v63  }
0xb8: {  	_ =	swait.ge [sflag:s14], $0x2800  }
0xb9: {  	[sflag:s14] =	ssyncset.done $0x0  }
0xba: {  	[sflag:s14] =	ssyncadd.s32 $0xFFFFD800  }
0xbb: {  	[tilespmem:s17], [sflag:$0x1] =	stream.indirect.gather [hbm4b:s1+s16], $0x80, s26, s16, $0xb8;
	[tilespmem:$0xEF00] =	vst v63  }
0xbc: {  	_ = 	snop  }
0xbd: {  	[tilespmem:s18], [sflag:$0x2] =	stream.indirect.gather [hbm4b:s5+s16], $0x80, s28, s16, $0xb8;
	[tilespmem:$0xEF00] =	vst v63  }
0xbe: {  	_ =	swait.ge [sflag:s24], $0x2800  }
0xbf: {  	[sflag:s24] =	ssyncset.done $0x0  }
0xc0: {  	[sflag:s24] =	ssyncadd.s32 $0xFFFFD800  }
0xc1: {  	_ =	swait.ge [sflag:s25], $0x2800  }
0xc2: {  	[sflag:s25] =	ssyncset.done $0x0  }
0xc3: {  	s2 =	simm.s32 $0x0;
	[sflag:s25] =	ssyncadd.s32 $0xFFFFD800  }
0xc4: {  	v6 =	vld [tilespmem:s2+$0xC700]  }
0xc5: {  	v11 =	vld [tilespmem:s2+$0xC710]  }
0xc6: {  	v5 =	vld [tilespmem:s2+$0xC720]  }
0xc7: {  	v4 =	vld [tilespmem:s2+$0xC730]  }
0xc8: {  	v3 =	vld [tilespmem:s2+$0xC740]  }
0xc9: {  	v2 =	vld [tilespmem:s2+$0xC750]  }
0xca: {  	v1 =	vld [tilespmem:s2+$0xC760]  }
0xcb: {  	v0 =	vld [tilespmem:s2+$0xC770]  }
0xcc: {  	v12 =	vld [tilespmem:s2+$0x9F00]  }
0xcd: {  	v13 =	vld [tilespmem:s2+$0x9F10]  }
0xce: {  	v10 =	vld [tilespmem:s2+$0x9F20]  }
0xcf: {  	v9 =	vld [tilespmem:s2+$0x9F30]  }
0xd0: {  	v8 =	vld [tilespmem:s2+$0x9F40]  }
0xd1: {  	v7 =	vld [tilespmem:s2+$0x9F50];
	v12 =	vadd.f32 v6, v12  }
0xd2: {  	s0 =	simm.s32 $0x200;
	v11 =	vadd.f32 v11, v13;
	v6 =	vld [tilespmem:s2+$0x9F60]  }
.LBB2_10:
0xd3: {  	s20 =	sshra.s32 s0, $0x2;
	p0 =	sne.s32 s0, $0x9E00;
	v12 =	vmax.f32 v12, $0.0e+00;
	v5 =	vadd.f32 v5, v10;
	v10 =	vld [tilespmem:s2+$0x9F70]  }
0xd4: {  	v13 =	vld [tilespmem:s20+$0xC700];
	[tilespmem:s2+$0x9F00] =	vst v12;
	v11 =	vmax.f32 v11, $0.0e+00;
	v4 =	vadd.f32 v4, v9  }
0xd5: {  	v14 =	vld [tilespmem:s20+$0xC710];
	[tilespmem:s2+$0x9F10] =	vst v11;
	v9 =	vmax.f32 v5, $0.0e+00;
	v3 =	vadd.f32 v3, v8  }
0xd6: {  	v5 =	vld [tilespmem:s20+$0xC720];
	[tilespmem:s2+$0x9F20] =	vst v9;
	v8 =	vmax.f32 v4, $0.0e+00;
	v2 =	vadd.f32 v2, v7  }
0xd7: {  	v4 =	vld [tilespmem:s20+$0xC730];
	[tilespmem:s2+$0x9F30] =	vst v8;
	v7 =	vmax.f32 v3, $0.0e+00;
	v1 =	vadd.f32 v1, v6  }
0xd8: {  	v3 =	vld [tilespmem:s20+$0xC740];
	[tilespmem:s2+$0x9F40] =	vst v7;
	v6 =	vmax.f32 v2, $0.0e+00;
	v0 =	vadd.f32 v0, v10  }
0xd9: {  	v2 =	vld [tilespmem:s20+$0xC750];
	[tilespmem:s2+$0x9F50] =	vst v6;
	v6 =	vmax.f32 v1, $0.0e+00  }
0xda: {  	v1 =	vld [tilespmem:s20+$0xC760];
	[tilespmem:s2+$0x9F60] =	vst v6;
	v6 =	vmax.f32 v0, $0.0e+00  }
0xdb: {  	v0 =	vld [tilespmem:s20+$0xC770];
	[tilespmem:s2+$0x9F70] =	vst v6;
	s2 =	smov.u32 s20  }
0xdc: {  	v6 =	vld [tilespmem:s2+$0x9F00]  }
0xdd: {  	v11 =	vld [tilespmem:s2+$0x9F10]  }
.Ltmp4:
0xde: {  	v10 =	vld [tilespmem:s2+$0x9F20];
	(pc) =	sbr.rel @p0 .LBB2_10-.Ltmp4, $4  }
0xdf: {  	v9 =	vld [tilespmem:s2+$0x9F30]  }
0xe0: {  	v8 =	vld [tilespmem:s2+$0x9F40]  }
0xe1: {  	v12 =	vadd.f32 v13, v6;
	v7 =	vld [tilespmem:s2+$0x9F50]  }
0xe2: {  	s0 =	sadd.s32 $0x200, s0;
	v11 =	vadd.f32 v14, v11;
	v6 =	vld [tilespmem:s2+$0x9F60]  }
0xe3: {  	v12 =	vmax.f32 v12, $0.0e+00;
	v5 =	vadd.f32 v5, v10;
	v10 =	vld [tilespmem:s2+$0x9F70]  }
0xe4: {  	[tilespmem:s2+$0x9F00] =	vst v12;
	v11 =	vmax.f32 v11, $0.0e+00;
	v4 =	vadd.f32 v4, v9  }
0xe5: {  	[tilespmem:s2+$0x9F10] =	vst v11;
	v5 =	vmax.f32 v5, $0.0e+00;
	v3 =	vadd.f32 v3, v8  }
0xe6: {  	[tilespmem:s2+$0x9F20] =	vst v5;
	v4 =	vmax.f32 v4, $0.0e+00;
	v2 =	vadd.f32 v2, v7  }
0xe7: {  	[tilespmem:s2+$0x9F30] =	vst v4;
	v3 =	vmax.f32 v3, $0.0e+00;
	v1 =	vadd.f32 v1, v6  }
0xe8: {  	[tilespmem:s2+$0x9F40] =	vst v3;
	v2 =	vmax.f32 v2, $0.0e+00;
	v0 =	vadd.f32 v0, v10  }
0xe9: {  	[tilespmem:s2+$0x9F50] =	vst v2;
	v1 =	vmax.f32 v1, $0.0e+00  }
0xea: {  	[tilespmem:s2+$0x9F60] =	vst v1;
	v0 =	vmax.f32 v0, $0.0e+00  }
0xeb: {  	s0 =	simm.s32 $0x0;
	[tilespmem:s2+$0x9F70] =	vst v0  }
0xec: {  	[hbm4b:s11+s0] =	stream.linear.scatter [tilespmem:s19], [sflag:$0x5], $0x2800, $0x38;
	[tilespmem:$0xEF00] =	vst v63  }
0xed: {  	_ =	swait.ge [sflag:s14], $0x2800  }
0xee: {  	[sflag:s14] =	ssyncset.done $0x0  }
0xef: {  	[sflag:s14] =	ssyncadd.s32 $0xFFFFD800  }
0xf0: {  	_ =	swait.ge [sflag:s22], $0x2800  }
0xf1: {  	[sflag:s22] =	ssyncset.done $0x0  }
0xf2: {  	[sflag:s22] =	ssyncadd.s32 $0xFFFFD800  }
0xf3: {  	_ =	swait.ge [sflag:s23], $0x2800  }
0xf4: {  	[sflag:s23] =	ssyncset.done $0x0  }
0xf5: {  	s2 =	simm.s32 $0x0;
	[sflag:s23] =	ssyncadd.s32 $0xFFFFD800  }
0xf6: {  	v6 =	vld [tilespmem:s2+$0x7700]  }
0xf7: {  	v11 =	vld [tilespmem:s2+$0x7710]  }
0xf8: {  	v5 =	vld [tilespmem:s2+$0x7720]  }
0xf9: {  	v4 =	vld [tilespmem:s2+$0x7730]  }
0xfa: {  	v3 =	vld [tilespmem:s2+$0x7740]  }
0xfb: {  	v2 =	vld [tilespmem:s2+$0x7750]  }
0xfc: {  	v1 =	vld [tilespmem:s2+$0x7760]  }
0xfd: {  	v0 =	vld [tilespmem:s2+$0x7770]  }
0xfe: {  	v12 =	vld [tilespmem:s2+$0x4F00]  }
0xff: {  	v13 =	vld [tilespmem:s2+$0x4F10]  }
0x100: {  	v10 =	vld [tilespmem:s2+$0x4F20]  }
0x101: {  	v9 =	vld [tilespmem:s2+$0x4F30]  }
0x102: {  	v8 =	vld [tilespmem:s2+$0x4F40]  }
0x103: {  	v7 =	vld [tilespmem:s2+$0x4F50];
	v12 =	vadd.f32 v6, v12  }
0x104: {  	s0 =	simm.s32 $0x200;
	v11 =	vadd.f32 v11, v13;
	v6 =	vld [tilespmem:s2+$0x4F60]  }
.LBB2_12:
0x105: {  	s20 =	sshra.s32 s0, $0x2;
	p0 =	sne.s32 s0, $0x9E00;
	v12 =	vmax.f32 v12, $0.0e+00;
	v5 =	vadd.f32 v5, v10;
	v10 =	vld [tilespmem:s2+$0x4F70]  }
0x106: {  	v13 =	vld [tilespmem:s20+$0x7700];
	[tilespmem:s2+$0x4F00] =	vst v12;
	v11 =	vmax.f32 v11, $0.0e+00;
	v4 =	vadd.f32 v4, v9  }
0x107: {  	v14 =	vld [tilespmem:s20+$0x7710];
	[tilespmem:s2+$0x4F10] =	vst v11;
	v9 =	vmax.f32 v5, $0.0e+00;
	v3 =	vadd.f32 v3, v8  }
0x108: {  	v5 =	vld [tilespmem:s20+$0x7720];
	[tilespmem:s2+$0x4F20] =	vst v9;
	v8 =	vmax.f32 v4, $0.0e+00;
	v2 =	vadd.f32 v2, v7  }
0x109: {  	v4 =	vld [tilespmem:s20+$0x7730];
	[tilespmem:s2+$0x4F30] =	vst v8;
	v7 =	vmax.f32 v3, $0.0e+00;
	v1 =	vadd.f32 v1, v6  }
0x10a: {  	v3 =	vld [tilespmem:s20+$0x7740];
	[tilespmem:s2+$0x4F40] =	vst v7;
	v6 =	vmax.f32 v2, $0.0e+00;
	v0 =	vadd.f32 v0, v10  }
0x10b: {  	v2 =	vld [tilespmem:s20+$0x7750];
	[tilespmem:s2+$0x4F50] =	vst v6;
	v6 =	vmax.f32 v1, $0.0e+00  }
0x10c: {  	v1 =	vld [tilespmem:s20+$0x7760];
	[tilespmem:s2+$0x4F60] =	vst v6;
	v6 =	vmax.f32 v0, $0.0e+00  }
0x10d: {  	v0 =	vld [tilespmem:s20+$0x7770];
	[tilespmem:s2+$0x4F70] =	vst v6;
	s2 =	smov.u32 s20  }
0x10e: {  	v6 =	vld [tilespmem:s2+$0x4F00]  }
0x10f: {  	v11 =	vld [tilespmem:s2+$0x4F10]  }
.Ltmp5:
0x110: {  	v10 =	vld [tilespmem:s2+$0x4F20];
	(pc) =	sbr.rel @p0 .LBB2_12-.Ltmp5, $4  }
0x111: {  	v9 =	vld [tilespmem:s2+$0x4F30]  }
0x112: {  	v8 =	vld [tilespmem:s2+$0x4F40]  }
0x113: {  	v12 =	vadd.f32 v13, v6;
	v7 =	vld [tilespmem:s2+$0x4F50]  }
0x114: {  	s0 =	sadd.s32 $0x200, s0;
	v11 =	vadd.f32 v14, v11;
	v6 =	vld [tilespmem:s2+$0x4F60]  }
0x115: {  	v12 =	vmax.f32 v12, $0.0e+00;
	v5 =	vadd.f32 v5, v10;
	v63 =	vld [tilespmem:s2+$0x4F70]  }
0x116: {  	[tilespmem:s2+$0x4F00] =	vst v12;
	v11 =	vmax.f32 v11, $0.0e+00;
	v4 =	vadd.f32 v4, v9  }
0x117: {  	[tilespmem:s2+$0x4F10] =	vst v11;
	v5 =	vmax.f32 v5, $0.0e+00;
	v3 =	vadd.f32 v3, v8  }
0x118: {  	[tilespmem:s2+$0x4F20] =	vst v5;
	v4 =	vmax.f32 v4, $0.0e+00;
	v2 =	vadd.f32 v2, v7  }
0x119: {  	[tilespmem:s2+$0x4F30] =	vst v4;
	v3 =	vmax.f32 v3, $0.0e+00;
	v1 =	vadd.f32 v1, v6  }
0x11a: {  	[tilespmem:s2+$0x4F40] =	vst v3;
	v2 =	vmax.f32 v2, $0.0e+00;
	v0 =	vadd.f32 v0, v63  }
0x11b: {  	s29 =	sadd.s32 $0x1, s29;
	[tilespmem:s2+$0x4F50] =	vst v2;
	v1 =	vmax.f32 v1, $0.0e+00  }
0x11c: {  	p0 =	sne.s32 s29, s13;
	[tilespmem:s2+$0x4F60] =	vst v1;
	v0 =	vmax.f32 v0, $0.0e+00  }
.Ltmp6:
0x11d: {  	[tilespmem:s2+$0x4F70] =	vst v0;
	(pc) =	sbr.rel @p0 .LBB2_1-.Ltmp6, $4  }
0x11e: {  	[hbm4b:s12+s3] =	stream.linear.scatter [tilespmem:s17], [sflag:$0x5], $0x2800, $0x38;
	[tilespmem:$0xEF00] =	vst v63  }
0x11f: {  	_ =	swait.ge [sflag:s14], $0x2800  }
0x120: {  	[sflag:s14] =	ssyncset.done $0x0  }
0x121: {  	[sflag:s14] =	ssyncadd.s32 $0xFFFFD800  }
0x122: {  	_ =	sfence.sel $0x180000  }
0x123: {  	[bflag:$0x0] =	sbarrier.arrive $0xFFFF  }
0x124: {  	_ =	strace $0x9000004D  }
0x125: {  	s0 =	stileid.u32;
	[bflag:$0x2] =	sbarrier.arrive $0xFFFF  }
0x126: {  	p0 =	sne.s32 s0, $0x0;
	s0 =	rddreg [dreg:$0x3]  }
0x127: {  	s0 =	sadd.s32 @!p0 $0x100000, s0  }
0x128: {  	[sflag:s0] =	ssyncadd.tile.s32 @!p0 $0x1;
	_ =	shalt  }
.Lfunc_end2:
_tile_overlayer_lowered:
.L_overlay_start_2:
0x129: {  	(tag) =	ssettag $0x2  }
0x12a: {  	s0 =	rddreg [dreg:$0x0];
	s2 =	stileid.u32  }
0x12b: {  	s1 =	rddreg [dreg:$0x1];
	p0 =	sne.s32 s2, $0x0  }
0x12c: {  	s3 =	rddreg [dreg:$0x2];
	[bflag:$0x3] =	sbarrier.arrive $0xFFFF;
	s2 =	simm.s32 @!p0 $0x1C05  }
0x12d: {  	[timem:s3], [sflag:s2] =	dma.local @!p0 [hbm:s0], s1  }
0x12e: {  	s0 =	simm.s32 @!p0 $0x5  }
0x12f: {  	_ =	swait.ge @!p0 [sflag:s0], s1  }
0x130: {  	s1 =	ssub.s32 @!p0 $0x0, s1;
	[sflag:s0] =	ssyncset.done @!p0 $0x0  }
0x131: {  	[sflag:s0] =	ssyncadd.s32 @!p0 s1  }
0x132: {  	[bflag:$0x3] =	sbarrier.arrive $0xFFFF  }
0x133: {  	_ =	shalt  }

// kernel: kernel.8.cloned.1.call-start
scs
__scs_entry_jumppad:
0x0: {  	(pc) =	sbr.rel $0x88, $3  }
0x1: {  	(tag) =	ssettag $0x0;
	lr =	simm.s32 $0x1  }
0x2: {  	[smem:$0x3F8E] =	sst lr;
	_ =	strace $0xD0000000  }
0x3: {  	_ = 	snop  }
0x4: {  	_ = 	snop  }
0x5: {  	_ = 	snop  }
0x6: {  	_ = 	snop  }
0x7: {  	_ = 	snop  }
__scs_overlays_trampoline_lowered:
0x8: {  	[smem:$0x3F9D] =	sst s0  }
0x9: {  	[smem:$0x3F9E] =	sst s1  }
0xa: {  	[smem:$0x3F9F] =	sst s2  }
0xb: {  	[smem:$0x3FA0] =	sst s3  }
0xc: {  	[smem:$0x3FA1] =	sst s4  }
0xd: {  	[smem:$0x3FA2] =	sst s5  }
0xe: {  	[smem:$0x3FA3] =	sst s6  }
0xf: {  	[smem:$0x3FA4] =	sst s7  }
0x10: {  	[smem:$0x3FA5] =	sst s8  }
0x11: {  	[smem:$0x3FA6] =	sst s9;
	s0 =	simm.s32 @!p0 $0x0  }
0x12: {  	s1 =	sld [smem:$0x3F8C];
	s0 =	simm.s32 @p0 $0x1  }
0x13: {  	[smem:$0x3FA7] =	sst s0;
	s0 =	simm.s32 @!p1 $0x0  }
0x14: {  	s2 =	sld [smem:$0x3F8B];
	s0 =	simm.s32 @p1 $0x1  }
0x15: {  	[smem:$0x3FA8] =	sst s0;
	s0 =	simm.s32 @!p2 $0x0  }
0x16: {  	s3 =	sld [smem:$0x3FDB];
	s0 =	simm.s32 @p2 $0x1  }
0x17: {  	s4 =	simm.s32 $0x1BF5;
	[smem:$0x3FAA] =	sst s0  }
0x18: {  	s0 =	sld [smem:$0x3F8D];
	_ =	swait.ge [sflag:s4], $0x0  }
0x19: {  	s7 =	sld [smem:$0x3F8E]  }
0x1a: {  	s8 =	sadd.s32 $0xFFFFE003, lr  }
0x1b: {  	s9 =	sadd.s32 $0xFFFFFEF7, lr;
	s5 =	simm.s32 $0xFFFFFFFF;
	p2 =	slt.u32 s8, $0xFFFFF086  }
0x1c: {  	p1 =	slt.u32 s9, $0xF7A;
	s5 =	simm.s32 @!p2 $0x0  }
0x1d: {  	s5 =	simm.s32 @p1 $0x1;
	p0 =	seq.s32 s7, s2  }
0x1e: {  	s7 =	smul.u32 @!p0 $0xF7A, s2;
	p2 =	seq.s32 @!p0 s5, $0x0  }
0x1f: {  	s9 =	smul.u32 $0xF7A, s1;
	s8 =	simm.s32 @!p0 $0x1BF5;
	p2 =	por !p2, p0  }
0x20: {  	[sflag:s8] =	ssyncset.s32 @!p0 $0xFFFFF086;
	s6 =	sadd.s32 @!p0 s3, s7;
	s7 =	simm.s32 @!p0 $0x108  }
0x21: {  	s3 =	sadd.s32 s3, s9;
	s6 =	sadd.s32 @!p0 $0x88, s6;
	s7 =	simm.s32 @p2 $0x1082  }
0x22: {  	[simem:s7], [sflag:s8] =	dma.local @!p0 [hbm:s6], $0xF7A  }
0x23: {  	s9 =	sor.u32 $0xD0000000, s2;
	s6 =	simm.s32 $0x108;
	_ =	swait.ge @!p0 [sflag:s8], $0x0  }
0x24: {  	s3 =	sadd.s32 $0x88, s3;
	s6 =	simm.s32 @!p1 $0x1082;
	[sflag:s4] =	ssyncset.s32 $0xFFFFF086  }
0x25: {  	[simem:s6], [sflag:s4] =	dma.local [hbm:s3], $0xF7A  }
0x26: {  	[smem:$0x3F8E] =	sst s1;
	(tag) =	ssettag s2;
	_ =	strace s9  }
0x27: {  	s1 =	sld [smem:$0x3F9E]  }
0x28: {  	s2 =	sld [smem:$0x3F9F]  }
0x29: {  	s4 =	sld [smem:$0x3FA1]  }
0x2a: {  	p0 =	seq.s32 s5, $0x0;
	s5 =	sld [smem:$0x3FA2]  }
0x2b: {  	s6 =	sld [smem:$0x3FA3]  }
0x2c: {  	s7 =	sld [smem:$0x3FA4]  }
0x2d: {  	s3 =	simm.s32 $0x108;
	s8 =	sld [smem:$0x3FA5]  }
0x2e: {  	s3 =	simm.s32 @!p0 $0x1082;
	s9 =	sld [smem:$0x3FA6]  }
0x2f: {  	lr =	sadd.s32 s0, s3;
	s0 =	sld [smem:$0x3F9D]  }
0x30: {  	s3 =	sld [smem:$0x3FA0]  }
0x31: {  	[smem:$0x3FA9] =	sst s10  }
0x32: {  	s10 =	sld [smem:$0x3FA7];
	_ =	sdelay $0x3  }
0x33: {  	p0 =	seq.s32 s10, $0x1;
	s10 =	sld [smem:$0x3FA9];
	_ =	sdelay $0x3  }
0x34: {  	[smem:$0x3FA9] =	sst s10  }
0x35: {  	s10 =	sld [smem:$0x3FA8];
	_ =	sdelay $0x3  }
0x36: {  	p1 =	seq.s32 s10, $0x1;
	s10 =	sld [smem:$0x3FA9];
	_ =	sdelay $0x3  }
0x37: {  	[smem:$0x3FA9] =	sst s10  }
0x38: {  	s10 =	sld [smem:$0x3FAA]  }
0x39: {  	_ = 	snop;
	(pc) =	sbr.ind lr, $3  }
0x3a: {  	_ = 	snop  }
0x3b: {  	_ = 	snop  }
0x3c: {  	p2 =	seq.s32 s10, $0x1;
	s10 =	sld [smem:$0x3FA9]  }
0x3d: {  	_ =	shalt  }
0x3e: {  	_ =	shalt  }
0x3f: {  	_ =	shalt  }
0x40: {  	_ =	shalt  }
0x41: {  	_ =	shalt  }
0x42: {  	_ =	shalt  }
0x43: {  	_ =	shalt  }
0x44: {  	_ =	shalt  }
0x45: {  	_ =	shalt  }
0x46: {  	_ =	shalt  }
0x47: {  	_ =	shalt  }
0x48: {  	_ =	shalt  }
0x49: {  	_ =	shalt  }
0x4a: {  	_ =	shalt  }
0x4b: {  	_ =	shalt  }
0x4c: {  	_ =	shalt  }
0x4d: {  	_ =	shalt  }
0x4e: {  	_ =	shalt  }
0x4f: {  	_ =	shalt  }
0x50: {  	_ =	shalt  }
0x51: {  	_ =	shalt  }
0x52: {  	_ =	shalt  }
0x53: {  	_ =	shalt  }
0x54: {  	_ =	shalt  }
0x55: {  	_ =	shalt  }
0x56: {  	_ =	shalt  }
0x57: {  	_ =	shalt  }
0x58: {  	_ =	shalt  }
0x59: {  	_ =	shalt  }
0x5a: {  	_ =	shalt  }
0x5b: {  	_ =	shalt  }
0x5c: {  	_ =	shalt  }
0x5d: {  	_ =	shalt  }
0x5e: {  	_ =	shalt  }
0x5f: {  	_ =	shalt  }
0x60: {  	_ =	shalt  }
0x61: {  	_ =	shalt  }
0x62: {  	_ =	shalt  }
0x63: {  	_ =	shalt  }
0x64: {  	_ =	shalt  }
0x65: {  	_ =	shalt  }
0x66: {  	_ =	shalt  }
0x67: {  	_ =	shalt  }
0x68: {  	_ =	shalt  }
0x69: {  	_ =	shalt  }
0x6a: {  	_ =	shalt  }
0x6b: {  	_ =	shalt  }
0x6c: {  	_ =	shalt  }
0x6d: {  	_ =	shalt  }
0x6e: {  	_ =	shalt  }
0x6f: {  	_ =	shalt  }
0x70: {  	_ =	shalt  }
0x71: {  	_ =	shalt  }
0x72: {  	_ =	shalt  }
0x73: {  	_ =	shalt  }
0x74: {  	_ =	shalt  }
0x75: {  	_ =	shalt  }
0x76: {  	_ =	shalt  }
0x77: {  	_ =	shalt  }
0x78: {  	_ =	shalt  }
0x79: {  	_ =	shalt  }
0x7a: {  	_ =	shalt  }
0x7b: {  	_ =	shalt  }
0x7c: {  	_ =	shalt  }
0x7d: {  	_ =	shalt  }
0x7e: {  	_ =	shalt  }
0x7f: {  	_ =	shalt  }
0x80: {  	_ =	shalt  }
0x81: {  	_ =	shalt  }
0x82: {  	_ =	shalt  }
0x83: {  	_ =	shalt  }
0x84: {  	_ =	shalt  }
0x85: {  	_ =	shalt  }
0x86: {  	_ =	shalt  }
0x87: {  	_ =	shalt  }
.Lfunc_end0:
.L_simem_size_0:
called_computation_lowered:
.L_overlay_start_0:
0x88: {  	s2 =	sld [smem:$0x3FD9]  }
0x89: {  	s3 =	sld [smem:$0x3FFE];
	_ =	sdelay $0x1  }
0x8a: {  	s1 =	srdreg.scid  }
0x8b: {  	s0 =	sand.u32 $0x1, s1  }
0x8c: {  	s14 =	sshll.u32 s0, $0xA;
	s2 =	sadd.s32 s3, s2  }
0x8d: {  	s2 =	sadd.s32 s2, s14  }
0x8e: {  	[smem:$0x3FB5] =	sst s2  }
0x8f: {  	_ = 	snop  }
0x90: {  	s2 =	sld [smem:$0x3FD0];
	_ =	sdelay $0x2  }
0x91: {  	s15 =	simm.s32 $0xA;
	s4 =	simm.s32 $0x10  }
0x92: {  	[smem:s4], [sflag:s15] =	dma.local [hbm:s2], $0x1  }
0x93: {  	_ =	swait.eq [sflag:s15], $0x1  }
0x94: {  	[sflag:s15] =	ssyncset.done $0x0  }
0x95: {  	s16 =	sld [smem:$0x10];
	[sflag:s15] =	ssyncadd.s32 $0xFFFFFFFF  }
0x96: {  	s17 =	sld [smem:$0x11];
	(tm) =	ssettm $0x1  }
0x97: {  	s18 =	sld [smem:$0x3FFB];
	_ =	sdelay $0x3  }
0x98: {  	_ =	strace s18  }
0x99: {  	s4 =	sld [smem:$0x3FFC];
	_ =	sdelay $0x3  }
0x9a: {  	_ =	strace s4  }
0x9b: {  	s4 =	sld [smem:$0x3FFD];
	_ =	sdelay $0x3  }
0x9c: {  	_ =	strace s4  }
0x9d: {  	_ =	strace $0x8FFFFFFF  }
0x9e: {  	s19 =	sld [smem:$0x3FDB];
	_ =	sdelay $0x1  }
0x9f: {  	s5 =	simm.s32 $_scs_section_size  }
0xa0: {  	s6 =	simm.s32 $_size__tile_overlayer_lowered;
	s7 =	simm.s32 $_tile_overlayer_lowered  }
0xa1: {  	s22 =	simm.s32 $0x1BFF;
	s21 =	sshll.u32 s7, $0x1;
	s4 =	sadd.s32 s5, s19  }
0xa2: {  	s8 =	simm.s32 $0x0;
	s20 =	sshll.u32 s6, $0x1;
	s6 =	sadd.s32 s21, s4  }
0xa3: {  	[timem:s8], [sflag:s22] =	dma.local [hbm:s6], s20  }
0xa4: {  	_ =	swait.ge [sflag:s22], s20  }
0xa5: {  	s5 =	ssub.s32 $0x0, s20;
	[sflag:s22] =	ssyncset.done $0x0  }
0xa6: {  	[sflag:s22] =	ssyncadd.s32 s5;
	_ =	sdelay $0x1  }
0xa7: {  	s23 =	simm.s32 $0x1B8B  }
0xa8: {  	_ =	swait.ge [sflag:s23], $0x1  }
0xa9: {  	[sflag:s23] =	ssyncset.done $0x0  }
0xaa: {  	s25 =	simm.s32 $0x1B8E;
	s24 =	sld [smem:$0x3FFE];
	[sflag:s23] =	ssyncadd.s32 $0xFFFFFFFF  }
0xab: {  	s26 =	simm.s32 $execute0_lowered;
	[smem:$0x3FD2] =	sst s25  }
0xac: {  	s6 =	sshll.u32 s26, $0x1;
	_ =	strace $0x80000046;
	[dreg:$0x1] =	wrdreg $0xFFFFFFFF  }
0xad: {  	s28 =	simm.s32 $_size_execute0_lowered;
	s4 =	sadd.s32 s4, s6;
	[dreg:$0x0] =	wrdreg $0x0  }
0xae: {  	s6 =	sshll.u32 s28, $0x1;
	[dreg:$0x2] =	wrdreg s4  }
0xaf: {  	[dreg:$0x3] =	wrdreg s6  }
0xb0: {  	[dreg:$0x4] =	wrdreg $0xC0  }
0xb1: {  	_ =	task [dreg:s8], $0x5FFFF  }
0xb2: {  	[dreg:$0x1] =	wrdreg $0xFFFFFFFF  }
0xb3: {  	[dreg:$0x0] =	wrdreg $0x60  }
0xb4: {  	[dreg:$0x2] =	wrdreg s24  }
0xb5: {  	[dreg:$0x3] =	wrdreg s16  }
0xb6: {  	[dreg:$0x4] =	wrdreg s17  }
0xb7: {  	[dreg:$0x5] =	wrdreg $0x7A000  }
0xb8: {  	[dreg:$0x6] =	wrdreg $0x9  }
0xb9: {  	_ =	task.clear_ibuf [dreg:s8], $0x7FFFF;
	_ =	strace $0x90000046  }
0xba: {  	s29 =	simm.s32 $0x9;
	_ =	strace $0x80000048  }
0xbb: {  	_ =	swait.ge [sflag:s29], $0x1  }
0xbc: {  	[sflag:s29] =	ssyncadd.s32 $0xFFFFFFFF  }
0xbd: {  	_ =	strace $0x90000048  }
0xbe: {  	_ =	sfence  }
0xbf: {  	s30 =	sld [smem:$0x0];
	_ =	sdelay $0x2  }
0xc0: {  	s31 =	sshll.u32 s1, $0xD;
	s1 =	sshrl.u32 s1, $0x2  }
0xc1: {  	s3 =	sand.u32 $0x4000, s31;
	s1 =	sadd.s32 s1, s30  }
0xc2: {  	s0 =	sor.u32 s3, s0;
	s1 =	sshll.u32 s1, $0x11  }
0xc3: {  	s0 =	sor.u32 s1, s0  }
0xc4: {  	s0 =	sadd.s32 $0x8F2B, s0  }
0xc5: {  	[sflag:s0] =	ssyncadd.remote.s32 $0x1  }
0xc6: {  	_ =	sfence.sel $0xFFFF  }
0xc7: {  	[dreg:$0x0] =	wrdreg $0xFFFFFFFF;
	(pc) =	sbr.abs _section_cstart, $3  }
0xc8: {  	[dreg:$0x1] =	wrdreg $0xFFFFFFFF  }
0xc9: {  	_ =	task.clear_ibuf [dreg:s8], $0x2FFFF;
	_ =	strace $0x9FFFFFFF  }
0xca: {  	(tm) =	ssettm $0x7FFFFFFF  }
0xcb: {  	_ =	shalt  }
tec
execute0_lowered:
.L_overlay_start_1:
0x0: {  	(tag) =	ssettag $0x1  }
0x1: {  	s0 =	rddreg [dreg:$0x0]  }
0x2: {  	s1 =	srdreg.scid;
	s4 =	rddreg [dreg:$0x2]  }
0x3: {  	s21 =	stileid.u32;
	s3 =	sand.u32 $0x1, s1;
	s1 =	simm.s32 $0x0  }
0x4: {  	s6 =	smul.u32 $0x14000, s21;
	s26 =	sadd.s32 $0x36600, s0;
	s2 =	ssub.s32 $0x2, s3  }
0x5: {  	[smem:$0x7FF] =	sst s1;
	s8 =	smul.u32 $0x140000, s3;
	s5 =	sshrl.u32 s2, $0x1  }
0x6: {  	s7 =	sadd.s32 $0x5000, s6;
	s9 =	sadd.s32 $0x7800, s6;
	s10 =	sadd.s32 $0xA000, s6  }
0x7: {  	s11 =	sadd.s32 $0xC800, s6;
	s12 =	sadd.s32 $0xF000, s6;
	s2 =	ssub.s32 s2, s5  }
0x8: {  	s5 =	sor.u32 $0x2800, s6;
	s13 =	sadd.s32 s6, s8;
	s6 =	sadd.s32 $0x11800, s6  }
0x9: {  	s20 =	sadd.s32 s8, s7;
	s16 =	sadd.s32 s8, s9;
	s13 =	sshrl.u32 s13, $0x3  }
0xa: {  	s17 =	sadd.s32 s8, s10;
	s16 =	sshrl.u32 s16, $0x3;
	s15 =	sadd.s32 s4, s13  }
0xb: {  	s17 =	sshrl.u32 s17, $0x3;
	s22 =	sadd.s32 s4, s16;
	[dreg:$0x5] =	wrdreg s15  }
0xc: {  	s24 =	sadd.s32 s8, s11;
	s23 =	sadd.s32 s4, s17;
	[dreg:$0x8] =	wrdreg s22  }
0xd: {  	s14 =	sadd.s32 s8, s5;
	s13 =	sadd.s32 s26, s13;
	[dreg:$0x9] =	wrdreg s23  }
0xe: {  	s14 =	sshrl.u32 s14, $0x3;
	s16 =	sadd.s32 s26, s16;
	[dreg:$0xd] =	wrdreg s13  }
0xf: {  	s2 =	smax.u32 s2, $0x1;
	s19 =	sadd.s32 s4, s14;
	[dreg:$0x10] =	wrdreg s16  }
0x10: {  	s15 =	sshrl.u32 s20, $0x3;
	s14 =	sadd.s32 s26, s14;
	[dreg:$0x6] =	wrdreg s19  }
0x11: {  	s18 =	sadd.s32 s4, s15;
	s19 =	sadd.s32 s8, s12;
	[dreg:$0xe] =	wrdreg s14  }
0x12: {  	s8 =	sadd.s32 s8, s6;
	s15 =	sadd.s32 s26, s15;
	[dreg:$0x7] =	wrdreg s18  }
0x13: {  	s18 =	sshrl.u32 s24, $0x3;
	s19 =	sshrl.u32 s19, $0x3;
	[dreg:$0xf] =	wrdreg s15  }
0x14: {  	s20 =	sadd.s32 s4, s18;
	s22 =	sadd.s32 s26, s18;
	s18 =	rddreg [dreg:$0x1]  }
0x15: {  	s8 =	sshrl.u32 s8, $0x3;
	s25 =	sadd.s32 s4, s19;
	[dreg:$0xa] =	wrdreg s20  }
0x16: {  	s24 =	smul.u32 $0x27100, s3;
	s4 =	sadd.s32 s4, s8;
	[dreg:$0xb] =	wrdreg s25  }
0x17: {  	s3 =	sshll.u32 s3, $0x4;
	s23 =	sadd.s32 s26, s19;
	[dreg:$0xc] =	wrdreg s4  }
0x18: {  	s3 =	sor.u32 s21, s3;
	s20 =	sadd.s32 s26, s17;
	[dreg:$0x12] =	wrdreg s22  }
0x19: {  	[dreg:$0x13] =	wrdreg s23;
	s4 =	sadd.s32 s26, s8;
	s25 =	smul.u32 $0x2710, s21  }
0x1a: {  	s26 =	smul.u32 $0x50000, s21;
	s21 =	sadd.s32 $0xF400, s0;
	[dreg:$0x11] =	wrdreg s20  }
0x1b: {  	s22 =	sadd.s32 $0x5600, s0;
	s23 =	sadd.s32 $0x2A7600, s0;
	[dreg:$0x14] =	wrdreg s4  }
0x1c: {  	s20 =	rddreg [dreg:$0x3];
	s4 =	sadd.s32 s25, s24;
	_ =	strace $0x80000047  }
0x1d: {  	s8 =	sshrl.u32 s26, $0x2;
	s25 =	smul.u32 $0x2710, s3;
	s24 =	sadd.s32 s5, s20  }
0x1e: {  	s28 =	sadd.s32 s7, s20;
	s29 =	sadd.s32 s9, s20;
	s30 =	sadd.s32 s10, s20  }
0x1f: {  	s17 =	sadd.s32 s11, s20;
	s0 =	sadd.s32 s12, s20;
	s31 =	sadd.s32 s6, s20  }
0x20: {  	[dreg:$0x1d] =	wrdreg s2;
	s2 =	simm.s32 $0x2A00;
	s6 =	simm.s32 $0x0  }
0x21: {  	s26 =	sadd.s32 s8, s20;
	s14 =	sadd.s32 $0xF0, s4;
	s19 =	sadd.s32 $0xA0, s4  }
0x22: {  	s4 =	simm.s32 $0x2;
	[dreg:$0x15] =	wrdreg s24;
	s3 =	sshrl.u32 s25, $0x3  }
0x23: {  	s16 =	sshrl.u32 s14, $0x3;
	[dreg:$0x1e] =	wrdreg s19;
	s14 =	simm.s32 $0x80  }
0x24: {  	s19 =	simm.s32 $0x180;
	[dreg:$0x16] =	wrdreg s26;
	s12 =	sadd.s32 s22, s3  }
0x25: {  	s10 =	sadd.s32 $0xA, s3;
	s13 =	sadd.s32 s18, s3;
	[dreg:$0x19] =	wrdreg s12  }
0x26: {  	s3 =	sadd.s32 $0x4D8, s3;
	s11 =	sadd.s32 s22, s10;
	[dreg:$0x1a] =	wrdreg s13  }
0x27: {  	s9 =	sadd.s32 s16, s18;
	s5 =	sadd.s32 s18, s10;
	[dreg:$0x17] =	wrdreg s11  }
0x28: {  	s15 =	sadd.s32 s22, s3;
	s3 =	sadd.s32 s18, s3;
	[dreg:$0x18] =	wrdreg s5  }
0x29: {  	s10 =	sadd.s32 s16, s22;
	s12 =	simm.s32 $0x200;
	[dreg:$0x1b] =	wrdreg s15  }
0x2a: {  	s13 =	simm.s32 $0x3;
	s16 =	simm.s32 $0x100;
	[dreg:$0x1c] =	wrdreg s3  }
0x2b: {  	v0 =	vimm.f32 $0.0e+00;
	s15 =	simm.s32 $0x50;
	s3 =	simm.s32 $0x1;
	s5 =	simm.s32 $0x5200  }
.LBB2_1:
0x2c: {  	s7 =	simm.s32 $0x0;
	s8 =	simm.s32 $0x200  }
.LBB2_2:
0x2d: {  	p0 =	sne.s32 s8, $0x9E00;
	[tilespmem:s7+$0x270] =	vst v0  }
0x2e: {  	[tilespmem:s7+$0x200] =	vst v0  }
0x2f: {  	[tilespmem:s7+$0x210] =	vst v0  }
.Ltmp0:
0x30: {  	[tilespmem:s7+$0x220] =	vst v0;
	(pc) =	sbr.rel @p0 .LBB2_2-.Ltmp0, $4  }
0x31: {  	[tilespmem:s7+$0x230] =	vst v0  }
0x32: {  	[tilespmem:s7+$0x240] =	vst v0  }
0x33: {  	[tilespmem:s7+$0x250] =	vst v0  }
0x34: {  	[tilespmem:s7+$0x260] =	vst v0;
	s7 =	sshra.s32 s8, $0x2;
	s8 =	sadd.s32 $0x200, s8  }
0x35: {  	[tilespmem:s7+$0x270] =	vst v0  }
0x36: {  	[tilespmem:s7+$0x200] =	vst v0  }
0x37: {  	[tilespmem:s7+$0x210] =	vst v0  }
0x38: {  	[tilespmem:s7+$0x220] =	vst v0  }
0x39: {  	[tilespmem:s7+$0x230] =	vst v0  }
0x3a: {  	[tilespmem:s7+$0x240] =	vst v0  }
0x3b: {  	[tilespmem:s7+$0x250] =	vst v0  }
0x3c: {  	[tilespmem:s7+$0x260] =	vst v0  }
0x3d: {  	[spmem:s26] =	stream.linear.scatter [tilespmem:s12], [sflag:$0x3], $0x2800, $0x38;
	[tilespmem:$0x1BA00] =	vst v63  }
0x3e: {  	_ =	swait.ge [sflag:s13], $0x2800  }
0x3f: {  	[sflag:s13] =	ssyncset.done $0x0  }
0x40: {  	[sflag:s13] =	ssyncadd.s32 $0xFFFFD800  }
0x41: {  	[spmem:s24] =	stream.linear.scatter [tilespmem:s12], [sflag:$0x3], $0x2800, $0x38;
	[tilespmem:$0x1BA00] =	vst v63  }
0x42: {  	_ =	swait.ge [sflag:s13], $0x2800  }
0x43: {  	[sflag:s13] =	ssyncset.done $0x0  }
0x44: {  	[sflag:s13] =	ssyncadd.s32 $0xFFFFD800  }
0x45: {  	[spmem:s28] =	stream.linear.scatter [tilespmem:s12], [sflag:$0x3], $0x2800, $0x38;
	[tilespmem:$0x1BA00] =	vst v63  }
0x46: {  	_ =	swait.ge [sflag:s13], $0x2800  }
0x47: {  	[sflag:s13] =	ssyncset.done $0x0  }
0x48: {  	[sflag:s13] =	ssyncadd.s32 $0xFFFFD800  }
0x49: {  	[spmem:s29] =	stream.linear.scatter [tilespmem:s12], [sflag:$0x3], $0x2800, $0x38;
	[tilespmem:$0x1BA00] =	vst v63  }
0x4a: {  	_ =	swait.ge [sflag:s13], $0x2800  }
0x4b: {  	[sflag:s13] =	ssyncset.done $0x0  }
0x4c: {  	[sflag:s13] =	ssyncadd.s32 $0xFFFFD800  }
0x4d: {  	[spmem:s30] =	stream.linear.scatter [tilespmem:s12], [sflag:$0x3], $0x2800, $0x38;
	[tilespmem:$0x1BA00] =	vst v63  }
0x4e: {  	_ =	swait.ge [sflag:s13], $0x2800  }
0x4f: {  	[sflag:s13] =	ssyncset.done $0x0  }
0x50: {  	[sflag:s13] =	ssyncadd.s32 $0xFFFFD800  }
0x51: {  	[spmem:s17] =	stream.linear.scatter [tilespmem:s12], [sflag:$0x3], $0x2800, $0x38;
	[tilespmem:$0x1BA00] =	vst v63  }
0x52: {  	_ =	swait.ge [sflag:s13], $0x2800  }
0x53: {  	[sflag:s13] =	ssyncset.done $0x0  }
0x54: {  	[sflag:s13] =	ssyncadd.s32 $0xFFFFD800  }
0x55: {  	[spmem:s0] =	stream.linear.scatter [tilespmem:s12], [sflag:$0x3], $0x2800, $0x38;
	[tilespmem:$0x1BA00] =	vst v63  }
0x56: {  	_ =	swait.ge [sflag:s13], $0x2800  }
0x57: {  	[sflag:s13] =	ssyncset.done $0x0  }
0x58: {  	[sflag:s13] =	ssyncadd.s32 $0xFFFFD800  }
0x59: {  	[spmem:s31] =	stream.linear.scatter [tilespmem:s12], [sflag:$0x3], $0x2800, $0x38;
	[tilespmem:$0x1BA00] =	vst v63  }
0x5a: {  	_ =	swait.ge [sflag:s13], $0x2800  }
0x5b: {  	[sflag:s13] =	ssyncset.done $0x0  }
0x5c: {  	[sflag:s13] =	ssyncadd.s32 $0xFFFFD800  }
0x5d: {  	[bflag:$0x0] =	sbarrier.arrive $0xFFFF  }
0x5e: {  	s7 =	simm.s32 $0x0;
	s8 =	rddreg [dreg:$0x19]  }
0x5f: {  	[tilespmem:s7], [sflag:$0x3] =	stream.linear.gather [hbm4b:s8+s7], $0x50, $0x38;
	[tilespmem:$0x1BA00] =	vst v63  }
0x60: {  	_ =	swait.ge [sflag:s13], $0x50  }
0x61: {  	[sflag:s13] =	ssyncset.done $0x0  }
0x62: {  	s24 =	rddreg [dreg:$0x1a];
	[sflag:s13] =	ssyncadd.s32 $0xFFFFFFB0  }
0x63: {  	[tilespmem:s14], [sflag:$0x3] =	stream.linear.gather [hbm4b:s24+s7], $0x50, $0x38;
	[tilespmem:$0x1BA00] =	vst v63  }
0x64: {  	_ =	swait.ge [sflag:s13], $0x50  }
0x65: {  	[sflag:s13] =	ssyncset.done $0x0  }
0x66: {  	[sflag:s13] =	ssyncadd.s32 $0xFFFFFFB0  }
0x67: {  	[tilespmem:s12], [sflag:$0x1] =	stream.indirect.gather [hbm4b:s21+s15], $0x80, s7, s15, $0xb8;
	[tilespmem:$0x1BA00] =	vst v63  }
0x68: {  	s26 =	rddreg [dreg:$0x17]  }
0x69: {  	[tilespmem:s16], [sflag:$0x3] =	stream.linear.gather [hbm4b:s26+s7], $0x50, $0x38;
	[tilespmem:$0x1BA00] =	vst v63  }
0x6a: {  	_ =	swait.ge [sflag:s13], $0x50  }
0x6b: {  	[sflag:s13] =	ssyncset.done $0x0  }
0x6c: {  	s11 =	rddreg [dreg:$0x18];
	[sflag:s13] =	ssyncadd.s32 $0xFFFFFFB0  }
0x6d: {  	[tilespmem:s19], [sflag:$0x3] =	stream.linear.gather [hbm4b:s11+s7], $0x50, $0x38;
	[tilespmem:$0x1BA00] =	vst v63  }
0x6e: {  	_ =	swait.ge [sflag:s13], $0x50  }
0x6f: {  	[sflag:s13] =	ssyncset.done $0x0  }
0x70: {  	[sflag:s13] =	ssyncadd.s32 $0xFFFFFFB0  }
0x71: {  	[tilespmem:s2], [sflag:$0x2] =	stream.indirect.gather [hbm4b:s21+s15], $0x80, s16, s15, $0xb8;
	[tilespmem:$0x1BA00] =	vst v63  }
0x72: {  	_ =	swait.ge [sflag:s3], $0x2800  }
0x73: {  	[sflag:s3] =	ssyncset.done $0x0  }
0x74: {  	[sflag:s3] =	ssyncadd.s32 $0xFFFFD800  }
0x75: {  	[spmem:s20] =	stream.indirect.scatter.add.f32 [tilespmem:s12], [sflag:$0x3], $0x80, s14, s15, $0xb8;
	[tilespmem:$0x1BA00] =	vst v63  }
0x76: {  	_ =	swait.ge [sflag:s13], $0x2800  }
0x77: {  	s11 =	rddreg [dreg:$0x1e]  }
0x78: {  	[sflag:s13] =	ssyncset.done $0x0;
	s24 =	sshrl.u32 s11, $0x3  }
0x79: {  	[sflag:s13] =	ssyncadd.s32 $0xFFFFD800;
	s26 =	sadd.s32 s22, s24  }
0x7a: {  	[tilespmem:s1], [sflag:$0x3] =	stream.linear.gather [hbm4b:s26+s1], $0x50, $0x38;
	[tilespmem:$0x1BA00] =	vst v63  }
0x7b: {  	_ =	swait.ge [sflag:s13], $0x50  }
0x7c: {  	[sflag:s13] =	ssyncset.done $0x0  }
0x7d: {  	s7 =	sadd.s32 s18, s24;
	[sflag:s13] =	ssyncadd.s32 $0xFFFFFFB0  }
0x7e: {  	[tilespmem:s14], [sflag:$0x3] =	stream.linear.gather [hbm4b:s7+s1], $0x50, $0x38;
	[tilespmem:$0x1BA00] =	vst v63  }
0x7f: {  	_ =	swait.ge [sflag:s13], $0x50  }
0x80: {  	[sflag:s13] =	ssyncset.done $0x0  }
0x81: {  	[sflag:s13] =	ssyncadd.s32 $0xFFFFFFB0  }
0x82: {  	[tilespmem:s12], [sflag:$0x1] =	stream.indirect.gather [hbm4b:s21+s15], $0x80, s1, s15, $0xb8;
	[tilespmem:$0x1BA00] =	vst v63  }
0x83: {  	_ =	swait.ge [sflag:s4], $0x2800  }
0x84: {  	[sflag:s4] =	ssyncset.done $0x0  }
0x85: {  	[sflag:s4] =	ssyncadd.s32 $0xFFFFD800  }
0x86: {  	[spmem:s20] =	stream.indirect.scatter.add.f32 [tilespmem:s2], [sflag:$0x3], $0x80, s19, s15, $0xb8;
	[tilespmem:$0x1BA00] =	vst v63  }
0x87: {  	_ =	swait.ge [sflag:s13], $0x2800  }
0x88: {  	[sflag:s13] =	ssyncset.done $0x0  }
0x89: {  	s24 =	sadd.s32 $0x0, s10;
	[sflag:s13] =	ssyncadd.s32 $0xFFFFD800  }
0x8a: {  	[tilespmem:s16], [sflag:$0x3] =	stream.linear.gather [hbm4b:s24+s1], $0x50, $0x38;
	[tilespmem:$0x1BA00] =	vst v63  }
0x8b: {  	_ =	swait.ge [sflag:s13], $0x50  }
0x8c: {  	[sflag:s13] =	ssyncset.done $0x0  }
0x8d: {  	s26 =	sadd.s32 $0x0, s9;
	[sflag:s13] =	ssyncadd.s32 $0xFFFFFFB0  }
0x8e: {  	[tilespmem:s19], [sflag:$0x3] =	stream.linear.gather [hbm4b:s26+s1], $0x50, $0x38;
	[tilespmem:$0x1BA00] =	vst v63  }
0x8f: {  	_ =	swait.ge [sflag:s13], $0x50  }
0x90: {  	[sflag:s13] =	ssyncset.done $0x0  }
0x91: {  	s8 =	sadd.s32 $0xA0, s11;
	s7 =	simm.s32 $0x14;
	[sflag:s13] =	ssyncadd.s32 $0xFFFFFFB0  }
.LBB2_4:
0x92: {  	[tilespmem:s2], [sflag:$0x2] =	stream.indirect.gather [hbm4b:s21+s15], $0x80, s16, s15, $0xb8;
	[tilespmem:$0x1BA00] =	vst v63  }
0x93: {  	s11 =	smov.u32 s7  }
0x94: {  	p0 =	sne.s32 s7, $0x4B0;
	s7 =	sadd.s32 $0x14, s7;
	_ =	swait.ge [sflag:s3], $0x2800  }
0x95: {  	[sflag:s3] =	ssyncset.done $0x0  }
0x96: {  	[sflag:s3] =	ssyncadd.s32 $0xFFFFD800  }
0x97: {  	[spmem:s20] =	stream.indirect.scatter.add.f32 [tilespmem:s12], [sflag:$0x3], $0x80, s14, s15, $0xb8;
	[tilespmem:$0x1BA00] =	vst v63  }
0x98: {  	_ =	swait.ge [sflag:s13], $0x2800  }
0x99: {  	s24 =	sshrl.u32 s8, $0x3;
	[sflag:s13] =	ssyncset.done $0x0  }
0x9a: {  	s26 =	sadd.s32 s22, s24;
	[sflag:s13] =	ssyncadd.s32 $0xFFFFD800  }
0x9b: {  	[tilespmem:s1], [sflag:$0x3] =	stream.linear.gather [hbm4b:s26+s1], $0x50, $0x38;
	[tilespmem:$0x1BA00] =	vst v63  }
0x9c: {  	_ =	swait.ge [sflag:s13], $0x50  }
0x9d: {  	[sflag:s13] =	ssyncset.done $0x0  }
0x9e: {  	s24 =	sadd.s32 s18, s24;
	[sflag:s13] =	ssyncadd.s32 $0xFFFFFFB0  }
0x9f: {  	[tilespmem:s14], [sflag:$0x3] =	stream.linear.gather [hbm4b:s24+s1], $0x50, $0x38;
	[tilespmem:$0x1BA00] =	vst v63  }
0xa0: {  	_ =	swait.ge [sflag:s13], $0x50  }
0xa1: {  	[sflag:s13] =	ssyncset.done $0x0  }
0xa2: {  	[sflag:s13] =	ssyncadd.s32 $0xFFFFFFB0  }
0xa3: {  	[tilespmem:s12], [sflag:$0x1] =	stream.indirect.gather [hbm4b:s21+s15], $0x80, s1, s15, $0xb8;
	[tilespmem:$0x1BA00] =	vst v63  }
0xa4: {  	_ =	swait.ge [sflag:s4], $0x2800  }
0xa5: {  	[sflag:s4] =	ssyncset.done $0x0  }
0xa6: {  	[sflag:s4] =	ssyncadd.s32 $0xFFFFD800  }
0xa7: {  	[spmem:s20] =	stream.indirect.scatter.add.f32 [tilespmem:s2], [sflag:$0x3], $0x80, s19, s15, $0xb8;
	[tilespmem:$0x1BA00] =	vst v63  }
0xa8: {  	_ =	swait.ge [sflag:s13], $0x2800  }
0xa9: {  	[sflag:s13] =	ssyncset.done $0x0  }
0xaa: {  	s24 =	sadd.s32 s11, s10;
	[sflag:s13] =	ssyncadd.s32 $0xFFFFD800  }
0xab: {  	[tilespmem:s16], [sflag:$0x3] =	stream.linear.gather [hbm4b:s24+s1], $0x50, $0x38;
	[tilespmem:$0x1BA00] =	vst v63  }
0xac: {  	_ =	swait.ge [sflag:s13], $0x50  }
0xad: {  	[sflag:s13] =	ssyncset.done $0x0  }
.Ltmp1:
0xae: {  	s11 =	sadd.s32 s11, s9;
	[sflag:s13] =	ssyncadd.s32 $0xFFFFFFB0;
	(pc) =	sbr.rel @p0 .LBB2_4-.Ltmp1, $4  }
0xaf: {  	[tilespmem:s19], [sflag:$0x3] =	stream.linear.gather [hbm4b:s11+s1], $0x50, $0x38;
	[tilespmem:$0x1BA00] =	vst v63  }
0xb0: {  	_ =	swait.ge [sflag:s13], $0x50  }
0xb1: {  	[sflag:s13] =	ssyncset.done $0x0  }
0xb2: {  	s8 =	sadd.s32 $0xA0, s8;
	[sflag:s13] =	ssyncadd.s32 $0xFFFFFFB0  }
0xb3: {  	[tilespmem:s2], [sflag:$0x2] =	stream.indirect.gather [hbm4b:s21+s15], $0x80, s16, s15, $0xb8;
	[tilespmem:$0x1BA00] =	vst v63  }
0xb4: {  	_ =	swait.ge [sflag:s3], $0x2800  }
0xb5: {  	[sflag:s3] =	ssyncset.done $0x0  }
0xb6: {  	[sflag:s3] =	ssyncadd.s32 $0xFFFFD800  }
0xb7: {  	[spmem:s20] =	stream.indirect.scatter.add.f32 [tilespmem:s12], [sflag:$0x3], $0x80, s14, s15, $0xb8;
	[tilespmem:$0x1BA00] =	vst v63  }
0xb8: {  	_ =	swait.ge [sflag:s13], $0x2800  }
0xb9: {  	[sflag:s13] =	ssyncset.done $0x0  }
0xba: {  	s7 =	simm.s32 $0x0;
	s8 =	rddreg [dreg:$0x1b];
	[sflag:s13] =	ssyncadd.s32 $0xFFFFD800  }
0xbb: {  	[tilespmem:s7], [sflag:$0x3] =	stream.linear.gather [hbm4b:s8+s7], $0x50, $0x38;
	[tilespmem:$0x1BA00] =	vst v63  }
0xbc: {  	_ =	swait.ge [sflag:s13], $0x50  }
0xbd: {  	[sflag:s13] =	ssyncset.done $0x0  }
0xbe: {  	s26 =	rddreg [dreg:$0x1c];
	[sflag:s13] =	ssyncadd.s32 $0xFFFFFFB0  }
0xbf: {  	[tilespmem:s14], [sflag:$0x3] =	stream.linear.gather [hbm4b:s26+s7], $0x50, $0x38;
	[tilespmem:$0x1BA00] =	vst v63  }
0xc0: {  	_ =	swait.ge [sflag:s13], $0x50  }
0xc1: {  	[sflag:s13] =	ssyncset.done $0x0  }
0xc2: {  	[sflag:s13] =	ssyncadd.s32 $0xFFFFFFB0  }
0xc3: {  	[tilespmem:s12], [sflag:$0x1] =	stream.indirect.gather [hbm4b:s21+s15], $0x80, s7, s15, $0xb8;
	[tilespmem:$0x1BA00] =	vst v63  }
0xc4: {  	_ =	swait.ge [sflag:s4], $0x2800  }
0xc5: {  	[sflag:s4] =	ssyncset.done $0x0  }
0xc6: {  	[sflag:s4] =	ssyncadd.s32 $0xFFFFD800  }
0xc7: {  	[spmem:s20] =	stream.indirect.scatter.add.f32 [tilespmem:s2], [sflag:$0x3], $0x80, s19, s15, $0xb8;
	[tilespmem:$0x1BA00] =	vst v63  }
0xc8: {  	_ =	swait.ge [sflag:s13], $0x2800  }
0xc9: {  	[sflag:s13] =	ssyncset.done $0x0  }
0xca: {  	[sflag:s13] =	ssyncadd.s32 $0xFFFFD800  }
0xcb: {  	_ =	swait.ge [sflag:s3], $0x2800  }
0xcc: {  	[sflag:s3] =	ssyncset.done $0x0  }
0xcd: {  	[sflag:s3] =	ssyncadd.s32 $0xFFFFD800  }
0xce: {  	[spmem:s20] =	stream.indirect.scatter.add.f32 [tilespmem:s12], [sflag:$0x3], $0x80, s14, s15, $0xb8;
	[tilespmem:$0x1BA00] =	vst v63  }
0xcf: {  	_ =	swait.ge [sflag:s13], $0x2800  }
0xd0: {  	[sflag:s13] =	ssyncset.done $0x0  }
0xd1: {  	[sflag:s13] =	ssyncadd.s32 $0xFFFFD800  }
0xd2: {  	[bflag:$0x0] =	sbarrier.arrive $0xFFFF  }
0xd3: {  	s26 =	rddreg [dreg:$0x16]  }
0xd4: {  	[tilespmem:s12], [sflag:$0x3] =	stream.linear.gather [spmem:s26], $0x2800, $0x38;
	[tilespmem:$0x1BA00] =	vst v63  }
0xd5: {  	_ =	swait.ge [sflag:s13], $0x2800  }
0xd6: {  	[sflag:s13] =	ssyncset.done $0x0  }
0xd7: {  	s11 =	rddreg [dreg:$0x5];
	[sflag:s13] =	ssyncadd.s32 $0xFFFFD800  }
0xd8: {  	[hbm4b:s11+s7] =	stream.linear.scatter [tilespmem:s12], [sflag:$0x3], $0x2800, $0x38;
	[tilespmem:$0x1BA00] =	vst v63  }
0xd9: {  	_ =	swait.ge [sflag:s13], $0x2800  }
0xda: {  	[sflag:s13] =	ssyncset.done $0x0  }
0xdb: {  	s11 =	rddreg [dreg:$0x15];
	[sflag:s13] =	ssyncadd.s32 $0xFFFFD800  }
0xdc: {  	[tilespmem:s12], [sflag:$0x3] =	stream.linear.gather [spmem:s11], $0x2800, $0x38;
	[tilespmem:$0x1BA00] =	vst v63  }
0xdd: {  	_ =	swait.ge [sflag:s13], $0x2800  }
0xde: {  	[sflag:s13] =	ssyncset.done $0x0  }
0xdf: {  	s24 =	rddreg [dreg:$0x6];
	[sflag:s13] =	ssyncadd.s32 $0xFFFFD800  }
0xe0: {  	[hbm4b:s24+s7] =	stream.linear.scatter [tilespmem:s12], [sflag:$0x3], $0x2800, $0x38;
	[tilespmem:$0x1BA00] =	vst v63  }
0xe1: {  	_ =	swait.ge [sflag:s13], $0x2800  }
0xe2: {  	[sflag:s13] =	ssyncset.done $0x0  }
0xe3: {  	[sflag:s13] =	ssyncadd.s32 $0xFFFFD800  }
0xe4: {  	[tilespmem:s12], [sflag:$0x3] =	stream.linear.gather [spmem:s28], $0x2800, $0x38;
	[tilespmem:$0x1BA00] =	vst v63  }
0xe5: {  	_ =	swait.ge [sflag:s13], $0x2800  }
0xe6: {  	[sflag:s13] =	ssyncset.done $0x0  }
0xe7: {  	s24 =	rddreg [dreg:$0x7];
	[sflag:s13] =	ssyncadd.s32 $0xFFFFD800  }
0xe8: {  	[hbm4b:s24+s7] =	stream.linear.scatter [tilespmem:s12], [sflag:$0x3], $0x2800, $0x38;
	[tilespmem:$0x1BA00] =	vst v63  }
0xe9: {  	_ =	swait.ge [sflag:s13], $0x2800  }
0xea: {  	[sflag:s13] =	ssyncset.done $0x0  }
0xeb: {  	[sflag:s13] =	ssyncadd.s32 $0xFFFFD800  }
0xec: {  	[tilespmem:s12], [sflag:$0x3] =	stream.linear.gather [spmem:s29], $0x2800, $0x38;
	[tilespmem:$0x1BA00] =	vst v63  }
0xed: {  	_ =	swait.ge [sflag:s13], $0x2800  }
0xee: {  	[sflag:s13] =	ssyncset.done $0x0  }
0xef: {  	s24 =	rddreg [dreg:$0x8];
	[sflag:s13] =	ssyncadd.s32 $0xFFFFD800  }
0xf0: {  	[hbm4b:s24+s7] =	stream.linear.scatter [tilespmem:s12], [sflag:$0x3], $0x2800, $0x38;
	[tilespmem:$0x1BA00] =	vst v63  }
0xf1: {  	_ =	swait.ge [sflag:s13], $0x2800  }
0xf2: {  	[sflag:s13] =	ssyncset.done $0x0  }
0xf3: {  	[sflag:s13] =	ssyncadd.s32 $0xFFFFD800  }
0xf4: {  	[tilespmem:s12], [sflag:$0x3] =	stream.linear.gather [spmem:s30], $0x2800, $0x38;
	[tilespmem:$0x1BA00] =	vst v63  }
0xf5: {  	_ =	swait.ge [sflag:s13], $0x2800  }
0xf6: {  	[sflag:s13] =	ssyncset.done $0x0  }
0xf7: {  	s24 =	rddreg [dreg:$0x9];
	[sflag:s13] =	ssyncadd.s32 $0xFFFFD800  }
0xf8: {  	[hbm4b:s24+s7] =	stream.linear.scatter [tilespmem:s12], [sflag:$0x3], $0x2800, $0x38;
	[tilespmem:$0x1BA00] =	vst v63  }
0xf9: {  	_ =	swait.ge [sflag:s13], $0x2800  }
0xfa: {  	[sflag:s13] =	ssyncset.done $0x0  }
0xfb: {  	[sflag:s13] =	ssyncadd.s32 $0xFFFFD800  }
0xfc: {  	[tilespmem:s12], [sflag:$0x3] =	stream.linear.gather [spmem:s17], $0x2800, $0x38;
	[tilespmem:$0x1BA00] =	vst v63  }
0xfd: {  	_ =	swait.ge [sflag:s13], $0x2800  }
0xfe: {  	[sflag:s13] =	ssyncset.done $0x0  }
0xff: {  	s24 =	rddreg [dreg:$0xa];
	[sflag:s13] =	ssyncadd.s32 $0xFFFFD800  }
0x100: {  	[hbm4b:s24+s7] =	stream.linear.scatter [tilespmem:s12], [sflag:$0x3], $0x2800, $0x38;
	[tilespmem:$0x1BA00] =	vst v63  }
0x101: {  	_ =	swait.ge [sflag:s13], $0x2800  }
0x102: {  	[sflag:s13] =	ssyncset.done $0x0  }
0x103: {  	[sflag:s13] =	ssyncadd.s32 $0xFFFFD800  }
0x104: {  	[tilespmem:s12], [sflag:$0x3] =	stream.linear.gather [spmem:s0], $0x2800, $0x38;
	[tilespmem:$0x1BA00] =	vst v63  }
0x105: {  	_ =	swait.ge [sflag:s13], $0x2800  }
0x106: {  	[sflag:s13] =	ssyncset.done $0x0  }
0x107: {  	s24 =	rddreg [dreg:$0xb];
	[sflag:s13] =	ssyncadd.s32 $0xFFFFD800  }
0x108: {  	[hbm4b:s24+s7] =	stream.linear.scatter [tilespmem:s12], [sflag:$0x3], $0x2800, $0x38;
	[tilespmem:$0x1BA00] =	vst v63  }
0x109: {  	_ =	swait.ge [sflag:s13], $0x2800  }
0x10a: {  	[sflag:s13] =	ssyncset.done $0x0  }
0x10b: {  	[sflag:s13] =	ssyncadd.s32 $0xFFFFD800  }
0x10c: {  	[tilespmem:s12], [sflag:$0x3] =	stream.linear.gather [spmem:s31], $0x2800, $0x38;
	[tilespmem:$0x1BA00] =	vst v63  }
0x10d: {  	_ =	swait.ge [sflag:s13], $0x2800  }
0x10e: {  	[sflag:s13] =	ssyncset.done $0x0  }
0x10f: {  	s24 =	rddreg [dreg:$0xc];
	[sflag:s13] =	ssyncadd.s32 $0xFFFFD800  }
0x110: {  	[hbm4b:s24+s7] =	stream.linear.scatter [tilespmem:s12], [sflag:$0x3], $0x2800, $0x38;
	[tilespmem:$0x1BA00] =	vst v63  }
0x111: {  	_ =	swait.ge [sflag:s13], $0x2800  }
0x112: {  	[sflag:s13] =	ssyncset.done $0x0  }
0x113: {  	[sflag:s13] =	ssyncadd.s32 $0xFFFFD800  }
0x114: {  	s8 =	simm.s32 $0x200;
	s7 =	simm.s32 $0x0;
	[bflag:$0x0] =	sbarrier.arrive $0xFFFF  }
.LBB2_6:
0x115: {  	p0 =	sne.s32 s8, $0x9E00;
	[tilespmem:s7+$0x270] =	vst v0  }
0x116: {  	[tilespmem:s7+$0x200] =	vst v0  }
0x117: {  	[tilespmem:s7+$0x210] =	vst v0  }
.Ltmp2:
0x118: {  	[tilespmem:s7+$0x220] =	vst v0;
	(pc) =	sbr.rel @p0 .LBB2_6-.Ltmp2, $4  }
0x119: {  	[tilespmem:s7+$0x230] =	vst v0  }
0x11a: {  	[tilespmem:s7+$0x240] =	vst v0  }
0x11b: {  	[tilespmem:s7+$0x250] =	vst v0  }
0x11c: {  	[tilespmem:s7+$0x260] =	vst v0;
	s7 =	sshra.s32 s8, $0x2;
	s8 =	sadd.s32 $0x200, s8  }
0x11d: {  	[tilespmem:s7+$0x270] =	vst v0  }
0x11e: {  	[tilespmem:s7+$0x200] =	vst v0  }
0x11f: {  	[tilespmem:s7+$0x210] =	vst v0  }
0x120: {  	[tilespmem:s7+$0x220] =	vst v0  }
0x121: {  	[tilespmem:s7+$0x230] =	vst v0  }
0x122: {  	[tilespmem:s7+$0x240] =	vst v0  }
0x123: {  	[tilespmem:s7+$0x250] =	vst v0  }
0x124: {  	[tilespmem:s7+$0x260] =	vst v0  }
0x125: {  	[spmem:s26] =	stream.linear.scatter [tilespmem:s12], [sflag:$0x3], $0x2800, $0x38;
	[tilespmem:$0x1BA00] =	vst v63  }
0x126: {  	_ =	swait.ge [sflag:s13], $0x2800  }
0x127: {  	[sflag:s13] =	ssyncset.done $0x0  }
0x128: {  	[sflag:s13] =	ssyncadd.s32 $0xFFFFD800  }
0x129: {  	[spmem:s11] =	stream.linear.scatter [tilespmem:s12], [sflag:$0x3], $0x2800, $0x38;
	[tilespmem:$0x1BA00] =	vst v63  }
0x12a: {  	_ =	swait.ge [sflag:s13], $0x2800  }
0x12b: {  	[sflag:s13] =	ssyncset.done $0x0  }
0x12c: {  	[sflag:s13] =	ssyncadd.s32 $0xFFFFD800  }
0x12d: {  	[spmem:s28] =	stream.linear.scatter [tilespmem:s12], [sflag:$0x3], $0x2800, $0x38;
	[tilespmem:$0x1BA00] =	vst v63  }
0x12e: {  	_ =	swait.ge [sflag:s13], $0x2800  }
0x12f: {  	[sflag:s13] =	ssyncset.done $0x0  }
0x130: {  	[sflag:s13] =	ssyncadd.s32 $0xFFFFD800  }
0x131: {  	[spmem:s29] =	stream.linear.scatter [tilespmem:s12], [sflag:$0x3], $0x2800, $0x38;
	[tilespmem:$0x1BA00] =	vst v63  }
0x132: {  	_ =	swait.ge [sflag:s13], $0x2800  }
0x133: {  	[sflag:s13] =	ssyncset.done $0x0  }
0x134: {  	[sflag:s13] =	ssyncadd.s32 $0xFFFFD800  }
0x135: {  	[spmem:s30] =	stream.linear.scatter [tilespmem:s12], [sflag:$0x3], $0x2800, $0x38;
	[tilespmem:$0x1BA00] =	vst v63  }
0x136: {  	_ =	swait.ge [sflag:s13], $0x2800  }
0x137: {  	[sflag:s13] =	ssyncset.done $0x0  }
0x138: {  	[sflag:s13] =	ssyncadd.s32 $0xFFFFD800  }
0x139: {  	[spmem:s17] =	stream.linear.scatter [tilespmem:s12], [sflag:$0x3], $0x2800, $0x38;
	[tilespmem:$0x1BA00] =	vst v63  }
0x13a: {  	_ =	swait.ge [sflag:s13], $0x2800  }
0x13b: {  	[sflag:s13] =	ssyncset.done $0x0  }
0x13c: {  	[sflag:s13] =	ssyncadd.s32 $0xFFFFD800  }
0x13d: {  	[spmem:s0] =	stream.linear.scatter [tilespmem:s12], [sflag:$0x3], $0x2800, $0x38;
	[tilespmem:$0x1BA00] =	vst v63  }
0x13e: {  	_ =	swait.ge [sflag:s13], $0x2800  }
0x13f: {  	[sflag:s13] =	ssyncset.done $0x0  }
0x140: {  	[sflag:s13] =	ssyncadd.s32 $0xFFFFD800  }
0x141: {  	[spmem:s31] =	stream.linear.scatter [tilespmem:s12], [sflag:$0x3], $0x2800, $0x38;
	[tilespmem:$0x1BA00] =	vst v63  }
0x142: {  	_ =	swait.ge [sflag:s13], $0x2800  }
0x143: {  	[sflag:s13] =	ssyncset.done $0x0  }
0x144: {  	s7 =	simm.s32 $0x0;
	s8 =	simm.s32 $0x200;
	[sflag:s13] =	ssyncadd.s32 $0xFFFFD800  }
.LBB2_8:
0x145: {  	p0 =	sne.s32 s8, $0x9E00;
	[tilespmem:s7+$0x2A70] =	vst v0  }
0x146: {  	[tilespmem:s7+$0x2A00] =	vst v0  }
0x147: {  	[tilespmem:s7+$0x2A10] =	vst v0  }
.Ltmp3:
0x148: {  	[tilespmem:s7+$0x2A20] =	vst v0;
	(pc) =	sbr.rel @p0 .LBB2_8-.Ltmp3, $4  }
0x149: {  	[tilespmem:s7+$0x2A30] =	vst v0  }
0x14a: {  	[tilespmem:s7+$0x2A40] =	vst v0  }
0x14b: {  	[tilespmem:s7+$0x2A50] =	vst v0  }
0x14c: {  	[tilespmem:s7+$0x2A60] =	vst v0;
	s7 =	sshra.s32 s8, $0x2;
	s8 =	sadd.s32 $0x200, s8  }
0x14d: {  	[tilespmem:s7+$0x2A70] =	vst v0  }
0x14e: {  	[tilespmem:s7+$0x2A00] =	vst v0  }
0x14f: {  	[tilespmem:s7+$0x2A10] =	vst v0  }
0x150: {  	[tilespmem:s7+$0x2A20] =	vst v0  }
0x151: {  	[tilespmem:s7+$0x2A30] =	vst v0  }
0x152: {  	[tilespmem:s7+$0x2A40] =	vst v0  }
0x153: {  	[tilespmem:s7+$0x2A50] =	vst v0  }
0x154: {  	[tilespmem:s7+$0x2A60] =	vst v0  }
0x155: {  	s7 =	simm.s32 $0x0;
	s8 =	simm.s32 $0x0;
	[bflag:$0x0] =	sbarrier.arrive $0xFFFF  }
.LBB2_10:
0x156: {  	s11 =	smul.u32 $0x50, s8;
	_ =	sdelay $0x1  }
0x157: {  	s11 =	sadd.s32 s25, s11  }
0x158: {  	s24 =	sshrl.u32 s11, $0x3  }
0x159: {  	s24 =	sadd.s32 s18, s24  }
0x15a: {  	[tilespmem:s14], [sflag:$0x3] =	stream.linear.gather [hbm4b:s24+s7], $0x50, $0x38;
	[tilespmem:$0x1BA00] =	vst v63  }
0x15b: {  	_ =	swait.ge [sflag:s13], $0x50  }
0x15c: {  	s11 =	sshll.u32 s11, $0x4;
	[sflag:s13] =	ssyncset.done $0x0  }
0x15d: {  	s11 =	sadd.s32 s23, s11;
	[sflag:s13] =	ssyncadd.s32 $0xFFFFFFB0  }
0x15e: {  	[tilespmem:s5], [sflag:$0x3] =	stream.linear.gather [hbm4b:s11+s7], $0x2800, $0x38;
	[tilespmem:$0x1BA00] =	vst v63  }
0x15f: {  	_ =	swait.ge [sflag:s13], $0x2800  }
0x160: {  	[sflag:s13] =	ssyncset.done $0x0  }
0x161: {  	s11 =	simm.s32 $0x0;
	[sflag:s13] =	ssyncadd.s32 $0xFFFFD800  }
0x162: {  	s24 =	simm.s32 $0x200;
	v1 =	vld [tilespmem:s11+$0x5200]  }
.LBB2_11:
0x163: {  	p0 =	sne.s32 s24, $0x9E00  }
.Ltmp4:
0x164: {  	_ = 	snop;
	(pc) =	sbr.rel @p0 .LBB2_11-.Ltmp4, $3  }
0x165: {  	_ =	sdelay $0x1  }
0x166: {  	[tilespmem:s11+$0x2A00] =	vst v1;
	s11 =	sshra.s32 s24, $0x2;
	s24 =	sadd.s32 $0x200, s24  }
0x167: {  	v1 =	vld [tilespmem:s11+$0x5200]  }
0x168: {  	_ =	sdelay $0x1  }
0x169: {  	s8 =	sadd.s32 $0x1, s8  }
0x16a: {  	p0 =	sne.s32 s8, $0x7D  }
.Ltmp5:
0x16b: {  	[tilespmem:s11+$0x2A00] =	vst v1;
	(pc) =	sbr.rel @p0 .LBB2_10-.Ltmp5, $4  }
0x16c: {  	[spmem:s20] =	stream.indirect.scatter.add.f32 [tilespmem:s2], [sflag:$0x3], $0x80, s14, s15, $0xb8;
	[tilespmem:$0x1BA00] =	vst v63  }
0x16d: {  	_ =	swait.ge [sflag:s13], $0x2800  }
0x16e: {  	[sflag:s13] =	ssyncset.done $0x0  }
0x16f: {  	[sflag:s13] =	ssyncadd.s32 $0xFFFFD800  }
0x170: {  	[bflag:$0x0] =	sbarrier.arrive $0xFFFF  }
0x171: {  	[tilespmem:s12], [sflag:$0x3] =	stream.linear.gather [spmem:s26], $0x2800, $0x38;
	[tilespmem:$0x1BA00] =	vst v63  }
0x172: {  	_ =	swait.ge [sflag:s13], $0x2800  }
0x173: {  	[sflag:s13] =	ssyncset.done $0x0  }
0x174: {  	s7 =	rddreg [dreg:$0xd];
	[sflag:s13] =	ssyncadd.s32 $0xFFFFD800  }
0x175: {  	[hbm4b:s7+s1] =	stream.linear.scatter [tilespmem:s12], [sflag:$0x3], $0x2800, $0x38;
	[tilespmem:$0x1BA00] =	vst v63  }
0x176: {  	_ =	swait.ge [sflag:s13], $0x2800  }
0x177: {  	[sflag:s13] =	ssyncset.done $0x0  }
0x178: {  	s24 =	rddreg [dreg:$0x15];
	[sflag:s13] =	ssyncadd.s32 $0xFFFFD800  }
0x179: {  	[tilespmem:s12], [sflag:$0x3] =	stream.linear.gather [spmem:s24], $0x2800, $0x38;
	[tilespmem:$0x1BA00] =	vst v63  }
0x17a: {  	_ =	swait.ge [sflag:s13], $0x2800  }
0x17b: {  	[sflag:s13] =	ssyncset.done $0x0  }
0x17c: {  	s8 =	rddreg [dreg:$0xe];
	[sflag:s13] =	ssyncadd.s32 $0xFFFFD800  }
0x17d: {  	[hbm4b:s8+s1] =	stream.linear.scatter [tilespmem:s12], [sflag:$0x3], $0x2800, $0x38;
	[tilespmem:$0x1BA00] =	vst v63  }
0x17e: {  	_ =	swait.ge [sflag:s13], $0x2800  }
0x17f: {  	[sflag:s13] =	ssyncset.done $0x0  }
0x180: {  	[sflag:s13] =	ssyncadd.s32 $0xFFFFD800  }
0x181: {  	[tilespmem:s12], [sflag:$0x3] =	stream.linear.gather [spmem:s28], $0x2800, $0x38;
	[tilespmem:$0x1BA00] =	vst v63  }
0x182: {  	_ =	swait.ge [sflag:s13], $0x2800  }
0x183: {  	[sflag:s13] =	ssyncset.done $0x0  }
0x184: {  	s11 =	rddreg [dreg:$0xf];
	[sflag:s13] =	ssyncadd.s32 $0xFFFFD800  }
0x185: {  	[hbm4b:s11+s1] =	stream.linear.scatter [tilespmem:s12], [sflag:$0x3], $0x2800, $0x38;
	[tilespmem:$0x1BA00] =	vst v63  }
0x186: {  	_ =	swait.ge [sflag:s13], $0x2800  }
0x187: {  	[sflag:s13] =	ssyncset.done $0x0  }
0x188: {  	[sflag:s13] =	ssyncadd.s32 $0xFFFFD800  }
0x189: {  	[tilespmem:s12], [sflag:$0x3] =	stream.linear.gather [spmem:s29], $0x2800, $0x38;
	[tilespmem:$0x1BA00] =	vst v63  }
0x18a: {  	_ =	swait.ge [sflag:s13], $0x2800  }
0x18b: {  	[sflag:s13] =	ssyncset.done $0x0  }
0x18c: {  	s8 =	rddreg [dreg:$0x10];
	[sflag:s13] =	ssyncadd.s32 $0xFFFFD800  }
0x18d: {  	[hbm4b:s8+s1] =	stream.linear.scatter [tilespmem:s12], [sflag:$0x3], $0x2800, $0x38;
	[tilespmem:$0x1BA00] =	vst v63  }
0x18e: {  	_ =	swait.ge [sflag:s13], $0x2800  }
0x18f: {  	[sflag:s13] =	ssyncset.done $0x0  }
0x190: {  	[sflag:s13] =	ssyncadd.s32 $0xFFFFD800  }
0x191: {  	[tilespmem:s12], [sflag:$0x3] =	stream.linear.gather [spmem:s30], $0x2800, $0x38;
	[tilespmem:$0x1BA00] =	vst v63  }
0x192: {  	_ =	swait.ge [sflag:s13], $0x2800  }
0x193: {  	[sflag:s13] =	ssyncset.done $0x0  }
0x194: {  	s11 =	rddreg [dreg:$0x11];
	[sflag:s13] =	ssyncadd.s32 $0xFFFFD800  }
0x195: {  	[hbm4b:s11+s1] =	stream.linear.scatter [tilespmem:s12], [sflag:$0x3], $0x2800, $0x38;
	[tilespmem:$0x1BA00] =	vst v63  }
0x196: {  	_ =	swait.ge [sflag:s13], $0x2800  }
0x197: {  	[sflag:s13] =	ssyncset.done $0x0  }
0x198: {  	[sflag:s13] =	ssyncadd.s32 $0xFFFFD800  }
0x199: {  	[tilespmem:s12], [sflag:$0x3] =	stream.linear.gather [spmem:s17], $0x2800, $0x38;
	[tilespmem:$0x1BA00] =	vst v63  }
0x19a: {  	_ =	swait.ge [sflag:s13], $0x2800  }
0x19b: {  	[sflag:s13] =	ssyncset.done $0x0  }
0x19c: {  	s8 =	rddreg [dreg:$0x12];
	[sflag:s13] =	ssyncadd.s32 $0xFFFFD800  }
0x19d: {  	[hbm4b:s8+s1] =	stream.linear.scatter [tilespmem:s12], [sflag:$0x3], $0x2800, $0x38;
	[tilespmem:$0x1BA00] =	vst v63  }
0x19e: {  	_ =	swait.ge [sflag:s13], $0x2800  }
0x19f: {  	[sflag:s13] =	ssyncset.done $0x0  }
0x1a0: {  	[sflag:s13] =	ssyncadd.s32 $0xFFFFD800  }
0x1a1: {  	[tilespmem:s12], [sflag:$0x3] =	stream.linear.gather [spmem:s0], $0x2800, $0x38;
	[tilespmem:$0x1BA00] =	vst v63  }
0x1a2: {  	_ =	swait.ge [sflag:s13], $0x2800  }
0x1a3: {  	[sflag:s13] =	ssyncset.done $0x0  }
0x1a4: {  	s11 =	rddreg [dreg:$0x13];
	[sflag:s13] =	ssyncadd.s32 $0xFFFFD800  }
0x1a5: {  	[hbm4b:s11+s1] =	stream.linear.scatter [tilespmem:s12], [sflag:$0x3], $0x2800, $0x38;
	[tilespmem:$0x1BA00] =	vst v63  }
0x1a6: {  	_ =	swait.ge [sflag:s13], $0x2800  }
0x1a7: {  	[sflag:s13] =	ssyncset.done $0x0  }
0x1a8: {  	[sflag:s13] =	ssyncadd.s32 $0xFFFFD800  }
0x1a9: {  	[tilespmem:s12], [sflag:$0x3] =	stream.linear.gather [spmem:s31], $0x2800, $0x38;
	[tilespmem:$0x1BA00] =	vst v63  }
0x1aa: {  	_ =	swait.ge [sflag:s13], $0x2800  }
0x1ab: {  	[sflag:s13] =	ssyncset.done $0x0  }
0x1ac: {  	s8 =	rddreg [dreg:$0x14];
	[sflag:s13] =	ssyncadd.s32 $0xFFFFD800  }
0x1ad: {  	[hbm4b:s8+s1] =	stream.linear.scatter [tilespmem:s12], [sflag:$0x3], $0x2800, $0x38;
	[tilespmem:$0x1BA00] =	vst v63  }
0x1ae: {  	_ =	swait.ge [sflag:s13], $0x2800  }
0x1af: {  	s6 =	sadd.s32 $0x1, s6;
	s11 =	rddreg [dreg:$0x1d]  }
0x1b0: {  	p0 =	sne.s32 s6, s11  }
.Ltmp6:
0x1b1: {  	_ = 	snop;
	(pc) =	sbr.rel @p0 .LBB2_1-.Ltmp6, $3  }
0x1b2: {  	_ =	sdelay $0x1  }
0x1b3: {  	[sflag:s13] =	ssyncset.done $0x0  }
0x1b4: {  	[sflag:s13] =	ssyncadd.s32 $0xFFFFD800  }
0x1b5: {  	_ =	sfence.sel $0x180000  }
0x1b6: {  	[bflag:$0x0] =	sbarrier.arrive $0xFFFF  }
0x1b7: {  	_ =	strace $0x90000047  }
0x1b8: {  	s0 =	stileid.u32;
	[bflag:$0x2] =	sbarrier.arrive $0xFFFF  }
0x1b9: {  	p0 =	sne.s32 s0, $0x0;
	s0 =	rddreg [dreg:$0x4]  }
0x1ba: {  	s0 =	sadd.s32 @!p0 $0x100000, s0  }
0x1bb: {  	[sflag:s0] =	ssyncadd.tile.s32 @!p0 $0x1;
	_ =	shalt  }
.Lfunc_end2:
_tile_overlayer_lowered:
.L_overlay_start_2:
0x1bc: {  	(tag) =	ssettag $0x2  }
0x1bd: {  	s0 =	rddreg [dreg:$0x0];
	s2 =	stileid.u32  }
0x1be: {  	s1 =	rddreg [dreg:$0x1];
	p0 =	sne.s32 s2, $0x0  }
0x1bf: {  	s3 =	rddreg [dreg:$0x2];
	[bflag:$0x3] =	sbarrier.arrive $0xFFFF;
	s2 =	simm.s32 @!p0 $0x1C03  }
0x1c0: {  	[timem:s3], [sflag:s2] =	dma.local @!p0 [hbm:s0], s1  }
0x1c1: {  	s0 =	simm.s32 @!p0 $0x3  }
0x1c2: {  	_ =	swait.ge @!p0 [sflag:s0], s1  }
0x1c3: {  	s1 =	ssub.s32 @!p0 $0x0, s1;
	[sflag:s0] =	ssyncset.done @!p0 $0x0  }
0x1c4: {  	[sflag:s0] =	ssyncadd.s32 @!p0 s1  }
0x1c5: {  	[bflag:$0x3] =	sbarrier.arrive $0xFFFF  }
0x1c6: {  	_ =	shalt  }

</sc_bundles>
